<compile_context>
chip_gen: v7x
topology: tpu7x:2x2x1
jax: 0.10.2.dev20260603
libtpu: 0.0.44.dev20260713+nightly
codegen_flags: <defaults>
</compile_context>

<pallas_src>
import jax
import jax.numpy as jnp
from jax import lax
from jax.experimental import pallas as pl
from jax.experimental.pallas import tpu as pltpu
from jax.experimental.pallas import tpu_sc as plsc

N = 10000
D = 128
H = 128
A = 64
B = 1024
E = 320000

NC, NS = 2, 16
NW = NC * NS
N_PAD = 10240
CH = 128
CHUNKS = 80
EW = CHUNKS * CH
E_PAD = NW * EW
RPT = N_PAD // NS
N_MP = 10112
RPT_MP = N_MP // NS
DEGW = 8

_mesh = plsc.VectorSubcoreMesh(core_axis_name="c", subcore_axis_name="s")



def _deg_body(dst_hbm, zeros_hbm, out_hbm, iv0, iv1, iv2, iv3, ones_v, acc,
              sS0, sS1, sS2, sS3, iS0, iS1, iS2, iS3):
    idxv = [iv0, iv1, iv2, iv3]
    ssem = [sS0, sS1, sS2, sS3]
    isem = [iS0, iS1, iS2, iS3]
    c = lax.axis_index("c")
    s = lax.axis_index("s")
    wid = s * NC + c
    base = wid * EW
    pltpu.sync_copy(zeros_hbm.at[pl.ds(s * RPT, RPT)], acc.at[pl.ds(s * RPT, RPT)])
    for k in range(CH // 16):
        ones_v[pl.ds(k * 16, 16)] = jnp.full((16,), 1.0, jnp.float32)
    pltpu.sync_copy(dst_hbm.at[pl.ds(base, CH)], iv0)
    for m in (1, 2, 3):
        pltpu.async_copy(dst_hbm.at[pl.ds(base + m * CH, CH)], idxv[m], isem[m])
    plsc.subcore_barrier()

    def step(j, static_q, steady_mode=False):
        q = static_q % 4
        if steady_mode or j >= 2:
            qq = (static_q - 2) % 4
            pltpu.make_async_copy(ones_v, acc.at[idxv[qq]], ssem[qq]).wait()
            if steady_mode or j + 2 < CHUNKS:
                pltpu.async_copy(dst_hbm.at[pl.ds(base + (j + 2) * CH, CH)],
                                 idxv[qq], isem[qq])
        if steady_mode or j < CHUNKS:
            if steady_mode or j >= 1:
                pltpu.make_async_copy(dst_hbm.at[pl.ds(base, CH)], idxv[q],
                                      isem[q]).wait()
            pltpu.async_copy(ones_v, acc.at[idxv[q]], ssem[q], add=True)

    for j in range(4):
        step(j, j)

    def steady(i, carry):
        for t in range(4):
            step(4 + 4 * i + t, t, steady_mode=True)
        return carry

    lax.fori_loop(0, (CHUNKS - 8) // 4, steady, 0)

    for j in range(CHUNKS - 4, CHUNKS + 2):
        step(j, j)

    plsc.subcore_barrier()
    pltpu.sync_copy(acc.at[pl.ds(s * RPT, RPT)],
                    out_hbm.at[pl.ds(c * N_PAD + s * RPT, RPT)])


_deg_call = pl.kernel(
    _deg_body,
    out_type=jax.ShapeDtypeStruct((NC * N_PAD,), jnp.float32),
    mesh=_mesh,
    scratch_types=(
        [pltpu.VMEM((CH,), jnp.int32)] * 4
        + [pltpu.VMEM((CH,), jnp.float32)]
        + [pltpu.VMEM_SHARED((N_PAD,), jnp.float32)]
        + [pltpu.SemaphoreType.DMA] * 8
    ),
)



def _mp_body(g_hbm, src_hbm, dst_hbm, zeros_hbm, out_hbm,
             r0, r1, r2, sv0, sv1, sv2, sv3, dv0, dv1, dv2, acc,
             gS0, gS1, gS2, sS0, sS1, sS2, iS0, iS1, iS2, iS3, dS0, dS1, dS2):
    rows = [r0, r1, r2]
    srcv = [sv0, sv1, sv2, sv3]
    dstv = [dv0, dv1, dv2]
    gsem = [gS0, gS1, gS2]
    ssem = [sS0, sS1, sS2]
    isem = [iS0, iS1, iS2, iS3]
    dsem = [dS0, dS1, dS2]
    c = lax.axis_index("c")
    s = lax.axis_index("s")
    wid = s * NC + c
    base = wid * EW

    pltpu.sync_copy(zeros_hbm.at[pl.ds(s * RPT_MP, RPT_MP)],
                    acc.at[pl.ds(s * RPT_MP, RPT_MP)])
    pltpu.sync_copy(src_hbm.at[pl.ds(base, CH)], sv0)
    for m in (1, 2, 3):
        pltpu.async_copy(src_hbm.at[pl.ds(base + m * CH, CH)], srcv[m], isem[m])
    for m in (0, 1, 2):
        pltpu.sync_copy(dst_hbm.at[pl.ds(base + m * CH, CH)], dstv[m])
    plsc.subcore_barrier()

    def w_scatter(m):
        q = m % 3
        pltpu.make_async_copy(rows[q], acc.at[dstv[q]], ssem[q]).wait()

    def f_dst(m):
        q = m % 3
        pltpu.async_copy(dst_hbm.at[pl.ds(base + m * CH, CH)], dstv[q], dsem[q])

    def w_gather(m):
        q = m % 3
        pltpu.make_async_copy(g_hbm.at[srcv[m % 4]], rows[q], gsem[q]).wait()

    def w_dst(m):
        q = m % 3
        pltpu.make_async_copy(dst_hbm.at[pl.ds(base, CH)], dstv[q], dsem[q]).wait()

    def f_scatter(m):
        q = m % 3
        pltpu.async_copy(rows[q], acc.at[dstv[q]], ssem[q], add=True)

    def f_src(m):
        q = m % 4
        pltpu.async_copy(src_hbm.at[pl.ds(base + m * CH, CH)], srcv[q], isem[q])

    def w_src(m):
        q = m % 4
        pltpu.make_async_copy(src_hbm.at[pl.ds(base, CH)], srcv[q], isem[q]).wait()

    def f_gather(m):
        q = m % 3
        pltpu.async_copy(g_hbm.at[srcv[m % 4]], rows[q], gsem[q])

    def step(j):
        if 3 <= j and j - 3 < CHUNKS:
            w_scatter(j - 3)
        if 3 <= j < CHUNKS:
            f_dst(j)
        if 2 <= j and j - 2 < CHUNKS:
            w_gather(j - 2)
            if j >= 5:
                w_dst(j - 2)
            f_scatter(j - 2)
        if 2 <= j and j + 2 < CHUNKS:
            f_src(j + 2)
        if j < CHUNKS:
            if j >= 1:
                w_src(j)
            f_gather(j)

    for j in range(6):
        step(j)

    def steady(i, carry):
        for t in range(12):
            step_steady(6 + 12 * i + t, t)
        return carry

    def step_steady(j, t):
        jj = 6 + t
        q3, p3, r3 = jj % 3, (jj - 3) % 3, (jj - 2) % 3
        q4, p4 = jj % 4, (jj + 2) % 4
        pltpu.make_async_copy(rows[p3], acc.at[dstv[p3]], ssem[p3]).wait()
        pltpu.async_copy(dst_hbm.at[pl.ds(base + j * CH, CH)], dstv[p3], dsem[p3])
        pltpu.make_async_copy(g_hbm.at[srcv[(jj - 2) % 4]], rows[r3], gsem[r3]).wait()
        pltpu.make_async_copy(dst_hbm.at[pl.ds(base, CH)], dstv[r3], dsem[r3]).wait()
        pltpu.async_copy(rows[r3], acc.at[dstv[r3]], ssem[r3], add=True)
        pltpu.async_copy(src_hbm.at[pl.ds(base + (j + 2) * CH, CH)], srcv[p4], isem[p4])
        pltpu.make_async_copy(src_hbm.at[pl.ds(base, CH)], srcv[q4], isem[q4]).wait()
        pltpu.async_copy(g_hbm.at[srcv[q4]], rows[q3], gsem[q3])

    lax.fori_loop(0, (CHUNKS - 8) // 12, steady, 0)

    for j in range(CHUNKS - 2, CHUNKS + 3):
        step(j)

    plsc.subcore_barrier()
    pltpu.sync_copy(acc.at[pl.ds(s * RPT_MP, RPT_MP)],
                    out_hbm.at[c, pl.ds(s * RPT_MP, RPT_MP)])


_mp_call = pl.kernel(
    _mp_body,
    out_type=jax.ShapeDtypeStruct((NC, N_MP, H), jnp.float32),
    mesh=_mesh,
    scratch_types=(
        [pltpu.VMEM((CH, H), jnp.float32)] * 3
        + [pltpu.VMEM((CH,), jnp.int32)] * 7
        + [pltpu.VMEM_SHARED((N_MP, H), jnp.float32)]
        + [pltpu.SemaphoreType.DMA] * 13
    ),
)



BN = 1024
GN = N_PAD // BN


def _dinv_of(deg_blk):
    d = deg_blk[:, 0:1] + deg_blk[:, 1:2]
    return lax.rsqrt(d + 1.0)


def _l1_body(deg_ref, x_ref, w1_ref, g1_ref):
    dinv = _dinv_of(deg_ref)
    g = lax.dot_general(x_ref[...], w1_ref[...], (((0,), (0,)), ((), ())),
                        preferred_element_type=jnp.float32)
    g1_ref[...] = g * dinv


_l1_call = pl.pallas_call(
    _l1_body,
    grid=(GN,),
    in_specs=[
        pl.BlockSpec((BN, NC), lambda i: (i, 0)),
        pl.BlockSpec((D, BN), lambda i: (0, i)),
        pl.BlockSpec((D, H), lambda i: (0, 0)),
    ],
    out_specs=pl.BlockSpec((BN, H), lambda i: (i, 0)),
    out_shape=jax.ShapeDtypeStruct((N_PAD, H), jnp.float32),
)


def _l2_body(deg_ref, s1_ref, g1_ref, w2_ref, b1_ref, g2_ref):
    dinv = _dinv_of(deg_ref)
    h1 = jnp.maximum(dinv * (s1_ref[0] + s1_ref[1] + g1_ref[...]) + b1_ref[...], 0.0)
    g2_ref[...] = dinv * jnp.dot(h1, w2_ref[...], preferred_element_type=jnp.float32)


_l2_call = pl.pallas_call(
    _l2_body,
    grid=(GN,),
    in_specs=[
        pl.BlockSpec((BN, NC), lambda i: (i, 0)),
        pl.BlockSpec((NC, BN, H), lambda i: (0, i, 0)),
        pl.BlockSpec((BN, H), lambda i: (i, 0)),
        pl.BlockSpec((H, H), lambda i: (0, 0)),
        pl.BlockSpec((1, H), lambda i: (0, 0)),
    ],
    out_specs=pl.BlockSpec((BN, H), lambda i: (i, 0)),
    out_shape=jax.ShapeDtypeStruct((N_PAD, H), jnp.float32),
)


def _l3_body(deg_ref, s2_ref, g2_ref, b2_ref, h2_ref):
    dinv = _dinv_of(deg_ref)
    h2 = dinv * (s2_ref[0] + s2_ref[1] + g2_ref[...]) + b2_ref[...]
    h2_ref[...] = h2[:, :A]


_l3_call = pl.pallas_call(
    _l3_body,
    grid=(GN,),
    in_specs=[
        pl.BlockSpec((BN, NC), lambda i: (i, 0)),
        pl.BlockSpec((NC, BN, H), lambda i: (0, i, 0)),
        pl.BlockSpec((BN, H), lambda i: (i, 0)),
        pl.BlockSpec((1, H), lambda i: (0, 0)),
    ],
    out_specs=pl.BlockSpec((BN, A), lambda i: (i, 0)),
    out_shape=jax.ShapeDtypeStruct((N, A), jnp.float32),
)


BB = 256


def _out_body(o_ref, h2_ref, out_ref):
    out_ref[...] = jnp.dot(o_ref[...], h2_ref[...], preferred_element_type=jnp.float32)


_out_call = pl.pallas_call(
    _out_body,
    grid=(B // BB,),
    in_specs=[
        pl.BlockSpec((BB, N), lambda i: (i, 0)),
        pl.BlockSpec((N, A), lambda i: (0, 0)),
    ],
    out_specs=pl.BlockSpec((BB, A), lambda i: (i, 0)),
    out_shape=jax.ShapeDtypeStruct((B, A), jnp.float32),
)


def kernel(x, edge_index, onehot_values, W1, b1, W2, b2):
    ei = edge_index.astype(jnp.int32)
    pad = N + (jnp.arange(E_PAD - E, dtype=jnp.int32) % (N_MP - N))
    src = jnp.concatenate([ei[0], pad])
    dst = jnp.concatenate([ei[1], pad])
    w2p = jnp.pad(W2, ((0, 0), (0, H - A)))
    b1r = b1.reshape(1, H)
    b2r = jnp.pad(b2, (0, H - A)).reshape(1, H)
    zeros_1 = jnp.zeros((N_PAD,), jnp.float32)
    zeros_c = jnp.zeros((N_PAD, H), jnp.float32)

    degp = _deg_call(dst, zeros_1)
    deg = degp.reshape(NC, N_PAD).T
    g1 = _l1_call(deg, x, W1)
    s1 = _mp_call(g1, src, dst, zeros_c)
    g2 = _l2_call(deg, s1, g1, w2p, b1r)
    s2 = _mp_call(g2, src, dst, zeros_c)
    h2 = _l3_call(deg, s2, g2, b2r)
    return _out_call(onehot_values, h2)

# --- scband reference (transcript-rebuilt; emitter-appended) ---
"""Pipeline reference for scband-gcn-79319456023095 (READ-ONLY COPY).

The authoritative reference and input builder live on the scoring server;
editing this copy changes nothing except your own understanding.
"""

import jax, jax.numpy as jnp
import numpy as np

N = 10000   # n_nodes
E = 320000  # n_edges
D = 128     # n_observations (d_feat)
H = 128     # hidden_size
A = 64      # n_actions
B = 1024    # rows of onehot_values (readout selectors)


def setup_inputs(seed: int = 0) -> dict:
    key = jax.random.key(seed)
    k1, k2, k3, k4, k5 = jax.random.split(key, 5)
    # graph.x is stored transposed: [n_observations, n_nodes]; forward does x.T
    x = jax.random.normal(k1, (D, N), dtype=jnp.float32)
    edge_index = jax.random.randint(k2, (2, E), 0, N)
    onehot_values = jax.random.uniform(k3, (B, N), dtype=jnp.float32)
    # GCNConv parameters (glorot-ish scale)
    W1 = jax.random.normal(k4, (D, H), dtype=jnp.float32) * 0.05
    b1 = jnp.zeros((H,), dtype=jnp.float32)
    W2 = jax.random.normal(k5, (H, A), dtype=jnp.float32) * 0.05
    b2 = jnp.zeros((A,), dtype=jnp.float32)
    return {"x": x, "edge_index": edge_index, "onehot_values": onehot_values,
            "W1": W1, "b1": b1, "W2": W2, "b2": b2}


def _gcn_norm(edge_index, num_nodes, dtype):
    # PyG GCNConv normalize=True: add self-loops, symmetric D^-1/2 A D^-1/2
    src, dst = edge_index[0], edge_index[1]
    loop = jnp.arange(num_nodes, dtype=src.dtype)
    src = jnp.concatenate([src, loop])
    dst = jnp.concatenate([dst, loop])
    deg = jnp.zeros((num_nodes,), dtype=dtype).at[dst].add(jnp.ones_like(dst, dtype=dtype))
    deg_inv_sqrt = jnp.where(deg > 0, jax.lax.rsqrt(deg), 0.0)
    norm = deg_inv_sqrt[src] * deg_inv_sqrt[dst]
    return src, dst, norm


def _gcn_conv(h, src, dst, norm, W, b, num_nodes):
    hw = h @ W
    msg = hw[src] * norm[:, None]
    out = jnp.zeros((num_nodes, W.shape[1]), dtype=hw.dtype).at[dst].add(msg)
    return out + b


def reference(x, edge_index, onehot_values, W1, b1, W2, b2):
    # eval mode: dropout is identity
    h = x.T  # [N, D]
    src, dst, norm = _gcn_norm(edge_index, N, h.dtype)  # cached=True: same norm both layers
    h = jax.nn.relu(_gcn_conv(h, src, dst, norm, W1, b1, N))
    h = _gcn_conv(h, src, dst, norm, W2, b2, N)
    return onehot_values @ h  # [B, A]

if __name__ == "__main__":
    import jax
    _d = setup_inputs()
    print(jax.jit(kernel)(*tuple(_d.values())))

</pallas_src>

<mosaic_0001>
#map = affine_map<(d0, d1) -> (0, 0)>
#map1 = affine_map<(d0, d1) -> (0)>
#map2 = affine_map<(d0, d1) -> (0, 0, 0)>
module attributes {stable_mosaic.version = 14 : i64} {
  func.func @_mp_body(%arg0: i32, %arg1: i32, %arg2: memref<10240x128xf32, #tpu.memory_space<hbm>>, %arg3: memref<327680xi32, #tpu.memory_space<hbm>>, %arg4: memref<327680xi32, #tpu.memory_space<hbm>>, %arg5: memref<10240x128xf32, #tpu.memory_space<hbm>>, %arg6: memref<2x10112x128xf32, #tpu.memory_space<hbm>>, %arg7: memref<128x128xf32, #tpu.memory_space<vmem>>, %arg8: memref<128x128xf32, #tpu.memory_space<vmem>>, %arg9: memref<128x128xf32, #tpu.memory_space<vmem>>, %arg10: memref<128xi32, #tpu.memory_space<vmem>>, %arg11: memref<128xi32, #tpu.memory_space<vmem>>, %arg12: memref<128xi32, #tpu.memory_space<vmem>>, %arg13: memref<128xi32, #tpu.memory_space<vmem>>, %arg14: memref<128xi32, #tpu.memory_space<vmem>>, %arg15: memref<128xi32, #tpu.memory_space<vmem>>, %arg16: memref<128xi32, #tpu.memory_space<vmem>>, %arg17: memref<10112x128xf32, #tpu.memory_space<vmem_shared>>, %arg18: memref<!tpu.dma_semaphore, #tpu.memory_space<semaphore_mem>>, %arg19: memref<!tpu.dma_semaphore, #tpu.memory_space<semaphore_mem>>, %arg20: memref<!tpu.dma_semaphore, #tpu.memory_space<semaphore_mem>>, %arg21: memref<!tpu.dma_semaphore, #tpu.memory_space<semaphore_mem>>, %arg22: memref<!tpu.dma_semaphore, #tpu.memory_space<semaphore_mem>>, %arg23: memref<!tpu.dma_semaphore, #tpu.memory_space<semaphore_mem>>, %arg24: memref<!tpu.dma_semaphore, #tpu.memory_space<semaphore_mem>>, %arg25: memref<!tpu.dma_semaphore, #tpu.memory_space<semaphore_mem>>, %arg26: memref<!tpu.dma_semaphore, #tpu.memory_space<semaphore_mem>>, %arg27: memref<!tpu.dma_semaphore, #tpu.memory_space<semaphore_mem>>, %arg28: memref<!tpu.dma_semaphore, #tpu.memory_space<semaphore_mem>>, %arg29: memref<!tpu.dma_semaphore, #tpu.memory_space<semaphore_mem>>, %arg30: memref<!tpu.dma_semaphore, #tpu.memory_space<semaphore_mem>>) attributes {dimension_semantics = [#tpu.dimension_semantics<core_parallel>, #tpu.dimension_semantics<subcore_parallel>], iteration_bounds = array<i64: 2, 16>, scalar_prefetch = 0 : i64, scratch_operands = 24 : i64, tpu.core_type = #tpu.core_type<sc_vector_subcore>, window_params = [{transform_indices = #map}, {transform_indices = #map1}, {transform_indices = #map1}, {transform_indices = #map}, {transform_indices = #map2}]} {
    %mul3A = arith.constant 2 : i32
    %mul3A_0 = arith.muli %arg1, %mul3A : i32
    %add3A = arith.addi %mul3A_0, %arg0 : i32
    %mul3A_1 = arith.constant 10240 : i32
    %mul3A_2 = arith.muli %add3A, %mul3A_1 : i32
    %mul3A_3 = arith.constant 632 : i32
    %mul3A_4 = arith.muli %arg1, %mul3A_3 : i32
    %mul3A_5 = arith.constant 632 : i32
    %mul3A_6 = arith.muli %arg1, %mul3A_5 : i32
    "tpu.region"() ({
      %run_scoped3A = tpu.sem_alloc : memref<!tpu.dma_semaphore, #tpu.memory_space<semaphore_mem>>
      %dma_start3A_189 = arith.constant 0 : i32
      %dma_start3A_190 = tpu.memref_slice %arg17[%mul3A_6, %dma_start3A_189] : memref<10112x128xf32, #tpu.memory_space<vmem_shared>> -> memref<632x128xf32, #tpu.memory_space<vmem_shared>>
      %dma_start3A_191 = arith.constant 0 : i32
      %dma_start3A_192 = tpu.memref_slice %arg5[%mul3A_4, %dma_start3A_191] : memref<10240x128xf32, #tpu.memory_space<hbm>> -> memref<632x128xf32, #tpu.memory_space<hbm>>
      tpu.enqueue_dma source(%dma_start3A_192 : memref<632x128xf32, #tpu.memory_space<hbm>>) target(%dma_start3A_190 : memref<632x128xf32, #tpu.memory_space<vmem_shared>>) target_semaphore(%run_scoped3A : memref<!tpu.dma_semaphore, #tpu.memory_space<semaphore_mem>>)
      %dma_wait3A_193 = arith.constant 0 : i32
      %dma_wait3A_194 = tpu.memref_slice %arg17[%mul3A_6, %dma_wait3A_193] : memref<10112x128xf32, #tpu.memory_space<vmem_shared>> -> memref<632x128xf32, #tpu.memory_space<vmem_shared>>
      %dma_wait3A_195 = arith.constant 0 : i32
      %dma_wait3A_196 = tpu.memref_slice %arg5[%mul3A_4, %dma_wait3A_195] : memref<10240x128xf32, #tpu.memory_space<hbm>> -> memref<632x128xf32, #tpu.memory_space<hbm>>
      tpu.wait_dma2 semaphore(%run_scoped3A : memref<!tpu.dma_semaphore, #tpu.memory_space<semaphore_mem>>) src(%dma_wait3A_196 : memref<632x128xf32, #tpu.memory_space<hbm>>) dst(%dma_wait3A_194 : memref<632x128xf32, #tpu.memory_space<vmem_shared>>)
      tpu.yield
    }) : () -> ()
    "tpu.region"() ({
      %run_scoped3A = tpu.sem_alloc : memref<!tpu.dma_semaphore, #tpu.memory_space<semaphore_mem>>
      %dma_start3A_189 = tpu.memref_slice %arg3[%mul3A_2] : memref<327680xi32, #tpu.memory_space<hbm>> -> memref<128xi32, #tpu.memory_space<hbm>>
      %dma_start3A_190 = tpu.memref_slice %arg3[%mul3A_2] : memref<327680xi32, #tpu.memory_space<hbm>> -> memref<128xi32, #tpu.memory_space<hbm>>
      tpu.enqueue_dma source(%dma_start3A_190 : memref<128xi32, #tpu.memory_space<hbm>>) target(%arg10 : memref<128xi32, #tpu.memory_space<vmem>>) target_semaphore(%run_scoped3A : memref<!tpu.dma_semaphore, #tpu.memory_space<semaphore_mem>>)
      %dma_wait3A_191 = tpu.memref_slice %arg3[%mul3A_2] : memref<327680xi32, #tpu.memory_space<hbm>> -> memref<128xi32, #tpu.memory_space<hbm>>
      %dma_wait3A_192 = tpu.memref_slice %arg3[%mul3A_2] : memref<327680xi32, #tpu.memory_space<hbm>> -> memref<128xi32, #tpu.memory_space<hbm>>
      tpu.wait_dma2 semaphore(%run_scoped3A : memref<!tpu.dma_semaphore, #tpu.memory_space<semaphore_mem>>) src(%dma_wait3A_192 : memref<128xi32, #tpu.memory_space<hbm>>) dst(%arg10 : memref<128xi32, #tpu.memory_space<vmem>>)
      tpu.yield
    }) : () -> ()
    %add3A_7 = arith.constant 128 : i32
    %add3A_8 = arith.addi %mul3A_2, %add3A_7 : i32
    %dma_start3A = tpu.memref_slice %arg3[%add3A_8] : memref<327680xi32, #tpu.memory_space<hbm>> -> memref<128xi32, #tpu.memory_space<hbm>>
    %dma_start3A_9 = tpu.memref_slice %arg3[%add3A_8] : memref<327680xi32, #tpu.memory_space<hbm>> -> memref<128xi32, #tpu.memory_space<hbm>>
    tpu.enqueue_dma source(%dma_start3A_9 : memref<128xi32, #tpu.memory_space<hbm>>) target(%arg11 : memref<128xi32, #tpu.memory_space<vmem>>) target_semaphore(%arg25 : memref<!tpu.dma_semaphore, #tpu.memory_space<semaphore_mem>>)
    %add3A_10 = arith.constant 256 : i32
    %add3A_11 = arith.addi %mul3A_2, %add3A_10 : i32
    %dma_start3A_12 = tpu.memref_slice %arg3[%add3A_11] : memref<327680xi32, #tpu.memory_space<hbm>> -> memref<128xi32, #tpu.memory_space<hbm>>
    %dma_start3A_13 = tpu.memref_slice %arg3[%add3A_11] : memref<327680xi32, #tpu.memory_space<hbm>> -> memref<128xi32, #tpu.memory_space<hbm>>
    tpu.enqueue_dma source(%dma_start3A_13 : memref<128xi32, #tpu.memory_space<hbm>>) target(%arg12 : memref<128xi32, #tpu.memory_space<vmem>>) target_semaphore(%arg26 : memref<!tpu.dma_semaphore, #tpu.memory_space<semaphore_mem>>)
    %add3A_14 = arith.constant 384 : i32
    %add3A_15 = arith.addi %mul3A_2, %add3A_14 : i32
    %dma_start3A_16 = tpu.memref_slice %arg3[%add3A_15] : memref<327680xi32, #tpu.memory_space<hbm>> -> memref<128xi32, #tpu.memory_space<hbm>>
    %dma_start3A_17 = tpu.memref_slice %arg3[%add3A_15] : memref<327680xi32, #tpu.memory_space<hbm>> -> memref<128xi32, #tpu.memory_space<hbm>>
    tpu.enqueue_dma source(%dma_start3A_17 : memref<128xi32, #tpu.memory_space<hbm>>) target(%arg13 : memref<128xi32, #tpu.memory_space<vmem>>) target_semaphore(%arg27 : memref<!tpu.dma_semaphore, #tpu.memory_space<semaphore_mem>>)
    %add3A_18 = arith.constant 0 : i32
    %add3A_19 = arith.addi %mul3A_2, %add3A_18 : i32
    "tpu.region"() ({
      %run_scoped3A = tpu.sem_alloc : memref<!tpu.dma_semaphore, #tpu.memory_space<semaphore_mem>>
      %dma_start3A_189 = tpu.memref_slice %arg4[%add3A_19] : memref<327680xi32, #tpu.memory_space<hbm>> -> memref<128xi32, #tpu.memory_space<hbm>>
      %dma_start3A_190 = tpu.memref_slice %arg4[%add3A_19] : memref<327680xi32, #tpu.memory_space<hbm>> -> memref<128xi32, #tpu.memory_space<hbm>>
      tpu.enqueue_dma source(%dma_start3A_190 : memref<128xi32, #tpu.memory_space<hbm>>) target(%arg14 : memref<128xi32, #tpu.memory_space<vmem>>) target_semaphore(%run_scoped3A : memref<!tpu.dma_semaphore, #tpu.memory_space<semaphore_mem>>)
      %dma_wait3A_191 = tpu.memref_slice %arg4[%add3A_19] : memref<327680xi32, #tpu.memory_space<hbm>> -> memref<128xi32, #tpu.memory_space<hbm>>
      %dma_wait3A_192 = tpu.memref_slice %arg4[%add3A_19] : memref<327680xi32, #tpu.memory_space<hbm>> -> memref<128xi32, #tpu.memory_space<hbm>>
      tpu.wait_dma2 semaphore(%run_scoped3A : memref<!tpu.dma_semaphore, #tpu.memory_space<semaphore_mem>>) src(%dma_wait3A_192 : memref<128xi32, #tpu.memory_space<hbm>>) dst(%arg14 : memref<128xi32, #tpu.memory_space<vmem>>)
      tpu.yield
    }) : () -> ()
    %add3A_20 = arith.constant 128 : i32
    %add3A_21 = arith.addi %mul3A_2, %add3A_20 : i32
    "tpu.region"() ({
      %run_scoped3A = tpu.sem_alloc : memref<!tpu.dma_semaphore, #tpu.memory_space<semaphore_mem>>
      %dma_start3A_189 = tpu.memref_slice %arg4[%add3A_21] : memref<327680xi32, #tpu.memory_space<hbm>> -> memref<128xi32, #tpu.memory_space<hbm>>
      %dma_start3A_190 = tpu.memref_slice %arg4[%add3A_21] : memref<327680xi32, #tpu.memory_space<hbm>> -> memref<128xi32, #tpu.memory_space<hbm>>
      tpu.enqueue_dma source(%dma_start3A_190 : memref<128xi32, #tpu.memory_space<hbm>>) target(%arg15 : memref<128xi32, #tpu.memory_space<vmem>>) target_semaphore(%run_scoped3A : memref<!tpu.dma_semaphore, #tpu.memory_space<semaphore_mem>>)
      %dma_wait3A_191 = tpu.memref_slice %arg4[%add3A_21] : memref<327680xi32, #tpu.memory_space<hbm>> -> memref<128xi32, #tpu.memory_space<hbm>>
      %dma_wait3A_192 = tpu.memref_slice %arg4[%add3A_21] : memref<327680xi32, #tpu.memory_space<hbm>> -> memref<128xi32, #tpu.memory_space<hbm>>
      tpu.wait_dma2 semaphore(%run_scoped3A : memref<!tpu.dma_semaphore, #tpu.memory_space<semaphore_mem>>) src(%dma_wait3A_192 : memref<128xi32, #tpu.memory_space<hbm>>) dst(%arg15 : memref<128xi32, #tpu.memory_space<vmem>>)
      tpu.yield
    }) : () -> ()
    %add3A_22 = arith.constant 256 : i32
    %add3A_23 = arith.addi %mul3A_2, %add3A_22 : i32
    "tpu.region"() ({
      %run_scoped3A = tpu.sem_alloc : memref<!tpu.dma_semaphore, #tpu.memory_space<semaphore_mem>>
      %dma_start3A_189 = tpu.memref_slice %arg4[%add3A_23] : memref<327680xi32, #tpu.memory_space<hbm>> -> memref<128xi32, #tpu.memory_space<hbm>>
      %dma_start3A_190 = tpu.memref_slice %arg4[%add3A_23] : memref<327680xi32, #tpu.memory_space<hbm>> -> memref<128xi32, #tpu.memory_space<hbm>>
      tpu.enqueue_dma source(%dma_start3A_190 : memref<128xi32, #tpu.memory_space<hbm>>) target(%arg16 : memref<128xi32, #tpu.memory_space<vmem>>) target_semaphore(%run_scoped3A : memref<!tpu.dma_semaphore, #tpu.memory_space<semaphore_mem>>)
      %dma_wait3A_191 = tpu.memref_slice %arg4[%add3A_23] : memref<327680xi32, #tpu.memory_space<hbm>> -> memref<128xi32, #tpu.memory_space<hbm>>
      %dma_wait3A_192 = tpu.memref_slice %arg4[%add3A_23] : memref<327680xi32, #tpu.memory_space<hbm>> -> memref<128xi32, #tpu.memory_space<hbm>>
      tpu.wait_dma2 semaphore(%run_scoped3A : memref<!tpu.dma_semaphore, #tpu.memory_space<semaphore_mem>>) src(%dma_wait3A_192 : memref<128xi32, #tpu.memory_space<hbm>>) dst(%arg16 : memref<128xi32, #tpu.memory_space<vmem>>)
      tpu.yield
    }) : () -> ()
    %barrier3A = arith.constant 0 : index
    tpu.barrier barrier_id(%barrier3A)
    %dma_start3A_24 = arith.constant 0 : i32
    %dma_start3A_25 = arith.constant 0 : i32
    %dma_start3A_26 = tpu.memref_slice %arg2[%dma_start3A_24, %dma_start3A_25] : memref<10240x128xf32, #tpu.memory_space<hbm>> -> memref<10240x128xf32, #tpu.memory_space<hbm>>
    tpu.enqueue_indirect_dma source(%dma_start3A_26 : memref<10240x128xf32, #tpu.memory_space<hbm>>) target(%arg7 : memref<128x128xf32, #tpu.memory_space<vmem>>) offsets(%arg10 : memref<128xi32, #tpu.memory_space<vmem>>) semaphore(%arg18 : memref<!tpu.dma_semaphore, #tpu.memory_space<semaphore_mem>>)
    %dma_wait3A = tpu.memref_slice %arg3[%mul3A_2] : memref<327680xi32, #tpu.memory_space<hbm>> -> memref<128xi32, #tpu.memory_space<hbm>>
    %dma_wait3A_27 = tpu.memref_slice %arg3[%mul3A_2] : memref<327680xi32, #tpu.memory_space<hbm>> -> memref<128xi32, #tpu.memory_space<hbm>>
    tpu.wait_dma2 semaphore(%arg25 : memref<!tpu.dma_semaphore, #tpu.memory_space<semaphore_mem>>) src(%dma_wait3A_27 : memref<128xi32, #tpu.memory_space<hbm>>) dst(%arg11 : memref<128xi32, #tpu.memory_space<vmem>>)
    %dma_start3A_28 = arith.constant 0 : i32
    %dma_start3A_29 = arith.constant 0 : i32
    %dma_start3A_30 = tpu.memref_slice %arg2[%dma_start3A_28, %dma_start3A_29] : memref<10240x128xf32, #tpu.memory_space<hbm>> -> memref<10240x128xf32, #tpu.memory_space<hbm>>
    tpu.enqueue_indirect_dma source(%dma_start3A_30 : memref<10240x128xf32, #tpu.memory_space<hbm>>) target(%arg8 : memref<128x128xf32, #tpu.memory_space<vmem>>) offsets(%arg11 : memref<128xi32, #tpu.memory_space<vmem>>) semaphore(%arg19 : memref<!tpu.dma_semaphore, #tpu.memory_space<semaphore_mem>>)
    %dma_wait3A_31 = arith.constant 0 : i32
    %dma_wait3A_32 = arith.constant 0 : i32
    %dma_wait3A_33 = tpu.memref_slice %arg2[%dma_wait3A_31, %dma_wait3A_32] : memref<10240x128xf32, #tpu.memory_space<hbm>> -> memref<10240x128xf32, #tpu.memory_space<hbm>>
    tpu.wait_indirect_dma semaphore(%arg18 : memref<!tpu.dma_semaphore, #tpu.memory_space<semaphore_mem>>) src(%dma_wait3A_33 : memref<10240x128xf32, #tpu.memory_space<hbm>>) dst(%arg7 : memref<128x128xf32, #tpu.memory_space<vmem>>)
    %dma_start3A_34 = arith.constant 0 : i32
    %dma_start3A_35 = arith.constant 0 : i32
    %dma_start3A_36 = tpu.memref_slice %arg17[%dma_start3A_34, %dma_start3A_35] : memref<10112x128xf32, #tpu.memory_space<vmem_shared>> -> memref<10112x128xf32, #tpu.memory_space<vmem_shared>>
    tpu.enqueue_indirect_dma source(%arg7 : memref<128x128xf32, #tpu.memory_space<vmem>>) target(%dma_start3A_36 : memref<10112x128xf32, #tpu.memory_space<vmem_shared>>) offsets(%arg14 : memref<128xi32, #tpu.memory_space<vmem>>) semaphore(%arg21 : memref<!tpu.dma_semaphore, #tpu.memory_space<semaphore_mem>>) {add = true}
    %add3A_37 = arith.constant 512 : i32
    %add3A_38 = arith.addi %mul3A_2, %add3A_37 : i32
    %dma_start3A_39 = tpu.memref_slice %arg3[%add3A_38] : memref<327680xi32, #tpu.memory_space<hbm>> -> memref<128xi32, #tpu.memory_space<hbm>>
    %dma_start3A_40 = tpu.memref_slice %arg3[%add3A_38] : memref<327680xi32, #tpu.memory_space<hbm>> -> memref<128xi32, #tpu.memory_space<hbm>>
    tpu.enqueue_dma source(%dma_start3A_40 : memref<128xi32, #tpu.memory_space<hbm>>) target(%arg10 : memref<128xi32, #tpu.memory_space<vmem>>) target_semaphore(%arg24 : memref<!tpu.dma_semaphore, #tpu.memory_space<semaphore_mem>>)
    %dma_wait3A_41 = tpu.memref_slice %arg3[%mul3A_2] : memref<327680xi32, #tpu.memory_space<hbm>> -> memref<128xi32, #tpu.memory_space<hbm>>
    %dma_wait3A_42 = tpu.memref_slice %arg3[%mul3A_2] : memref<327680xi32, #tpu.memory_space<hbm>> -> memref<128xi32, #tpu.memory_space<hbm>>
    tpu.wait_dma2 semaphore(%arg26 : memref<!tpu.dma_semaphore, #tpu.memory_space<semaphore_mem>>) src(%dma_wait3A_42 : memref<128xi32, #tpu.memory_space<hbm>>) dst(%arg12 : memref<128xi32, #tpu.memory_space<vmem>>)
    %dma_start3A_43 = arith.constant 0 : i32
    %dma_start3A_44 = arith.constant 0 : i32
    %dma_start3A_45 = tpu.memref_slice %arg2[%dma_start3A_43, %dma_start3A_44] : memref<10240x128xf32, #tpu.memory_space<hbm>> -> memref<10240x128xf32, #tpu.memory_space<hbm>>
    tpu.enqueue_indirect_dma source(%dma_start3A_45 : memref<10240x128xf32, #tpu.memory_space<hbm>>) target(%arg9 : memref<128x128xf32, #tpu.memory_space<vmem>>) offsets(%arg12 : memref<128xi32, #tpu.memory_space<vmem>>) semaphore(%arg20 : memref<!tpu.dma_semaphore, #tpu.memory_space<semaphore_mem>>)
    %dma_wait3A_46 = arith.constant 0 : i32
    %dma_wait3A_47 = arith.constant 0 : i32
    %dma_wait3A_48 = tpu.memref_slice %arg17[%dma_wait3A_46, %dma_wait3A_47] : memref<10112x128xf32, #tpu.memory_space<vmem_shared>> -> memref<10112x128xf32, #tpu.memory_space<vmem_shared>>
    tpu.wait_indirect_dma semaphore(%arg21 : memref<!tpu.dma_semaphore, #tpu.memory_space<semaphore_mem>>) src(%arg7 : memref<128x128xf32, #tpu.memory_space<vmem>>) dst(%dma_wait3A_48 : memref<10112x128xf32, #tpu.memory_space<vmem_shared>>)
    %add3A_49 = arith.constant 384 : i32
    %add3A_50 = arith.addi %mul3A_2, %add3A_49 : i32
    %dma_start3A_51 = tpu.memref_slice %arg4[%add3A_50] : memref<327680xi32, #tpu.memory_space<hbm>> -> memref<128xi32, #tpu.memory_space<hbm>>
    %dma_start3A_52 = tpu.memref_slice %arg4[%add3A_50] : memref<327680xi32, #tpu.memory_space<hbm>> -> memref<128xi32, #tpu.memory_space<hbm>>
    tpu.enqueue_dma source(%dma_start3A_52 : memref<128xi32, #tpu.memory_space<hbm>>) target(%arg14 : memref<128xi32, #tpu.memory_space<vmem>>) target_semaphore(%arg28 : memref<!tpu.dma_semaphore, #tpu.memory_space<semaphore_mem>>)
    %dma_wait3A_53 = arith.constant 0 : i32
    %dma_wait3A_54 = arith.constant 0 : i32
    %dma_wait3A_55 = tpu.memref_slice %arg2[%dma_wait3A_53, %dma_wait3A_54] : memref<10240x128xf32, #tpu.memory_space<hbm>> -> memref<10240x128xf32, #tpu.memory_space<hbm>>
    tpu.wait_indirect_dma semaphore(%arg19 : memref<!tpu.dma_semaphore, #tpu.memory_space<semaphore_mem>>) src(%dma_wait3A_55 : memref<10240x128xf32, #tpu.memory_space<hbm>>) dst(%arg8 : memref<128x128xf32, #tpu.memory_space<vmem>>)
    %dma_start3A_56 = arith.constant 0 : i32
    %dma_start3A_57 = arith.constant 0 : i32
    %dma_start3A_58 = tpu.memref_slice %arg17[%dma_start3A_56, %dma_start3A_57] : memref<10112x128xf32, #tpu.memory_space<vmem_shared>> -> memref<10112x128xf32, #tpu.memory_space<vmem_shared>>
    tpu.enqueue_indirect_dma source(%arg8 : memref<128x128xf32, #tpu.memory_space<vmem>>) target(%dma_start3A_58 : memref<10112x128xf32, #tpu.memory_space<vmem_shared>>) offsets(%arg15 : memref<128xi32, #tpu.memory_space<vmem>>) semaphore(%arg22 : memref<!tpu.dma_semaphore, #tpu.memory_space<semaphore_mem>>) {add = true}
    %add3A_59 = arith.constant 640 : i32
    %add3A_60 = arith.addi %mul3A_2, %add3A_59 : i32
    %dma_start3A_61 = tpu.memref_slice %arg3[%add3A_60] : memref<327680xi32, #tpu.memory_space<hbm>> -> memref<128xi32, #tpu.memory_space<hbm>>
    %dma_start3A_62 = tpu.memref_slice %arg3[%add3A_60] : memref<327680xi32, #tpu.memory_space<hbm>> -> memref<128xi32, #tpu.memory_space<hbm>>
    tpu.enqueue_dma source(%dma_start3A_62 : memref<128xi32, #tpu.memory_space<hbm>>) target(%arg11 : memref<128xi32, #tpu.memory_space<vmem>>) target_semaphore(%arg25 : memref<!tpu.dma_semaphore, #tpu.memory_space<semaphore_mem>>)
    %dma_wait3A_63 = tpu.memref_slice %arg3[%mul3A_2] : memref<327680xi32, #tpu.memory_space<hbm>> -> memref<128xi32, #tpu.memory_space<hbm>>
    %dma_wait3A_64 = tpu.memref_slice %arg3[%mul3A_2] : memref<327680xi32, #tpu.memory_space<hbm>> -> memref<128xi32, #tpu.memory_space<hbm>>
    tpu.wait_dma2 semaphore(%arg27 : memref<!tpu.dma_semaphore, #tpu.memory_space<semaphore_mem>>) src(%dma_wait3A_64 : memref<128xi32, #tpu.memory_space<hbm>>) dst(%arg13 : memref<128xi32, #tpu.memory_space<vmem>>)
    %dma_start3A_65 = arith.constant 0 : i32
    %dma_start3A_66 = arith.constant 0 : i32
    %dma_start3A_67 = tpu.memref_slice %arg2[%dma_start3A_65, %dma_start3A_66] : memref<10240x128xf32, #tpu.memory_space<hbm>> -> memref<10240x128xf32, #tpu.memory_space<hbm>>
    tpu.enqueue_indirect_dma source(%dma_start3A_67 : memref<10240x128xf32, #tpu.memory_space<hbm>>) target(%arg7 : memref<128x128xf32, #tpu.memory_space<vmem>>) offsets(%arg13 : memref<128xi32, #tpu.memory_space<vmem>>) semaphore(%arg18 : memref<!tpu.dma_semaphore, #tpu.memory_space<semaphore_mem>>)
    %dma_wait3A_68 = arith.constant 0 : i32
    %dma_wait3A_69 = arith.constant 0 : i32
    %dma_wait3A_70 = tpu.memref_slice %arg17[%dma_wait3A_68, %dma_wait3A_69] : memref<10112x128xf32, #tpu.memory_space<vmem_shared>> -> memref<10112x128xf32, #tpu.memory_space<vmem_shared>>
    tpu.wait_indirect_dma semaphore(%arg22 : memref<!tpu.dma_semaphore, #tpu.memory_space<semaphore_mem>>) src(%arg8 : memref<128x128xf32, #tpu.memory_space<vmem>>) dst(%dma_wait3A_70 : memref<10112x128xf32, #tpu.memory_space<vmem_shared>>)
    %add3A_71 = arith.constant 512 : i32
    %add3A_72 = arith.addi %mul3A_2, %add3A_71 : i32
    %dma_start3A_73 = tpu.memref_slice %arg4[%add3A_72] : memref<327680xi32, #tpu.memory_space<hbm>> -> memref<128xi32, #tpu.memory_space<hbm>>
    %dma_start3A_74 = tpu.memref_slice %arg4[%add3A_72] : memref<327680xi32, #tpu.memory_space<hbm>> -> memref<128xi32, #tpu.memory_space<hbm>>
    tpu.enqueue_dma source(%dma_start3A_74 : memref<128xi32, #tpu.memory_space<hbm>>) target(%arg15 : memref<128xi32, #tpu.memory_space<vmem>>) target_semaphore(%arg29 : memref<!tpu.dma_semaphore, #tpu.memory_space<semaphore_mem>>)
    %dma_wait3A_75 = arith.constant 0 : i32
    %dma_wait3A_76 = arith.constant 0 : i32
    %dma_wait3A_77 = tpu.memref_slice %arg2[%dma_wait3A_75, %dma_wait3A_76] : memref<10240x128xf32, #tpu.memory_space<hbm>> -> memref<10240x128xf32, #tpu.memory_space<hbm>>
    tpu.wait_indirect_dma semaphore(%arg20 : memref<!tpu.dma_semaphore, #tpu.memory_space<semaphore_mem>>) src(%dma_wait3A_77 : memref<10240x128xf32, #tpu.memory_space<hbm>>) dst(%arg9 : memref<128x128xf32, #tpu.memory_space<vmem>>)
    %dma_start3A_78 = arith.constant 0 : i32
    %dma_start3A_79 = arith.constant 0 : i32
    %dma_start3A_80 = tpu.memref_slice %arg17[%dma_start3A_78, %dma_start3A_79] : memref<10112x128xf32, #tpu.memory_space<vmem_shared>> -> memref<10112x128xf32, #tpu.memory_space<vmem_shared>>
    tpu.enqueue_indirect_dma source(%arg9 : memref<128x128xf32, #tpu.memory_space<vmem>>) target(%dma_start3A_80 : memref<10112x128xf32, #tpu.memory_space<vmem_shared>>) offsets(%arg16 : memref<128xi32, #tpu.memory_space<vmem>>) semaphore(%arg23 : memref<!tpu.dma_semaphore, #tpu.memory_space<semaphore_mem>>) {add = true}
    %add3A_81 = arith.constant 768 : i32
    %add3A_82 = arith.addi %mul3A_2, %add3A_81 : i32
    %dma_start3A_83 = tpu.memref_slice %arg3[%add3A_82] : memref<327680xi32, #tpu.memory_space<hbm>> -> memref<128xi32, #tpu.memory_space<hbm>>
    %dma_start3A_84 = tpu.memref_slice %arg3[%add3A_82] : memref<327680xi32, #tpu.memory_space<hbm>> -> memref<128xi32, #tpu.memory_space<hbm>>
    tpu.enqueue_dma source(%dma_start3A_84 : memref<128xi32, #tpu.memory_space<hbm>>) target(%arg12 : memref<128xi32, #tpu.memory_space<vmem>>) target_semaphore(%arg26 : memref<!tpu.dma_semaphore, #tpu.memory_space<semaphore_mem>>)
    %dma_wait3A_85 = tpu.memref_slice %arg3[%mul3A_2] : memref<327680xi32, #tpu.memory_space<hbm>> -> memref<128xi32, #tpu.memory_space<hbm>>
    %dma_wait3A_86 = tpu.memref_slice %arg3[%mul3A_2] : memref<327680xi32, #tpu.memory_space<hbm>> -> memref<128xi32, #tpu.memory_space<hbm>>
    tpu.wait_dma2 semaphore(%arg24 : memref<!tpu.dma_semaphore, #tpu.memory_space<semaphore_mem>>) src(%dma_wait3A_86 : memref<128xi32, #tpu.memory_space<hbm>>) dst(%arg10 : memref<128xi32, #tpu.memory_space<vmem>>)
    %dma_start3A_87 = arith.constant 0 : i32
    %dma_start3A_88 = arith.constant 0 : i32
    %dma_start3A_89 = tpu.memref_slice %arg2[%dma_start3A_87, %dma_start3A_88] : memref<10240x128xf32, #tpu.memory_space<hbm>> -> memref<10240x128xf32, #tpu.memory_space<hbm>>
    tpu.enqueue_indirect_dma source(%dma_start3A_89 : memref<10240x128xf32, #tpu.memory_space<hbm>>) target(%arg8 : memref<128x128xf32, #tpu.memory_space<vmem>>) offsets(%arg10 : memref<128xi32, #tpu.memory_space<vmem>>) semaphore(%arg19 : memref<!tpu.dma_semaphore, #tpu.memory_space<semaphore_mem>>)
    %dma_wait3A_90 = arith.constant 0 : i32
    %dma_wait3A_91 = arith.constant 0 : i32
    %dma_wait3A_92 = tpu.memref_slice %arg17[%dma_wait3A_90, %dma_wait3A_91] : memref<10112x128xf32, #tpu.memory_space<vmem_shared>> -> memref<10112x128xf32, #tpu.memory_space<vmem_shared>>
    tpu.wait_indirect_dma semaphore(%arg23 : memref<!tpu.dma_semaphore, #tpu.memory_space<semaphore_mem>>) src(%arg9 : memref<128x128xf32, #tpu.memory_space<vmem>>) dst(%dma_wait3A_92 : memref<10112x128xf32, #tpu.memory_space<vmem_shared>>)
    %add3A_93 = arith.constant 640 : i32
    %add3A_94 = arith.addi %mul3A_2, %add3A_93 : i32
    %dma_start3A_95 = tpu.memref_slice %arg4[%add3A_94] : memref<327680xi32, #tpu.memory_space<hbm>> -> memref<128xi32, #tpu.memory_space<hbm>>
    %dma_start3A_96 = tpu.memref_slice %arg4[%add3A_94] : memref<327680xi32, #tpu.memory_space<hbm>> -> memref<128xi32, #tpu.memory_space<hbm>>
    tpu.enqueue_dma source(%dma_start3A_96 : memref<128xi32, #tpu.memory_space<hbm>>) target(%arg16 : memref<128xi32, #tpu.memory_space<vmem>>) target_semaphore(%arg30 : memref<!tpu.dma_semaphore, #tpu.memory_space<semaphore_mem>>)
    %dma_wait3A_97 = arith.constant 0 : i32
    %dma_wait3A_98 = arith.constant 0 : i32
    %dma_wait3A_99 = tpu.memref_slice %arg2[%dma_wait3A_97, %dma_wait3A_98] : memref<10240x128xf32, #tpu.memory_space<hbm>> -> memref<10240x128xf32, #tpu.memory_space<hbm>>
    tpu.wait_indirect_dma semaphore(%arg18 : memref<!tpu.dma_semaphore, #tpu.memory_space<semaphore_mem>>) src(%dma_wait3A_99 : memref<10240x128xf32, #tpu.memory_space<hbm>>) dst(%arg7 : memref<128x128xf32, #tpu.memory_space<vmem>>)
    %dma_wait3A_100 = tpu.memref_slice %arg4[%mul3A_2] : memref<327680xi32, #tpu.memory_space<hbm>> -> memref<128xi32, #tpu.memory_space<hbm>>
    %dma_wait3A_101 = tpu.memref_slice %arg4[%mul3A_2] : memref<327680xi32, #tpu.memory_space<hbm>> -> memref<128xi32, #tpu.memory_space<hbm>>
    tpu.wait_dma2 semaphore(%arg28 : memref<!tpu.dma_semaphore, #tpu.memory_space<semaphore_mem>>) src(%dma_wait3A_101 : memref<128xi32, #tpu.memory_space<hbm>>) dst(%arg14 : memref<128xi32, #tpu.memory_space<vmem>>)
    %dma_start3A_102 = arith.constant 0 : i32
    %dma_start3A_103 = arith.constant 0 : i32
    %dma_start3A_104 = tpu.memref_slice %arg17[%dma_start3A_102, %dma_start3A_103] : memref<10112x128xf32, #tpu.memory_space<vmem_shared>> -> memref<10112x128xf32, #tpu.memory_space<vmem_shared>>
    tpu.enqueue_indirect_dma source(%arg7 : memref<128x128xf32, #tpu.memory_space<vmem>>) target(%dma_start3A_104 : memref<10112x128xf32, #tpu.memory_space<vmem_shared>>) offsets(%arg14 : memref<128xi32, #tpu.memory_space<vmem>>) semaphore(%arg21 : memref<!tpu.dma_semaphore, #tpu.memory_space<semaphore_mem>>) {add = true}
    %add3A_105 = arith.constant 896 : i32
    %add3A_106 = arith.addi %mul3A_2, %add3A_105 : i32
    %dma_start3A_107 = tpu.memref_slice %arg3[%add3A_106] : memref<327680xi32, #tpu.memory_space<hbm>> -> memref<128xi32, #tpu.memory_space<hbm>>
    %dma_start3A_108 = tpu.memref_slice %arg3[%add3A_106] : memref<327680xi32, #tpu.memory_space<hbm>> -> memref<128xi32, #tpu.memory_space<hbm>>
    tpu.enqueue_dma source(%dma_start3A_108 : memref<128xi32, #tpu.memory_space<hbm>>) target(%arg13 : memref<128xi32, #tpu.memory_space<vmem>>) target_semaphore(%arg27 : memref<!tpu.dma_semaphore, #tpu.memory_space<semaphore_mem>>)
    %dma_wait3A_109 = tpu.memref_slice %arg3[%mul3A_2] : memref<327680xi32, #tpu.memory_space<hbm>> -> memref<128xi32, #tpu.memory_space<hbm>>
    %dma_wait3A_110 = tpu.memref_slice %arg3[%mul3A_2] : memref<327680xi32, #tpu.memory_space<hbm>> -> memref<128xi32, #tpu.memory_space<hbm>>
    tpu.wait_dma2 semaphore(%arg25 : memref<!tpu.dma_semaphore, #tpu.memory_space<semaphore_mem>>) src(%dma_wait3A_110 : memref<128xi32, #tpu.memory_space<hbm>>) dst(%arg11 : memref<128xi32, #tpu.memory_space<vmem>>)
    %dma_start3A_111 = arith.constant 0 : i32
    %dma_start3A_112 = arith.constant 0 : i32
    %dma_start3A_113 = tpu.memref_slice %arg2[%dma_start3A_111, %dma_start3A_112] : memref<10240x128xf32, #tpu.memory_space<hbm>> -> memref<10240x128xf32, #tpu.memory_space<hbm>>
    tpu.enqueue_indirect_dma source(%dma_start3A_113 : memref<10240x128xf32, #tpu.memory_space<hbm>>) target(%arg9 : memref<128x128xf32, #tpu.memory_space<vmem>>) offsets(%arg11 : memref<128xi32, #tpu.memory_space<vmem>>) semaphore(%arg20 : memref<!tpu.dma_semaphore, #tpu.memory_space<semaphore_mem>>)
    %scan3A = arith.constant 0 : i32
    %scan3A_114 = arith.constant 0 : i32
    %scan3A_115 = arith.constant 6 : i32
    %scan3A_116 = arith.addi %scan3A_114, %scan3A_115 : i32
    %scan3A_117 = arith.constant 1 : i32
    scf.for %scan3A_189 = %scan3A_114 to %scan3A_116 step %scan3A_117  : i32 {
      %mul3A_190 = arith.constant 12 : i32
      %mul3A_191 = arith.muli %mul3A_190, %scan3A_189 : i32
      %add3A_192 = arith.constant 6 : i32
      %add3A_193 = arith.addi %add3A_192, %mul3A_191 : i32
      %add3A_194 = arith.constant 0 : i32
      %add3A_195 = arith.addi %add3A_193, %add3A_194 : i32
      %dma_wait3A_196 = arith.constant 0 : i32
      %dma_wait3A_197 = arith.constant 0 : i32
      %dma_wait3A_198 = tpu.memref_slice %arg17[%dma_wait3A_196, %dma_wait3A_197] : memref<10112x128xf32, #tpu.memory_space<vmem_shared>> -> memref<10112x128xf32, #tpu.memory_space<vmem_shared>>
      tpu.wait_indirect_dma semaphore(%arg21 : memref<!tpu.dma_semaphore, #tpu.memory_space<semaphore_mem>>) src(%arg7 : memref<128x128xf32, #tpu.memory_space<vmem>>) dst(%dma_wait3A_198 : memref<10112x128xf32, #tpu.memory_space<vmem_shared>>)
      %mul3A_199 = arith.constant 128 : i32
      %mul3A_200 = arith.muli %add3A_195, %mul3A_199 : i32
      %add3A_201 = arith.addi %mul3A_2, %mul3A_200 : i32
      %dma_start3A_202 = tpu.memref_slice %arg4[%add3A_201] : memref<327680xi32, #tpu.memory_space<hbm>> -> memref<128xi32, #tpu.memory_space<hbm>>
      %dma_start3A_203 = tpu.memref_slice %arg4[%add3A_201] : memref<327680xi32, #tpu.memory_space<hbm>> -> memref<128xi32, #tpu.memory_space<hbm>>
      tpu.enqueue_dma source(%dma_start3A_203 : memref<128xi32, #tpu.memory_space<hbm>>) target(%arg14 : memref<128xi32, #tpu.memory_space<vmem>>) target_semaphore(%arg28 : memref<!tpu.dma_semaphore, #tpu.memory_space<semaphore_mem>>)
      %dma_wait3A_204 = arith.constant 0 : i32
      %dma_wait3A_205 = arith.constant 0 : i32
      %dma_wait3A_206 = tpu.memref_slice %arg2[%dma_wait3A_204, %dma_wait3A_205] : memref<10240x128xf32, #tpu.memory_space<hbm>> -> memref<10240x128xf32, #tpu.memory_space<hbm>>
      tpu.wait_indirect_dma semaphore(%arg19 : memref<!tpu.dma_semaphore, #tpu.memory_space<semaphore_mem>>) src(%dma_wait3A_206 : memref<10240x128xf32, #tpu.memory_space<hbm>>) dst(%arg8 : memref<128x128xf32, #tpu.memory_space<vmem>>)
      %dma_wait3A_207 = tpu.memref_slice %arg4[%mul3A_2] : memref<327680xi32, #tpu.memory_space<hbm>> -> memref<128xi32, #tpu.memory_space<hbm>>
      %dma_wait3A_208 = tpu.memref_slice %arg4[%mul3A_2] : memref<327680xi32, #tpu.memory_space<hbm>> -> memref<128xi32, #tpu.memory_space<hbm>>
      tpu.wait_dma2 semaphore(%arg29 : memref<!tpu.dma_semaphore, #tpu.memory_space<semaphore_mem>>) src(%dma_wait3A_208 : memref<128xi32, #tpu.memory_space<hbm>>) dst(%arg15 : memref<128xi32, #tpu.memory_space<vmem>>)
      %dma_start3A_209 = arith.constant 0 : i32
      %dma_start3A_210 = arith.constant 0 : i32
      %dma_start3A_211 = tpu.memref_slice %arg17[%dma_start3A_209, %dma_start3A_210] : memref<10112x128xf32, #tpu.memory_space<vmem_shared>> -> memref<10112x128xf32, #tpu.memory_space<vmem_shared>>
      tpu.enqueue_indirect_dma source(%arg8 : memref<128x128xf32, #tpu.memory_space<vmem>>) target(%dma_start3A_211 : memref<10112x128xf32, #tpu.memory_space<vmem_shared>>) offsets(%arg15 : memref<128xi32, #tpu.memory_space<vmem>>) semaphore(%arg22 : memref<!tpu.dma_semaphore, #tpu.memory_space<semaphore_mem>>) {add = true}
      %add3A_212 = arith.constant 2 : i32
      %add3A_213 = arith.addi %add3A_195, %add3A_212 : i32
      %mul3A_214 = arith.constant 128 : i32
      %mul3A_215 = arith.muli %add3A_213, %mul3A_214 : i32
      %add3A_216 = arith.addi %mul3A_2, %mul3A_215 : i32
      %dma_start3A_217 = tpu.memref_slice %arg3[%add3A_216] : memref<327680xi32, #tpu.memory_space<hbm>> -> memref<128xi32, #tpu.memory_space<hbm>>
      %dma_start3A_218 = tpu.memref_slice %arg3[%add3A_216] : memref<327680xi32, #tpu.memory_space<hbm>> -> memref<128xi32, #tpu.memory_space<hbm>>
      tpu.enqueue_dma source(%dma_start3A_218 : memref<128xi32, #tpu.memory_space<hbm>>) target(%arg10 : memref<128xi32, #tpu.memory_space<vmem>>) target_semaphore(%arg24 : memref<!tpu.dma_semaphore, #tpu.memory_space<semaphore_mem>>)
      %dma_wait3A_219 = tpu.memref_slice %arg3[%mul3A_2] : memref<327680xi32, #tpu.memory_space<hbm>> -> memref<128xi32, #tpu.memory_space<hbm>>
      %dma_wait3A_220 = tpu.memref_slice %arg3[%mul3A_2] : memref<327680xi32, #tpu.memory_space<hbm>> -> memref<128xi32, #tpu.memory_space<hbm>>
      tpu.wait_dma2 semaphore(%arg26 : memref<!tpu.dma_semaphore, #tpu.memory_space<semaphore_mem>>) src(%dma_wait3A_220 : memref<128xi32, #tpu.memory_space<hbm>>) dst(%arg12 : memref<128xi32, #tpu.memory_space<vmem>>)
      %dma_start3A_221 = arith.constant 0 : i32
      %dma_start3A_222 = arith.constant 0 : i32
      %dma_start3A_223 = tpu.memref_slice %arg2[%dma_start3A_221, %dma_start3A_222] : memref<10240x128xf32, #tpu.memory_space<hbm>> -> memref<10240x128xf32, #tpu.memory_space<hbm>>
      tpu.enqueue_indirect_dma source(%dma_start3A_223 : memref<10240x128xf32, #tpu.memory_space<hbm>>) target(%arg7 : memref<128x128xf32, #tpu.memory_space<vmem>>) offsets(%arg12 : memref<128xi32, #tpu.memory_space<vmem>>) semaphore(%arg18 : memref<!tpu.dma_semaphore, #tpu.memory_space<semaphore_mem>>)
      %mul3A_224 = arith.constant 12 : i32
      %mul3A_225 = arith.muli %mul3A_224, %scan3A_189 : i32
      %add3A_226 = arith.constant 6 : i32
      %add3A_227 = arith.addi %add3A_226, %mul3A_225 : i32
      %add3A_228 = arith.constant 1 : i32
      %add3A_229 = arith.addi %add3A_227, %add3A_228 : i32
      %dma_wait3A_230 = arith.constant 0 : i32
      %dma_wait3A_231 = arith.constant 0 : i32
      %dma_wait3A_232 = tpu.memref_slice %arg17[%dma_wait3A_230, %dma_wait3A_231] : memref<10112x128xf32, #tpu.memory_space<vmem_shared>> -> memref<10112x128xf32, #tpu.memory_space<vmem_shared>>
      tpu.wait_indirect_dma semaphore(%arg22 : memref<!tpu.dma_semaphore, #tpu.memory_space<semaphore_mem>>) src(%arg8 : memref<128x128xf32, #tpu.memory_space<vmem>>) dst(%dma_wait3A_232 : memref<10112x128xf32, #tpu.memory_space<vmem_shared>>)
      %mul3A_233 = arith.constant 128 : i32
      %mul3A_234 = arith.muli %add3A_229, %mul3A_233 : i32
      %add3A_235 = arith.addi %mul3A_2, %mul3A_234 : i32
      %dma_start3A_236 = tpu.memref_slice %arg4[%add3A_235] : memref<327680xi32, #tpu.memory_space<hbm>> -> memref<128xi32, #tpu.memory_space<hbm>>
      %dma_start3A_237 = tpu.memref_slice %arg4[%add3A_235] : memref<327680xi32, #tpu.memory_space<hbm>> -> memref<128xi32, #tpu.memory_space<hbm>>
      tpu.enqueue_dma source(%dma_start3A_237 : memref<128xi32, #tpu.memory_space<hbm>>) target(%arg15 : memref<128xi32, #tpu.memory_space<vmem>>) target_semaphore(%arg29 : memref<!tpu.dma_semaphore, #tpu.memory_space<semaphore_mem>>)
      %dma_wait3A_238 = arith.constant 0 : i32
      %dma_wait3A_239 = arith.constant 0 : i32
      %dma_wait3A_240 = tpu.memref_slice %arg2[%dma_wait3A_238, %dma_wait3A_239] : memref<10240x128xf32, #tpu.memory_space<hbm>> -> memref<10240x128xf32, #tpu.memory_space<hbm>>
      tpu.wait_indirect_dma semaphore(%arg20 : memref<!tpu.dma_semaphore, #tpu.memory_space<semaphore_mem>>) src(%dma_wait3A_240 : memref<10240x128xf32, #tpu.memory_space<hbm>>) dst(%arg9 : memref<128x128xf32, #tpu.memory_space<vmem>>)
      %dma_wait3A_241 = tpu.memref_slice %arg4[%mul3A_2] : memref<327680xi32, #tpu.memory_space<hbm>> -> memref<128xi32, #tpu.memory_space<hbm>>
      %dma_wait3A_242 = tpu.memref_slice %arg4[%mul3A_2] : memref<327680xi32, #tpu.memory_space<hbm>> -> memref<128xi32, #tpu.memory_space<hbm>>
      tpu.wait_dma2 semaphore(%arg30 : memref<!tpu.dma_semaphore, #tpu.memory_space<semaphore_mem>>) src(%dma_wait3A_242 : memref<128xi32, #tpu.memory_space<hbm>>) dst(%arg16 : memref<128xi32, #tpu.memory_space<vmem>>)
      %dma_start3A_243 = arith.constant 0 : i32
      %dma_start3A_244 = arith.constant 0 : i32
      %dma_start3A_245 = tpu.memref_slice %arg17[%dma_start3A_243, %dma_start3A_244] : memref<10112x128xf32, #tpu.memory_space<vmem_shared>> -> memref<10112x128xf32, #tpu.memory_space<vmem_shared>>
      tpu.enqueue_indirect_dma source(%arg9 : memref<128x128xf32, #tpu.memory_space<vmem>>) target(%dma_start3A_245 : memref<10112x128xf32, #tpu.memory_space<vmem_shared>>) offsets(%arg16 : memref<128xi32, #tpu.memory_space<vmem>>) semaphore(%arg23 : memref<!tpu.dma_semaphore, #tpu.memory_space<semaphore_mem>>) {add = true}
      %add3A_246 = arith.constant 2 : i32
      %add3A_247 = arith.addi %add3A_229, %add3A_246 : i32
      %mul3A_248 = arith.constant 128 : i32
      %mul3A_249 = arith.muli %add3A_247, %mul3A_248 : i32
      %add3A_250 = arith.addi %mul3A_2, %mul3A_249 : i32
      %dma_start3A_251 = tpu.memref_slice %arg3[%add3A_250] : memref<327680xi32, #tpu.memory_space<hbm>> -> memref<128xi32, #tpu.memory_space<hbm>>
      %dma_start3A_252 = tpu.memref_slice %arg3[%add3A_250] : memref<327680xi32, #tpu.memory_space<hbm>> -> memref<128xi32, #tpu.memory_space<hbm>>
      tpu.enqueue_dma source(%dma_start3A_252 : memref<128xi32, #tpu.memory_space<hbm>>) target(%arg11 : memref<128xi32, #tpu.memory_space<vmem>>) target_semaphore(%arg25 : memref<!tpu.dma_semaphore, #tpu.memory_space<semaphore_mem>>)
      %dma_wait3A_253 = tpu.memref_slice %arg3[%mul3A_2] : memref<327680xi32, #tpu.memory_space<hbm>> -> memref<128xi32, #tpu.memory_space<hbm>>
      %dma_wait3A_254 = tpu.memref_slice %arg3[%mul3A_2] : memref<327680xi32, #tpu.memory_space<hbm>> -> memref<128xi32, #tpu.memory_space<hbm>>
      tpu.wait_dma2 semaphore(%arg27 : memref<!tpu.dma_semaphore, #tpu.memory_space<semaphore_mem>>) src(%dma_wait3A_254 : memref<128xi32, #tpu.memory_space<hbm>>) dst(%arg13 : memref<128xi32, #tpu.memory_space<vmem>>)
      %dma_start3A_255 = arith.constant 0 : i32
      %dma_start3A_256 = arith.constant 0 : i32
      %dma_start3A_257 = tpu.memref_slice %arg2[%dma_start3A_255, %dma_start3A_256] : memref<10240x128xf32, #tpu.memory_space<hbm>> -> memref<10240x128xf32, #tpu.memory_space<hbm>>
      tpu.enqueue_indirect_dma source(%dma_start3A_257 : memref<10240x128xf32, #tpu.memory_space<hbm>>) target(%arg8 : memref<128x128xf32, #tpu.memory_space<vmem>>) offsets(%arg13 : memref<128xi32, #tpu.memory_space<vmem>>) semaphore(%arg19 : memref<!tpu.dma_semaphore, #tpu.memory_space<semaphore_mem>>)
      %mul3A_258 = arith.constant 12 : i32
      %mul3A_259 = arith.muli %mul3A_258, %scan3A_189 : i32
      %add3A_260 = arith.constant 6 : i32
      %add3A_261 = arith.addi %add3A_260, %mul3A_259 : i32
      %add3A_262 = arith.constant 2 : i32
      %add3A_263 = arith.addi %add3A_261, %add3A_262 : i32
      %dma_wait3A_264 = arith.constant 0 : i32
      %dma_wait3A_265 = arith.constant 0 : i32
      %dma_wait3A_266 = tpu.memref_slice %arg17[%dma_wait3A_264, %dma_wait3A_265] : memref<10112x128xf32, #tpu.memory_space<vmem_shared>> -> memref<10112x128xf32, #tpu.memory_space<vmem_shared>>
      tpu.wait_indirect_dma semaphore(%arg23 : memref<!tpu.dma_semaphore, #tpu.memory_space<semaphore_mem>>) src(%arg9 : memref<128x128xf32, #tpu.memory_space<vmem>>) dst(%dma_wait3A_266 : memref<10112x128xf32, #tpu.memory_space<vmem_shared>>)
      %mul3A_267 = arith.constant 128 : i32
      %mul3A_268 = arith.muli %add3A_263, %mul3A_267 : i32
      %add3A_269 = arith.addi %mul3A_2, %mul3A_268 : i32
      %dma_start3A_270 = tpu.memref_slice %arg4[%add3A_269] : memref<327680xi32, #tpu.memory_space<hbm>> -> memref<128xi32, #tpu.memory_space<hbm>>
      %dma_start3A_271 = tpu.memref_slice %arg4[%add3A_269] : memref<327680xi32, #tpu.memory_space<hbm>> -> memref<128xi32, #tpu.memory_space<hbm>>
      tpu.enqueue_dma source(%dma_start3A_271 : memref<128xi32, #tpu.memory_space<hbm>>) target(%arg16 : memref<128xi32, #tpu.memory_space<vmem>>) target_semaphore(%arg30 : memref<!tpu.dma_semaphore, #tpu.memory_space<semaphore_mem>>)
      %dma_wait3A_272 = arith.constant 0 : i32
      %dma_wait3A_273 = arith.constant 0 : i32
      %dma_wait3A_274 = tpu.memref_slice %arg2[%dma_wait3A_272, %dma_wait3A_273] : memref<10240x128xf32, #tpu.memory_space<hbm>> -> memref<10240x128xf32, #tpu.memory_space<hbm>>
      tpu.wait_indirect_dma semaphore(%arg18 : memref<!tpu.dma_semaphore, #tpu.memory_space<semaphore_mem>>) src(%dma_wait3A_274 : memref<10240x128xf32, #tpu.memory_space<hbm>>) dst(%arg7 : memref<128x128xf32, #tpu.memory_space<vmem>>)
      %dma_wait3A_275 = tpu.memref_slice %arg4[%mul3A_2] : memref<327680xi32, #tpu.memory_space<hbm>> -> memref<128xi32, #tpu.memory_space<hbm>>
      %dma_wait3A_276 = tpu.memref_slice %arg4[%mul3A_2] : memref<327680xi32, #tpu.memory_space<hbm>> -> memref<128xi32, #tpu.memory_space<hbm>>
      tpu.wait_dma2 semaphore(%arg28 : memref<!tpu.dma_semaphore, #tpu.memory_space<semaphore_mem>>) src(%dma_wait3A_276 : memref<128xi32, #tpu.memory_space<hbm>>) dst(%arg14 : memref<128xi32, #tpu.memory_space<vmem>>)
      %dma_start3A_277 = arith.constant 0 : i32
      %dma_start3A_278 = arith.constant 0 : i32
      %dma_start3A_279 = tpu.memref_slice %arg17[%dma_start3A_277, %dma_start3A_278] : memref<10112x128xf32, #tpu.memory_space<vmem_shared>> -> memref<10112x128xf32, #tpu.memory_space<vmem_shared>>
      tpu.enqueue_indirect_dma source(%arg7 : memref<128x128xf32, #tpu.memory_space<vmem>>) target(%dma_start3A_279 : memref<10112x128xf32, #tpu.memory_space<vmem_shared>>) offsets(%arg14 : memref<128xi32, #tpu.memory_space<vmem>>) semaphore(%arg21 : memref<!tpu.dma_semaphore, #tpu.memory_space<semaphore_mem>>) {add = true}
      %add3A_280 = arith.constant 2 : i32
      %add3A_281 = arith.addi %add3A_263, %add3A_280 : i32
      %mul3A_282 = arith.constant 128 : i32
      %mul3A_283 = arith.muli %add3A_281, %mul3A_282 : i32
      %add3A_284 = arith.addi %mul3A_2, %mul3A_283 : i32
      %dma_start3A_285 = tpu.memref_slice %arg3[%add3A_284] : memref<327680xi32, #tpu.memory_space<hbm>> -> memref<128xi32, #tpu.memory_space<hbm>>
      %dma_start3A_286 = tpu.memref_slice %arg3[%add3A_284] : memref<327680xi32, #tpu.memory_space<hbm>> -> memref<128xi32, #tpu.memory_space<hbm>>
      tpu.enqueue_dma source(%dma_start3A_286 : memref<128xi32, #tpu.memory_space<hbm>>) target(%arg12 : memref<128xi32, #tpu.memory_space<vmem>>) target_semaphore(%arg26 : memref<!tpu.dma_semaphore, #tpu.memory_space<semaphore_mem>>)
      %dma_wait3A_287 = tpu.memref_slice %arg3[%mul3A_2] : memref<327680xi32, #tpu.memory_space<hbm>> -> memref<128xi32, #tpu.memory_space<hbm>>
      %dma_wait3A_288 = tpu.memref_slice %arg3[%mul3A_2] : memref<327680xi32, #tpu.memory_space<hbm>> -> memref<128xi32, #tpu.memory_space<hbm>>
      tpu.wait_dma2 semaphore(%arg24 : memref<!tpu.dma_semaphore, #tpu.memory_space<semaphore_mem>>) src(%dma_wait3A_288 : memref<128xi32, #tpu.memory_space<hbm>>) dst(%arg10 : memref<128xi32, #tpu.memory_space<vmem>>)
      %dma_start3A_289 = arith.constant 0 : i32
      %dma_start3A_290 = arith.constant 0 : i32
      %dma_start3A_291 = tpu.memref_slice %arg2[%dma_start3A_289, %dma_start3A_290] : memref<10240x128xf32, #tpu.memory_space<hbm>> -> memref<10240x128xf32, #tpu.memory_space<hbm>>
      tpu.enqueue_indirect_dma source(%dma_start3A_291 : memref<10240x128xf32, #tpu.memory_space<hbm>>) target(%arg9 : memref<128x128xf32, #tpu.memory_space<vmem>>) offsets(%arg10 : memref<128xi32, #tpu.memory_space<vmem>>) semaphore(%arg20 : memref<!tpu.dma_semaphore, #tpu.memory_space<semaphore_mem>>)
      %mul3A_292 = arith.constant 12 : i32
      %mul3A_293 = arith.muli %mul3A_292, %scan3A_189 : i32
      %add3A_294 = arith.constant 6 : i32
      %add3A_295 = arith.addi %add3A_294, %mul3A_293 : i32
      %add3A_296 = arith.constant 3 : i32
      %add3A_297 = arith.addi %add3A_295, %add3A_296 : i32
      %dma_wait3A_298 = arith.constant 0 : i32
      %dma_wait3A_299 = arith.constant 0 : i32
      %dma_wait3A_300 = tpu.memref_slice %arg17[%dma_wait3A_298, %dma_wait3A_299] : memref<10112x128xf32, #tpu.memory_space<vmem_shared>> -> memref<10112x128xf32, #tpu.memory_space<vmem_shared>>
      tpu.wait_indirect_dma semaphore(%arg21 : memref<!tpu.dma_semaphore, #tpu.memory_space<semaphore_mem>>) src(%arg7 : memref<128x128xf32, #tpu.memory_space<vmem>>) dst(%dma_wait3A_300 : memref<10112x128xf32, #tpu.memory_space<vmem_shared>>)
      %mul3A_301 = arith.constant 128 : i32
      %mul3A_302 = arith.muli %add3A_297, %mul3A_301 : i32
      %add3A_303 = arith.addi %mul3A_2, %mul3A_302 : i32
      %dma_start3A_304 = tpu.memref_slice %arg4[%add3A_303] : memref<327680xi32, #tpu.memory_space<hbm>> -> memref<128xi32, #tpu.memory_space<hbm>>
      %dma_start3A_305 = tpu.memref_slice %arg4[%add3A_303] : memref<327680xi32, #tpu.memory_space<hbm>> -> memref<128xi32, #tpu.memory_space<hbm>>
      tpu.enqueue_dma source(%dma_start3A_305 : memref<128xi32, #tpu.memory_space<hbm>>) target(%arg14 : memref<128xi32, #tpu.memory_space<vmem>>) target_semaphore(%arg28 : memref<!tpu.dma_semaphore, #tpu.memory_space<semaphore_mem>>)
      %dma_wait3A_306 = arith.constant 0 : i32
      %dma_wait3A_307 = arith.constant 0 : i32
      %dma_wait3A_308 = tpu.memref_slice %arg2[%dma_wait3A_306, %dma_wait3A_307] : memref<10240x128xf32, #tpu.memory_space<hbm>> -> memref<10240x128xf32, #tpu.memory_space<hbm>>
      tpu.wait_indirect_dma semaphore(%arg19 : memref<!tpu.dma_semaphore, #tpu.memory_space<semaphore_mem>>) src(%dma_wait3A_308 : memref<10240x128xf32, #tpu.memory_space<hbm>>) dst(%arg8 : memref<128x128xf32, #tpu.memory_space<vmem>>)
      %dma_wait3A_309 = tpu.memref_slice %arg4[%mul3A_2] : memref<327680xi32, #tpu.memory_space<hbm>> -> memref<128xi32, #tpu.memory_space<hbm>>
      %dma_wait3A_310 = tpu.memref_slice %arg4[%mul3A_2] : memref<327680xi32, #tpu.memory_space<hbm>> -> memref<128xi32, #tpu.memory_space<hbm>>
      tpu.wait_dma2 semaphore(%arg29 : memref<!tpu.dma_semaphore, #tpu.memory_space<semaphore_mem>>) src(%dma_wait3A_310 : memref<128xi32, #tpu.memory_space<hbm>>) dst(%arg15 : memref<128xi32, #tpu.memory_space<vmem>>)
      %dma_start3A_311 = arith.constant 0 : i32
      %dma_start3A_312 = arith.constant 0 : i32
      %dma_start3A_313 = tpu.memref_slice %arg17[%dma_start3A_311, %dma_start3A_312] : memref<10112x128xf32, #tpu.memory_space<vmem_shared>> -> memref<10112x128xf32, #tpu.memory_space<vmem_shared>>
      tpu.enqueue_indirect_dma source(%arg8 : memref<128x128xf32, #tpu.memory_space<vmem>>) target(%dma_start3A_313 : memref<10112x128xf32, #tpu.memory_space<vmem_shared>>) offsets(%arg15 : memref<128xi32, #tpu.memory_space<vmem>>) semaphore(%arg22 : memref<!tpu.dma_semaphore, #tpu.memory_space<semaphore_mem>>) {add = true}
      %add3A_314 = arith.constant 2 : i32
      %add3A_315 = arith.addi %add3A_297, %add3A_314 : i32
      %mul3A_316 = arith.constant 128 : i32
      %mul3A_317 = arith.muli %add3A_315, %mul3A_316 : i32
      %add3A_318 = arith.addi %mul3A_2, %mul3A_317 : i32
      %dma_start3A_319 = tpu.memref_slice %arg3[%add3A_318] : memref<327680xi32, #tpu.memory_space<hbm>> -> memref<128xi32, #tpu.memory_space<hbm>>
      %dma_start3A_320 = tpu.memref_slice %arg3[%add3A_318] : memref<327680xi32, #tpu.memory_space<hbm>> -> memref<128xi32, #tpu.memory_space<hbm>>
      tpu.enqueue_dma source(%dma_start3A_320 : memref<128xi32, #tpu.memory_space<hbm>>) target(%arg13 : memref<128xi32, #tpu.memory_space<vmem>>) target_semaphore(%arg27 : memref<!tpu.dma_semaphore, #tpu.memory_space<semaphore_mem>>)
      %dma_wait3A_321 = tpu.memref_slice %arg3[%mul3A_2] : memref<327680xi32, #tpu.memory_space<hbm>> -> memref<128xi32, #tpu.memory_space<hbm>>
      %dma_wait3A_322 = tpu.memref_slice %arg3[%mul3A_2] : memref<327680xi32, #tpu.memory_space<hbm>> -> memref<128xi32, #tpu.memory_space<hbm>>
      tpu.wait_dma2 semaphore(%arg25 : memref<!tpu.dma_semaphore, #tpu.memory_space<semaphore_mem>>) src(%dma_wait3A_322 : memref<128xi32, #tpu.memory_space<hbm>>) dst(%arg11 : memref<128xi32, #tpu.memory_space<vmem>>)
      %dma_start3A_323 = arith.constant 0 : i32
      %dma_start3A_324 = arith.constant 0 : i32
      %dma_start3A_325 = tpu.memref_slice %arg2[%dma_start3A_323, %dma_start3A_324] : memref<10240x128xf32, #tpu.memory_space<hbm>> -> memref<10240x128xf32, #tpu.memory_space<hbm>>
      tpu.enqueue_indirect_dma source(%dma_start3A_325 : memref<10240x128xf32, #tpu.memory_space<hbm>>) target(%arg7 : memref<128x128xf32, #tpu.memory_space<vmem>>) offsets(%arg11 : memref<128xi32, #tpu.memory_space<vmem>>) semaphore(%arg18 : memref<!tpu.dma_semaphore, #tpu.memory_space<semaphore_mem>>)
      %mul3A_326 = arith.constant 12 : i32
      %mul3A_327 = arith.muli %mul3A_326, %scan3A_189 : i32
      %add3A_328 = arith.constant 6 : i32
      %add3A_329 = arith.addi %add3A_328, %mul3A_327 : i32
      %add3A_330 = arith.constant 4 : i32
      %add3A_331 = arith.addi %add3A_329, %add3A_330 : i32
      %dma_wait3A_332 = arith.constant 0 : i32
      %dma_wait3A_333 = arith.constant 0 : i32
      %dma_wait3A_334 = tpu.memref_slice %arg17[%dma_wait3A_332, %dma_wait3A_333] : memref<10112x128xf32, #tpu.memory_space<vmem_shared>> -> memref<10112x128xf32, #tpu.memory_space<vmem_shared>>
      tpu.wait_indirect_dma semaphore(%arg22 : memref<!tpu.dma_semaphore, #tpu.memory_space<semaphore_mem>>) src(%arg8 : memref<128x128xf32, #tpu.memory_space<vmem>>) dst(%dma_wait3A_334 : memref<10112x128xf32, #tpu.memory_space<vmem_shared>>)
      %mul3A_335 = arith.constant 128 : i32
      %mul3A_336 = arith.muli %add3A_331, %mul3A_335 : i32
      %add3A_337 = arith.addi %mul3A_2, %mul3A_336 : i32
      %dma_start3A_338 = tpu.memref_slice %arg4[%add3A_337] : memref<327680xi32, #tpu.memory_space<hbm>> -> memref<128xi32, #tpu.memory_space<hbm>>
      %dma_start3A_339 = tpu.memref_slice %arg4[%add3A_337] : memref<327680xi32, #tpu.memory_space<hbm>> -> memref<128xi32, #tpu.memory_space<hbm>>
      tpu.enqueue_dma source(%dma_start3A_339 : memref<128xi32, #tpu.memory_space<hbm>>) target(%arg15 : memref<128xi32, #tpu.memory_space<vmem>>) target_semaphore(%arg29 : memref<!tpu.dma_semaphore, #tpu.memory_space<semaphore_mem>>)
      %dma_wait3A_340 = arith.constant 0 : i32
      %dma_wait3A_341 = arith.constant 0 : i32
      %dma_wait3A_342 = tpu.memref_slice %arg2[%dma_wait3A_340, %dma_wait3A_341] : memref<10240x128xf32, #tpu.memory_space<hbm>> -> memref<10240x128xf32, #tpu.memory_space<hbm>>
      tpu.wait_indirect_dma semaphore(%arg20 : memref<!tpu.dma_semaphore, #tpu.memory_space<semaphore_mem>>) src(%dma_wait3A_342 : memref<10240x128xf32, #tpu.memory_space<hbm>>) dst(%arg9 : memref<128x128xf32, #tpu.memory_space<vmem>>)
      %dma_wait3A_343 = tpu.memref_slice %arg4[%mul3A_2] : memref<327680xi32, #tpu.memory_space<hbm>> -> memref<128xi32, #tpu.memory_space<hbm>>
      %dma_wait3A_344 = tpu.memref_slice %arg4[%mul3A_2] : memref<327680xi32, #tpu.memory_space<hbm>> -> memref<128xi32, #tpu.memory_space<hbm>>
      tpu.wait_dma2 semaphore(%arg30 : memref<!tpu.dma_semaphore, #tpu.memory_space<semaphore_mem>>) src(%dma_wait3A_344 : memref<128xi32, #tpu.memory_space<hbm>>) dst(%arg16 : memref<128xi32, #tpu.memory_space<vmem>>)
      %dma_start3A_345 = arith.constant 0 : i32
      %dma_start3A_346 = arith.constant 0 : i32
      %dma_start3A_347 = tpu.memref_slice %arg17[%dma_start3A_345, %dma_start3A_346] : memref<10112x128xf32, #tpu.memory_space<vmem_shared>> -> memref<10112x128xf32, #tpu.memory_space<vmem_shared>>
      tpu.enqueue_indirect_dma source(%arg9 : memref<128x128xf32, #tpu.memory_space<vmem>>) target(%dma_start3A_347 : memref<10112x128xf32, #tpu.memory_space<vmem_shared>>) offsets(%arg16 : memref<128xi32, #tpu.memory_space<vmem>>) semaphore(%arg23 : memref<!tpu.dma_semaphore, #tpu.memory_space<semaphore_mem>>) {add = true}
      %add3A_348 = arith.constant 2 : i32
      %add3A_349 = arith.addi %add3A_331, %add3A_348 : i32
      %mul3A_350 = arith.constant 128 : i32
      %mul3A_351 = arith.muli %add3A_349, %mul3A_350 : i32
      %add3A_352 = arith.addi %mul3A_2, %mul3A_351 : i32
      %dma_start3A_353 = tpu.memref_slice %arg3[%add3A_352] : memref<327680xi32, #tpu.memory_space<hbm>> -> memref<128xi32, #tpu.memory_space<hbm>>
      %dma_start3A_354 = tpu.memref_slice %arg3[%add3A_352] : memref<327680xi32, #tpu.memory_space<hbm>> -> memref<128xi32, #tpu.memory_space<hbm>>
      tpu.enqueue_dma source(%dma_start3A_354 : memref<128xi32, #tpu.memory_space<hbm>>) target(%arg10 : memref<128xi32, #tpu.memory_space<vmem>>) target_semaphore(%arg24 : memref<!tpu.dma_semaphore, #tpu.memory_space<semaphore_mem>>)
      %dma_wait3A_355 = tpu.memref_slice %arg3[%mul3A_2] : memref<327680xi32, #tpu.memory_space<hbm>> -> memref<128xi32, #tpu.memory_space<hbm>>
      %dma_wait3A_356 = tpu.memref_slice %arg3[%mul3A_2] : memref<327680xi32, #tpu.memory_space<hbm>> -> memref<128xi32, #tpu.memory_space<hbm>>
      tpu.wait_dma2 semaphore(%arg26 : memref<!tpu.dma_semaphore, #tpu.memory_space<semaphore_mem>>) src(%dma_wait3A_356 : memref<128xi32, #tpu.memory_space<hbm>>) dst(%arg12 : memref<128xi32, #tpu.memory_space<vmem>>)
      %dma_start3A_357 = arith.constant 0 : i32
      %dma_start3A_358 = arith.constant 0 : i32
      %dma_start3A_359 = tpu.memref_slice %arg2[%dma_start3A_357, %dma_start3A_358] : memref<10240x128xf32, #tpu.memory_space<hbm>> -> memref<10240x128xf32, #tpu.memory_space<hbm>>
      tpu.enqueue_indirect_dma source(%dma_start3A_359 : memref<10240x128xf32, #tpu.memory_space<hbm>>) target(%arg8 : memref<128x128xf32, #tpu.memory_space<vmem>>) offsets(%arg12 : memref<128xi32, #tpu.memory_space<vmem>>) semaphore(%arg19 : memref<!tpu.dma_semaphore, #tpu.memory_space<semaphore_mem>>)
      %mul3A_360 = arith.constant 12 : i32
      %mul3A_361 = arith.muli %mul3A_360, %scan3A_189 : i32
      %add3A_362 = arith.constant 6 : i32
      %add3A_363 = arith.addi %add3A_362, %mul3A_361 : i32
      %add3A_364 = arith.constant 5 : i32
      %add3A_365 = arith.addi %add3A_363, %add3A_364 : i32
      %dma_wait3A_366 = arith.constant 0 : i32
      %dma_wait3A_367 = arith.constant 0 : i32
      %dma_wait3A_368 = tpu.memref_slice %arg17[%dma_wait3A_366, %dma_wait3A_367] : memref<10112x128xf32, #tpu.memory_space<vmem_shared>> -> memref<10112x128xf32, #tpu.memory_space<vmem_shared>>
      tpu.wait_indirect_dma semaphore(%arg23 : memref<!tpu.dma_semaphore, #tpu.memory_space<semaphore_mem>>) src(%arg9 : memref<128x128xf32, #tpu.memory_space<vmem>>) dst(%dma_wait3A_368 : memref<10112x128xf32, #tpu.memory_space<vmem_shared>>)
      %mul3A_369 = arith.constant 128 : i32
      %mul3A_370 = arith.muli %add3A_365, %mul3A_369 : i32
      %add3A_371 = arith.addi %mul3A_2, %mul3A_370 : i32
      %dma_start3A_372 = tpu.memref_slice %arg4[%add3A_371] : memref<327680xi32, #tpu.memory_space<hbm>> -> memref<128xi32, #tpu.memory_space<hbm>>
      %dma_start3A_373 = tpu.memref_slice %arg4[%add3A_371] : memref<327680xi32, #tpu.memory_space<hbm>> -> memref<128xi32, #tpu.memory_space<hbm>>
      tpu.enqueue_dma source(%dma_start3A_373 : memref<128xi32, #tpu.memory_space<hbm>>) target(%arg16 : memref<128xi32, #tpu.memory_space<vmem>>) target_semaphore(%arg30 : memref<!tpu.dma_semaphore, #tpu.memory_space<semaphore_mem>>)
      %dma_wait3A_374 = arith.constant 0 : i32
      %dma_wait3A_375 = arith.constant 0 : i32
      %dma_wait3A_376 = tpu.memref_slice %arg2[%dma_wait3A_374, %dma_wait3A_375] : memref<10240x128xf32, #tpu.memory_space<hbm>> -> memref<10240x128xf32, #tpu.memory_space<hbm>>
      tpu.wait_indirect_dma semaphore(%arg18 : memref<!tpu.dma_semaphore, #tpu.memory_space<semaphore_mem>>) src(%dma_wait3A_376 : memref<10240x128xf32, #tpu.memory_space<hbm>>) dst(%arg7 : memref<128x128xf32, #tpu.memory_space<vmem>>)
      %dma_wait3A_377 = tpu.memref_slice %arg4[%mul3A_2] : memref<327680xi32, #tpu.memory_space<hbm>> -> memref<128xi32, #tpu.memory_space<hbm>>
      %dma_wait3A_378 = tpu.memref_slice %arg4[%mul3A_2] : memref<327680xi32, #tpu.memory_space<hbm>> -> memref<128xi32, #tpu.memory_space<hbm>>
      tpu.wait_dma2 semaphore(%arg28 : memref<!tpu.dma_semaphore, #tpu.memory_space<semaphore_mem>>) src(%dma_wait3A_378 : memref<128xi32, #tpu.memory_space<hbm>>) dst(%arg14 : memref<128xi32, #tpu.memory_space<vmem>>)
      %dma_start3A_379 = arith.constant 0 : i32
      %dma_start3A_380 = arith.constant 0 : i32
      %dma_start3A_381 = tpu.memref_slice %arg17[%dma_start3A_379, %dma_start3A_380] : memref<10112x128xf32, #tpu.memory_space<vmem_shared>> -> memref<10112x128xf32, #tpu.memory_space<vmem_shared>>
      tpu.enqueue_indirect_dma source(%arg7 : memref<128x128xf32, #tpu.memory_space<vmem>>) target(%dma_start3A_381 : memref<10112x128xf32, #tpu.memory_space<vmem_shared>>) offsets(%arg14 : memref<128xi32, #tpu.memory_space<vmem>>) semaphore(%arg21 : memref<!tpu.dma_semaphore, #tpu.memory_space<semaphore_mem>>) {add = true}
      %add3A_382 = arith.constant 2 : i32
      %add3A_383 = arith.addi %add3A_365, %add3A_382 : i32
      %mul3A_384 = arith.constant 128 : i32
      %mul3A_385 = arith.muli %add3A_383, %mul3A_384 : i32
      %add3A_386 = arith.addi %mul3A_2, %mul3A_385 : i32
      %dma_start3A_387 = tpu.memref_slice %arg3[%add3A_386] : memref<327680xi32, #tpu.memory_space<hbm>> -> memref<128xi32, #tpu.memory_space<hbm>>
      %dma_start3A_388 = tpu.memref_slice %arg3[%add3A_386] : memref<327680xi32, #tpu.memory_space<hbm>> -> memref<128xi32, #tpu.memory_space<hbm>>
      tpu.enqueue_dma source(%dma_start3A_388 : memref<128xi32, #tpu.memory_space<hbm>>) target(%arg11 : memref<128xi32, #tpu.memory_space<vmem>>) target_semaphore(%arg25 : memref<!tpu.dma_semaphore, #tpu.memory_space<semaphore_mem>>)
      %dma_wait3A_389 = tpu.memref_slice %arg3[%mul3A_2] : memref<327680xi32, #tpu.memory_space<hbm>> -> memref<128xi32, #tpu.memory_space<hbm>>
      %dma_wait3A_390 = tpu.memref_slice %arg3[%mul3A_2] : memref<327680xi32, #tpu.memory_space<hbm>> -> memref<128xi32, #tpu.memory_space<hbm>>
      tpu.wait_dma2 semaphore(%arg27 : memref<!tpu.dma_semaphore, #tpu.memory_space<semaphore_mem>>) src(%dma_wait3A_390 : memref<128xi32, #tpu.memory_space<hbm>>) dst(%arg13 : memref<128xi32, #tpu.memory_space<vmem>>)
      %dma_start3A_391 = arith.constant 0 : i32
      %dma_start3A_392 = arith.constant 0 : i32
      %dma_start3A_393 = tpu.memref_slice %arg2[%dma_start3A_391, %dma_start3A_392] : memref<10240x128xf32, #tpu.memory_space<hbm>> -> memref<10240x128xf32, #tpu.memory_space<hbm>>
      tpu.enqueue_indirect_dma source(%dma_start3A_393 : memref<10240x128xf32, #tpu.memory_space<hbm>>) target(%arg9 : memref<128x128xf32, #tpu.memory_space<vmem>>) offsets(%arg13 : memref<128xi32, #tpu.memory_space<vmem>>) semaphore(%arg20 : memref<!tpu.dma_semaphore, #tpu.memory_space<semaphore_mem>>)
      %mul3A_394 = arith.constant 12 : i32
      %mul3A_395 = arith.muli %mul3A_394, %scan3A_189 : i32
      %add3A_396 = arith.constant 6 : i32
      %add3A_397 = arith.addi %add3A_396, %mul3A_395 : i32
      %add3A_398 = arith.constant 6 : i32
      %add3A_399 = arith.addi %add3A_397, %add3A_398 : i32
      %dma_wait3A_400 = arith.constant 0 : i32
      %dma_wait3A_401 = arith.constant 0 : i32
      %dma_wait3A_402 = tpu.memref_slice %arg17[%dma_wait3A_400, %dma_wait3A_401] : memref<10112x128xf32, #tpu.memory_space<vmem_shared>> -> memref<10112x128xf32, #tpu.memory_space<vmem_shared>>
      tpu.wait_indirect_dma semaphore(%arg21 : memref<!tpu.dma_semaphore, #tpu.memory_space<semaphore_mem>>) src(%arg7 : memref<128x128xf32, #tpu.memory_space<vmem>>) dst(%dma_wait3A_402 : memref<10112x128xf32, #tpu.memory_space<vmem_shared>>)
      %mul3A_403 = arith.constant 128 : i32
      %mul3A_404 = arith.muli %add3A_399, %mul3A_403 : i32
      %add3A_405 = arith.addi %mul3A_2, %mul3A_404 : i32
      %dma_start3A_406 = tpu.memref_slice %arg4[%add3A_405] : memref<327680xi32, #tpu.memory_space<hbm>> -> memref<128xi32, #tpu.memory_space<hbm>>
      %dma_start3A_407 = tpu.memref_slice %arg4[%add3A_405] : memref<327680xi32, #tpu.memory_space<hbm>> -> memref<128xi32, #tpu.memory_space<hbm>>
      tpu.enqueue_dma source(%dma_start3A_407 : memref<128xi32, #tpu.memory_space<hbm>>) target(%arg14 : memref<128xi32, #tpu.memory_space<vmem>>) target_semaphore(%arg28 : memref<!tpu.dma_semaphore, #tpu.memory_space<semaphore_mem>>)
      %dma_wait3A_408 = arith.constant 0 : i32
      %dma_wait3A_409 = arith.constant 0 : i32
      %dma_wait3A_410 = tpu.memref_slice %arg2[%dma_wait3A_408, %dma_wait3A_409] : memref<10240x128xf32, #tpu.memory_space<hbm>> -> memref<10240x128xf32, #tpu.memory_space<hbm>>
      tpu.wait_indirect_dma semaphore(%arg19 : memref<!tpu.dma_semaphore, #tpu.memory_space<semaphore_mem>>) src(%dma_wait3A_410 : memref<10240x128xf32, #tpu.memory_space<hbm>>) dst(%arg8 : memref<128x128xf32, #tpu.memory_space<vmem>>)
      %dma_wait3A_411 = tpu.memref_slice %arg4[%mul3A_2] : memref<327680xi32, #tpu.memory_space<hbm>> -> memref<128xi32, #tpu.memory_space<hbm>>
      %dma_wait3A_412 = tpu.memref_slice %arg4[%mul3A_2] : memref<327680xi32, #tpu.memory_space<hbm>> -> memref<128xi32, #tpu.memory_space<hbm>>
      tpu.wait_dma2 semaphore(%arg29 : memref<!tpu.dma_semaphore, #tpu.memory_space<semaphore_mem>>) src(%dma_wait3A_412 : memref<128xi32, #tpu.memory_space<hbm>>) dst(%arg15 : memref<128xi32, #tpu.memory_space<vmem>>)
      %dma_start3A_413 = arith.constant 0 : i32
      %dma_start3A_414 = arith.constant 0 : i32
      %dma_start3A_415 = tpu.memref_slice %arg17[%dma_start3A_413, %dma_start3A_414] : memref<10112x128xf32, #tpu.memory_space<vmem_shared>> -> memref<10112x128xf32, #tpu.memory_space<vmem_shared>>
      tpu.enqueue_indirect_dma source(%arg8 : memref<128x128xf32, #tpu.memory_space<vmem>>) target(%dma_start3A_415 : memref<10112x128xf32, #tpu.memory_space<vmem_shared>>) offsets(%arg15 : memref<128xi32, #tpu.memory_space<vmem>>) semaphore(%arg22 : memref<!tpu.dma_semaphore, #tpu.memory_space<semaphore_mem>>) {add = true}
      %add3A_416 = arith.constant 2 : i32
      %add3A_417 = arith.addi %add3A_399, %add3A_416 : i32
      %mul3A_418 = arith.constant 128 : i32
      %mul3A_419 = arith.muli %add3A_417, %mul3A_418 : i32
      %add3A_420 = arith.addi %mul3A_2, %mul3A_419 : i32
      %dma_start3A_421 = tpu.memref_slice %arg3[%add3A_420] : memref<327680xi32, #tpu.memory_space<hbm>> -> memref<128xi32, #tpu.memory_space<hbm>>
      %dma_start3A_422 = tpu.memref_slice %arg3[%add3A_420] : memref<327680xi32, #tpu.memory_space<hbm>> -> memref<128xi32, #tpu.memory_space<hbm>>
      tpu.enqueue_dma source(%dma_start3A_422 : memref<128xi32, #tpu.memory_space<hbm>>) target(%arg12 : memref<128xi32, #tpu.memory_space<vmem>>) target_semaphore(%arg26 : memref<!tpu.dma_semaphore, #tpu.memory_space<semaphore_mem>>)
      %dma_wait3A_423 = tpu.memref_slice %arg3[%mul3A_2] : memref<327680xi32, #tpu.memory_space<hbm>> -> memref<128xi32, #tpu.memory_space<hbm>>
      %dma_wait3A_424 = tpu.memref_slice %arg3[%mul3A_2] : memref<327680xi32, #tpu.memory_space<hbm>> -> memref<128xi32, #tpu.memory_space<hbm>>
      tpu.wait_dma2 semaphore(%arg24 : memref<!tpu.dma_semaphore, #tpu.memory_space<semaphore_mem>>) src(%dma_wait3A_424 : memref<128xi32, #tpu.memory_space<hbm>>) dst(%arg10 : memref<128xi32, #tpu.memory_space<vmem>>)
      %dma_start3A_425 = arith.constant 0 : i32
      %dma_start3A_426 = arith.constant 0 : i32
      %dma_start3A_427 = tpu.memref_slice %arg2[%dma_start3A_425, %dma_start3A_426] : memref<10240x128xf32, #tpu.memory_space<hbm>> -> memref<10240x128xf32, #tpu.memory_space<hbm>>
      tpu.enqueue_indirect_dma source(%dma_start3A_427 : memref<10240x128xf32, #tpu.memory_space<hbm>>) target(%arg7 : memref<128x128xf32, #tpu.memory_space<vmem>>) offsets(%arg10 : memref<128xi32, #tpu.memory_space<vmem>>) semaphore(%arg18 : memref<!tpu.dma_semaphore, #tpu.memory_space<semaphore_mem>>)
      %mul3A_428 = arith.constant 12 : i32
      %mul3A_429 = arith.muli %mul3A_428, %scan3A_189 : i32
      %add3A_430 = arith.constant 6 : i32
      %add3A_431 = arith.addi %add3A_430, %mul3A_429 : i32
      %add3A_432 = arith.constant 7 : i32
      %add3A_433 = arith.addi %add3A_431, %add3A_432 : i32
      %dma_wait3A_434 = arith.constant 0 : i32
      %dma_wait3A_435 = arith.constant 0 : i32
      %dma_wait3A_436 = tpu.memref_slice %arg17[%dma_wait3A_434, %dma_wait3A_435] : memref<10112x128xf32, #tpu.memory_space<vmem_shared>> -> memref<10112x128xf32, #tpu.memory_space<vmem_shared>>
      tpu.wait_indirect_dma semaphore(%arg22 : memref<!tpu.dma_semaphore, #tpu.memory_space<semaphore_mem>>) src(%arg8 : memref<128x128xf32, #tpu.memory_space<vmem>>) dst(%dma_wait3A_436 : memref<10112x128xf32, #tpu.memory_space<vmem_shared>>)
      %mul3A_437 = arith.constant 128 : i32
      %mul3A_438 = arith.muli %add3A_433, %mul3A_437 : i32
      %add3A_439 = arith.addi %mul3A_2, %mul3A_438 : i32
      %dma_start3A_440 = tpu.memref_slice %arg4[%add3A_439] : memref<327680xi32, #tpu.memory_space<hbm>> -> memref<128xi32, #tpu.memory_space<hbm>>
      %dma_start3A_441 = tpu.memref_slice %arg4[%add3A_439] : memref<327680xi32, #tpu.memory_space<hbm>> -> memref<128xi32, #tpu.memory_space<hbm>>
      tpu.enqueue_dma source(%dma_start3A_441 : memref<128xi32, #tpu.memory_space<hbm>>) target(%arg15 : memref<128xi32, #tpu.memory_space<vmem>>) target_semaphore(%arg29 : memref<!tpu.dma_semaphore, #tpu.memory_space<semaphore_mem>>)
      %dma_wait3A_442 = arith.constant 0 : i32
      %dma_wait3A_443 = arith.constant 0 : i32
      %dma_wait3A_444 = tpu.memref_slice %arg2[%dma_wait3A_442, %dma_wait3A_443] : memref<10240x128xf32, #tpu.memory_space<hbm>> -> memref<10240x128xf32, #tpu.memory_space<hbm>>
      tpu.wait_indirect_dma semaphore(%arg20 : memref<!tpu.dma_semaphore, #tpu.memory_space<semaphore_mem>>) src(%dma_wait3A_444 : memref<10240x128xf32, #tpu.memory_space<hbm>>) dst(%arg9 : memref<128x128xf32, #tpu.memory_space<vmem>>)
      %dma_wait3A_445 = tpu.memref_slice %arg4[%mul3A_2] : memref<327680xi32, #tpu.memory_space<hbm>> -> memref<128xi32, #tpu.memory_space<hbm>>
      %dma_wait3A_446 = tpu.memref_slice %arg4[%mul3A_2] : memref<327680xi32, #tpu.memory_space<hbm>> -> memref<128xi32, #tpu.memory_space<hbm>>
      tpu.wait_dma2 semaphore(%arg30 : memref<!tpu.dma_semaphore, #tpu.memory_space<semaphore_mem>>) src(%dma_wait3A_446 : memref<128xi32, #tpu.memory_space<hbm>>) dst(%arg16 : memref<128xi32, #tpu.memory_space<vmem>>)
      %dma_start3A_447 = arith.constant 0 : i32
      %dma_start3A_448 = arith.constant 0 : i32
      %dma_start3A_449 = tpu.memref_slice %arg17[%dma_start3A_447, %dma_start3A_448] : memref<10112x128xf32, #tpu.memory_space<vmem_shared>> -> memref<10112x128xf32, #tpu.memory_space<vmem_shared>>
      tpu.enqueue_indirect_dma source(%arg9 : memref<128x128xf32, #tpu.memory_space<vmem>>) target(%dma_start3A_449 : memref<10112x128xf32, #tpu.memory_space<vmem_shared>>) offsets(%arg16 : memref<128xi32, #tpu.memory_space<vmem>>) semaphore(%arg23 : memref<!tpu.dma_semaphore, #tpu.memory_space<semaphore_mem>>) {add = true}
      %add3A_450 = arith.constant 2 : i32
      %add3A_451 = arith.addi %add3A_433, %add3A_450 : i32
      %mul3A_452 = arith.constant 128 : i32
      %mul3A_453 = arith.muli %add3A_451, %mul3A_452 : i32
      %add3A_454 = arith.addi %mul3A_2, %mul3A_453 : i32
      %dma_start3A_455 = tpu.memref_slice %arg3[%add3A_454] : memref<327680xi32, #tpu.memory_space<hbm>> -> memref<128xi32, #tpu.memory_space<hbm>>
      %dma_start3A_456 = tpu.memref_slice %arg3[%add3A_454] : memref<327680xi32, #tpu.memory_space<hbm>> -> memref<128xi32, #tpu.memory_space<hbm>>
      tpu.enqueue_dma source(%dma_start3A_456 : memref<128xi32, #tpu.memory_space<hbm>>) target(%arg13 : memref<128xi32, #tpu.memory_space<vmem>>) target_semaphore(%arg27 : memref<!tpu.dma_semaphore, #tpu.memory_space<semaphore_mem>>)
      %dma_wait3A_457 = tpu.memref_slice %arg3[%mul3A_2] : memref<327680xi32, #tpu.memory_space<hbm>> -> memref<128xi32, #tpu.memory_space<hbm>>
      %dma_wait3A_458 = tpu.memref_slice %arg3[%mul3A_2] : memref<327680xi32, #tpu.memory_space<hbm>> -> memref<128xi32, #tpu.memory_space<hbm>>
      tpu.wait_dma2 semaphore(%arg25 : memref<!tpu.dma_semaphore, #tpu.memory_space<semaphore_mem>>) src(%dma_wait3A_458 : memref<128xi32, #tpu.memory_space<hbm>>) dst(%arg11 : memref<128xi32, #tpu.memory_space<vmem>>)
      %dma_start3A_459 = arith.constant 0 : i32
      %dma_start3A_460 = arith.constant 0 : i32
      %dma_start3A_461 = tpu.memref_slice %arg2[%dma_start3A_459, %dma_start3A_460] : memref<10240x128xf32, #tpu.memory_space<hbm>> -> memref<10240x128xf32, #tpu.memory_space<hbm>>
      tpu.enqueue_indirect_dma source(%dma_start3A_461 : memref<10240x128xf32, #tpu.memory_space<hbm>>) target(%arg8 : memref<128x128xf32, #tpu.memory_space<vmem>>) offsets(%arg11 : memref<128xi32, #tpu.memory_space<vmem>>) semaphore(%arg19 : memref<!tpu.dma_semaphore, #tpu.memory_space<semaphore_mem>>)
      %mul3A_462 = arith.constant 12 : i32
      %mul3A_463 = arith.muli %mul3A_462, %scan3A_189 : i32
      %add3A_464 = arith.constant 6 : i32
      %add3A_465 = arith.addi %add3A_464, %mul3A_463 : i32
      %add3A_466 = arith.constant 8 : i32
      %add3A_467 = arith.addi %add3A_465, %add3A_466 : i32
      %dma_wait3A_468 = arith.constant 0 : i32
      %dma_wait3A_469 = arith.constant 0 : i32
      %dma_wait3A_470 = tpu.memref_slice %arg17[%dma_wait3A_468, %dma_wait3A_469] : memref<10112x128xf32, #tpu.memory_space<vmem_shared>> -> memref<10112x128xf32, #tpu.memory_space<vmem_shared>>
      tpu.wait_indirect_dma semaphore(%arg23 : memref<!tpu.dma_semaphore, #tpu.memory_space<semaphore_mem>>) src(%arg9 : memref<128x128xf32, #tpu.memory_space<vmem>>) dst(%dma_wait3A_470 : memref<10112x128xf32, #tpu.memory_space<vmem_shared>>)
      %mul3A_471 = arith.constant 128 : i32
      %mul3A_472 = arith.muli %add3A_467, %mul3A_471 : i32
      %add3A_473 = arith.addi %mul3A_2, %mul3A_472 : i32
      %dma_start3A_474 = tpu.memref_slice %arg4[%add3A_473] : memref<327680xi32, #tpu.memory_space<hbm>> -> memref<128xi32, #tpu.memory_space<hbm>>
      %dma_start3A_475 = tpu.memref_slice %arg4[%add3A_473] : memref<327680xi32, #tpu.memory_space<hbm>> -> memref<128xi32, #tpu.memory_space<hbm>>
      tpu.enqueue_dma source(%dma_start3A_475 : memref<128xi32, #tpu.memory_space<hbm>>) target(%arg16 : memref<128xi32, #tpu.memory_space<vmem>>) target_semaphore(%arg30 : memref<!tpu.dma_semaphore, #tpu.memory_space<semaphore_mem>>)
      %dma_wait3A_476 = arith.constant 0 : i32
      %dma_wait3A_477 = arith.constant 0 : i32
      %dma_wait3A_478 = tpu.memref_slice %arg2[%dma_wait3A_476, %dma_wait3A_477] : memref<10240x128xf32, #tpu.memory_space<hbm>> -> memref<10240x128xf32, #tpu.memory_space<hbm>>
      tpu.wait_indirect_dma semaphore(%arg18 : memref<!tpu.dma_semaphore, #tpu.memory_space<semaphore_mem>>) src(%dma_wait3A_478 : memref<10240x128xf32, #tpu.memory_space<hbm>>) dst(%arg7 : memref<128x128xf32, #tpu.memory_space<vmem>>)
      %dma_wait3A_479 = tpu.memref_slice %arg4[%mul3A_2] : memref<327680xi32, #tpu.memory_space<hbm>> -> memref<128xi32, #tpu.memory_space<hbm>>
      %dma_wait3A_480 = tpu.memref_slice %arg4[%mul3A_2] : memref<327680xi32, #tpu.memory_space<hbm>> -> memref<128xi32, #tpu.memory_space<hbm>>
      tpu.wait_dma2 semaphore(%arg28 : memref<!tpu.dma_semaphore, #tpu.memory_space<semaphore_mem>>) src(%dma_wait3A_480 : memref<128xi32, #tpu.memory_space<hbm>>) dst(%arg14 : memref<128xi32, #tpu.memory_space<vmem>>)
      %dma_start3A_481 = arith.constant 0 : i32
      %dma_start3A_482 = arith.constant 0 : i32
      %dma_start3A_483 = tpu.memref_slice %arg17[%dma_start3A_481, %dma_start3A_482] : memref<10112x128xf32, #tpu.memory_space<vmem_shared>> -> memref<10112x128xf32, #tpu.memory_space<vmem_shared>>
      tpu.enqueue_indirect_dma source(%arg7 : memref<128x128xf32, #tpu.memory_space<vmem>>) target(%dma_start3A_483 : memref<10112x128xf32, #tpu.memory_space<vmem_shared>>) offsets(%arg14 : memref<128xi32, #tpu.memory_space<vmem>>) semaphore(%arg21 : memref<!tpu.dma_semaphore, #tpu.memory_space<semaphore_mem>>) {add = true}
      %add3A_484 = arith.constant 2 : i32
      %add3A_485 = arith.addi %add3A_467, %add3A_484 : i32
      %mul3A_486 = arith.constant 128 : i32
      %mul3A_487 = arith.muli %add3A_485, %mul3A_486 : i32
      %add3A_488 = arith.addi %mul3A_2, %mul3A_487 : i32
      %dma_start3A_489 = tpu.memref_slice %arg3[%add3A_488] : memref<327680xi32, #tpu.memory_space<hbm>> -> memref<128xi32, #tpu.memory_space<hbm>>
      %dma_start3A_490 = tpu.memref_slice %arg3[%add3A_488] : memref<327680xi32, #tpu.memory_space<hbm>> -> memref<128xi32, #tpu.memory_space<hbm>>
      tpu.enqueue_dma source(%dma_start3A_490 : memref<128xi32, #tpu.memory_space<hbm>>) target(%arg10 : memref<128xi32, #tpu.memory_space<vmem>>) target_semaphore(%arg24 : memref<!tpu.dma_semaphore, #tpu.memory_space<semaphore_mem>>)
      %dma_wait3A_491 = tpu.memref_slice %arg3[%mul3A_2] : memref<327680xi32, #tpu.memory_space<hbm>> -> memref<128xi32, #tpu.memory_space<hbm>>
      %dma_wait3A_492 = tpu.memref_slice %arg3[%mul3A_2] : memref<327680xi32, #tpu.memory_space<hbm>> -> memref<128xi32, #tpu.memory_space<hbm>>
      tpu.wait_dma2 semaphore(%arg26 : memref<!tpu.dma_semaphore, #tpu.memory_space<semaphore_mem>>) src(%dma_wait3A_492 : memref<128xi32, #tpu.memory_space<hbm>>) dst(%arg12 : memref<128xi32, #tpu.memory_space<vmem>>)
      %dma_start3A_493 = arith.constant 0 : i32
      %dma_start3A_494 = arith.constant 0 : i32
      %dma_start3A_495 = tpu.memref_slice %arg2[%dma_start3A_493, %dma_start3A_494] : memref<10240x128xf32, #tpu.memory_space<hbm>> -> memref<10240x128xf32, #tpu.memory_space<hbm>>
      tpu.enqueue_indirect_dma source(%dma_start3A_495 : memref<10240x128xf32, #tpu.memory_space<hbm>>) target(%arg9 : memref<128x128xf32, #tpu.memory_space<vmem>>) offsets(%arg12 : memref<128xi32, #tpu.memory_space<vmem>>) semaphore(%arg20 : memref<!tpu.dma_semaphore, #tpu.memory_space<semaphore_mem>>)
      %mul3A_496 = arith.constant 12 : i32
      %mul3A_497 = arith.muli %mul3A_496, %scan3A_189 : i32
      %add3A_498 = arith.constant 6 : i32
      %add3A_499 = arith.addi %add3A_498, %mul3A_497 : i32
      %add3A_500 = arith.constant 9 : i32
      %add3A_501 = arith.addi %add3A_499, %add3A_500 : i32
      %dma_wait3A_502 = arith.constant 0 : i32
      %dma_wait3A_503 = arith.constant 0 : i32
      %dma_wait3A_504 = tpu.memref_slice %arg17[%dma_wait3A_502, %dma_wait3A_503] : memref<10112x128xf32, #tpu.memory_space<vmem_shared>> -> memref<10112x128xf32, #tpu.memory_space<vmem_shared>>
      tpu.wait_indirect_dma semaphore(%arg21 : memref<!tpu.dma_semaphore, #tpu.memory_space<semaphore_mem>>) src(%arg7 : memref<128x128xf32, #tpu.memory_space<vmem>>) dst(%dma_wait3A_504 : memref<10112x128xf32, #tpu.memory_space<vmem_shared>>)
      %mul3A_505 = arith.constant 128 : i32
      %mul3A_506 = arith.muli %add3A_501, %mul3A_505 : i32
      %add3A_507 = arith.addi %mul3A_2, %mul3A_506 : i32
      %dma_start3A_508 = tpu.memref_slice %arg4[%add3A_507] : memref<327680xi32, #tpu.memory_space<hbm>> -> memref<128xi32, #tpu.memory_space<hbm>>
      %dma_start3A_509 = tpu.memref_slice %arg4[%add3A_507] : memref<327680xi32, #tpu.memory_space<hbm>> -> memref<128xi32, #tpu.memory_space<hbm>>
      tpu.enqueue_dma source(%dma_start3A_509 : memref<128xi32, #tpu.memory_space<hbm>>) target(%arg14 : memref<128xi32, #tpu.memory_space<vmem>>) target_semaphore(%arg28 : memref<!tpu.dma_semaphore, #tpu.memory_space<semaphore_mem>>)
      %dma_wait3A_510 = arith.constant 0 : i32
      %dma_wait3A_511 = arith.constant 0 : i32
      %dma_wait3A_512 = tpu.memref_slice %arg2[%dma_wait3A_510, %dma_wait3A_511] : memref<10240x128xf32, #tpu.memory_space<hbm>> -> memref<10240x128xf32, #tpu.memory_space<hbm>>
      tpu.wait_indirect_dma semaphore(%arg19 : memref<!tpu.dma_semaphore, #tpu.memory_space<semaphore_mem>>) src(%dma_wait3A_512 : memref<10240x128xf32, #tpu.memory_space<hbm>>) dst(%arg8 : memref<128x128xf32, #tpu.memory_space<vmem>>)
      %dma_wait3A_513 = tpu.memref_slice %arg4[%mul3A_2] : memref<327680xi32, #tpu.memory_space<hbm>> -> memref<128xi32, #tpu.memory_space<hbm>>
      %dma_wait3A_514 = tpu.memref_slice %arg4[%mul3A_2] : memref<327680xi32, #tpu.memory_space<hbm>> -> memref<128xi32, #tpu.memory_space<hbm>>
      tpu.wait_dma2 semaphore(%arg29 : memref<!tpu.dma_semaphore, #tpu.memory_space<semaphore_mem>>) src(%dma_wait3A_514 : memref<128xi32, #tpu.memory_space<hbm>>) dst(%arg15 : memref<128xi32, #tpu.memory_space<vmem>>)
      %dma_start3A_515 = arith.constant 0 : i32
      %dma_start3A_516 = arith.constant 0 : i32
      %dma_start3A_517 = tpu.memref_slice %arg17[%dma_start3A_515, %dma_start3A_516] : memref<10112x128xf32, #tpu.memory_space<vmem_shared>> -> memref<10112x128xf32, #tpu.memory_space<vmem_shared>>
      tpu.enqueue_indirect_dma source(%arg8 : memref<128x128xf32, #tpu.memory_space<vmem>>) target(%dma_start3A_517 : memref<10112x128xf32, #tpu.memory_space<vmem_shared>>) offsets(%arg15 : memref<128xi32, #tpu.memory_space<vmem>>) semaphore(%arg22 : memref<!tpu.dma_semaphore, #tpu.memory_space<semaphore_mem>>) {add = true}
      %add3A_518 = arith.constant 2 : i32
      %add3A_519 = arith.addi %add3A_501, %add3A_518 : i32
      %mul3A_520 = arith.constant 128 : i32
      %mul3A_521 = arith.muli %add3A_519, %mul3A_520 : i32
      %add3A_522 = arith.addi %mul3A_2, %mul3A_521 : i32
      %dma_start3A_523 = tpu.memref_slice %arg3[%add3A_522] : memref<327680xi32, #tpu.memory_space<hbm>> -> memref<128xi32, #tpu.memory_space<hbm>>
      %dma_start3A_524 = tpu.memref_slice %arg3[%add3A_522] : memref<327680xi32, #tpu.memory_space<hbm>> -> memref<128xi32, #tpu.memory_space<hbm>>
      tpu.enqueue_dma source(%dma_start3A_524 : memref<128xi32, #tpu.memory_space<hbm>>) target(%arg11 : memref<128xi32, #tpu.memory_space<vmem>>) target_semaphore(%arg25 : memref<!tpu.dma_semaphore, #tpu.memory_space<semaphore_mem>>)
      %dma_wait3A_525 = tpu.memref_slice %arg3[%mul3A_2] : memref<327680xi32, #tpu.memory_space<hbm>> -> memref<128xi32, #tpu.memory_space<hbm>>
      %dma_wait3A_526 = tpu.memref_slice %arg3[%mul3A_2] : memref<327680xi32, #tpu.memory_space<hbm>> -> memref<128xi32, #tpu.memory_space<hbm>>
      tpu.wait_dma2 semaphore(%arg27 : memref<!tpu.dma_semaphore, #tpu.memory_space<semaphore_mem>>) src(%dma_wait3A_526 : memref<128xi32, #tpu.memory_space<hbm>>) dst(%arg13 : memref<128xi32, #tpu.memory_space<vmem>>)
      %dma_start3A_527 = arith.constant 0 : i32
      %dma_start3A_528 = arith.constant 0 : i32
      %dma_start3A_529 = tpu.memref_slice %arg2[%dma_start3A_527, %dma_start3A_528] : memref<10240x128xf32, #tpu.memory_space<hbm>> -> memref<10240x128xf32, #tpu.memory_space<hbm>>
      tpu.enqueue_indirect_dma source(%dma_start3A_529 : memref<10240x128xf32, #tpu.memory_space<hbm>>) target(%arg7 : memref<128x128xf32, #tpu.memory_space<vmem>>) offsets(%arg13 : memref<128xi32, #tpu.memory_space<vmem>>) semaphore(%arg18 : memref<!tpu.dma_semaphore, #tpu.memory_space<semaphore_mem>>)
      %mul3A_530 = arith.constant 12 : i32
      %mul3A_531 = arith.muli %mul3A_530, %scan3A_189 : i32
      %add3A_532 = arith.constant 6 : i32
      %add3A_533 = arith.addi %add3A_532, %mul3A_531 : i32
      %add3A_534 = arith.constant 10 : i32
      %add3A_535 = arith.addi %add3A_533, %add3A_534 : i32
      %dma_wait3A_536 = arith.constant 0 : i32
      %dma_wait3A_537 = arith.constant 0 : i32
      %dma_wait3A_538 = tpu.memref_slice %arg17[%dma_wait3A_536, %dma_wait3A_537] : memref<10112x128xf32, #tpu.memory_space<vmem_shared>> -> memref<10112x128xf32, #tpu.memory_space<vmem_shared>>
      tpu.wait_indirect_dma semaphore(%arg22 : memref<!tpu.dma_semaphore, #tpu.memory_space<semaphore_mem>>) src(%arg8 : memref<128x128xf32, #tpu.memory_space<vmem>>) dst(%dma_wait3A_538 : memref<10112x128xf32, #tpu.memory_space<vmem_shared>>)
      %mul3A_539 = arith.constant 128 : i32
      %mul3A_540 = arith.muli %add3A_535, %mul3A_539 : i32
      %add3A_541 = arith.addi %mul3A_2, %mul3A_540 : i32
      %dma_start3A_542 = tpu.memref_slice %arg4[%add3A_541] : memref<327680xi32, #tpu.memory_space<hbm>> -> memref<128xi32, #tpu.memory_space<hbm>>
      %dma_start3A_543 = tpu.memref_slice %arg4[%add3A_541] : memref<327680xi32, #tpu.memory_space<hbm>> -> memref<128xi32, #tpu.memory_space<hbm>>
      tpu.enqueue_dma source(%dma_start3A_543 : memref<128xi32, #tpu.memory_space<hbm>>) target(%arg15 : memref<128xi32, #tpu.memory_space<vmem>>) target_semaphore(%arg29 : memref<!tpu.dma_semaphore, #tpu.memory_space<semaphore_mem>>)
      %dma_wait3A_544 = arith.constant 0 : i32
      %dma_wait3A_545 = arith.constant 0 : i32
      %dma_wait3A_546 = tpu.memref_slice %arg2[%dma_wait3A_544, %dma_wait3A_545] : memref<10240x128xf32, #tpu.memory_space<hbm>> -> memref<10240x128xf32, #tpu.memory_space<hbm>>
      tpu.wait_indirect_dma semaphore(%arg20 : memref<!tpu.dma_semaphore, #tpu.memory_space<semaphore_mem>>) src(%dma_wait3A_546 : memref<10240x128xf32, #tpu.memory_space<hbm>>) dst(%arg9 : memref<128x128xf32, #tpu.memory_space<vmem>>)
      %dma_wait3A_547 = tpu.memref_slice %arg4[%mul3A_2] : memref<327680xi32, #tpu.memory_space<hbm>> -> memref<128xi32, #tpu.memory_space<hbm>>
      %dma_wait3A_548 = tpu.memref_slice %arg4[%mul3A_2] : memref<327680xi32, #tpu.memory_space<hbm>> -> memref<128xi32, #tpu.memory_space<hbm>>
      tpu.wait_dma2 semaphore(%arg30 : memref<!tpu.dma_semaphore, #tpu.memory_space<semaphore_mem>>) src(%dma_wait3A_548 : memref<128xi32, #tpu.memory_space<hbm>>) dst(%arg16 : memref<128xi32, #tpu.memory_space<vmem>>)
      %dma_start3A_549 = arith.constant 0 : i32
      %dma_start3A_550 = arith.constant 0 : i32
      %dma_start3A_551 = tpu.memref_slice %arg17[%dma_start3A_549, %dma_start3A_550] : memref<10112x128xf32, #tpu.memory_space<vmem_shared>> -> memref<10112x128xf32, #tpu.memory_space<vmem_shared>>
      tpu.enqueue_indirect_dma source(%arg9 : memref<128x128xf32, #tpu.memory_space<vmem>>) target(%dma_start3A_551 : memref<10112x128xf32, #tpu.memory_space<vmem_shared>>) offsets(%arg16 : memref<128xi32, #tpu.memory_space<vmem>>) semaphore(%arg23 : memref<!tpu.dma_semaphore, #tpu.memory_space<semaphore_mem>>) {add = true}
      %add3A_552 = arith.constant 2 : i32
      %add3A_553 = arith.addi %add3A_535, %add3A_552 : i32
      %mul3A_554 = arith.constant 128 : i32
      %mul3A_555 = arith.muli %add3A_553, %mul3A_554 : i32
      %add3A_556 = arith.addi %mul3A_2, %mul3A_555 : i32
      %dma_start3A_557 = tpu.memref_slice %arg3[%add3A_556] : memref<327680xi32, #tpu.memory_space<hbm>> -> memref<128xi32, #tpu.memory_space<hbm>>
      %dma_start3A_558 = tpu.memref_slice %arg3[%add3A_556] : memref<327680xi32, #tpu.memory_space<hbm>> -> memref<128xi32, #tpu.memory_space<hbm>>
      tpu.enqueue_dma source(%dma_start3A_558 : memref<128xi32, #tpu.memory_space<hbm>>) target(%arg12 : memref<128xi32, #tpu.memory_space<vmem>>) target_semaphore(%arg26 : memref<!tpu.dma_semaphore, #tpu.memory_space<semaphore_mem>>)
      %dma_wait3A_559 = tpu.memref_slice %arg3[%mul3A_2] : memref<327680xi32, #tpu.memory_space<hbm>> -> memref<128xi32, #tpu.memory_space<hbm>>
      %dma_wait3A_560 = tpu.memref_slice %arg3[%mul3A_2] : memref<327680xi32, #tpu.memory_space<hbm>> -> memref<128xi32, #tpu.memory_space<hbm>>
      tpu.wait_dma2 semaphore(%arg24 : memref<!tpu.dma_semaphore, #tpu.memory_space<semaphore_mem>>) src(%dma_wait3A_560 : memref<128xi32, #tpu.memory_space<hbm>>) dst(%arg10 : memref<128xi32, #tpu.memory_space<vmem>>)
      %dma_start3A_561 = arith.constant 0 : i32
      %dma_start3A_562 = arith.constant 0 : i32
      %dma_start3A_563 = tpu.memref_slice %arg2[%dma_start3A_561, %dma_start3A_562] : memref<10240x128xf32, #tpu.memory_space<hbm>> -> memref<10240x128xf32, #tpu.memory_space<hbm>>
      tpu.enqueue_indirect_dma source(%dma_start3A_563 : memref<10240x128xf32, #tpu.memory_space<hbm>>) target(%arg8 : memref<128x128xf32, #tpu.memory_space<vmem>>) offsets(%arg10 : memref<128xi32, #tpu.memory_space<vmem>>) semaphore(%arg19 : memref<!tpu.dma_semaphore, #tpu.memory_space<semaphore_mem>>)
      %mul3A_564 = arith.constant 12 : i32
      %mul3A_565 = arith.muli %mul3A_564, %scan3A_189 : i32
      %add3A_566 = arith.constant 6 : i32
      %add3A_567 = arith.addi %add3A_566, %mul3A_565 : i32
      %add3A_568 = arith.constant 11 : i32
      %add3A_569 = arith.addi %add3A_567, %add3A_568 : i32
      %dma_wait3A_570 = arith.constant 0 : i32
      %dma_wait3A_571 = arith.constant 0 : i32
      %dma_wait3A_572 = tpu.memref_slice %arg17[%dma_wait3A_570, %dma_wait3A_571] : memref<10112x128xf32, #tpu.memory_space<vmem_shared>> -> memref<10112x128xf32, #tpu.memory_space<vmem_shared>>
      tpu.wait_indirect_dma semaphore(%arg23 : memref<!tpu.dma_semaphore, #tpu.memory_space<semaphore_mem>>) src(%arg9 : memref<128x128xf32, #tpu.memory_space<vmem>>) dst(%dma_wait3A_572 : memref<10112x128xf32, #tpu.memory_space<vmem_shared>>)
      %mul3A_573 = arith.constant 128 : i32
      %mul3A_574 = arith.muli %add3A_569, %mul3A_573 : i32
      %add3A_575 = arith.addi %mul3A_2, %mul3A_574 : i32
      %dma_start3A_576 = tpu.memref_slice %arg4[%add3A_575] : memref<327680xi32, #tpu.memory_space<hbm>> -> memref<128xi32, #tpu.memory_space<hbm>>
      %dma_start3A_577 = tpu.memref_slice %arg4[%add3A_575] : memref<327680xi32, #tpu.memory_space<hbm>> -> memref<128xi32, #tpu.memory_space<hbm>>
      tpu.enqueue_dma source(%dma_start3A_577 : memref<128xi32, #tpu.memory_space<hbm>>) target(%arg16 : memref<128xi32, #tpu.memory_space<vmem>>) target_semaphore(%arg30 : memref<!tpu.dma_semaphore, #tpu.memory_space<semaphore_mem>>)
      %dma_wait3A_578 = arith.constant 0 : i32
      %dma_wait3A_579 = arith.constant 0 : i32
      %dma_wait3A_580 = tpu.memref_slice %arg2[%dma_wait3A_578, %dma_wait3A_579] : memref<10240x128xf32, #tpu.memory_space<hbm>> -> memref<10240x128xf32, #tpu.memory_space<hbm>>
      tpu.wait_indirect_dma semaphore(%arg18 : memref<!tpu.dma_semaphore, #tpu.memory_space<semaphore_mem>>) src(%dma_wait3A_580 : memref<10240x128xf32, #tpu.memory_space<hbm>>) dst(%arg7 : memref<128x128xf32, #tpu.memory_space<vmem>>)
      %dma_wait3A_581 = tpu.memref_slice %arg4[%mul3A_2] : memref<327680xi32, #tpu.memory_space<hbm>> -> memref<128xi32, #tpu.memory_space<hbm>>
      %dma_wait3A_582 = tpu.memref_slice %arg4[%mul3A_2] : memref<327680xi32, #tpu.memory_space<hbm>> -> memref<128xi32, #tpu.memory_space<hbm>>
      tpu.wait_dma2 semaphore(%arg28 : memref<!tpu.dma_semaphore, #tpu.memory_space<semaphore_mem>>) src(%dma_wait3A_582 : memref<128xi32, #tpu.memory_space<hbm>>) dst(%arg14 : memref<128xi32, #tpu.memory_space<vmem>>)
      %dma_start3A_583 = arith.constant 0 : i32
      %dma_start3A_584 = arith.constant 0 : i32
      %dma_start3A_585 = tpu.memref_slice %arg17[%dma_start3A_583, %dma_start3A_584] : memref<10112x128xf32, #tpu.memory_space<vmem_shared>> -> memref<10112x128xf32, #tpu.memory_space<vmem_shared>>
      tpu.enqueue_indirect_dma source(%arg7 : memref<128x128xf32, #tpu.memory_space<vmem>>) target(%dma_start3A_585 : memref<10112x128xf32, #tpu.memory_space<vmem_shared>>) offsets(%arg14 : memref<128xi32, #tpu.memory_space<vmem>>) semaphore(%arg21 : memref<!tpu.dma_semaphore, #tpu.memory_space<semaphore_mem>>) {add = true}
      %add3A_586 = arith.constant 2 : i32
      %add3A_587 = arith.addi %add3A_569, %add3A_586 : i32
      %mul3A_588 = arith.constant 128 : i32
      %mul3A_589 = arith.muli %add3A_587, %mul3A_588 : i32
      %add3A_590 = arith.addi %mul3A_2, %mul3A_589 : i32
      %dma_start3A_591 = tpu.memref_slice %arg3[%add3A_590] : memref<327680xi32, #tpu.memory_space<hbm>> -> memref<128xi32, #tpu.memory_space<hbm>>
      %dma_start3A_592 = tpu.memref_slice %arg3[%add3A_590] : memref<327680xi32, #tpu.memory_space<hbm>> -> memref<128xi32, #tpu.memory_space<hbm>>
      tpu.enqueue_dma source(%dma_start3A_592 : memref<128xi32, #tpu.memory_space<hbm>>) target(%arg13 : memref<128xi32, #tpu.memory_space<vmem>>) target_semaphore(%arg27 : memref<!tpu.dma_semaphore, #tpu.memory_space<semaphore_mem>>)
      %dma_wait3A_593 = tpu.memref_slice %arg3[%mul3A_2] : memref<327680xi32, #tpu.memory_space<hbm>> -> memref<128xi32, #tpu.memory_space<hbm>>
      %dma_wait3A_594 = tpu.memref_slice %arg3[%mul3A_2] : memref<327680xi32, #tpu.memory_space<hbm>> -> memref<128xi32, #tpu.memory_space<hbm>>
      tpu.wait_dma2 semaphore(%arg25 : memref<!tpu.dma_semaphore, #tpu.memory_space<semaphore_mem>>) src(%dma_wait3A_594 : memref<128xi32, #tpu.memory_space<hbm>>) dst(%arg11 : memref<128xi32, #tpu.memory_space<vmem>>)
      %dma_start3A_595 = arith.constant 0 : i32
      %dma_start3A_596 = arith.constant 0 : i32
      %dma_start3A_597 = tpu.memref_slice %arg2[%dma_start3A_595, %dma_start3A_596] : memref<10240x128xf32, #tpu.memory_space<hbm>> -> memref<10240x128xf32, #tpu.memory_space<hbm>>
      tpu.enqueue_indirect_dma source(%dma_start3A_597 : memref<10240x128xf32, #tpu.memory_space<hbm>>) target(%arg9 : memref<128x128xf32, #tpu.memory_space<vmem>>) offsets(%arg11 : memref<128xi32, #tpu.memory_space<vmem>>) semaphore(%arg20 : memref<!tpu.dma_semaphore, #tpu.memory_space<semaphore_mem>>)
    }
    %scan3A_118 = arith.constant 6 : i32
    %dma_wait3A_119 = arith.constant 0 : i32
    %dma_wait3A_120 = arith.constant 0 : i32
    %dma_wait3A_121 = tpu.memref_slice %arg17[%dma_wait3A_119, %dma_wait3A_120] : memref<10112x128xf32, #tpu.memory_space<vmem_shared>> -> memref<10112x128xf32, #tpu.memory_space<vmem_shared>>
    tpu.wait_indirect_dma semaphore(%arg21 : memref<!tpu.dma_semaphore, #tpu.memory_space<semaphore_mem>>) src(%arg7 : memref<128x128xf32, #tpu.memory_space<vmem>>) dst(%dma_wait3A_121 : memref<10112x128xf32, #tpu.memory_space<vmem_shared>>)
    %add3A_122 = arith.constant 9984 : i32
    %add3A_123 = arith.addi %mul3A_2, %add3A_122 : i32
    %dma_start3A_124 = tpu.memref_slice %arg4[%add3A_123] : memref<327680xi32, #tpu.memory_space<hbm>> -> memref<128xi32, #tpu.memory_space<hbm>>
    %dma_start3A_125 = tpu.memref_slice %arg4[%add3A_123] : memref<327680xi32, #tpu.memory_space<hbm>> -> memref<128xi32, #tpu.memory_space<hbm>>
    tpu.enqueue_dma source(%dma_start3A_125 : memref<128xi32, #tpu.memory_space<hbm>>) target(%arg14 : memref<128xi32, #tpu.memory_space<vmem>>) target_semaphore(%arg28 : memref<!tpu.dma_semaphore, #tpu.memory_space<semaphore_mem>>)
    %dma_wait3A_126 = arith.constant 0 : i32
    %dma_wait3A_127 = arith.constant 0 : i32
    %dma_wait3A_128 = tpu.memref_slice %arg2[%dma_wait3A_126, %dma_wait3A_127] : memref<10240x128xf32, #tpu.memory_space<hbm>> -> memref<10240x128xf32, #tpu.memory_space<hbm>>
    tpu.wait_indirect_dma semaphore(%arg19 : memref<!tpu.dma_semaphore, #tpu.memory_space<semaphore_mem>>) src(%dma_wait3A_128 : memref<10240x128xf32, #tpu.memory_space<hbm>>) dst(%arg8 : memref<128x128xf32, #tpu.memory_space<vmem>>)
    %dma_wait3A_129 = tpu.memref_slice %arg4[%mul3A_2] : memref<327680xi32, #tpu.memory_space<hbm>> -> memref<128xi32, #tpu.memory_space<hbm>>
    %dma_wait3A_130 = tpu.memref_slice %arg4[%mul3A_2] : memref<327680xi32, #tpu.memory_space<hbm>> -> memref<128xi32, #tpu.memory_space<hbm>>
    tpu.wait_dma2 semaphore(%arg29 : memref<!tpu.dma_semaphore, #tpu.memory_space<semaphore_mem>>) src(%dma_wait3A_130 : memref<128xi32, #tpu.memory_space<hbm>>) dst(%arg15 : memref<128xi32, #tpu.memory_space<vmem>>)
    %dma_start3A_131 = arith.constant 0 : i32
    %dma_start3A_132 = arith.constant 0 : i32
    %dma_start3A_133 = tpu.memref_slice %arg17[%dma_start3A_131, %dma_start3A_132] : memref<10112x128xf32, #tpu.memory_space<vmem_shared>> -> memref<10112x128xf32, #tpu.memory_space<vmem_shared>>
    tpu.enqueue_indirect_dma source(%arg8 : memref<128x128xf32, #tpu.memory_space<vmem>>) target(%dma_start3A_133 : memref<10112x128xf32, #tpu.memory_space<vmem_shared>>) offsets(%arg15 : memref<128xi32, #tpu.memory_space<vmem>>) semaphore(%arg22 : memref<!tpu.dma_semaphore, #tpu.memory_space<semaphore_mem>>) {add = true}
    %dma_wait3A_134 = tpu.memref_slice %arg3[%mul3A_2] : memref<327680xi32, #tpu.memory_space<hbm>> -> memref<128xi32, #tpu.memory_space<hbm>>
    %dma_wait3A_135 = tpu.memref_slice %arg3[%mul3A_2] : memref<327680xi32, #tpu.memory_space<hbm>> -> memref<128xi32, #tpu.memory_space<hbm>>
    tpu.wait_dma2 semaphore(%arg26 : memref<!tpu.dma_semaphore, #tpu.memory_space<semaphore_mem>>) src(%dma_wait3A_135 : memref<128xi32, #tpu.memory_space<hbm>>) dst(%arg12 : memref<128xi32, #tpu.memory_space<vmem>>)
    %dma_start3A_136 = arith.constant 0 : i32
    %dma_start3A_137 = arith.constant 0 : i32
    %dma_start3A_138 = tpu.memref_slice %arg2[%dma_start3A_136, %dma_start3A_137] : memref<10240x128xf32, #tpu.memory_space<hbm>> -> memref<10240x128xf32, #tpu.memory_space<hbm>>
    tpu.enqueue_indirect_dma source(%dma_start3A_138 : memref<10240x128xf32, #tpu.memory_space<hbm>>) target(%arg7 : memref<128x128xf32, #tpu.memory_space<vmem>>) offsets(%arg12 : memref<128xi32, #tpu.memory_space<vmem>>) semaphore(%arg18 : memref<!tpu.dma_semaphore, #tpu.memory_space<semaphore_mem>>)
    %dma_wait3A_139 = arith.constant 0 : i32
    %dma_wait3A_140 = arith.constant 0 : i32
    %dma_wait3A_141 = tpu.memref_slice %arg17[%dma_wait3A_139, %dma_wait3A_140] : memref<10112x128xf32, #tpu.memory_space<vmem_shared>> -> memref<10112x128xf32, #tpu.memory_space<vmem_shared>>
    tpu.wait_indirect_dma semaphore(%arg22 : memref<!tpu.dma_semaphore, #tpu.memory_space<semaphore_mem>>) src(%arg8 : memref<128x128xf32, #tpu.memory_space<vmem>>) dst(%dma_wait3A_141 : memref<10112x128xf32, #tpu.memory_space<vmem_shared>>)
    %add3A_142 = arith.constant 10112 : i32
    %add3A_143 = arith.addi %mul3A_2, %add3A_142 : i32
    %dma_start3A_144 = tpu.memref_slice %arg4[%add3A_143] : memref<327680xi32, #tpu.memory_space<hbm>> -> memref<128xi32, #tpu.memory_space<hbm>>
    %dma_start3A_145 = tpu.memref_slice %arg4[%add3A_143] : memref<327680xi32, #tpu.memory_space<hbm>> -> memref<128xi32, #tpu.memory_space<hbm>>
    tpu.enqueue_dma source(%dma_start3A_145 : memref<128xi32, #tpu.memory_space<hbm>>) target(%arg15 : memref<128xi32, #tpu.memory_space<vmem>>) target_semaphore(%arg29 : memref<!tpu.dma_semaphore, #tpu.memory_space<semaphore_mem>>)
    %dma_wait3A_146 = arith.constant 0 : i32
    %dma_wait3A_147 = arith.constant 0 : i32
    %dma_wait3A_148 = tpu.memref_slice %arg2[%dma_wait3A_146, %dma_wait3A_147] : memref<10240x128xf32, #tpu.memory_space<hbm>> -> memref<10240x128xf32, #tpu.memory_space<hbm>>
    tpu.wait_indirect_dma semaphore(%arg20 : memref<!tpu.dma_semaphore, #tpu.memory_space<semaphore_mem>>) src(%dma_wait3A_148 : memref<10240x128xf32, #tpu.memory_space<hbm>>) dst(%arg9 : memref<128x128xf32, #tpu.memory_space<vmem>>)
    %dma_wait3A_149 = tpu.memref_slice %arg4[%mul3A_2] : memref<327680xi32, #tpu.memory_space<hbm>> -> memref<128xi32, #tpu.memory_space<hbm>>
    %dma_wait3A_150 = tpu.memref_slice %arg4[%mul3A_2] : memref<327680xi32, #tpu.memory_space<hbm>> -> memref<128xi32, #tpu.memory_space<hbm>>
    tpu.wait_dma2 semaphore(%arg30 : memref<!tpu.dma_semaphore, #tpu.memory_space<semaphore_mem>>) src(%dma_wait3A_150 : memref<128xi32, #tpu.memory_space<hbm>>) dst(%arg16 : memref<128xi32, #tpu.memory_space<vmem>>)
    %dma_start3A_151 = arith.constant 0 : i32
    %dma_start3A_152 = arith.constant 0 : i32
    %dma_start3A_153 = tpu.memref_slice %arg17[%dma_start3A_151, %dma_start3A_152] : memref<10112x128xf32, #tpu.memory_space<vmem_shared>> -> memref<10112x128xf32, #tpu.memory_space<vmem_shared>>
    tpu.enqueue_indirect_dma source(%arg9 : memref<128x128xf32, #tpu.memory_space<vmem>>) target(%dma_start3A_153 : memref<10112x128xf32, #tpu.memory_space<vmem_shared>>) offsets(%arg16 : memref<128xi32, #tpu.memory_space<vmem>>) semaphore(%arg23 : memref<!tpu.dma_semaphore, #tpu.memory_space<semaphore_mem>>) {add = true}
    %dma_wait3A_154 = tpu.memref_slice %arg3[%mul3A_2] : memref<327680xi32, #tpu.memory_space<hbm>> -> memref<128xi32, #tpu.memory_space<hbm>>
    %dma_wait3A_155 = tpu.memref_slice %arg3[%mul3A_2] : memref<327680xi32, #tpu.memory_space<hbm>> -> memref<128xi32, #tpu.memory_space<hbm>>
    tpu.wait_dma2 semaphore(%arg27 : memref<!tpu.dma_semaphore, #tpu.memory_space<semaphore_mem>>) src(%dma_wait3A_155 : memref<128xi32, #tpu.memory_space<hbm>>) dst(%arg13 : memref<128xi32, #tpu.memory_space<vmem>>)
    %dma_start3A_156 = arith.constant 0 : i32
    %dma_start3A_157 = arith.constant 0 : i32
    %dma_start3A_158 = tpu.memref_slice %arg2[%dma_start3A_156, %dma_start3A_157] : memref<10240x128xf32, #tpu.memory_space<hbm>> -> memref<10240x128xf32, #tpu.memory_space<hbm>>
    tpu.enqueue_indirect_dma source(%dma_start3A_158 : memref<10240x128xf32, #tpu.memory_space<hbm>>) target(%arg8 : memref<128x128xf32, #tpu.memory_space<vmem>>) offsets(%arg13 : memref<128xi32, #tpu.memory_space<vmem>>) semaphore(%arg19 : memref<!tpu.dma_semaphore, #tpu.memory_space<semaphore_mem>>)
    %dma_wait3A_159 = arith.constant 0 : i32
    %dma_wait3A_160 = arith.constant 0 : i32
    %dma_wait3A_161 = tpu.memref_slice %arg17[%dma_wait3A_159, %dma_wait3A_160] : memref<10112x128xf32, #tpu.memory_space<vmem_shared>> -> memref<10112x128xf32, #tpu.memory_space<vmem_shared>>
    tpu.wait_indirect_dma semaphore(%arg23 : memref<!tpu.dma_semaphore, #tpu.memory_space<semaphore_mem>>) src(%arg9 : memref<128x128xf32, #tpu.memory_space<vmem>>) dst(%dma_wait3A_161 : memref<10112x128xf32, #tpu.memory_space<vmem_shared>>)
    %dma_wait3A_162 = arith.constant 0 : i32
    %dma_wait3A_163 = arith.constant 0 : i32
    %dma_wait3A_164 = tpu.memref_slice %arg2[%dma_wait3A_162, %dma_wait3A_163] : memref<10240x128xf32, #tpu.memory_space<hbm>> -> memref<10240x128xf32, #tpu.memory_space<hbm>>
    tpu.wait_indirect_dma semaphore(%arg18 : memref<!tpu.dma_semaphore, #tpu.memory_space<semaphore_mem>>) src(%dma_wait3A_164 : memref<10240x128xf32, #tpu.memory_space<hbm>>) dst(%arg7 : memref<128x128xf32, #tpu.memory_space<vmem>>)
    %dma_wait3A_165 = tpu.memref_slice %arg4[%mul3A_2] : memref<327680xi32, #tpu.memory_space<hbm>> -> memref<128xi32, #tpu.memory_space<hbm>>
    %dma_wait3A_166 = tpu.memref_slice %arg4[%mul3A_2] : memref<327680xi32, #tpu.memory_space<hbm>> -> memref<128xi32, #tpu.memory_space<hbm>>
    tpu.wait_dma2 semaphore(%arg28 : memref<!tpu.dma_semaphore, #tpu.memory_space<semaphore_mem>>) src(%dma_wait3A_166 : memref<128xi32, #tpu.memory_space<hbm>>) dst(%arg14 : memref<128xi32, #tpu.memory_space<vmem>>)
    %dma_start3A_167 = arith.constant 0 : i32
    %dma_start3A_168 = arith.constant 0 : i32
    %dma_start3A_169 = tpu.memref_slice %arg17[%dma_start3A_167, %dma_start3A_168] : memref<10112x128xf32, #tpu.memory_space<vmem_shared>> -> memref<10112x128xf32, #tpu.memory_space<vmem_shared>>
    tpu.enqueue_indirect_dma source(%arg7 : memref<128x128xf32, #tpu.memory_space<vmem>>) target(%dma_start3A_169 : memref<10112x128xf32, #tpu.memory_space<vmem_shared>>) offsets(%arg14 : memref<128xi32, #tpu.memory_space<vmem>>) semaphore(%arg21 : memref<!tpu.dma_semaphore, #tpu.memory_space<semaphore_mem>>) {add = true}
    %dma_wait3A_170 = arith.constant 0 : i32
    %dma_wait3A_171 = arith.constant 0 : i32
    %dma_wait3A_172 = tpu.memref_slice %arg17[%dma_wait3A_170, %dma_wait3A_171] : memref<10112x128xf32, #tpu.memory_space<vmem_shared>> -> memref<10112x128xf32, #tpu.memory_space<vmem_shared>>
    tpu.wait_indirect_dma semaphore(%arg21 : memref<!tpu.dma_semaphore, #tpu.memory_space<semaphore_mem>>) src(%arg7 : memref<128x128xf32, #tpu.memory_space<vmem>>) dst(%dma_wait3A_172 : memref<10112x128xf32, #tpu.memory_space<vmem_shared>>)
    %dma_wait3A_173 = arith.constant 0 : i32
    %dma_wait3A_174 = arith.constant 0 : i32
    %dma_wait3A_175 = tpu.memref_slice %arg2[%dma_wait3A_173, %dma_wait3A_174] : memref<10240x128xf32, #tpu.memory_space<hbm>> -> memref<10240x128xf32, #tpu.memory_space<hbm>>
    tpu.wait_indirect_dma semaphore(%arg19 : memref<!tpu.dma_semaphore, #tpu.memory_space<semaphore_mem>>) src(%dma_wait3A_175 : memref<10240x128xf32, #tpu.memory_space<hbm>>) dst(%arg8 : memref<128x128xf32, #tpu.memory_space<vmem>>)
    %dma_wait3A_176 = tpu.memref_slice %arg4[%mul3A_2] : memref<327680xi32, #tpu.memory_space<hbm>> -> memref<128xi32, #tpu.memory_space<hbm>>
    %dma_wait3A_177 = tpu.memref_slice %arg4[%mul3A_2] : memref<327680xi32, #tpu.memory_space<hbm>> -> memref<128xi32, #tpu.memory_space<hbm>>
    tpu.wait_dma2 semaphore(%arg29 : memref<!tpu.dma_semaphore, #tpu.memory_space<semaphore_mem>>) src(%dma_wait3A_177 : memref<128xi32, #tpu.memory_space<hbm>>) dst(%arg15 : memref<128xi32, #tpu.memory_space<vmem>>)
    %dma_start3A_178 = arith.constant 0 : i32
    %dma_start3A_179 = arith.constant 0 : i32
    %dma_start3A_180 = tpu.memref_slice %arg17[%dma_start3A_178, %dma_start3A_179] : memref<10112x128xf32, #tpu.memory_space<vmem_shared>> -> memref<10112x128xf32, #tpu.memory_space<vmem_shared>>
    tpu.enqueue_indirect_dma source(%arg8 : memref<128x128xf32, #tpu.memory_space<vmem>>) target(%dma_start3A_180 : memref<10112x128xf32, #tpu.memory_space<vmem_shared>>) offsets(%arg15 : memref<128xi32, #tpu.memory_space<vmem>>) semaphore(%arg22 : memref<!tpu.dma_semaphore, #tpu.memory_space<semaphore_mem>>) {add = true}
    %dma_wait3A_181 = arith.constant 0 : i32
    %dma_wait3A_182 = arith.constant 0 : i32
    %dma_wait3A_183 = tpu.memref_slice %arg17[%dma_wait3A_181, %dma_wait3A_182] : memref<10112x128xf32, #tpu.memory_space<vmem_shared>> -> memref<10112x128xf32, #tpu.memory_space<vmem_shared>>
    tpu.wait_indirect_dma semaphore(%arg22 : memref<!tpu.dma_semaphore, #tpu.memory_space<semaphore_mem>>) src(%arg8 : memref<128x128xf32, #tpu.memory_space<vmem>>) dst(%dma_wait3A_183 : memref<10112x128xf32, #tpu.memory_space<vmem_shared>>)
    %barrier3A_184 = arith.constant 0 : index
    tpu.barrier barrier_id(%barrier3A_184)
    %mul3A_185 = arith.constant 632 : i32
    %mul3A_186 = arith.muli %arg1, %mul3A_185 : i32
    %mul3A_187 = arith.constant 632 : i32
    %mul3A_188 = arith.muli %arg1, %mul3A_187 : i32
    "tpu.region"() ({
      %run_scoped3A = tpu.sem_alloc : memref<!tpu.dma_semaphore, #tpu.memory_space<semaphore_mem>>
      %dma_start3A_189 = arith.constant 0 : i32
      %dma_start3A_190 = tpu.memref_slice %arg6[%arg0, %mul3A_188, %dma_start3A_189] : memref<2x10112x128xf32, #tpu.memory_space<hbm>> -> memref<1x632x128xf32, #tpu.memory_space<hbm>>
      %dma_start3A_191 = tpu.memref_squeeze %dma_start3A_190 : memref<1x632x128xf32, #tpu.memory_space<hbm>> -> memref<632x128xf32, #tpu.memory_space<hbm>>
      %dma_start3A_192 = arith.constant 0 : i32
      %dma_start3A_193 = tpu.memref_slice %arg17[%mul3A_186, %dma_start3A_192] : memref<10112x128xf32, #tpu.memory_space<vmem_shared>> -> memref<632x128xf32, #tpu.memory_space<vmem_shared>>
      tpu.enqueue_dma source(%dma_start3A_193 : memref<632x128xf32, #tpu.memory_space<vmem_shared>>) target(%dma_start3A_191 : memref<632x128xf32, #tpu.memory_space<hbm>>) target_semaphore(%run_scoped3A : memref<!tpu.dma_semaphore, #tpu.memory_space<semaphore_mem>>)
      %dma_wait3A_194 = arith.constant 0 : i32
      %dma_wait3A_195 = tpu.memref_slice %arg6[%arg0, %mul3A_188, %dma_wait3A_194] : memref<2x10112x128xf32, #tpu.memory_space<hbm>> -> memref<1x632x128xf32, #tpu.memory_space<hbm>>
      %dma_wait3A_196 = tpu.memref_squeeze %dma_wait3A_195 : memref<1x632x128xf32, #tpu.memory_space<hbm>> -> memref<632x128xf32, #tpu.memory_space<hbm>>
      %dma_wait3A_197 = arith.constant 0 : i32
      %dma_wait3A_198 = tpu.memref_slice %arg17[%mul3A_186, %dma_wait3A_197] : memref<10112x128xf32, #tpu.memory_space<vmem_shared>> -> memref<632x128xf32, #tpu.memory_space<vmem_shared>>
      tpu.wait_dma2 semaphore(%run_scoped3A : memref<!tpu.dma_semaphore, #tpu.memory_space<semaphore_mem>>) src(%dma_wait3A_198 : memref<632x128xf32, #tpu.memory_space<vmem_shared>>) dst(%dma_wait3A_196 : memref<632x128xf32, #tpu.memory_space<hbm>>)
      tpu.yield
    }) : () -> ()
    return
  }
}

#map = affine_map<(d0, d1) -> (0)>
module attributes {stable_mosaic.version = 14 : i64} {
  func.func @_deg_body(%arg0: i32, %arg1: i32, %arg2: memref<327680xi32, #tpu.memory_space<hbm>>, %arg3: memref<10240xf32, #tpu.memory_space<hbm>>, %arg4: memref<20480xf32, #tpu.memory_space<hbm>>, %arg5: memref<128xi32, #tpu.memory_space<vmem>>, %arg6: memref<128xi32, #tpu.memory_space<vmem>>, %arg7: memref<128xi32, #tpu.memory_space<vmem>>, %arg8: memref<128xi32, #tpu.memory_space<vmem>>, %arg9: memref<128xf32, #tpu.memory_space<vmem>>, %arg10: memref<10240xf32, #tpu.memory_space<vmem_shared>>, %arg11: memref<!tpu.dma_semaphore, #tpu.memory_space<semaphore_mem>>, %arg12: memref<!tpu.dma_semaphore, #tpu.memory_space<semaphore_mem>>, %arg13: memref<!tpu.dma_semaphore, #tpu.memory_space<semaphore_mem>>, %arg14: memref<!tpu.dma_semaphore, #tpu.memory_space<semaphore_mem>>, %arg15: memref<!tpu.dma_semaphore, #tpu.memory_space<semaphore_mem>>, %arg16: memref<!tpu.dma_semaphore, #tpu.memory_space<semaphore_mem>>, %arg17: memref<!tpu.dma_semaphore, #tpu.memory_space<semaphore_mem>>, %arg18: memref<!tpu.dma_semaphore, #tpu.memory_space<semaphore_mem>>) attributes {dimension_semantics = [#tpu.dimension_semantics<core_parallel>, #tpu.dimension_semantics<subcore_parallel>], iteration_bounds = array<i64: 2, 16>, scalar_prefetch = 0 : i64, scratch_operands = 14 : i64, tpu.core_type = #tpu.core_type<sc_vector_subcore>, window_params = [{transform_indices = #map}, {transform_indices = #map}, {transform_indices = #map}]} {
    %mul3A = arith.constant 2 : i32
    %mul3A_0 = arith.muli %arg1, %mul3A : i32
    %add3A = arith.addi %mul3A_0, %arg0 : i32
    %mul3A_1 = arith.constant 10240 : i32
    %mul3A_2 = arith.muli %add3A, %mul3A_1 : i32
    %mul3A_3 = arith.constant 640 : i32
    %mul3A_4 = arith.muli %arg1, %mul3A_3 : i32
    %mul3A_5 = arith.constant 640 : i32
    %mul3A_6 = arith.muli %arg1, %mul3A_5 : i32
    "tpu.region"() ({
      %run_scoped3A = tpu.sem_alloc : memref<!tpu.dma_semaphore, #tpu.memory_space<semaphore_mem>>
      %dma_start3A_138 = tpu.memref_slice %arg10[%mul3A_6] : memref<10240xf32, #tpu.memory_space<vmem_shared>> -> memref<640xf32, #tpu.memory_space<vmem_shared>>
      %dma_start3A_139 = tpu.memref_slice %arg3[%mul3A_4] : memref<10240xf32, #tpu.memory_space<hbm>> -> memref<640xf32, #tpu.memory_space<hbm>>
      tpu.enqueue_dma source(%dma_start3A_139 : memref<640xf32, #tpu.memory_space<hbm>>) target(%dma_start3A_138 : memref<640xf32, #tpu.memory_space<vmem_shared>>) target_semaphore(%run_scoped3A : memref<!tpu.dma_semaphore, #tpu.memory_space<semaphore_mem>>)
      %dma_wait3A_140 = tpu.memref_slice %arg10[%mul3A_6] : memref<10240xf32, #tpu.memory_space<vmem_shared>> -> memref<640xf32, #tpu.memory_space<vmem_shared>>
      %dma_wait3A_141 = tpu.memref_slice %arg3[%mul3A_4] : memref<10240xf32, #tpu.memory_space<hbm>> -> memref<640xf32, #tpu.memory_space<hbm>>
      tpu.wait_dma2 semaphore(%run_scoped3A : memref<!tpu.dma_semaphore, #tpu.memory_space<semaphore_mem>>) src(%dma_wait3A_141 : memref<640xf32, #tpu.memory_space<hbm>>) dst(%dma_wait3A_140 : memref<640xf32, #tpu.memory_space<vmem_shared>>)
      tpu.yield
    }) : () -> ()
    %broadcast_in_dim3A = arith.constant 1.000000e+00 : f32
    %broadcast_in_dim3A_7 = vector.broadcast %broadcast_in_dim3A : f32 to vector<16xf32>
    %swap3A = arith.constant 0 : index
    %swap3A_8 = tpu.vector_load %arg9[%swap3A] {strides = array<i32>} : memref<128xf32, #tpu.memory_space<vmem>>, vector<16xf32>,
    %swap3A_9 = vector.shape_cast %swap3A_8 : vector<16xf32> to vector<16xf32>
    %swap3A_10 = vector.shape_cast %broadcast_in_dim3A_7 : vector<16xf32> to vector<16xf32>
    tpu.vector_store %arg9[%swap3A], %swap3A_10 {strides = array<i32>} : memref<128xf32, #tpu.memory_space<vmem>>, vector<16xf32>,
    %broadcast_in_dim3A_11 = arith.constant 1.000000e+00 : f32
    %broadcast_in_dim3A_12 = vector.broadcast %broadcast_in_dim3A_11 : f32 to vector<16xf32>
    %swap3A_13 = arith.constant 16 : index
    %swap3A_14 = tpu.vector_load %arg9[%swap3A_13] {strides = array<i32>} : memref<128xf32, #tpu.memory_space<vmem>>, vector<16xf32>,
    %swap3A_15 = vector.shape_cast %swap3A_14 : vector<16xf32> to vector<16xf32>
    %swap3A_16 = vector.shape_cast %broadcast_in_dim3A_12 : vector<16xf32> to vector<16xf32>
    tpu.vector_store %arg9[%swap3A_13], %swap3A_16 {strides = array<i32>} : memref<128xf32, #tpu.memory_space<vmem>>, vector<16xf32>,
    %broadcast_in_dim3A_17 = arith.constant 1.000000e+00 : f32
    %broadcast_in_dim3A_18 = vector.broadcast %broadcast_in_dim3A_17 : f32 to vector<16xf32>
    %swap3A_19 = arith.constant 32 : index
    %swap3A_20 = tpu.vector_load %arg9[%swap3A_19] {strides = array<i32>} : memref<128xf32, #tpu.memory_space<vmem>>, vector<16xf32>,
    %swap3A_21 = vector.shape_cast %swap3A_20 : vector<16xf32> to vector<16xf32>
    %swap3A_22 = vector.shape_cast %broadcast_in_dim3A_18 : vector<16xf32> to vector<16xf32>
    tpu.vector_store %arg9[%swap3A_19], %swap3A_22 {strides = array<i32>} : memref<128xf32, #tpu.memory_space<vmem>>, vector<16xf32>,
    %broadcast_in_dim3A_23 = arith.constant 1.000000e+00 : f32
    %broadcast_in_dim3A_24 = vector.broadcast %broadcast_in_dim3A_23 : f32 to vector<16xf32>
    %swap3A_25 = arith.constant 48 : index
    %swap3A_26 = tpu.vector_load %arg9[%swap3A_25] {strides = array<i32>} : memref<128xf32, #tpu.memory_space<vmem>>, vector<16xf32>,
    %swap3A_27 = vector.shape_cast %swap3A_26 : vector<16xf32> to vector<16xf32>
    %swap3A_28 = vector.shape_cast %broadcast_in_dim3A_24 : vector<16xf32> to vector<16xf32>
    tpu.vector_store %arg9[%swap3A_25], %swap3A_28 {strides = array<i32>} : memref<128xf32, #tpu.memory_space<vmem>>, vector<16xf32>,
    %broadcast_in_dim3A_29 = arith.constant 1.000000e+00 : f32
    %broadcast_in_dim3A_30 = vector.broadcast %broadcast_in_dim3A_29 : f32 to vector<16xf32>
    %swap3A_31 = arith.constant 64 : index
    %swap3A_32 = tpu.vector_load %arg9[%swap3A_31] {strides = array<i32>} : memref<128xf32, #tpu.memory_space<vmem>>, vector<16xf32>,
    %swap3A_33 = vector.shape_cast %swap3A_32 : vector<16xf32> to vector<16xf32>
    %swap3A_34 = vector.shape_cast %broadcast_in_dim3A_30 : vector<16xf32> to vector<16xf32>
    tpu.vector_store %arg9[%swap3A_31], %swap3A_34 {strides = array<i32>} : memref<128xf32, #tpu.memory_space<vmem>>, vector<16xf32>,
    %broadcast_in_dim3A_35 = arith.constant 1.000000e+00 : f32
    %broadcast_in_dim3A_36 = vector.broadcast %broadcast_in_dim3A_35 : f32 to vector<16xf32>
    %swap3A_37 = arith.constant 80 : index
    %swap3A_38 = tpu.vector_load %arg9[%swap3A_37] {strides = array<i32>} : memref<128xf32, #tpu.memory_space<vmem>>, vector<16xf32>,
    %swap3A_39 = vector.shape_cast %swap3A_38 : vector<16xf32> to vector<16xf32>
    %swap3A_40 = vector.shape_cast %broadcast_in_dim3A_36 : vector<16xf32> to vector<16xf32>
    tpu.vector_store %arg9[%swap3A_37], %swap3A_40 {strides = array<i32>} : memref<128xf32, #tpu.memory_space<vmem>>, vector<16xf32>,
    %broadcast_in_dim3A_41 = arith.constant 1.000000e+00 : f32
    %broadcast_in_dim3A_42 = vector.broadcast %broadcast_in_dim3A_41 : f32 to vector<16xf32>
    %swap3A_43 = arith.constant 96 : index
    %swap3A_44 = tpu.vector_load %arg9[%swap3A_43] {strides = array<i32>} : memref<128xf32, #tpu.memory_space<vmem>>, vector<16xf32>,
    %swap3A_45 = vector.shape_cast %swap3A_44 : vector<16xf32> to vector<16xf32>
    %swap3A_46 = vector.shape_cast %broadcast_in_dim3A_42 : vector<16xf32> to vector<16xf32>
    tpu.vector_store %arg9[%swap3A_43], %swap3A_46 {strides = array<i32>} : memref<128xf32, #tpu.memory_space<vmem>>, vector<16xf32>,
    %broadcast_in_dim3A_47 = arith.constant 1.000000e+00 : f32
    %broadcast_in_dim3A_48 = vector.broadcast %broadcast_in_dim3A_47 : f32 to vector<16xf32>
    %swap3A_49 = arith.constant 112 : index
    %swap3A_50 = tpu.vector_load %arg9[%swap3A_49] {strides = array<i32>} : memref<128xf32, #tpu.memory_space<vmem>>, vector<16xf32>,
    %swap3A_51 = vector.shape_cast %swap3A_50 : vector<16xf32> to vector<16xf32>
    %swap3A_52 = vector.shape_cast %broadcast_in_dim3A_48 : vector<16xf32> to vector<16xf32>
    tpu.vector_store %arg9[%swap3A_49], %swap3A_52 {strides = array<i32>} : memref<128xf32, #tpu.memory_space<vmem>>, vector<16xf32>,
    "tpu.region"() ({
      %run_scoped3A = tpu.sem_alloc : memref<!tpu.dma_semaphore, #tpu.memory_space<semaphore_mem>>
      %dma_start3A_138 = tpu.memref_slice %arg2[%mul3A_2] : memref<327680xi32, #tpu.memory_space<hbm>> -> memref<128xi32, #tpu.memory_space<hbm>>
      %dma_start3A_139 = tpu.memref_slice %arg2[%mul3A_2] : memref<327680xi32, #tpu.memory_space<hbm>> -> memref<128xi32, #tpu.memory_space<hbm>>
      tpu.enqueue_dma source(%dma_start3A_139 : memref<128xi32, #tpu.memory_space<hbm>>) target(%arg5 : memref<128xi32, #tpu.memory_space<vmem>>) target_semaphore(%run_scoped3A : memref<!tpu.dma_semaphore, #tpu.memory_space<semaphore_mem>>)
      %dma_wait3A_140 = tpu.memref_slice %arg2[%mul3A_2] : memref<327680xi32, #tpu.memory_space<hbm>> -> memref<128xi32, #tpu.memory_space<hbm>>
      %dma_wait3A_141 = tpu.memref_slice %arg2[%mul3A_2] : memref<327680xi32, #tpu.memory_space<hbm>> -> memref<128xi32, #tpu.memory_space<hbm>>
      tpu.wait_dma2 semaphore(%run_scoped3A : memref<!tpu.dma_semaphore, #tpu.memory_space<semaphore_mem>>) src(%dma_wait3A_141 : memref<128xi32, #tpu.memory_space<hbm>>) dst(%arg5 : memref<128xi32, #tpu.memory_space<vmem>>)
      tpu.yield
    }) : () -> ()
    %add3A_53 = arith.constant 128 : i32
    %add3A_54 = arith.addi %mul3A_2, %add3A_53 : i32
    %dma_start3A = tpu.memref_slice %arg2[%add3A_54] : memref<327680xi32, #tpu.memory_space<hbm>> -> memref<128xi32, #tpu.memory_space<hbm>>
    %dma_start3A_55 = tpu.memref_slice %arg2[%add3A_54] : memref<327680xi32, #tpu.memory_space<hbm>> -> memref<128xi32, #tpu.memory_space<hbm>>
    tpu.enqueue_dma source(%dma_start3A_55 : memref<128xi32, #tpu.memory_space<hbm>>) target(%arg6 : memref<128xi32, #tpu.memory_space<vmem>>) target_semaphore(%arg16 : memref<!tpu.dma_semaphore, #tpu.memory_space<semaphore_mem>>)
    %add3A_56 = arith.constant 256 : i32
    %add3A_57 = arith.addi %mul3A_2, %add3A_56 : i32
    %dma_start3A_58 = tpu.memref_slice %arg2[%add3A_57] : memref<327680xi32, #tpu.memory_space<hbm>> -> memref<128xi32, #tpu.memory_space<hbm>>
    %dma_start3A_59 = tpu.memref_slice %arg2[%add3A_57] : memref<327680xi32, #tpu.memory_space<hbm>> -> memref<128xi32, #tpu.memory_space<hbm>>
    tpu.enqueue_dma source(%dma_start3A_59 : memref<128xi32, #tpu.memory_space<hbm>>) target(%arg7 : memref<128xi32, #tpu.memory_space<vmem>>) target_semaphore(%arg17 : memref<!tpu.dma_semaphore, #tpu.memory_space<semaphore_mem>>)
    %add3A_60 = arith.constant 384 : i32
    %add3A_61 = arith.addi %mul3A_2, %add3A_60 : i32
    %dma_start3A_62 = tpu.memref_slice %arg2[%add3A_61] : memref<327680xi32, #tpu.memory_space<hbm>> -> memref<128xi32, #tpu.memory_space<hbm>>
    %dma_start3A_63 = tpu.memref_slice %arg2[%add3A_61] : memref<327680xi32, #tpu.memory_space<hbm>> -> memref<128xi32, #tpu.memory_space<hbm>>
    tpu.enqueue_dma source(%dma_start3A_63 : memref<128xi32, #tpu.memory_space<hbm>>) target(%arg8 : memref<128xi32, #tpu.memory_space<vmem>>) target_semaphore(%arg18 : memref<!tpu.dma_semaphore, #tpu.memory_space<semaphore_mem>>)
    %barrier3A = arith.constant 0 : index
    tpu.barrier barrier_id(%barrier3A)
    %dma_start3A_64 = arith.constant 0 : i32
    %dma_start3A_65 = tpu.memref_slice %arg10[%dma_start3A_64] : memref<10240xf32, #tpu.memory_space<vmem_shared>> -> memref<10240xf32, #tpu.memory_space<vmem_shared>>
    tpu.enqueue_indirect_dma source(%arg9 : memref<128xf32, #tpu.memory_space<vmem>>) target(%dma_start3A_65 : memref<10240xf32, #tpu.memory_space<vmem_shared>>) offsets(%arg5 : memref<128xi32, #tpu.memory_space<vmem>>) semaphore(%arg11 : memref<!tpu.dma_semaphore, #tpu.memory_space<semaphore_mem>>) {add = true}
    %dma_wait3A = tpu.memref_slice %arg2[%mul3A_2] : memref<327680xi32, #tpu.memory_space<hbm>> -> memref<128xi32, #tpu.memory_space<hbm>>
    %dma_wait3A_66 = tpu.memref_slice %arg2[%mul3A_2] : memref<327680xi32, #tpu.memory_space<hbm>> -> memref<128xi32, #tpu.memory_space<hbm>>
    tpu.wait_dma2 semaphore(%arg16 : memref<!tpu.dma_semaphore, #tpu.memory_space<semaphore_mem>>) src(%dma_wait3A_66 : memref<128xi32, #tpu.memory_space<hbm>>) dst(%arg6 : memref<128xi32, #tpu.memory_space<vmem>>)
    %dma_start3A_67 = arith.constant 0 : i32
    %dma_start3A_68 = tpu.memref_slice %arg10[%dma_start3A_67] : memref<10240xf32, #tpu.memory_space<vmem_shared>> -> memref<10240xf32, #tpu.memory_space<vmem_shared>>
    tpu.enqueue_indirect_dma source(%arg9 : memref<128xf32, #tpu.memory_space<vmem>>) target(%dma_start3A_68 : memref<10240xf32, #tpu.memory_space<vmem_shared>>) offsets(%arg6 : memref<128xi32, #tpu.memory_space<vmem>>) semaphore(%arg12 : memref<!tpu.dma_semaphore, #tpu.memory_space<semaphore_mem>>) {add = true}
    %dma_wait3A_69 = arith.constant 0 : i32
    %dma_wait3A_70 = tpu.memref_slice %arg10[%dma_wait3A_69] : memref<10240xf32, #tpu.memory_space<vmem_shared>> -> memref<10240xf32, #tpu.memory_space<vmem_shared>>
    tpu.wait_indirect_dma semaphore(%arg11 : memref<!tpu.dma_semaphore, #tpu.memory_space<semaphore_mem>>) src(%arg9 : memref<128xf32, #tpu.memory_space<vmem>>) dst(%dma_wait3A_70 : memref<10240xf32, #tpu.memory_space<vmem_shared>>)
    %add3A_71 = arith.constant 512 : i32
    %add3A_72 = arith.addi %mul3A_2, %add3A_71 : i32
    %dma_start3A_73 = tpu.memref_slice %arg2[%add3A_72] : memref<327680xi32, #tpu.memory_space<hbm>> -> memref<128xi32, #tpu.memory_space<hbm>>
    %dma_start3A_74 = tpu.memref_slice %arg2[%add3A_72] : memref<327680xi32, #tpu.memory_space<hbm>> -> memref<128xi32, #tpu.memory_space<hbm>>
    tpu.enqueue_dma source(%dma_start3A_74 : memref<128xi32, #tpu.memory_space<hbm>>) target(%arg5 : memref<128xi32, #tpu.memory_space<vmem>>) target_semaphore(%arg15 : memref<!tpu.dma_semaphore, #tpu.memory_space<semaphore_mem>>)
    %dma_wait3A_75 = tpu.memref_slice %arg2[%mul3A_2] : memref<327680xi32, #tpu.memory_space<hbm>> -> memref<128xi32, #tpu.memory_space<hbm>>
    %dma_wait3A_76 = tpu.memref_slice %arg2[%mul3A_2] : memref<327680xi32, #tpu.memory_space<hbm>> -> memref<128xi32, #tpu.memory_space<hbm>>
    tpu.wait_dma2 semaphore(%arg17 : memref<!tpu.dma_semaphore, #tpu.memory_space<semaphore_mem>>) src(%dma_wait3A_76 : memref<128xi32, #tpu.memory_space<hbm>>) dst(%arg7 : memref<128xi32, #tpu.memory_space<vmem>>)
    %dma_start3A_77 = arith.constant 0 : i32
    %dma_start3A_78 = tpu.memref_slice %arg10[%dma_start3A_77] : memref<10240xf32, #tpu.memory_space<vmem_shared>> -> memref<10240xf32, #tpu.memory_space<vmem_shared>>
    tpu.enqueue_indirect_dma source(%arg9 : memref<128xf32, #tpu.memory_space<vmem>>) target(%dma_start3A_78 : memref<10240xf32, #tpu.memory_space<vmem_shared>>) offsets(%arg7 : memref<128xi32, #tpu.memory_space<vmem>>) semaphore(%arg13 : memref<!tpu.dma_semaphore, #tpu.memory_space<semaphore_mem>>) {add = true}
    %dma_wait3A_79 = arith.constant 0 : i32
    %dma_wait3A_80 = tpu.memref_slice %arg10[%dma_wait3A_79] : memref<10240xf32, #tpu.memory_space<vmem_shared>> -> memref<10240xf32, #tpu.memory_space<vmem_shared>>
    tpu.wait_indirect_dma semaphore(%arg12 : memref<!tpu.dma_semaphore, #tpu.memory_space<semaphore_mem>>) src(%arg9 : memref<128xf32, #tpu.memory_space<vmem>>) dst(%dma_wait3A_80 : memref<10240xf32, #tpu.memory_space<vmem_shared>>)
    %add3A_81 = arith.constant 640 : i32
    %add3A_82 = arith.addi %mul3A_2, %add3A_81 : i32
    %dma_start3A_83 = tpu.memref_slice %arg2[%add3A_82] : memref<327680xi32, #tpu.memory_space<hbm>> -> memref<128xi32, #tpu.memory_space<hbm>>
    %dma_start3A_84 = tpu.memref_slice %arg2[%add3A_82] : memref<327680xi32, #tpu.memory_space<hbm>> -> memref<128xi32, #tpu.memory_space<hbm>>
    tpu.enqueue_dma source(%dma_start3A_84 : memref<128xi32, #tpu.memory_space<hbm>>) target(%arg6 : memref<128xi32, #tpu.memory_space<vmem>>) target_semaphore(%arg16 : memref<!tpu.dma_semaphore, #tpu.memory_space<semaphore_mem>>)
    %dma_wait3A_85 = tpu.memref_slice %arg2[%mul3A_2] : memref<327680xi32, #tpu.memory_space<hbm>> -> memref<128xi32, #tpu.memory_space<hbm>>
    %dma_wait3A_86 = tpu.memref_slice %arg2[%mul3A_2] : memref<327680xi32, #tpu.memory_space<hbm>> -> memref<128xi32, #tpu.memory_space<hbm>>
    tpu.wait_dma2 semaphore(%arg18 : memref<!tpu.dma_semaphore, #tpu.memory_space<semaphore_mem>>) src(%dma_wait3A_86 : memref<128xi32, #tpu.memory_space<hbm>>) dst(%arg8 : memref<128xi32, #tpu.memory_space<vmem>>)
    %dma_start3A_87 = arith.constant 0 : i32
    %dma_start3A_88 = tpu.memref_slice %arg10[%dma_start3A_87] : memref<10240xf32, #tpu.memory_space<vmem_shared>> -> memref<10240xf32, #tpu.memory_space<vmem_shared>>
    tpu.enqueue_indirect_dma source(%arg9 : memref<128xf32, #tpu.memory_space<vmem>>) target(%dma_start3A_88 : memref<10240xf32, #tpu.memory_space<vmem_shared>>) offsets(%arg8 : memref<128xi32, #tpu.memory_space<vmem>>) semaphore(%arg14 : memref<!tpu.dma_semaphore, #tpu.memory_space<semaphore_mem>>) {add = true}
    %scan3A = arith.constant 0 : i32
    %scan3A_89 = arith.constant 0 : i32
    %scan3A_90 = arith.constant 18 : i32
    %scan3A_91 = arith.addi %scan3A_89, %scan3A_90 : i32
    %scan3A_92 = arith.constant 1 : i32
    scf.for %scan3A_138 = %scan3A_89 to %scan3A_91 step %scan3A_92  : i32 {
      %mul3A_139 = arith.constant 4 : i32
      %mul3A_140 = arith.muli %mul3A_139, %scan3A_138 : i32
      %add3A_141 = arith.constant 4 : i32
      %add3A_142 = arith.addi %add3A_141, %mul3A_140 : i32
      %add3A_143 = arith.constant 0 : i32
      %add3A_144 = arith.addi %add3A_142, %add3A_143 : i32
      %dma_wait3A_145 = arith.constant 0 : i32
      %dma_wait3A_146 = tpu.memref_slice %arg10[%dma_wait3A_145] : memref<10240xf32, #tpu.memory_space<vmem_shared>> -> memref<10240xf32, #tpu.memory_space<vmem_shared>>
      tpu.wait_indirect_dma semaphore(%arg13 : memref<!tpu.dma_semaphore, #tpu.memory_space<semaphore_mem>>) src(%arg9 : memref<128xf32, #tpu.memory_space<vmem>>) dst(%dma_wait3A_146 : memref<10240xf32, #tpu.memory_space<vmem_shared>>)
      %add3A_147 = arith.constant 2 : i32
      %add3A_148 = arith.addi %add3A_144, %add3A_147 : i32
      %mul3A_149 = arith.constant 128 : i32
      %mul3A_150 = arith.muli %add3A_148, %mul3A_149 : i32
      %add3A_151 = arith.addi %mul3A_2, %mul3A_150 : i32
      %dma_start3A_152 = tpu.memref_slice %arg2[%add3A_151] : memref<327680xi32, #tpu.memory_space<hbm>> -> memref<128xi32, #tpu.memory_space<hbm>>
      %dma_start3A_153 = tpu.memref_slice %arg2[%add3A_151] : memref<327680xi32, #tpu.memory_space<hbm>> -> memref<128xi32, #tpu.memory_space<hbm>>
      tpu.enqueue_dma source(%dma_start3A_153 : memref<128xi32, #tpu.memory_space<hbm>>) target(%arg7 : memref<128xi32, #tpu.memory_space<vmem>>) target_semaphore(%arg17 : memref<!tpu.dma_semaphore, #tpu.memory_space<semaphore_mem>>)
      %dma_wait3A_154 = tpu.memref_slice %arg2[%mul3A_2] : memref<327680xi32, #tpu.memory_space<hbm>> -> memref<128xi32, #tpu.memory_space<hbm>>
      %dma_wait3A_155 = tpu.memref_slice %arg2[%mul3A_2] : memref<327680xi32, #tpu.memory_space<hbm>> -> memref<128xi32, #tpu.memory_space<hbm>>
      tpu.wait_dma2 semaphore(%arg15 : memref<!tpu.dma_semaphore, #tpu.memory_space<semaphore_mem>>) src(%dma_wait3A_155 : memref<128xi32, #tpu.memory_space<hbm>>) dst(%arg5 : memref<128xi32, #tpu.memory_space<vmem>>)
      %dma_start3A_156 = arith.constant 0 : i32
      %dma_start3A_157 = tpu.memref_slice %arg10[%dma_start3A_156] : memref<10240xf32, #tpu.memory_space<vmem_shared>> -> memref<10240xf32, #tpu.memory_space<vmem_shared>>
      tpu.enqueue_indirect_dma source(%arg9 : memref<128xf32, #tpu.memory_space<vmem>>) target(%dma_start3A_157 : memref<10240xf32, #tpu.memory_space<vmem_shared>>) offsets(%arg5 : memref<128xi32, #tpu.memory_space<vmem>>) semaphore(%arg11 : memref<!tpu.dma_semaphore, #tpu.memory_space<semaphore_mem>>) {add = true}
      %mul3A_158 = arith.constant 4 : i32
      %mul3A_159 = arith.muli %mul3A_158, %scan3A_138 : i32
      %add3A_160 = arith.constant 4 : i32
      %add3A_161 = arith.addi %add3A_160, %mul3A_159 : i32
      %add3A_162 = arith.constant 1 : i32
      %add3A_163 = arith.addi %add3A_161, %add3A_162 : i32
      %dma_wait3A_164 = arith.constant 0 : i32
      %dma_wait3A_165 = tpu.memref_slice %arg10[%dma_wait3A_164] : memref<10240xf32, #tpu.memory_space<vmem_shared>> -> memref<10240xf32, #tpu.memory_space<vmem_shared>>
      tpu.wait_indirect_dma semaphore(%arg14 : memref<!tpu.dma_semaphore, #tpu.memory_space<semaphore_mem>>) src(%arg9 : memref<128xf32, #tpu.memory_space<vmem>>) dst(%dma_wait3A_165 : memref<10240xf32, #tpu.memory_space<vmem_shared>>)
      %add3A_166 = arith.constant 2 : i32
      %add3A_167 = arith.addi %add3A_163, %add3A_166 : i32
      %mul3A_168 = arith.constant 128 : i32
      %mul3A_169 = arith.muli %add3A_167, %mul3A_168 : i32
      %add3A_170 = arith.addi %mul3A_2, %mul3A_169 : i32
      %dma_start3A_171 = tpu.memref_slice %arg2[%add3A_170] : memref<327680xi32, #tpu.memory_space<hbm>> -> memref<128xi32, #tpu.memory_space<hbm>>
      %dma_start3A_172 = tpu.memref_slice %arg2[%add3A_170] : memref<327680xi32, #tpu.memory_space<hbm>> -> memref<128xi32, #tpu.memory_space<hbm>>
      tpu.enqueue_dma source(%dma_start3A_172 : memref<128xi32, #tpu.memory_space<hbm>>) target(%arg8 : memref<128xi32, #tpu.memory_space<vmem>>) target_semaphore(%arg18 : memref<!tpu.dma_semaphore, #tpu.memory_space<semaphore_mem>>)
      %dma_wait3A_173 = tpu.memref_slice %arg2[%mul3A_2] : memref<327680xi32, #tpu.memory_space<hbm>> -> memref<128xi32, #tpu.memory_space<hbm>>
      %dma_wait3A_174 = tpu.memref_slice %arg2[%mul3A_2] : memref<327680xi32, #tpu.memory_space<hbm>> -> memref<128xi32, #tpu.memory_space<hbm>>
      tpu.wait_dma2 semaphore(%arg16 : memref<!tpu.dma_semaphore, #tpu.memory_space<semaphore_mem>>) src(%dma_wait3A_174 : memref<128xi32, #tpu.memory_space<hbm>>) dst(%arg6 : memref<128xi32, #tpu.memory_space<vmem>>)
      %dma_start3A_175 = arith.constant 0 : i32
      %dma_start3A_176 = tpu.memref_slice %arg10[%dma_start3A_175] : memref<10240xf32, #tpu.memory_space<vmem_shared>> -> memref<10240xf32, #tpu.memory_space<vmem_shared>>
      tpu.enqueue_indirect_dma source(%arg9 : memref<128xf32, #tpu.memory_space<vmem>>) target(%dma_start3A_176 : memref<10240xf32, #tpu.memory_space<vmem_shared>>) offsets(%arg6 : memref<128xi32, #tpu.memory_space<vmem>>) semaphore(%arg12 : memref<!tpu.dma_semaphore, #tpu.memory_space<semaphore_mem>>) {add = true}
      %mul3A_177 = arith.constant 4 : i32
      %mul3A_178 = arith.muli %mul3A_177, %scan3A_138 : i32
      %add3A_179 = arith.constant 4 : i32
      %add3A_180 = arith.addi %add3A_179, %mul3A_178 : i32
      %add3A_181 = arith.constant 2 : i32
      %add3A_182 = arith.addi %add3A_180, %add3A_181 : i32
      %dma_wait3A_183 = arith.constant 0 : i32
      %dma_wait3A_184 = tpu.memref_slice %arg10[%dma_wait3A_183] : memref<10240xf32, #tpu.memory_space<vmem_shared>> -> memref<10240xf32, #tpu.memory_space<vmem_shared>>
      tpu.wait_indirect_dma semaphore(%arg11 : memref<!tpu.dma_semaphore, #tpu.memory_space<semaphore_mem>>) src(%arg9 : memref<128xf32, #tpu.memory_space<vmem>>) dst(%dma_wait3A_184 : memref<10240xf32, #tpu.memory_space<vmem_shared>>)
      %add3A_185 = arith.constant 2 : i32
      %add3A_186 = arith.addi %add3A_182, %add3A_185 : i32
      %mul3A_187 = arith.constant 128 : i32
      %mul3A_188 = arith.muli %add3A_186, %mul3A_187 : i32
      %add3A_189 = arith.addi %mul3A_2, %mul3A_188 : i32
      %dma_start3A_190 = tpu.memref_slice %arg2[%add3A_189] : memref<327680xi32, #tpu.memory_space<hbm>> -> memref<128xi32, #tpu.memory_space<hbm>>
      %dma_start3A_191 = tpu.memref_slice %arg2[%add3A_189] : memref<327680xi32, #tpu.memory_space<hbm>> -> memref<128xi32, #tpu.memory_space<hbm>>
      tpu.enqueue_dma source(%dma_start3A_191 : memref<128xi32, #tpu.memory_space<hbm>>) target(%arg5 : memref<128xi32, #tpu.memory_space<vmem>>) target_semaphore(%arg15 : memref<!tpu.dma_semaphore, #tpu.memory_space<semaphore_mem>>)
      %dma_wait3A_192 = tpu.memref_slice %arg2[%mul3A_2] : memref<327680xi32, #tpu.memory_space<hbm>> -> memref<128xi32, #tpu.memory_space<hbm>>
      %dma_wait3A_193 = tpu.memref_slice %arg2[%mul3A_2] : memref<327680xi32, #tpu.memory_space<hbm>> -> memref<128xi32, #tpu.memory_space<hbm>>
      tpu.wait_dma2 semaphore(%arg17 : memref<!tpu.dma_semaphore, #tpu.memory_space<semaphore_mem>>) src(%dma_wait3A_193 : memref<128xi32, #tpu.memory_space<hbm>>) dst(%arg7 : memref<128xi32, #tpu.memory_space<vmem>>)
      %dma_start3A_194 = arith.constant 0 : i32
      %dma_start3A_195 = tpu.memref_slice %arg10[%dma_start3A_194] : memref<10240xf32, #tpu.memory_space<vmem_shared>> -> memref<10240xf32, #tpu.memory_space<vmem_shared>>
      tpu.enqueue_indirect_dma source(%arg9 : memref<128xf32, #tpu.memory_space<vmem>>) target(%dma_start3A_195 : memref<10240xf32, #tpu.memory_space<vmem_shared>>) offsets(%arg7 : memref<128xi32, #tpu.memory_space<vmem>>) semaphore(%arg13 : memref<!tpu.dma_semaphore, #tpu.memory_space<semaphore_mem>>) {add = true}
      %mul3A_196 = arith.constant 4 : i32
      %mul3A_197 = arith.muli %mul3A_196, %scan3A_138 : i32
      %add3A_198 = arith.constant 4 : i32
      %add3A_199 = arith.addi %add3A_198, %mul3A_197 : i32
      %add3A_200 = arith.constant 3 : i32
      %add3A_201 = arith.addi %add3A_199, %add3A_200 : i32
      %dma_wait3A_202 = arith.constant 0 : i32
      %dma_wait3A_203 = tpu.memref_slice %arg10[%dma_wait3A_202] : memref<10240xf32, #tpu.memory_space<vmem_shared>> -> memref<10240xf32, #tpu.memory_space<vmem_shared>>
      tpu.wait_indirect_dma semaphore(%arg12 : memref<!tpu.dma_semaphore, #tpu.memory_space<semaphore_mem>>) src(%arg9 : memref<128xf32, #tpu.memory_space<vmem>>) dst(%dma_wait3A_203 : memref<10240xf32, #tpu.memory_space<vmem_shared>>)
      %add3A_204 = arith.constant 2 : i32
      %add3A_205 = arith.addi %add3A_201, %add3A_204 : i32
      %mul3A_206 = arith.constant 128 : i32
      %mul3A_207 = arith.muli %add3A_205, %mul3A_206 : i32
      %add3A_208 = arith.addi %mul3A_2, %mul3A_207 : i32
      %dma_start3A_209 = tpu.memref_slice %arg2[%add3A_208] : memref<327680xi32, #tpu.memory_space<hbm>> -> memref<128xi32, #tpu.memory_space<hbm>>
      %dma_start3A_210 = tpu.memref_slice %arg2[%add3A_208] : memref<327680xi32, #tpu.memory_space<hbm>> -> memref<128xi32, #tpu.memory_space<hbm>>
      tpu.enqueue_dma source(%dma_start3A_210 : memref<128xi32, #tpu.memory_space<hbm>>) target(%arg6 : memref<128xi32, #tpu.memory_space<vmem>>) target_semaphore(%arg16 : memref<!tpu.dma_semaphore, #tpu.memory_space<semaphore_mem>>)
      %dma_wait3A_211 = tpu.memref_slice %arg2[%mul3A_2] : memref<327680xi32, #tpu.memory_space<hbm>> -> memref<128xi32, #tpu.memory_space<hbm>>
      %dma_wait3A_212 = tpu.memref_slice %arg2[%mul3A_2] : memref<327680xi32, #tpu.memory_space<hbm>> -> memref<128xi32, #tpu.memory_space<hbm>>
      tpu.wait_dma2 semaphore(%arg18 : memref<!tpu.dma_semaphore, #tpu.memory_space<semaphore_mem>>) src(%dma_wait3A_212 : memref<128xi32, #tpu.memory_space<hbm>>) dst(%arg8 : memref<128xi32, #tpu.memory_space<vmem>>)
      %dma_start3A_213 = arith.constant 0 : i32
      %dma_start3A_214 = tpu.memref_slice %arg10[%dma_start3A_213] : memref<10240xf32, #tpu.memory_space<vmem_shared>> -> memref<10240xf32, #tpu.memory_space<vmem_shared>>
      tpu.enqueue_indirect_dma source(%arg9 : memref<128xf32, #tpu.memory_space<vmem>>) target(%dma_start3A_214 : memref<10240xf32, #tpu.memory_space<vmem_shared>>) offsets(%arg8 : memref<128xi32, #tpu.memory_space<vmem>>) semaphore(%arg14 : memref<!tpu.dma_semaphore, #tpu.memory_space<semaphore_mem>>) {add = true}
    }
    %scan3A_93 = arith.constant 18 : i32
    %dma_wait3A_94 = arith.constant 0 : i32
    %dma_wait3A_95 = tpu.memref_slice %arg10[%dma_wait3A_94] : memref<10240xf32, #tpu.memory_space<vmem_shared>> -> memref<10240xf32, #tpu.memory_space<vmem_shared>>
    tpu.wait_indirect_dma semaphore(%arg13 : memref<!tpu.dma_semaphore, #tpu.memory_space<semaphore_mem>>) src(%arg9 : memref<128xf32, #tpu.memory_space<vmem>>) dst(%dma_wait3A_95 : memref<10240xf32, #tpu.memory_space<vmem_shared>>)
    %add3A_96 = arith.constant 9984 : i32
    %add3A_97 = arith.addi %mul3A_2, %add3A_96 : i32
    %dma_start3A_98 = tpu.memref_slice %arg2[%add3A_97] : memref<327680xi32, #tpu.memory_space<hbm>> -> memref<128xi32, #tpu.memory_space<hbm>>
    %dma_start3A_99 = tpu.memref_slice %arg2[%add3A_97] : memref<327680xi32, #tpu.memory_space<hbm>> -> memref<128xi32, #tpu.memory_space<hbm>>
    tpu.enqueue_dma source(%dma_start3A_99 : memref<128xi32, #tpu.memory_space<hbm>>) target(%arg7 : memref<128xi32, #tpu.memory_space<vmem>>) target_semaphore(%arg17 : memref<!tpu.dma_semaphore, #tpu.memory_space<semaphore_mem>>)
    %dma_wait3A_100 = tpu.memref_slice %arg2[%mul3A_2] : memref<327680xi32, #tpu.memory_space<hbm>> -> memref<128xi32, #tpu.memory_space<hbm>>
    %dma_wait3A_101 = tpu.memref_slice %arg2[%mul3A_2] : memref<327680xi32, #tpu.memory_space<hbm>> -> memref<128xi32, #tpu.memory_space<hbm>>
    tpu.wait_dma2 semaphore(%arg15 : memref<!tpu.dma_semaphore, #tpu.memory_space<semaphore_mem>>) src(%dma_wait3A_101 : memref<128xi32, #tpu.memory_space<hbm>>) dst(%arg5 : memref<128xi32, #tpu.memory_space<vmem>>)
    %dma_start3A_102 = arith.constant 0 : i32
    %dma_start3A_103 = tpu.memref_slice %arg10[%dma_start3A_102] : memref<10240xf32, #tpu.memory_space<vmem_shared>> -> memref<10240xf32, #tpu.memory_space<vmem_shared>>
    tpu.enqueue_indirect_dma source(%arg9 : memref<128xf32, #tpu.memory_space<vmem>>) target(%dma_start3A_103 : memref<10240xf32, #tpu.memory_space<vmem_shared>>) offsets(%arg5 : memref<128xi32, #tpu.memory_space<vmem>>) semaphore(%arg11 : memref<!tpu.dma_semaphore, #tpu.memory_space<semaphore_mem>>) {add = true}
    %dma_wait3A_104 = arith.constant 0 : i32
    %dma_wait3A_105 = tpu.memref_slice %arg10[%dma_wait3A_104] : memref<10240xf32, #tpu.memory_space<vmem_shared>> -> memref<10240xf32, #tpu.memory_space<vmem_shared>>
    tpu.wait_indirect_dma semaphore(%arg14 : memref<!tpu.dma_semaphore, #tpu.memory_space<semaphore_mem>>) src(%arg9 : memref<128xf32, #tpu.memory_space<vmem>>) dst(%dma_wait3A_105 : memref<10240xf32, #tpu.memory_space<vmem_shared>>)
    %add3A_106 = arith.constant 10112 : i32
    %add3A_107 = arith.addi %mul3A_2, %add3A_106 : i32
    %dma_start3A_108 = tpu.memref_slice %arg2[%add3A_107] : memref<327680xi32, #tpu.memory_space<hbm>> -> memref<128xi32, #tpu.memory_space<hbm>>
    %dma_start3A_109 = tpu.memref_slice %arg2[%add3A_107] : memref<327680xi32, #tpu.memory_space<hbm>> -> memref<128xi32, #tpu.memory_space<hbm>>
    tpu.enqueue_dma source(%dma_start3A_109 : memref<128xi32, #tpu.memory_space<hbm>>) target(%arg8 : memref<128xi32, #tpu.memory_space<vmem>>) target_semaphore(%arg18 : memref<!tpu.dma_semaphore, #tpu.memory_space<semaphore_mem>>)
    %dma_wait3A_110 = tpu.memref_slice %arg2[%mul3A_2] : memref<327680xi32, #tpu.memory_space<hbm>> -> memref<128xi32, #tpu.memory_space<hbm>>
    %dma_wait3A_111 = tpu.memref_slice %arg2[%mul3A_2] : memref<327680xi32, #tpu.memory_space<hbm>> -> memref<128xi32, #tpu.memory_space<hbm>>
    tpu.wait_dma2 semaphore(%arg16 : memref<!tpu.dma_semaphore, #tpu.memory_space<semaphore_mem>>) src(%dma_wait3A_111 : memref<128xi32, #tpu.memory_space<hbm>>) dst(%arg6 : memref<128xi32, #tpu.memory_space<vmem>>)
    %dma_start3A_112 = arith.constant 0 : i32
    %dma_start3A_113 = tpu.memref_slice %arg10[%dma_start3A_112] : memref<10240xf32, #tpu.memory_space<vmem_shared>> -> memref<10240xf32, #tpu.memory_space<vmem_shared>>
    tpu.enqueue_indirect_dma source(%arg9 : memref<128xf32, #tpu.memory_space<vmem>>) target(%dma_start3A_113 : memref<10240xf32, #tpu.memory_space<vmem_shared>>) offsets(%arg6 : memref<128xi32, #tpu.memory_space<vmem>>) semaphore(%arg12 : memref<!tpu.dma_semaphore, #tpu.memory_space<semaphore_mem>>) {add = true}
    %dma_wait3A_114 = arith.constant 0 : i32
    %dma_wait3A_115 = tpu.memref_slice %arg10[%dma_wait3A_114] : memref<10240xf32, #tpu.memory_space<vmem_shared>> -> memref<10240xf32, #tpu.memory_space<vmem_shared>>
    tpu.wait_indirect_dma semaphore(%arg11 : memref<!tpu.dma_semaphore, #tpu.memory_space<semaphore_mem>>) src(%arg9 : memref<128xf32, #tpu.memory_space<vmem>>) dst(%dma_wait3A_115 : memref<10240xf32, #tpu.memory_space<vmem_shared>>)
    %dma_wait3A_116 = tpu.memref_slice %arg2[%mul3A_2] : memref<327680xi32, #tpu.memory_space<hbm>> -> memref<128xi32, #tpu.memory_space<hbm>>
    %dma_wait3A_117 = tpu.memref_slice %arg2[%mul3A_2] : memref<327680xi32, #tpu.memory_space<hbm>> -> memref<128xi32, #tpu.memory_space<hbm>>
    tpu.wait_dma2 semaphore(%arg17 : memref<!tpu.dma_semaphore, #tpu.memory_space<semaphore_mem>>) src(%dma_wait3A_117 : memref<128xi32, #tpu.memory_space<hbm>>) dst(%arg7 : memref<128xi32, #tpu.memory_space<vmem>>)
    %dma_start3A_118 = arith.constant 0 : i32
    %dma_start3A_119 = tpu.memref_slice %arg10[%dma_start3A_118] : memref<10240xf32, #tpu.memory_space<vmem_shared>> -> memref<10240xf32, #tpu.memory_space<vmem_shared>>
    tpu.enqueue_indirect_dma source(%arg9 : memref<128xf32, #tpu.memory_space<vmem>>) target(%dma_start3A_119 : memref<10240xf32, #tpu.memory_space<vmem_shared>>) offsets(%arg7 : memref<128xi32, #tpu.memory_space<vmem>>) semaphore(%arg13 : memref<!tpu.dma_semaphore, #tpu.memory_space<semaphore_mem>>) {add = true}
    %dma_wait3A_120 = arith.constant 0 : i32
    %dma_wait3A_121 = tpu.memref_slice %arg10[%dma_wait3A_120] : memref<10240xf32, #tpu.memory_space<vmem_shared>> -> memref<10240xf32, #tpu.memory_space<vmem_shared>>
    tpu.wait_indirect_dma semaphore(%arg12 : memref<!tpu.dma_semaphore, #tpu.memory_space<semaphore_mem>>) src(%arg9 : memref<128xf32, #tpu.memory_space<vmem>>) dst(%dma_wait3A_121 : memref<10240xf32, #tpu.memory_space<vmem_shared>>)
    %dma_wait3A_122 = tpu.memref_slice %arg2[%mul3A_2] : memref<327680xi32, #tpu.memory_space<hbm>> -> memref<128xi32, #tpu.memory_space<hbm>>
    %dma_wait3A_123 = tpu.memref_slice %arg2[%mul3A_2] : memref<327680xi32, #tpu.memory_space<hbm>> -> memref<128xi32, #tpu.memory_space<hbm>>
    tpu.wait_dma2 semaphore(%arg18 : memref<!tpu.dma_semaphore, #tpu.memory_space<semaphore_mem>>) src(%dma_wait3A_123 : memref<128xi32, #tpu.memory_space<hbm>>) dst(%arg8 : memref<128xi32, #tpu.memory_space<vmem>>)
    %dma_start3A_124 = arith.constant 0 : i32
    %dma_start3A_125 = tpu.memref_slice %arg10[%dma_start3A_124] : memref<10240xf32, #tpu.memory_space<vmem_shared>> -> memref<10240xf32, #tpu.memory_space<vmem_shared>>
    tpu.enqueue_indirect_dma source(%arg9 : memref<128xf32, #tpu.memory_space<vmem>>) target(%dma_start3A_125 : memref<10240xf32, #tpu.memory_space<vmem_shared>>) offsets(%arg8 : memref<128xi32, #tpu.memory_space<vmem>>) semaphore(%arg14 : memref<!tpu.dma_semaphore, #tpu.memory_space<semaphore_mem>>) {add = true}
    %dma_wait3A_126 = arith.constant 0 : i32
    %dma_wait3A_127 = tpu.memref_slice %arg10[%dma_wait3A_126] : memref<10240xf32, #tpu.memory_space<vmem_shared>> -> memref<10240xf32, #tpu.memory_space<vmem_shared>>
    tpu.wait_indirect_dma semaphore(%arg13 : memref<!tpu.dma_semaphore, #tpu.memory_space<semaphore_mem>>) src(%arg9 : memref<128xf32, #tpu.memory_space<vmem>>) dst(%dma_wait3A_127 : memref<10240xf32, #tpu.memory_space<vmem_shared>>)
    %dma_wait3A_128 = arith.constant 0 : i32
    %dma_wait3A_129 = tpu.memref_slice %arg10[%dma_wait3A_128] : memref<10240xf32, #tpu.memory_space<vmem_shared>> -> memref<10240xf32, #tpu.memory_space<vmem_shared>>
    tpu.wait_indirect_dma semaphore(%arg14 : memref<!tpu.dma_semaphore, #tpu.memory_space<semaphore_mem>>) src(%arg9 : memref<128xf32, #tpu.memory_space<vmem>>) dst(%dma_wait3A_129 : memref<10240xf32, #tpu.memory_space<vmem_shared>>)
    %barrier3A_130 = arith.constant 0 : index
    tpu.barrier barrier_id(%barrier3A_130)
    %mul3A_131 = arith.constant 640 : i32
    %mul3A_132 = arith.muli %arg1, %mul3A_131 : i32
    %mul3A_133 = arith.constant 10240 : i32
    %mul3A_134 = arith.muli %arg0, %mul3A_133 : i32
    %mul3A_135 = arith.constant 640 : i32
    %mul3A_136 = arith.muli %arg1, %mul3A_135 : i32
    %add3A_137 = arith.addi %mul3A_134, %mul3A_136 : i32
    "tpu.region"() ({
      %run_scoped3A = tpu.sem_alloc : memref<!tpu.dma_semaphore, #tpu.memory_space<semaphore_mem>>
      %dma_start3A_138 = tpu.memref_slice %arg4[%add3A_137] : memref<20480xf32, #tpu.memory_space<hbm>> -> memref<640xf32, #tpu.memory_space<hbm>>
      %dma_start3A_139 = tpu.memref_slice %arg10[%mul3A_132] : memref<10240xf32, #tpu.memory_space<vmem_shared>> -> memref<640xf32, #tpu.memory_space<vmem_shared>>
      tpu.enqueue_dma source(%dma_start3A_139 : memref<640xf32, #tpu.memory_space<vmem_shared>>) target(%dma_start3A_138 : memref<640xf32, #tpu.memory_space<hbm>>) target_semaphore(%run_scoped3A : memref<!tpu.dma_semaphore, #tpu.memory_space<semaphore_mem>>)
      %dma_wait3A_140 = tpu.memref_slice %arg4[%add3A_137] : memref<20480xf32, #tpu.memory_space<hbm>> -> memref<640xf32, #tpu.memory_space<hbm>>
      %dma_wait3A_141 = tpu.memref_slice %arg10[%mul3A_132] : memref<10240xf32, #tpu.memory_space<vmem_shared>> -> memref<640xf32, #tpu.memory_space<vmem_shared>>
      tpu.wait_dma2 semaphore(%run_scoped3A : memref<!tpu.dma_semaphore, #tpu.memory_space<semaphore_mem>>) src(%dma_wait3A_141 : memref<640xf32, #tpu.memory_space<vmem_shared>>) dst(%dma_wait3A_140 : memref<640xf32, #tpu.memory_space<hbm>>)
      tpu.yield
    }) : () -> ()
    return
  }
}

#map = affine_map<(d0, d1) -> (0, 0)>
#map1 = affine_map<(d0, d1) -> (0)>
#map2 = affine_map<(d0, d1) -> (0, 0, 0)>
module attributes {stable_mosaic.version = 14 : i64} {
  func.func @_mp_body(%arg0: i32, %arg1: i32, %arg2: memref<10240x128xf32, #tpu.memory_space<hbm>>, %arg3: memref<327680xi32, #tpu.memory_space<hbm>>, %arg4: memref<327680xi32, #tpu.memory_space<hbm>>, %arg5: memref<10240x128xf32, #tpu.memory_space<hbm>>, %arg6: memref<2x10112x128xf32, #tpu.memory_space<hbm>>, %arg7: memref<128x128xf32, #tpu.memory_space<vmem>>, %arg8: memref<128x128xf32, #tpu.memory_space<vmem>>, %arg9: memref<128x128xf32, #tpu.memory_space<vmem>>, %arg10: memref<128xi32, #tpu.memory_space<vmem>>, %arg11: memref<128xi32, #tpu.memory_space<vmem>>, %arg12: memref<128xi32, #tpu.memory_space<vmem>>, %arg13: memref<128xi32, #tpu.memory_space<vmem>>, %arg14: memref<128xi32, #tpu.memory_space<vmem>>, %arg15: memref<128xi32, #tpu.memory_space<vmem>>, %arg16: memref<128xi32, #tpu.memory_space<vmem>>, %arg17: memref<10112x128xf32, #tpu.memory_space<vmem_shared>>, %arg18: memref<!tpu.dma_semaphore, #tpu.memory_space<semaphore_mem>>, %arg19: memref<!tpu.dma_semaphore, #tpu.memory_space<semaphore_mem>>, %arg20: memref<!tpu.dma_semaphore, #tpu.memory_space<semaphore_mem>>, %arg21: memref<!tpu.dma_semaphore, #tpu.memory_space<semaphore_mem>>, %arg22: memref<!tpu.dma_semaphore, #tpu.memory_space<semaphore_mem>>, %arg23: memref<!tpu.dma_semaphore, #tpu.memory_space<semaphore_mem>>, %arg24: memref<!tpu.dma_semaphore, #tpu.memory_space<semaphore_mem>>, %arg25: memref<!tpu.dma_semaphore, #tpu.memory_space<semaphore_mem>>, %arg26: memref<!tpu.dma_semaphore, #tpu.memory_space<semaphore_mem>>, %arg27: memref<!tpu.dma_semaphore, #tpu.memory_space<semaphore_mem>>, %arg28: memref<!tpu.dma_semaphore, #tpu.memory_space<semaphore_mem>>, %arg29: memref<!tpu.dma_semaphore, #tpu.memory_space<semaphore_mem>>, %arg30: memref<!tpu.dma_semaphore, #tpu.memory_space<semaphore_mem>>) attributes {dimension_semantics = [#tpu.dimension_semantics<core_parallel>, #tpu.dimension_semantics<subcore_parallel>], iteration_bounds = array<i64: 2, 16>, scalar_prefetch = 0 : i64, scratch_operands = 24 : i64, tpu.core_type = #tpu.core_type<sc_vector_subcore>, window_params = [{transform_indices = #map}, {transform_indices = #map1}, {transform_indices = #map1}, {transform_indices = #map}, {transform_indices = #map2}]} {
    %mul3A = arith.constant 2 : i32
    %mul3A_0 = arith.muli %arg1, %mul3A : i32
    %add3A = arith.addi %mul3A_0, %arg0 : i32
    %mul3A_1 = arith.constant 10240 : i32
    %mul3A_2 = arith.muli %add3A, %mul3A_1 : i32
    %mul3A_3 = arith.constant 632 : i32
    %mul3A_4 = arith.muli %arg1, %mul3A_3 : i32
    %mul3A_5 = arith.constant 632 : i32
    %mul3A_6 = arith.muli %arg1, %mul3A_5 : i32
    "tpu.region"() ({
      %run_scoped3A = tpu.sem_alloc : memref<!tpu.dma_semaphore, #tpu.memory_space<semaphore_mem>>
      %dma_start3A_189 = arith.constant 0 : i32
      %dma_start3A_190 = tpu.memref_slice %arg17[%mul3A_6, %dma_start3A_189] : memref<10112x128xf32, #tpu.memory_space<vmem_shared>> -> memref<632x128xf32, #tpu.memory_space<vmem_shared>>
      %dma_start3A_191 = arith.constant 0 : i32
      %dma_start3A_192 = tpu.memref_slice %arg5[%mul3A_4, %dma_start3A_191] : memref<10240x128xf32, #tpu.memory_space<hbm>> -> memref<632x128xf32, #tpu.memory_space<hbm>>
      tpu.enqueue_dma source(%dma_start3A_192 : memref<632x128xf32, #tpu.memory_space<hbm>>) target(%dma_start3A_190 : memref<632x128xf32, #tpu.memory_space<vmem_shared>>) target_semaphore(%run_scoped3A : memref<!tpu.dma_semaphore, #tpu.memory_space<semaphore_mem>>)
      %dma_wait3A_193 = arith.constant 0 : i32
      %dma_wait3A_194 = tpu.memref_slice %arg17[%mul3A_6, %dma_wait3A_193] : memref<10112x128xf32, #tpu.memory_space<vmem_shared>> -> memref<632x128xf32, #tpu.memory_space<vmem_shared>>
      %dma_wait3A_195 = arith.constant 0 : i32
      %dma_wait3A_196 = tpu.memref_slice %arg5[%mul3A_4, %dma_wait3A_195] : memref<10240x128xf32, #tpu.memory_space<hbm>> -> memref<632x128xf32, #tpu.memory_space<hbm>>
      tpu.wait_dma2 semaphore(%run_scoped3A : memref<!tpu.dma_semaphore, #tpu.memory_space<semaphore_mem>>) src(%dma_wait3A_196 : memref<632x128xf32, #tpu.memory_space<hbm>>) dst(%dma_wait3A_194 : memref<632x128xf32, #tpu.memory_space<vmem_shared>>)
      tpu.yield
    }) : () -> ()
    "tpu.region"() ({
      %run_scoped3A = tpu.sem_alloc : memref<!tpu.dma_semaphore, #tpu.memory_space<semaphore_mem>>
      %dma_start3A_189 = tpu.memref_slice %arg3[%mul3A_2] : memref<327680xi32, #tpu.memory_space<hbm>> -> memref<128xi32, #tpu.memory_space<hbm>>
      %dma_start3A_190 = tpu.memref_slice %arg3[%mul3A_2] : memref<327680xi32, #tpu.memory_space<hbm>> -> memref<128xi32, #tpu.memory_space<hbm>>
      tpu.enqueue_dma source(%dma_start3A_190 : memref<128xi32, #tpu.memory_space<hbm>>) target(%arg10 : memref<128xi32, #tpu.memory_space<vmem>>) target_semaphore(%run_scoped3A : memref<!tpu.dma_semaphore, #tpu.memory_space<semaphore_mem>>)
      %dma_wait3A_191 = tpu.memref_slice %arg3[%mul3A_2] : memref<327680xi32, #tpu.memory_space<hbm>> -> memref<128xi32, #tpu.memory_space<hbm>>
      %dma_wait3A_192 = tpu.memref_slice %arg3[%mul3A_2] : memref<327680xi32, #tpu.memory_space<hbm>> -> memref<128xi32, #tpu.memory_space<hbm>>
      tpu.wait_dma2 semaphore(%run_scoped3A : memref<!tpu.dma_semaphore, #tpu.memory_space<semaphore_mem>>) src(%dma_wait3A_192 : memref<128xi32, #tpu.memory_space<hbm>>) dst(%arg10 : memref<128xi32, #tpu.memory_space<vmem>>)
      tpu.yield
    }) : () -> ()
    %add3A_7 = arith.constant 128 : i32
    %add3A_8 = arith.addi %mul3A_2, %add3A_7 : i32
    %dma_start3A = tpu.memref_slice %arg3[%add3A_8] : memref<327680xi32, #tpu.memory_space<hbm>> -> memref<128xi32, #tpu.memory_space<hbm>>
    %dma_start3A_9 = tpu.memref_slice %arg3[%add3A_8] : memref<327680xi32, #tpu.memory_space<hbm>> -> memref<128xi32, #tpu.memory_space<hbm>>
    tpu.enqueue_dma source(%dma_start3A_9 : memref<128xi32, #tpu.memory_space<hbm>>) target(%arg11 : memref<128xi32, #tpu.memory_space<vmem>>) target_semaphore(%arg25 : memref<!tpu.dma_semaphore, #tpu.memory_space<semaphore_mem>>)
    %add3A_10 = arith.constant 256 : i32
    %add3A_11 = arith.addi %mul3A_2, %add3A_10 : i32
    %dma_start3A_12 = tpu.memref_slice %arg3[%add3A_11] : memref<327680xi32, #tpu.memory_space<hbm>> -> memref<128xi32, #tpu.memory_space<hbm>>
    %dma_start3A_13 = tpu.memref_slice %arg3[%add3A_11] : memref<327680xi32, #tpu.memory_space<hbm>> -> memref<128xi32, #tpu.memory_space<hbm>>
    tpu.enqueue_dma source(%dma_start3A_13 : memref<128xi32, #tpu.memory_space<hbm>>) target(%arg12 : memref<128xi32, #tpu.memory_space<vmem>>) target_semaphore(%arg26 : memref<!tpu.dma_semaphore, #tpu.memory_space<semaphore_mem>>)
    %add3A_14 = arith.constant 384 : i32
    %add3A_15 = arith.addi %mul3A_2, %add3A_14 : i32
    %dma_start3A_16 = tpu.memref_slice %arg3[%add3A_15] : memref<327680xi32, #tpu.memory_space<hbm>> -> memref<128xi32, #tpu.memory_space<hbm>>
    %dma_start3A_17 = tpu.memref_slice %arg3[%add3A_15] : memref<327680xi32, #tpu.memory_space<hbm>> -> memref<128xi32, #tpu.memory_space<hbm>>
    tpu.enqueue_dma source(%dma_start3A_17 : memref<128xi32, #tpu.memory_space<hbm>>) target(%arg13 : memref<128xi32, #tpu.memory_space<vmem>>) target_semaphore(%arg27 : memref<!tpu.dma_semaphore, #tpu.memory_space<semaphore_mem>>)
    %add3A_18 = arith.constant 0 : i32
    %add3A_19 = arith.addi %mul3A_2, %add3A_18 : i32
    "tpu.region"() ({
      %run_scoped3A = tpu.sem_alloc : memref<!tpu.dma_semaphore, #tpu.memory_space<semaphore_mem>>
      %dma_start3A_189 = tpu.memref_slice %arg4[%add3A_19] : memref<327680xi32, #tpu.memory_space<hbm>> -> memref<128xi32, #tpu.memory_space<hbm>>
      %dma_start3A_190 = tpu.memref_slice %arg4[%add3A_19] : memref<327680xi32, #tpu.memory_space<hbm>> -> memref<128xi32, #tpu.memory_space<hbm>>
      tpu.enqueue_dma source(%dma_start3A_190 : memref<128xi32, #tpu.memory_space<hbm>>) target(%arg14 : memref<128xi32, #tpu.memory_space<vmem>>) target_semaphore(%run_scoped3A : memref<!tpu.dma_semaphore, #tpu.memory_space<semaphore_mem>>)
      %dma_wait3A_191 = tpu.memref_slice %arg4[%add3A_19] : memref<327680xi32, #tpu.memory_space<hbm>> -> memref<128xi32, #tpu.memory_space<hbm>>
      %dma_wait3A_192 = tpu.memref_slice %arg4[%add3A_19] : memref<327680xi32, #tpu.memory_space<hbm>> -> memref<128xi32, #tpu.memory_space<hbm>>
      tpu.wait_dma2 semaphore(%run_scoped3A : memref<!tpu.dma_semaphore, #tpu.memory_space<semaphore_mem>>) src(%dma_wait3A_192 : memref<128xi32, #tpu.memory_space<hbm>>) dst(%arg14 : memref<128xi32, #tpu.memory_space<vmem>>)
      tpu.yield
    }) : () -> ()
    %add3A_20 = arith.constant 128 : i32
    %add3A_21 = arith.addi %mul3A_2, %add3A_20 : i32
    "tpu.region"() ({
      %run_scoped3A = tpu.sem_alloc : memref<!tpu.dma_semaphore, #tpu.memory_space<semaphore_mem>>
      %dma_start3A_189 = tpu.memref_slice %arg4[%add3A_21] : memref<327680xi32, #tpu.memory_space<hbm>> -> memref<128xi32, #tpu.memory_space<hbm>>
      %dma_start3A_190 = tpu.memref_slice %arg4[%add3A_21] : memref<327680xi32, #tpu.memory_space<hbm>> -> memref<128xi32, #tpu.memory_space<hbm>>
      tpu.enqueue_dma source(%dma_start3A_190 : memref<128xi32, #tpu.memory_space<hbm>>) target(%arg15 : memref<128xi32, #tpu.memory_space<vmem>>) target_semaphore(%run_scoped3A : memref<!tpu.dma_semaphore, #tpu.memory_space<semaphore_mem>>)
      %dma_wait3A_191 = tpu.memref_slice %arg4[%add3A_21] : memref<327680xi32, #tpu.memory_space<hbm>> -> memref<128xi32, #tpu.memory_space<hbm>>
      %dma_wait3A_192 = tpu.memref_slice %arg4[%add3A_21] : memref<327680xi32, #tpu.memory_space<hbm>> -> memref<128xi32, #tpu.memory_space<hbm>>
      tpu.wait_dma2 semaphore(%run_scoped3A : memref<!tpu.dma_semaphore, #tpu.memory_space<semaphore_mem>>) src(%dma_wait3A_192 : memref<128xi32, #tpu.memory_space<hbm>>) dst(%arg15 : memref<128xi32, #tpu.memory_space<vmem>>)
      tpu.yield
    }) : () -> ()
    %add3A_22 = arith.constant 256 : i32
    %add3A_23 = arith.addi %mul3A_2, %add3A_22 : i32
    "tpu.region"() ({
      %run_scoped3A = tpu.sem_alloc : memref<!tpu.dma_semaphore, #tpu.memory_space<semaphore_mem>>
      %dma_start3A_189 = tpu.memref_slice %arg4[%add3A_23] : memref<327680xi32, #tpu.memory_space<hbm>> -> memref<128xi32, #tpu.memory_space<hbm>>
      %dma_start3A_190 = tpu.memref_slice %arg4[%add3A_23] : memref<327680xi32, #tpu.memory_space<hbm>> -> memref<128xi32, #tpu.memory_space<hbm>>
      tpu.enqueue_dma source(%dma_start3A_190 : memref<128xi32, #tpu.memory_space<hbm>>) target(%arg16 : memref<128xi32, #tpu.memory_space<vmem>>) target_semaphore(%run_scoped3A : memref<!tpu.dma_semaphore, #tpu.memory_space<semaphore_mem>>)
      %dma_wait3A_191 = tpu.memref_slice %arg4[%add3A_23] : memref<327680xi32, #tpu.memory_space<hbm>> -> memref<128xi32, #tpu.memory_space<hbm>>
      %dma_wait3A_192 = tpu.memref_slice %arg4[%add3A_23] : memref<327680xi32, #tpu.memory_space<hbm>> -> memref<128xi32, #tpu.memory_space<hbm>>
      tpu.wait_dma2 semaphore(%run_scoped3A : memref<!tpu.dma_semaphore, #tpu.memory_space<semaphore_mem>>) src(%dma_wait3A_192 : memref<128xi32, #tpu.memory_space<hbm>>) dst(%arg16 : memref<128xi32, #tpu.memory_space<vmem>>)
      tpu.yield
    }) : () -> ()
    %barrier3A = arith.constant 0 : index
    tpu.barrier barrier_id(%barrier3A)
    %dma_start3A_24 = arith.constant 0 : i32
    %dma_start3A_25 = arith.constant 0 : i32
    %dma_start3A_26 = tpu.memref_slice %arg2[%dma_start3A_24, %dma_start3A_25] : memref<10240x128xf32, #tpu.memory_space<hbm>> -> memref<10240x128xf32, #tpu.memory_space<hbm>>
    tpu.enqueue_indirect_dma source(%dma_start3A_26 : memref<10240x128xf32, #tpu.memory_space<hbm>>) target(%arg7 : memref<128x128xf32, #tpu.memory_space<vmem>>) offsets(%arg10 : memref<128xi32, #tpu.memory_space<vmem>>) semaphore(%arg18 : memref<!tpu.dma_semaphore, #tpu.memory_space<semaphore_mem>>)
    %dma_wait3A = tpu.memref_slice %arg3[%mul3A_2] : memref<327680xi32, #tpu.memory_space<hbm>> -> memref<128xi32, #tpu.memory_space<hbm>>
    %dma_wait3A_27 = tpu.memref_slice %arg3[%mul3A_2] : memref<327680xi32, #tpu.memory_space<hbm>> -> memref<128xi32, #tpu.memory_space<hbm>>
    tpu.wait_dma2 semaphore(%arg25 : memref<!tpu.dma_semaphore, #tpu.memory_space<semaphore_mem>>) src(%dma_wait3A_27 : memref<128xi32, #tpu.memory_space<hbm>>) dst(%arg11 : memref<128xi32, #tpu.memory_space<vmem>>)
    %dma_start3A_28 = arith.constant 0 : i32
    %dma_start3A_29 = arith.constant 0 : i32
    %dma_start3A_30 = tpu.memref_slice %arg2[%dma_start3A_28, %dma_start3A_29] : memref<10240x128xf32, #tpu.memory_space<hbm>> -> memref<10240x128xf32, #tpu.memory_space<hbm>>
    tpu.enqueue_indirect_dma source(%dma_start3A_30 : memref<10240x128xf32, #tpu.memory_space<hbm>>) target(%arg8 : memref<128x128xf32, #tpu.memory_space<vmem>>) offsets(%arg11 : memref<128xi32, #tpu.memory_space<vmem>>) semaphore(%arg19 : memref<!tpu.dma_semaphore, #tpu.memory_space<semaphore_mem>>)
    %dma_wait3A_31 = arith.constant 0 : i32
    %dma_wait3A_32 = arith.constant 0 : i32
    %dma_wait3A_33 = tpu.memref_slice %arg2[%dma_wait3A_31, %dma_wait3A_32] : memref<10240x128xf32, #tpu.memory_space<hbm>> -> memref<10240x128xf32, #tpu.memory_space<hbm>>
    tpu.wait_indirect_dma semaphore(%arg18 : memref<!tpu.dma_semaphore, #tpu.memory_space<semaphore_mem>>) src(%dma_wait3A_33 : memref<10240x128xf32, #tpu.memory_space<hbm>>) dst(%arg7 : memref<128x128xf32, #tpu.memory_space<vmem>>)
    %dma_start3A_34 = arith.constant 0 : i32
    %dma_start3A_35 = arith.constant 0 : i32
    %dma_start3A_36 = tpu.memref_slice %arg17[%dma_start3A_34, %dma_start3A_35] : memref<10112x128xf32, #tpu.memory_space<vmem_shared>> -> memref<10112x128xf32, #tpu.memory_space<vmem_shared>>
    tpu.enqueue_indirect_dma source(%arg7 : memref<128x128xf32, #tpu.memory_space<vmem>>) target(%dma_start3A_36 : memref<10112x128xf32, #tpu.memory_space<vmem_shared>>) offsets(%arg14 : memref<128xi32, #tpu.memory_space<vmem>>) semaphore(%arg21 : memref<!tpu.dma_semaphore, #tpu.memory_space<semaphore_mem>>) {add = true}
    %add3A_37 = arith.constant 512 : i32
    %add3A_38 = arith.addi %mul3A_2, %add3A_37 : i32
    %dma_start3A_39 = tpu.memref_slice %arg3[%add3A_38] : memref<327680xi32, #tpu.memory_space<hbm>> -> memref<128xi32, #tpu.memory_space<hbm>>
    %dma_start3A_40 = tpu.memref_slice %arg3[%add3A_38] : memref<327680xi32, #tpu.memory_space<hbm>> -> memref<128xi32, #tpu.memory_space<hbm>>
    tpu.enqueue_dma source(%dma_start3A_40 : memref<128xi32, #tpu.memory_space<hbm>>) target(%arg10 : memref<128xi32, #tpu.memory_space<vmem>>) target_semaphore(%arg24 : memref<!tpu.dma_semaphore, #tpu.memory_space<semaphore_mem>>)
    %dma_wait3A_41 = tpu.memref_slice %arg3[%mul3A_2] : memref<327680xi32, #tpu.memory_space<hbm>> -> memref<128xi32, #tpu.memory_space<hbm>>
    %dma_wait3A_42 = tpu.memref_slice %arg3[%mul3A_2] : memref<327680xi32, #tpu.memory_space<hbm>> -> memref<128xi32, #tpu.memory_space<hbm>>
    tpu.wait_dma2 semaphore(%arg26 : memref<!tpu.dma_semaphore, #tpu.memory_space<semaphore_mem>>) src(%dma_wait3A_42 : memref<128xi32, #tpu.memory_space<hbm>>) dst(%arg12 : memref<128xi32, #tpu.memory_space<vmem>>)
    %dma_start3A_43 = arith.constant 0 : i32
    %dma_start3A_44 = arith.constant 0 : i32
    %dma_start3A_45 = tpu.memref_slice %arg2[%dma_start3A_43, %dma_start3A_44] : memref<10240x128xf32, #tpu.memory_space<hbm>> -> memref<10240x128xf32, #tpu.memory_space<hbm>>
    tpu.enqueue_indirect_dma source(%dma_start3A_45 : memref<10240x128xf32, #tpu.memory_space<hbm>>) target(%arg9 : memref<128x128xf32, #tpu.memory_space<vmem>>) offsets(%arg12 : memref<128xi32, #tpu.memory_space<vmem>>) semaphore(%arg20 : memref<!tpu.dma_semaphore, #tpu.memory_space<semaphore_mem>>)
    %dma_wait3A_46 = arith.constant 0 : i32
    %dma_wait3A_47 = arith.constant 0 : i32
    %dma_wait3A_48 = tpu.memref_slice %arg17[%dma_wait3A_46, %dma_wait3A_47] : memref<10112x128xf32, #tpu.memory_space<vmem_shared>> -> memref<10112x128xf32, #tpu.memory_space<vmem_shared>>
    tpu.wait_indirect_dma semaphore(%arg21 : memref<!tpu.dma_semaphore, #tpu.memory_space<semaphore_mem>>) src(%arg7 : memref<128x128xf32, #tpu.memory_space<vmem>>) dst(%dma_wait3A_48 : memref<10112x128xf32, #tpu.memory_space<vmem_shared>>)
    %add3A_49 = arith.constant 384 : i32
    %add3A_50 = arith.addi %mul3A_2, %add3A_49 : i32
    %dma_start3A_51 = tpu.memref_slice %arg4[%add3A_50] : memref<327680xi32, #tpu.memory_space<hbm>> -> memref<128xi32, #tpu.memory_space<hbm>>
    %dma_start3A_52 = tpu.memref_slice %arg4[%add3A_50] : memref<327680xi32, #tpu.memory_space<hbm>> -> memref<128xi32, #tpu.memory_space<hbm>>
    tpu.enqueue_dma source(%dma_start3A_52 : memref<128xi32, #tpu.memory_space<hbm>>) target(%arg14 : memref<128xi32, #tpu.memory_space<vmem>>) target_semaphore(%arg28 : memref<!tpu.dma_semaphore, #tpu.memory_space<semaphore_mem>>)
    %dma_wait3A_53 = arith.constant 0 : i32
    %dma_wait3A_54 = arith.constant 0 : i32
    %dma_wait3A_55 = tpu.memref_slice %arg2[%dma_wait3A_53, %dma_wait3A_54] : memref<10240x128xf32, #tpu.memory_space<hbm>> -> memref<10240x128xf32, #tpu.memory_space<hbm>>
    tpu.wait_indirect_dma semaphore(%arg19 : memref<!tpu.dma_semaphore, #tpu.memory_space<semaphore_mem>>) src(%dma_wait3A_55 : memref<10240x128xf32, #tpu.memory_space<hbm>>) dst(%arg8 : memref<128x128xf32, #tpu.memory_space<vmem>>)
    %dma_start3A_56 = arith.constant 0 : i32
    %dma_start3A_57 = arith.constant 0 : i32
    %dma_start3A_58 = tpu.memref_slice %arg17[%dma_start3A_56, %dma_start3A_57] : memref<10112x128xf32, #tpu.memory_space<vmem_shared>> -> memref<10112x128xf32, #tpu.memory_space<vmem_shared>>
    tpu.enqueue_indirect_dma source(%arg8 : memref<128x128xf32, #tpu.memory_space<vmem>>) target(%dma_start3A_58 : memref<10112x128xf32, #tpu.memory_space<vmem_shared>>) offsets(%arg15 : memref<128xi32, #tpu.memory_space<vmem>>) semaphore(%arg22 : memref<!tpu.dma_semaphore, #tpu.memory_space<semaphore_mem>>) {add = true}
    %add3A_59 = arith.constant 640 : i32
    %add3A_60 = arith.addi %mul3A_2, %add3A_59 : i32
    %dma_start3A_61 = tpu.memref_slice %arg3[%add3A_60] : memref<327680xi32, #tpu.memory_space<hbm>> -> memref<128xi32, #tpu.memory_space<hbm>>
    %dma_start3A_62 = tpu.memref_slice %arg3[%add3A_60] : memref<327680xi32, #tpu.memory_space<hbm>> -> memref<128xi32, #tpu.memory_space<hbm>>
    tpu.enqueue_dma source(%dma_start3A_62 : memref<128xi32, #tpu.memory_space<hbm>>) target(%arg11 : memref<128xi32, #tpu.memory_space<vmem>>) target_semaphore(%arg25 : memref<!tpu.dma_semaphore, #tpu.memory_space<semaphore_mem>>)
    %dma_wait3A_63 = tpu.memref_slice %arg3[%mul3A_2] : memref<327680xi32, #tpu.memory_space<hbm>> -> memref<128xi32, #tpu.memory_space<hbm>>
    %dma_wait3A_64 = tpu.memref_slice %arg3[%mul3A_2] : memref<327680xi32, #tpu.memory_space<hbm>> -> memref<128xi32, #tpu.memory_space<hbm>>
    tpu.wait_dma2 semaphore(%arg27 : memref<!tpu.dma_semaphore, #tpu.memory_space<semaphore_mem>>) src(%dma_wait3A_64 : memref<128xi32, #tpu.memory_space<hbm>>) dst(%arg13 : memref<128xi32, #tpu.memory_space<vmem>>)
    %dma_start3A_65 = arith.constant 0 : i32
    %dma_start3A_66 = arith.constant 0 : i32
    %dma_start3A_67 = tpu.memref_slice %arg2[%dma_start3A_65, %dma_start3A_66] : memref<10240x128xf32, #tpu.memory_space<hbm>> -> memref<10240x128xf32, #tpu.memory_space<hbm>>
    tpu.enqueue_indirect_dma source(%dma_start3A_67 : memref<10240x128xf32, #tpu.memory_space<hbm>>) target(%arg7 : memref<128x128xf32, #tpu.memory_space<vmem>>) offsets(%arg13 : memref<128xi32, #tpu.memory_space<vmem>>) semaphore(%arg18 : memref<!tpu.dma_semaphore, #tpu.memory_space<semaphore_mem>>)
    %dma_wait3A_68 = arith.constant 0 : i32
    %dma_wait3A_69 = arith.constant 0 : i32
    %dma_wait3A_70 = tpu.memref_slice %arg17[%dma_wait3A_68, %dma_wait3A_69] : memref<10112x128xf32, #tpu.memory_space<vmem_shared>> -> memref<10112x128xf32, #tpu.memory_space<vmem_shared>>
    tpu.wait_indirect_dma semaphore(%arg22 : memref<!tpu.dma_semaphore, #tpu.memory_space<semaphore_mem>>) src(%arg8 : memref<128x128xf32, #tpu.memory_space<vmem>>) dst(%dma_wait3A_70 : memref<10112x128xf32, #tpu.memory_space<vmem_shared>>)
    %add3A_71 = arith.constant 512 : i32
    %add3A_72 = arith.addi %mul3A_2, %add3A_71 : i32
    %dma_start3A_73 = tpu.memref_slice %arg4[%add3A_72] : memref<327680xi32, #tpu.memory_space<hbm>> -> memref<128xi32, #tpu.memory_space<hbm>>
    %dma_start3A_74 = tpu.memref_slice %arg4[%add3A_72] : memref<327680xi32, #tpu.memory_space<hbm>> -> memref<128xi32, #tpu.memory_space<hbm>>
    tpu.enqueue_dma source(%dma_start3A_74 : memref<128xi32, #tpu.memory_space<hbm>>) target(%arg15 : memref<128xi32, #tpu.memory_space<vmem>>) target_semaphore(%arg29 : memref<!tpu.dma_semaphore, #tpu.memory_space<semaphore_mem>>)
    %dma_wait3A_75 = arith.constant 0 : i32
    %dma_wait3A_76 = arith.constant 0 : i32
    %dma_wait3A_77 = tpu.memref_slice %arg2[%dma_wait3A_75, %dma_wait3A_76] : memref<10240x128xf32, #tpu.memory_space<hbm>> -> memref<10240x128xf32, #tpu.memory_space<hbm>>
    tpu.wait_indirect_dma semaphore(%arg20 : memref<!tpu.dma_semaphore, #tpu.memory_space<semaphore_mem>>) src(%dma_wait3A_77 : memref<10240x128xf32, #tpu.memory_space<hbm>>) dst(%arg9 : memref<128x128xf32, #tpu.memory_space<vmem>>)
    %dma_start3A_78 = arith.constant 0 : i32
    %dma_start3A_79 = arith.constant 0 : i32
    %dma_start3A_80 = tpu.memref_slice %arg17[%dma_start3A_78, %dma_start3A_79] : memref<10112x128xf32, #tpu.memory_space<vmem_shared>> -> memref<10112x128xf32, #tpu.memory_space<vmem_shared>>
    tpu.enqueue_indirect_dma source(%arg9 : memref<128x128xf32, #tpu.memory_space<vmem>>) target(%dma_start3A_80 : memref<10112x128xf32, #tpu.memory_space<vmem_shared>>) offsets(%arg16 : memref<128xi32, #tpu.memory_space<vmem>>) semaphore(%arg23 : memref<!tpu.dma_semaphore, #tpu.memory_space<semaphore_mem>>) {add = true}
    %add3A_81 = arith.constant 768 : i32
    %add3A_82 = arith.addi %mul3A_2, %add3A_81 : i32
    %dma_start3A_83 = tpu.memref_slice %arg3[%add3A_82] : memref<327680xi32, #tpu.memory_space<hbm>> -> memref<128xi32, #tpu.memory_space<hbm>>
    %dma_start3A_84 = tpu.memref_slice %arg3[%add3A_82] : memref<327680xi32, #tpu.memory_space<hbm>> -> memref<128xi32, #tpu.memory_space<hbm>>
    tpu.enqueue_dma source(%dma_start3A_84 : memref<128xi32, #tpu.memory_space<hbm>>) target(%arg12 : memref<128xi32, #tpu.memory_space<vmem>>) target_semaphore(%arg26 : memref<!tpu.dma_semaphore, #tpu.memory_space<semaphore_mem>>)
    %dma_wait3A_85 = tpu.memref_slice %arg3[%mul3A_2] : memref<327680xi32, #tpu.memory_space<hbm>> -> memref<128xi32, #tpu.memory_space<hbm>>
    %dma_wait3A_86 = tpu.memref_slice %arg3[%mul3A_2] : memref<327680xi32, #tpu.memory_space<hbm>> -> memref<128xi32, #tpu.memory_space<hbm>>
    tpu.wait_dma2 semaphore(%arg24 : memref<!tpu.dma_semaphore, #tpu.memory_space<semaphore_mem>>) src(%dma_wait3A_86 : memref<128xi32, #tpu.memory_space<hbm>>) dst(%arg10 : memref<128xi32, #tpu.memory_space<vmem>>)
    %dma_start3A_87 = arith.constant 0 : i32
    %dma_start3A_88 = arith.constant 0 : i32
    %dma_start3A_89 = tpu.memref_slice %arg2[%dma_start3A_87, %dma_start3A_88] : memref<10240x128xf32, #tpu.memory_space<hbm>> -> memref<10240x128xf32, #tpu.memory_space<hbm>>
    tpu.enqueue_indirect_dma source(%dma_start3A_89 : memref<10240x128xf32, #tpu.memory_space<hbm>>) target(%arg8 : memref<128x128xf32, #tpu.memory_space<vmem>>) offsets(%arg10 : memref<128xi32, #tpu.memory_space<vmem>>) semaphore(%arg19 : memref<!tpu.dma_semaphore, #tpu.memory_space<semaphore_mem>>)
    %dma_wait3A_90 = arith.constant 0 : i32
    %dma_wait3A_91 = arith.constant 0 : i32
    %dma_wait3A_92 = tpu.memref_slice %arg17[%dma_wait3A_90, %dma_wait3A_91] : memref<10112x128xf32, #tpu.memory_space<vmem_shared>> -> memref<10112x128xf32, #tpu.memory_space<vmem_shared>>
    tpu.wait_indirect_dma semaphore(%arg23 : memref<!tpu.dma_semaphore, #tpu.memory_space<semaphore_mem>>) src(%arg9 : memref<128x128xf32, #tpu.memory_space<vmem>>) dst(%dma_wait3A_92 : memref<10112x128xf32, #tpu.memory_space<vmem_shared>>)
    %add3A_93 = arith.constant 640 : i32
    %add3A_94 = arith.addi %mul3A_2, %add3A_93 : i32
    %dma_start3A_95 = tpu.memref_slice %arg4[%add3A_94] : memref<327680xi32, #tpu.memory_space<hbm>> -> memref<128xi32, #tpu.memory_space<hbm>>
    %dma_start3A_96 = tpu.memref_slice %arg4[%add3A_94] : memref<327680xi32, #tpu.memory_space<hbm>> -> memref<128xi32, #tpu.memory_space<hbm>>
    tpu.enqueue_dma source(%dma_start3A_96 : memref<128xi32, #tpu.memory_space<hbm>>) target(%arg16 : memref<128xi32, #tpu.memory_space<vmem>>) target_semaphore(%arg30 : memref<!tpu.dma_semaphore, #tpu.memory_space<semaphore_mem>>)
    %dma_wait3A_97 = arith.constant 0 : i32
    %dma_wait3A_98 = arith.constant 0 : i32
    %dma_wait3A_99 = tpu.memref_slice %arg2[%dma_wait3A_97, %dma_wait3A_98] : memref<10240x128xf32, #tpu.memory_space<hbm>> -> memref<10240x128xf32, #tpu.memory_space<hbm>>
    tpu.wait_indirect_dma semaphore(%arg18 : memref<!tpu.dma_semaphore, #tpu.memory_space<semaphore_mem>>) src(%dma_wait3A_99 : memref<10240x128xf32, #tpu.memory_space<hbm>>) dst(%arg7 : memref<128x128xf32, #tpu.memory_space<vmem>>)
    %dma_wait3A_100 = tpu.memref_slice %arg4[%mul3A_2] : memref<327680xi32, #tpu.memory_space<hbm>> -> memref<128xi32, #tpu.memory_space<hbm>>
    %dma_wait3A_101 = tpu.memref_slice %arg4[%mul3A_2] : memref<327680xi32, #tpu.memory_space<hbm>> -> memref<128xi32, #tpu.memory_space<hbm>>
    tpu.wait_dma2 semaphore(%arg28 : memref<!tpu.dma_semaphore, #tpu.memory_space<semaphore_mem>>) src(%dma_wait3A_101 : memref<128xi32, #tpu.memory_space<hbm>>) dst(%arg14 : memref<128xi32, #tpu.memory_space<vmem>>)
    %dma_start3A_102 = arith.constant 0 : i32
    %dma_start3A_103 = arith.constant 0 : i32
    %dma_start3A_104 = tpu.memref_slice %arg17[%dma_start3A_102, %dma_start3A_103] : memref<10112x128xf32, #tpu.memory_space<vmem_shared>> -> memref<10112x128xf32, #tpu.memory_space<vmem_shared>>
    tpu.enqueue_indirect_dma source(%arg7 : memref<128x128xf32, #tpu.memory_space<vmem>>) target(%dma_start3A_104 : memref<10112x128xf32, #tpu.memory_space<vmem_shared>>) offsets(%arg14 : memref<128xi32, #tpu.memory_space<vmem>>) semaphore(%arg21 : memref<!tpu.dma_semaphore, #tpu.memory_space<semaphore_mem>>) {add = true}
    %add3A_105 = arith.constant 896 : i32
    %add3A_106 = arith.addi %mul3A_2, %add3A_105 : i32
    %dma_start3A_107 = tpu.memref_slice %arg3[%add3A_106] : memref<327680xi32, #tpu.memory_space<hbm>> -> memref<128xi32, #tpu.memory_space<hbm>>
    %dma_start3A_108 = tpu.memref_slice %arg3[%add3A_106] : memref<327680xi32, #tpu.memory_space<hbm>> -> memref<128xi32, #tpu.memory_space<hbm>>
    tpu.enqueue_dma source(%dma_start3A_108 : memref<128xi32, #tpu.memory_space<hbm>>) target(%arg13 : memref<128xi32, #tpu.memory_space<vmem>>) target_semaphore(%arg27 : memref<!tpu.dma_semaphore, #tpu.memory_space<semaphore_mem>>)
    %dma_wait3A_109 = tpu.memref_slice %arg3[%mul3A_2] : memref<327680xi32, #tpu.memory_space<hbm>> -> memref<128xi32, #tpu.memory_space<hbm>>
    %dma_wait3A_110 = tpu.memref_slice %arg3[%mul3A_2] : memref<327680xi32, #tpu.memory_space<hbm>> -> memref<128xi32, #tpu.memory_space<hbm>>
    tpu.wait_dma2 semaphore(%arg25 : memref<!tpu.dma_semaphore, #tpu.memory_space<semaphore_mem>>) src(%dma_wait3A_110 : memref<128xi32, #tpu.memory_space<hbm>>) dst(%arg11 : memref<128xi32, #tpu.memory_space<vmem>>)
    %dma_start3A_111 = arith.constant 0 : i32
    %dma_start3A_112 = arith.constant 0 : i32
    %dma_start3A_113 = tpu.memref_slice %arg2[%dma_start3A_111, %dma_start3A_112] : memref<10240x128xf32, #tpu.memory_space<hbm>> -> memref<10240x128xf32, #tpu.memory_space<hbm>>
    tpu.enqueue_indirect_dma source(%dma_start3A_113 : memref<10240x128xf32, #tpu.memory_space<hbm>>) target(%arg9 : memref<128x128xf32, #tpu.memory_space<vmem>>) offsets(%arg11 : memref<128xi32, #tpu.memory_space<vmem>>) semaphore(%arg20 : memref<!tpu.dma_semaphore, #tpu.memory_space<semaphore_mem>>)
    %scan3A = arith.constant 0 : i32
    %scan3A_114 = arith.constant 0 : i32
    %scan3A_115 = arith.constant 6 : i32
    %scan3A_116 = arith.addi %scan3A_114, %scan3A_115 : i32
    %scan3A_117 = arith.constant 1 : i32
    scf.for %scan3A_189 = %scan3A_114 to %scan3A_116 step %scan3A_117  : i32 {
      %mul3A_190 = arith.constant 12 : i32
      %mul3A_191 = arith.muli %mul3A_190, %scan3A_189 : i32
      %add3A_192 = arith.constant 6 : i32
      %add3A_193 = arith.addi %add3A_192, %mul3A_191 : i32
      %add3A_194 = arith.constant 0 : i32
      %add3A_195 = arith.addi %add3A_193, %add3A_194 : i32
      %dma_wait3A_196 = arith.constant 0 : i32
      %dma_wait3A_197 = arith.constant 0 : i32
      %dma_wait3A_198 = tpu.memref_slice %arg17[%dma_wait3A_196, %dma_wait3A_197] : memref<10112x128xf32, #tpu.memory_space<vmem_shared>> -> memref<10112x128xf32, #tpu.memory_space<vmem_shared>>
      tpu.wait_indirect_dma semaphore(%arg21 : memref<!tpu.dma_semaphore, #tpu.memory_space<semaphore_mem>>) src(%arg7 : memref<128x128xf32, #tpu.memory_space<vmem>>) dst(%dma_wait3A_198 : memref<10112x128xf32, #tpu.memory_space<vmem_shared>>)
      %mul3A_199 = arith.constant 128 : i32
      %mul3A_200 = arith.muli %add3A_195, %mul3A_199 : i32
      %add3A_201 = arith.addi %mul3A_2, %mul3A_200 : i32
      %dma_start3A_202 = tpu.memref_slice %arg4[%add3A_201] : memref<327680xi32, #tpu.memory_space<hbm>> -> memref<128xi32, #tpu.memory_space<hbm>>
      %dma_start3A_203 = tpu.memref_slice %arg4[%add3A_201] : memref<327680xi32, #tpu.memory_space<hbm>> -> memref<128xi32, #tpu.memory_space<hbm>>
      tpu.enqueue_dma source(%dma_start3A_203 : memref<128xi32, #tpu.memory_space<hbm>>) target(%arg14 : memref<128xi32, #tpu.memory_space<vmem>>) target_semaphore(%arg28 : memref<!tpu.dma_semaphore, #tpu.memory_space<semaphore_mem>>)
      %dma_wait3A_204 = arith.constant 0 : i32
      %dma_wait3A_205 = arith.constant 0 : i32
      %dma_wait3A_206 = tpu.memref_slice %arg2[%dma_wait3A_204, %dma_wait3A_205] : memref<10240x128xf32, #tpu.memory_space<hbm>> -> memref<10240x128xf32, #tpu.memory_space<hbm>>
      tpu.wait_indirect_dma semaphore(%arg19 : memref<!tpu.dma_semaphore, #tpu.memory_space<semaphore_mem>>) src(%dma_wait3A_206 : memref<10240x128xf32, #tpu.memory_space<hbm>>) dst(%arg8 : memref<128x128xf32, #tpu.memory_space<vmem>>)
      %dma_wait3A_207 = tpu.memref_slice %arg4[%mul3A_2] : memref<327680xi32, #tpu.memory_space<hbm>> -> memref<128xi32, #tpu.memory_space<hbm>>
      %dma_wait3A_208 = tpu.memref_slice %arg4[%mul3A_2] : memref<327680xi32, #tpu.memory_space<hbm>> -> memref<128xi32, #tpu.memory_space<hbm>>
      tpu.wait_dma2 semaphore(%arg29 : memref<!tpu.dma_semaphore, #tpu.memory_space<semaphore_mem>>) src(%dma_wait3A_208 : memref<128xi32, #tpu.memory_space<hbm>>) dst(%arg15 : memref<128xi32, #tpu.memory_space<vmem>>)
      %dma_start3A_209 = arith.constant 0 : i32
      %dma_start3A_210 = arith.constant 0 : i32
      %dma_start3A_211 = tpu.memref_slice %arg17[%dma_start3A_209, %dma_start3A_210] : memref<10112x128xf32, #tpu.memory_space<vmem_shared>> -> memref<10112x128xf32, #tpu.memory_space<vmem_shared>>
      tpu.enqueue_indirect_dma source(%arg8 : memref<128x128xf32, #tpu.memory_space<vmem>>) target(%dma_start3A_211 : memref<10112x128xf32, #tpu.memory_space<vmem_shared>>) offsets(%arg15 : memref<128xi32, #tpu.memory_space<vmem>>) semaphore(%arg22 : memref<!tpu.dma_semaphore, #tpu.memory_space<semaphore_mem>>) {add = true}
      %add3A_212 = arith.constant 2 : i32
      %add3A_213 = arith.addi %add3A_195, %add3A_212 : i32
      %mul3A_214 = arith.constant 128 : i32
      %mul3A_215 = arith.muli %add3A_213, %mul3A_214 : i32
      %add3A_216 = arith.addi %mul3A_2, %mul3A_215 : i32
      %dma_start3A_217 = tpu.memref_slice %arg3[%add3A_216] : memref<327680xi32, #tpu.memory_space<hbm>> -> memref<128xi32, #tpu.memory_space<hbm>>
      %dma_start3A_218 = tpu.memref_slice %arg3[%add3A_216] : memref<327680xi32, #tpu.memory_space<hbm>> -> memref<128xi32, #tpu.memory_space<hbm>>
      tpu.enqueue_dma source(%dma_start3A_218 : memref<128xi32, #tpu.memory_space<hbm>>) target(%arg10 : memref<128xi32, #tpu.memory_space<vmem>>) target_semaphore(%arg24 : memref<!tpu.dma_semaphore, #tpu.memory_space<semaphore_mem>>)
      %dma_wait3A_219 = tpu.memref_slice %arg3[%mul3A_2] : memref<327680xi32, #tpu.memory_space<hbm>> -> memref<128xi32, #tpu.memory_space<hbm>>
      %dma_wait3A_220 = tpu.memref_slice %arg3[%mul3A_2] : memref<327680xi32, #tpu.memory_space<hbm>> -> memref<128xi32, #tpu.memory_space<hbm>>
      tpu.wait_dma2 semaphore(%arg26 : memref<!tpu.dma_semaphore, #tpu.memory_space<semaphore_mem>>) src(%dma_wait3A_220 : memref<128xi32, #tpu.memory_space<hbm>>) dst(%arg12 : memref<128xi32, #tpu.memory_space<vmem>>)
      %dma_start3A_221 = arith.constant 0 : i32
      %dma_start3A_222 = arith.constant 0 : i32
      %dma_start3A_223 = tpu.memref_slice %arg2[%dma_start3A_221, %dma_start3A_222] : memref<10240x128xf32, #tpu.memory_space<hbm>> -> memref<10240x128xf32, #tpu.memory_space<hbm>>
      tpu.enqueue_indirect_dma source(%dma_start3A_223 : memref<10240x128xf32, #tpu.memory_space<hbm>>) target(%arg7 : memref<128x128xf32, #tpu.memory_space<vmem>>) offsets(%arg12 : memref<128xi32, #tpu.memory_space<vmem>>) semaphore(%arg18 : memref<!tpu.dma_semaphore, #tpu.memory_space<semaphore_mem>>)
      %mul3A_224 = arith.constant 12 : i32
      %mul3A_225 = arith.muli %mul3A_224, %scan3A_189 : i32
      %add3A_226 = arith.constant 6 : i32
      %add3A_227 = arith.addi %add3A_226, %mul3A_225 : i32
      %add3A_228 = arith.constant 1 : i32
      %add3A_229 = arith.addi %add3A_227, %add3A_228 : i32
      %dma_wait3A_230 = arith.constant 0 : i32
      %dma_wait3A_231 = arith.constant 0 : i32
      %dma_wait3A_232 = tpu.memref_slice %arg17[%dma_wait3A_230, %dma_wait3A_231] : memref<10112x128xf32, #tpu.memory_space<vmem_shared>> -> memref<10112x128xf32, #tpu.memory_space<vmem_shared>>
      tpu.wait_indirect_dma semaphore(%arg22 : memref<!tpu.dma_semaphore, #tpu.memory_space<semaphore_mem>>) src(%arg8 : memref<128x128xf32, #tpu.memory_space<vmem>>) dst(%dma_wait3A_232 : memref<10112x128xf32, #tpu.memory_space<vmem_shared>>)
      %mul3A_233 = arith.constant 128 : i32
      %mul3A_234 = arith.muli %add3A_229, %mul3A_233 : i32
      %add3A_235 = arith.addi %mul3A_2, %mul3A_234 : i32
      %dma_start3A_236 = tpu.memref_slice %arg4[%add3A_235] : memref<327680xi32, #tpu.memory_space<hbm>> -> memref<128xi32, #tpu.memory_space<hbm>>
      %dma_start3A_237 = tpu.memref_slice %arg4[%add3A_235] : memref<327680xi32, #tpu.memory_space<hbm>> -> memref<128xi32, #tpu.memory_space<hbm>>
      tpu.enqueue_dma source(%dma_start3A_237 : memref<128xi32, #tpu.memory_space<hbm>>) target(%arg15 : memref<128xi32, #tpu.memory_space<vmem>>) target_semaphore(%arg29 : memref<!tpu.dma_semaphore, #tpu.memory_space<semaphore_mem>>)
      %dma_wait3A_238 = arith.constant 0 : i32
      %dma_wait3A_239 = arith.constant 0 : i32
      %dma_wait3A_240 = tpu.memref_slice %arg2[%dma_wait3A_238, %dma_wait3A_239] : memref<10240x128xf32, #tpu.memory_space<hbm>> -> memref<10240x128xf32, #tpu.memory_space<hbm>>
      tpu.wait_indirect_dma semaphore(%arg20 : memref<!tpu.dma_semaphore, #tpu.memory_space<semaphore_mem>>) src(%dma_wait3A_240 : memref<10240x128xf32, #tpu.memory_space<hbm>>) dst(%arg9 : memref<128x128xf32, #tpu.memory_space<vmem>>)
      %dma_wait3A_241 = tpu.memref_slice %arg4[%mul3A_2] : memref<327680xi32, #tpu.memory_space<hbm>> -> memref<128xi32, #tpu.memory_space<hbm>>
      %dma_wait3A_242 = tpu.memref_slice %arg4[%mul3A_2] : memref<327680xi32, #tpu.memory_space<hbm>> -> memref<128xi32, #tpu.memory_space<hbm>>
      tpu.wait_dma2 semaphore(%arg30 : memref<!tpu.dma_semaphore, #tpu.memory_space<semaphore_mem>>) src(%dma_wait3A_242 : memref<128xi32, #tpu.memory_space<hbm>>) dst(%arg16 : memref<128xi32, #tpu.memory_space<vmem>>)
      %dma_start3A_243 = arith.constant 0 : i32
      %dma_start3A_244 = arith.constant 0 : i32
      %dma_start3A_245 = tpu.memref_slice %arg17[%dma_start3A_243, %dma_start3A_244] : memref<10112x128xf32, #tpu.memory_space<vmem_shared>> -> memref<10112x128xf32, #tpu.memory_space<vmem_shared>>
      tpu.enqueue_indirect_dma source(%arg9 : memref<128x128xf32, #tpu.memory_space<vmem>>) target(%dma_start3A_245 : memref<10112x128xf32, #tpu.memory_space<vmem_shared>>) offsets(%arg16 : memref<128xi32, #tpu.memory_space<vmem>>) semaphore(%arg23 : memref<!tpu.dma_semaphore, #tpu.memory_space<semaphore_mem>>) {add = true}
      %add3A_246 = arith.constant 2 : i32
      %add3A_247 = arith.addi %add3A_229, %add3A_246 : i32
      %mul3A_248 = arith.constant 128 : i32
      %mul3A_249 = arith.muli %add3A_247, %mul3A_248 : i32
      %add3A_250 = arith.addi %mul3A_2, %mul3A_249 : i32
      %dma_start3A_251 = tpu.memref_slice %arg3[%add3A_250] : memref<327680xi32, #tpu.memory_space<hbm>> -> memref<128xi32, #tpu.memory_space<hbm>>
      %dma_start3A_252 = tpu.memref_slice %arg3[%add3A_250] : memref<327680xi32, #tpu.memory_space<hbm>> -> memref<128xi32, #tpu.memory_space<hbm>>
      tpu.enqueue_dma source(%dma_start3A_252 : memref<128xi32, #tpu.memory_space<hbm>>) target(%arg11 : memref<128xi32, #tpu.memory_space<vmem>>) target_semaphore(%arg25 : memref<!tpu.dma_semaphore, #tpu.memory_space<semaphore_mem>>)
      %dma_wait3A_253 = tpu.memref_slice %arg3[%mul3A_2] : memref<327680xi32, #tpu.memory_space<hbm>> -> memref<128xi32, #tpu.memory_space<hbm>>
      %dma_wait3A_254 = tpu.memref_slice %arg3[%mul3A_2] : memref<327680xi32, #tpu.memory_space<hbm>> -> memref<128xi32, #tpu.memory_space<hbm>>
      tpu.wait_dma2 semaphore(%arg27 : memref<!tpu.dma_semaphore, #tpu.memory_space<semaphore_mem>>) src(%dma_wait3A_254 : memref<128xi32, #tpu.memory_space<hbm>>) dst(%arg13 : memref<128xi32, #tpu.memory_space<vmem>>)
      %dma_start3A_255 = arith.constant 0 : i32
      %dma_start3A_256 = arith.constant 0 : i32
      %dma_start3A_257 = tpu.memref_slice %arg2[%dma_start3A_255, %dma_start3A_256] : memref<10240x128xf32, #tpu.memory_space<hbm>> -> memref<10240x128xf32, #tpu.memory_space<hbm>>
      tpu.enqueue_indirect_dma source(%dma_start3A_257 : memref<10240x128xf32, #tpu.memory_space<hbm>>) target(%arg8 : memref<128x128xf32, #tpu.memory_space<vmem>>) offsets(%arg13 : memref<128xi32, #tpu.memory_space<vmem>>) semaphore(%arg19 : memref<!tpu.dma_semaphore, #tpu.memory_space<semaphore_mem>>)
      %mul3A_258 = arith.constant 12 : i32
      %mul3A_259 = arith.muli %mul3A_258, %scan3A_189 : i32
      %add3A_260 = arith.constant 6 : i32
      %add3A_261 = arith.addi %add3A_260, %mul3A_259 : i32
      %add3A_262 = arith.constant 2 : i32
      %add3A_263 = arith.addi %add3A_261, %add3A_262 : i32
      %dma_wait3A_264 = arith.constant 0 : i32
      %dma_wait3A_265 = arith.constant 0 : i32
      %dma_wait3A_266 = tpu.memref_slice %arg17[%dma_wait3A_264, %dma_wait3A_265] : memref<10112x128xf32, #tpu.memory_space<vmem_shared>> -> memref<10112x128xf32, #tpu.memory_space<vmem_shared>>
      tpu.wait_indirect_dma semaphore(%arg23 : memref<!tpu.dma_semaphore, #tpu.memory_space<semaphore_mem>>) src(%arg9 : memref<128x128xf32, #tpu.memory_space<vmem>>) dst(%dma_wait3A_266 : memref<10112x128xf32, #tpu.memory_space<vmem_shared>>)
      %mul3A_267 = arith.constant 128 : i32
      %mul3A_268 = arith.muli %add3A_263, %mul3A_267 : i32
      %add3A_269 = arith.addi %mul3A_2, %mul3A_268 : i32
      %dma_start3A_270 = tpu.memref_slice %arg4[%add3A_269] : memref<327680xi32, #tpu.memory_space<hbm>> -> memref<128xi32, #tpu.memory_space<hbm>>
      %dma_start3A_271 = tpu.memref_slice %arg4[%add3A_269] : memref<327680xi32, #tpu.memory_space<hbm>> -> memref<128xi32, #tpu.memory_space<hbm>>
      tpu.enqueue_dma source(%dma_start3A_271 : memref<128xi32, #tpu.memory_space<hbm>>) target(%arg16 : memref<128xi32, #tpu.memory_space<vmem>>) target_semaphore(%arg30 : memref<!tpu.dma_semaphore, #tpu.memory_space<semaphore_mem>>)
      %dma_wait3A_272 = arith.constant 0 : i32
      %dma_wait3A_273 = arith.constant 0 : i32
      %dma_wait3A_274 = tpu.memref_slice %arg2[%dma_wait3A_272, %dma_wait3A_273] : memref<10240x128xf32, #tpu.memory_space<hbm>> -> memref<10240x128xf32, #tpu.memory_space<hbm>>
      tpu.wait_indirect_dma semaphore(%arg18 : memref<!tpu.dma_semaphore, #tpu.memory_space<semaphore_mem>>) src(%dma_wait3A_274 : memref<10240x128xf32, #tpu.memory_space<hbm>>) dst(%arg7 : memref<128x128xf32, #tpu.memory_space<vmem>>)
      %dma_wait3A_275 = tpu.memref_slice %arg4[%mul3A_2] : memref<327680xi32, #tpu.memory_space<hbm>> -> memref<128xi32, #tpu.memory_space<hbm>>
      %dma_wait3A_276 = tpu.memref_slice %arg4[%mul3A_2] : memref<327680xi32, #tpu.memory_space<hbm>> -> memref<128xi32, #tpu.memory_space<hbm>>
      tpu.wait_dma2 semaphore(%arg28 : memref<!tpu.dma_semaphore, #tpu.memory_space<semaphore_mem>>) src(%dma_wait3A_276 : memref<128xi32, #tpu.memory_space<hbm>>) dst(%arg14 : memref<128xi32, #tpu.memory_space<vmem>>)
      %dma_start3A_277 = arith.constant 0 : i32
      %dma_start3A_278 = arith.constant 0 : i32
      %dma_start3A_279 = tpu.memref_slice %arg17[%dma_start3A_277, %dma_start3A_278] : memref<10112x128xf32, #tpu.memory_space<vmem_shared>> -> memref<10112x128xf32, #tpu.memory_space<vmem_shared>>
      tpu.enqueue_indirect_dma source(%arg7 : memref<128x128xf32, #tpu.memory_space<vmem>>) target(%dma_start3A_279 : memref<10112x128xf32, #tpu.memory_space<vmem_shared>>) offsets(%arg14 : memref<128xi32, #tpu.memory_space<vmem>>) semaphore(%arg21 : memref<!tpu.dma_semaphore, #tpu.memory_space<semaphore_mem>>) {add = true}
      %add3A_280 = arith.constant 2 : i32
      %add3A_281 = arith.addi %add3A_263, %add3A_280 : i32
      %mul3A_282 = arith.constant 128 : i32
      %mul3A_283 = arith.muli %add3A_281, %mul3A_282 : i32
      %add3A_284 = arith.addi %mul3A_2, %mul3A_283 : i32
      %dma_start3A_285 = tpu.memref_slice %arg3[%add3A_284] : memref<327680xi32, #tpu.memory_space<hbm>> -> memref<128xi32, #tpu.memory_space<hbm>>
      %dma_start3A_286 = tpu.memref_slice %arg3[%add3A_284] : memref<327680xi32, #tpu.memory_space<hbm>> -> memref<128xi32, #tpu.memory_space<hbm>>
      tpu.enqueue_dma source(%dma_start3A_286 : memref<128xi32, #tpu.memory_space<hbm>>) target(%arg12 : memref<128xi32, #tpu.memory_space<vmem>>) target_semaphore(%arg26 : memref<!tpu.dma_semaphore, #tpu.memory_space<semaphore_mem>>)
      %dma_wait3A_287 = tpu.memref_slice %arg3[%mul3A_2] : memref<327680xi32, #tpu.memory_space<hbm>> -> memref<128xi32, #tpu.memory_space<hbm>>
      %dma_wait3A_288 = tpu.memref_slice %arg3[%mul3A_2] : memref<327680xi32, #tpu.memory_space<hbm>> -> memref<128xi32, #tpu.memory_space<hbm>>
      tpu.wait_dma2 semaphore(%arg24 : memref<!tpu.dma_semaphore, #tpu.memory_space<semaphore_mem>>) src(%dma_wait3A_288 : memref<128xi32, #tpu.memory_space<hbm>>) dst(%arg10 : memref<128xi32, #tpu.memory_space<vmem>>)
      %dma_start3A_289 = arith.constant 0 : i32
      %dma_start3A_290 = arith.constant 0 : i32
      %dma_start3A_291 = tpu.memref_slice %arg2[%dma_start3A_289, %dma_start3A_290] : memref<10240x128xf32, #tpu.memory_space<hbm>> -> memref<10240x128xf32, #tpu.memory_space<hbm>>
      tpu.enqueue_indirect_dma source(%dma_start3A_291 : memref<10240x128xf32, #tpu.memory_space<hbm>>) target(%arg9 : memref<128x128xf32, #tpu.memory_space<vmem>>) offsets(%arg10 : memref<128xi32, #tpu.memory_space<vmem>>) semaphore(%arg20 : memref<!tpu.dma_semaphore, #tpu.memory_space<semaphore_mem>>)
      %mul3A_292 = arith.constant 12 : i32
      %mul3A_293 = arith.muli %mul3A_292, %scan3A_189 : i32
      %add3A_294 = arith.constant 6 : i32
      %add3A_295 = arith.addi %add3A_294, %mul3A_293 : i32
      %add3A_296 = arith.constant 3 : i32
      %add3A_297 = arith.addi %add3A_295, %add3A_296 : i32
      %dma_wait3A_298 = arith.constant 0 : i32
      %dma_wait3A_299 = arith.constant 0 : i32
      %dma_wait3A_300 = tpu.memref_slice %arg17[%dma_wait3A_298, %dma_wait3A_299] : memref<10112x128xf32, #tpu.memory_space<vmem_shared>> -> memref<10112x128xf32, #tpu.memory_space<vmem_shared>>
      tpu.wait_indirect_dma semaphore(%arg21 : memref<!tpu.dma_semaphore, #tpu.memory_space<semaphore_mem>>) src(%arg7 : memref<128x128xf32, #tpu.memory_space<vmem>>) dst(%dma_wait3A_300 : memref<10112x128xf32, #tpu.memory_space<vmem_shared>>)
      %mul3A_301 = arith.constant 128 : i32
      %mul3A_302 = arith.muli %add3A_297, %mul3A_301 : i32
      %add3A_303 = arith.addi %mul3A_2, %mul3A_302 : i32
      %dma_start3A_304 = tpu.memref_slice %arg4[%add3A_303] : memref<327680xi32, #tpu.memory_space<hbm>> -> memref<128xi32, #tpu.memory_space<hbm>>
      %dma_start3A_305 = tpu.memref_slice %arg4[%add3A_303] : memref<327680xi32, #tpu.memory_space<hbm>> -> memref<128xi32, #tpu.memory_space<hbm>>
      tpu.enqueue_dma source(%dma_start3A_305 : memref<128xi32, #tpu.memory_space<hbm>>) target(%arg14 : memref<128xi32, #tpu.memory_space<vmem>>) target_semaphore(%arg28 : memref<!tpu.dma_semaphore, #tpu.memory_space<semaphore_mem>>)
      %dma_wait3A_306 = arith.constant 0 : i32
      %dma_wait3A_307 = arith.constant 0 : i32
      %dma_wait3A_308 = tpu.memref_slice %arg2[%dma_wait3A_306, %dma_wait3A_307] : memref<10240x128xf32, #tpu.memory_space<hbm>> -> memref<10240x128xf32, #tpu.memory_space<hbm>>
      tpu.wait_indirect_dma semaphore(%arg19 : memref<!tpu.dma_semaphore, #tpu.memory_space<semaphore_mem>>) src(%dma_wait3A_308 : memref<10240x128xf32, #tpu.memory_space<hbm>>) dst(%arg8 : memref<128x128xf32, #tpu.memory_space<vmem>>)
      %dma_wait3A_309 = tpu.memref_slice %arg4[%mul3A_2] : memref<327680xi32, #tpu.memory_space<hbm>> -> memref<128xi32, #tpu.memory_space<hbm>>
      %dma_wait3A_310 = tpu.memref_slice %arg4[%mul3A_2] : memref<327680xi32, #tpu.memory_space<hbm>> -> memref<128xi32, #tpu.memory_space<hbm>>
      tpu.wait_dma2 semaphore(%arg29 : memref<!tpu.dma_semaphore, #tpu.memory_space<semaphore_mem>>) src(%dma_wait3A_310 : memref<128xi32, #tpu.memory_space<hbm>>) dst(%arg15 : memref<128xi32, #tpu.memory_space<vmem>>)
      %dma_start3A_311 = arith.constant 0 : i32
      %dma_start3A_312 = arith.constant 0 : i32
      %dma_start3A_313 = tpu.memref_slice %arg17[%dma_start3A_311, %dma_start3A_312] : memref<10112x128xf32, #tpu.memory_space<vmem_shared>> -> memref<10112x128xf32, #tpu.memory_space<vmem_shared>>
      tpu.enqueue_indirect_dma source(%arg8 : memref<128x128xf32, #tpu.memory_space<vmem>>) target(%dma_start3A_313 : memref<10112x128xf32, #tpu.memory_space<vmem_shared>>) offsets(%arg15 : memref<128xi32, #tpu.memory_space<vmem>>) semaphore(%arg22 : memref<!tpu.dma_semaphore, #tpu.memory_space<semaphore_mem>>) {add = true}
      %add3A_314 = arith.constant 2 : i32
      %add3A_315 = arith.addi %add3A_297, %add3A_314 : i32
      %mul3A_316 = arith.constant 128 : i32
      %mul3A_317 = arith.muli %add3A_315, %mul3A_316 : i32
      %add3A_318 = arith.addi %mul3A_2, %mul3A_317 : i32
      %dma_start3A_319 = tpu.memref_slice %arg3[%add3A_318] : memref<327680xi32, #tpu.memory_space<hbm>> -> memref<128xi32, #tpu.memory_space<hbm>>
      %dma_start3A_320 = tpu.memref_slice %arg3[%add3A_318] : memref<327680xi32, #tpu.memory_space<hbm>> -> memref<128xi32, #tpu.memory_space<hbm>>
      tpu.enqueue_dma source(%dma_start3A_320 : memref<128xi32, #tpu.memory_space<hbm>>) target(%arg13 : memref<128xi32, #tpu.memory_space<vmem>>) target_semaphore(%arg27 : memref<!tpu.dma_semaphore, #tpu.memory_space<semaphore_mem>>)
      %dma_wait3A_321 = tpu.memref_slice %arg3[%mul3A_2] : memref<327680xi32, #tpu.memory_space<hbm>> -> memref<128xi32, #tpu.memory_space<hbm>>
      %dma_wait3A_322 = tpu.memref_slice %arg3[%mul3A_2] : memref<327680xi32, #tpu.memory_space<hbm>> -> memref<128xi32, #tpu.memory_space<hbm>>
      tpu.wait_dma2 semaphore(%arg25 : memref<!tpu.dma_semaphore, #tpu.memory_space<semaphore_mem>>) src(%dma_wait3A_322 : memref<128xi32, #tpu.memory_space<hbm>>) dst(%arg11 : memref<128xi32, #tpu.memory_space<vmem>>)
      %dma_start3A_323 = arith.constant 0 : i32
      %dma_start3A_324 = arith.constant 0 : i32
      %dma_start3A_325 = tpu.memref_slice %arg2[%dma_start3A_323, %dma_start3A_324] : memref<10240x128xf32, #tpu.memory_space<hbm>> -> memref<10240x128xf32, #tpu.memory_space<hbm>>
      tpu.enqueue_indirect_dma source(%dma_start3A_325 : memref<10240x128xf32, #tpu.memory_space<hbm>>) target(%arg7 : memref<128x128xf32, #tpu.memory_space<vmem>>) offsets(%arg11 : memref<128xi32, #tpu.memory_space<vmem>>) semaphore(%arg18 : memref<!tpu.dma_semaphore, #tpu.memory_space<semaphore_mem>>)
      %mul3A_326 = arith.constant 12 : i32
      %mul3A_327 = arith.muli %mul3A_326, %scan3A_189 : i32
      %add3A_328 = arith.constant 6 : i32
      %add3A_329 = arith.addi %add3A_328, %mul3A_327 : i32
      %add3A_330 = arith.constant 4 : i32
      %add3A_331 = arith.addi %add3A_329, %add3A_330 : i32
      %dma_wait3A_332 = arith.constant 0 : i32
      %dma_wait3A_333 = arith.constant 0 : i32
      %dma_wait3A_334 = tpu.memref_slice %arg17[%dma_wait3A_332, %dma_wait3A_333] : memref<10112x128xf32, #tpu.memory_space<vmem_shared>> -> memref<10112x128xf32, #tpu.memory_space<vmem_shared>>
      tpu.wait_indirect_dma semaphore(%arg22 : memref<!tpu.dma_semaphore, #tpu.memory_space<semaphore_mem>>) src(%arg8 : memref<128x128xf32, #tpu.memory_space<vmem>>) dst(%dma_wait3A_334 : memref<10112x128xf32, #tpu.memory_space<vmem_shared>>)
      %mul3A_335 = arith.constant 128 : i32
      %mul3A_336 = arith.muli %add3A_331, %mul3A_335 : i32
      %add3A_337 = arith.addi %mul3A_2, %mul3A_336 : i32
      %dma_start3A_338 = tpu.memref_slice %arg4[%add3A_337] : memref<327680xi32, #tpu.memory_space<hbm>> -> memref<128xi32, #tpu.memory_space<hbm>>
      %dma_start3A_339 = tpu.memref_slice %arg4[%add3A_337] : memref<327680xi32, #tpu.memory_space<hbm>> -> memref<128xi32, #tpu.memory_space<hbm>>
      tpu.enqueue_dma source(%dma_start3A_339 : memref<128xi32, #tpu.memory_space<hbm>>) target(%arg15 : memref<128xi32, #tpu.memory_space<vmem>>) target_semaphore(%arg29 : memref<!tpu.dma_semaphore, #tpu.memory_space<semaphore_mem>>)
      %dma_wait3A_340 = arith.constant 0 : i32
      %dma_wait3A_341 = arith.constant 0 : i32
      %dma_wait3A_342 = tpu.memref_slice %arg2[%dma_wait3A_340, %dma_wait3A_341] : memref<10240x128xf32, #tpu.memory_space<hbm>> -> memref<10240x128xf32, #tpu.memory_space<hbm>>
      tpu.wait_indirect_dma semaphore(%arg20 : memref<!tpu.dma_semaphore, #tpu.memory_space<semaphore_mem>>) src(%dma_wait3A_342 : memref<10240x128xf32, #tpu.memory_space<hbm>>) dst(%arg9 : memref<128x128xf32, #tpu.memory_space<vmem>>)
      %dma_wait3A_343 = tpu.memref_slice %arg4[%mul3A_2] : memref<327680xi32, #tpu.memory_space<hbm>> -> memref<128xi32, #tpu.memory_space<hbm>>
      %dma_wait3A_344 = tpu.memref_slice %arg4[%mul3A_2] : memref<327680xi32, #tpu.memory_space<hbm>> -> memref<128xi32, #tpu.memory_space<hbm>>
      tpu.wait_dma2 semaphore(%arg30 : memref<!tpu.dma_semaphore, #tpu.memory_space<semaphore_mem>>) src(%dma_wait3A_344 : memref<128xi32, #tpu.memory_space<hbm>>) dst(%arg16 : memref<128xi32, #tpu.memory_space<vmem>>)
      %dma_start3A_345 = arith.constant 0 : i32
      %dma_start3A_346 = arith.constant 0 : i32
      %dma_start3A_347 = tpu.memref_slice %arg17[%dma_start3A_345, %dma_start3A_346] : memref<10112x128xf32, #tpu.memory_space<vmem_shared>> -> memref<10112x128xf32, #tpu.memory_space<vmem_shared>>
      tpu.enqueue_indirect_dma source(%arg9 : memref<128x128xf32, #tpu.memory_space<vmem>>) target(%dma_start3A_347 : memref<10112x128xf32, #tpu.memory_space<vmem_shared>>) offsets(%arg16 : memref<128xi32, #tpu.memory_space<vmem>>) semaphore(%arg23 : memref<!tpu.dma_semaphore, #tpu.memory_space<semaphore_mem>>) {add = true}
      %add3A_348 = arith.constant 2 : i32
      %add3A_349 = arith.addi %add3A_331, %add3A_348 : i32
      %mul3A_350 = arith.constant 128 : i32
      %mul3A_351 = arith.muli %add3A_349, %mul3A_350 : i32
      %add3A_352 = arith.addi %mul3A_2, %mul3A_351 : i32
      %dma_start3A_353 = tpu.memref_slice %arg3[%add3A_352] : memref<327680xi32, #tpu.memory_space<hbm>> -> memref<128xi32, #tpu.memory_space<hbm>>
      %dma_start3A_354 = tpu.memref_slice %arg3[%add3A_352] : memref<327680xi32, #tpu.memory_space<hbm>> -> memref<128xi32, #tpu.memory_space<hbm>>
      tpu.enqueue_dma source(%dma_start3A_354 : memref<128xi32, #tpu.memory_space<hbm>>) target(%arg10 : memref<128xi32, #tpu.memory_space<vmem>>) target_semaphore(%arg24 : memref<!tpu.dma_semaphore, #tpu.memory_space<semaphore_mem>>)
      %dma_wait3A_355 = tpu.memref_slice %arg3[%mul3A_2] : memref<327680xi32, #tpu.memory_space<hbm>> -> memref<128xi32, #tpu.memory_space<hbm>>
      %dma_wait3A_356 = tpu.memref_slice %arg3[%mul3A_2] : memref<327680xi32, #tpu.memory_space<hbm>> -> memref<128xi32, #tpu.memory_space<hbm>>
      tpu.wait_dma2 semaphore(%arg26 : memref<!tpu.dma_semaphore, #tpu.memory_space<semaphore_mem>>) src(%dma_wait3A_356 : memref<128xi32, #tpu.memory_space<hbm>>) dst(%arg12 : memref<128xi32, #tpu.memory_space<vmem>>)
      %dma_start3A_357 = arith.constant 0 : i32
      %dma_start3A_358 = arith.constant 0 : i32
      %dma_start3A_359 = tpu.memref_slice %arg2[%dma_start3A_357, %dma_start3A_358] : memref<10240x128xf32, #tpu.memory_space<hbm>> -> memref<10240x128xf32, #tpu.memory_space<hbm>>
      tpu.enqueue_indirect_dma source(%dma_start3A_359 : memref<10240x128xf32, #tpu.memory_space<hbm>>) target(%arg8 : memref<128x128xf32, #tpu.memory_space<vmem>>) offsets(%arg12 : memref<128xi32, #tpu.memory_space<vmem>>) semaphore(%arg19 : memref<!tpu.dma_semaphore, #tpu.memory_space<semaphore_mem>>)
      %mul3A_360 = arith.constant 12 : i32
      %mul3A_361 = arith.muli %mul3A_360, %scan3A_189 : i32
      %add3A_362 = arith.constant 6 : i32
      %add3A_363 = arith.addi %add3A_362, %mul3A_361 : i32
      %add3A_364 = arith.constant 5 : i32
      %add3A_365 = arith.addi %add3A_363, %add3A_364 : i32
      %dma_wait3A_366 = arith.constant 0 : i32
      %dma_wait3A_367 = arith.constant 0 : i32
      %dma_wait3A_368 = tpu.memref_slice %arg17[%dma_wait3A_366, %dma_wait3A_367] : memref<10112x128xf32, #tpu.memory_space<vmem_shared>> -> memref<10112x128xf32, #tpu.memory_space<vmem_shared>>
      tpu.wait_indirect_dma semaphore(%arg23 : memref<!tpu.dma_semaphore, #tpu.memory_space<semaphore_mem>>) src(%arg9 : memref<128x128xf32, #tpu.memory_space<vmem>>) dst(%dma_wait3A_368 : memref<10112x128xf32, #tpu.memory_space<vmem_shared>>)
      %mul3A_369 = arith.constant 128 : i32
      %mul3A_370 = arith.muli %add3A_365, %mul3A_369 : i32
      %add3A_371 = arith.addi %mul3A_2, %mul3A_370 : i32
      %dma_start3A_372 = tpu.memref_slice %arg4[%add3A_371] : memref<327680xi32, #tpu.memory_space<hbm>> -> memref<128xi32, #tpu.memory_space<hbm>>
      %dma_start3A_373 = tpu.memref_slice %arg4[%add3A_371] : memref<327680xi32, #tpu.memory_space<hbm>> -> memref<128xi32, #tpu.memory_space<hbm>>
      tpu.enqueue_dma source(%dma_start3A_373 : memref<128xi32, #tpu.memory_space<hbm>>) target(%arg16 : memref<128xi32, #tpu.memory_space<vmem>>) target_semaphore(%arg30 : memref<!tpu.dma_semaphore, #tpu.memory_space<semaphore_mem>>)
      %dma_wait3A_374 = arith.constant 0 : i32
      %dma_wait3A_375 = arith.constant 0 : i32
      %dma_wait3A_376 = tpu.memref_slice %arg2[%dma_wait3A_374, %dma_wait3A_375] : memref<10240x128xf32, #tpu.memory_space<hbm>> -> memref<10240x128xf32, #tpu.memory_space<hbm>>
      tpu.wait_indirect_dma semaphore(%arg18 : memref<!tpu.dma_semaphore, #tpu.memory_space<semaphore_mem>>) src(%dma_wait3A_376 : memref<10240x128xf32, #tpu.memory_space<hbm>>) dst(%arg7 : memref<128x128xf32, #tpu.memory_space<vmem>>)
      %dma_wait3A_377 = tpu.memref_slice %arg4[%mul3A_2] : memref<327680xi32, #tpu.memory_space<hbm>> -> memref<128xi32, #tpu.memory_space<hbm>>
      %dma_wait3A_378 = tpu.memref_slice %arg4[%mul3A_2] : memref<327680xi32, #tpu.memory_space<hbm>> -> memref<128xi32, #tpu.memory_space<hbm>>
      tpu.wait_dma2 semaphore(%arg28 : memref<!tpu.dma_semaphore, #tpu.memory_space<semaphore_mem>>) src(%dma_wait3A_378 : memref<128xi32, #tpu.memory_space<hbm>>) dst(%arg14 : memref<128xi32, #tpu.memory_space<vmem>>)
      %dma_start3A_379 = arith.constant 0 : i32
      %dma_start3A_380 = arith.constant 0 : i32
      %dma_start3A_381 = tpu.memref_slice %arg17[%dma_start3A_379, %dma_start3A_380] : memref<10112x128xf32, #tpu.memory_space<vmem_shared>> -> memref<10112x128xf32, #tpu.memory_space<vmem_shared>>
      tpu.enqueue_indirect_dma source(%arg7 : memref<128x128xf32, #tpu.memory_space<vmem>>) target(%dma_start3A_381 : memref<10112x128xf32, #tpu.memory_space<vmem_shared>>) offsets(%arg14 : memref<128xi32, #tpu.memory_space<vmem>>) semaphore(%arg21 : memref<!tpu.dma_semaphore, #tpu.memory_space<semaphore_mem>>) {add = true}
      %add3A_382 = arith.constant 2 : i32
      %add3A_383 = arith.addi %add3A_365, %add3A_382 : i32
      %mul3A_384 = arith.constant 128 : i32
      %mul3A_385 = arith.muli %add3A_383, %mul3A_384 : i32
      %add3A_386 = arith.addi %mul3A_2, %mul3A_385 : i32
      %dma_start3A_387 = tpu.memref_slice %arg3[%add3A_386] : memref<327680xi32, #tpu.memory_space<hbm>> -> memref<128xi32, #tpu.memory_space<hbm>>
      %dma_start3A_388 = tpu.memref_slice %arg3[%add3A_386] : memref<327680xi32, #tpu.memory_space<hbm>> -> memref<128xi32, #tpu.memory_space<hbm>>
      tpu.enqueue_dma source(%dma_start3A_388 : memref<128xi32, #tpu.memory_space<hbm>>) target(%arg11 : memref<128xi32, #tpu.memory_space<vmem>>) target_semaphore(%arg25 : memref<!tpu.dma_semaphore, #tpu.memory_space<semaphore_mem>>)
      %dma_wait3A_389 = tpu.memref_slice %arg3[%mul3A_2] : memref<327680xi32, #tpu.memory_space<hbm>> -> memref<128xi32, #tpu.memory_space<hbm>>
      %dma_wait3A_390 = tpu.memref_slice %arg3[%mul3A_2] : memref<327680xi32, #tpu.memory_space<hbm>> -> memref<128xi32, #tpu.memory_space<hbm>>
      tpu.wait_dma2 semaphore(%arg27 : memref<!tpu.dma_semaphore, #tpu.memory_space<semaphore_mem>>) src(%dma_wait3A_390 : memref<128xi32, #tpu.memory_space<hbm>>) dst(%arg13 : memref<128xi32, #tpu.memory_space<vmem>>)
      %dma_start3A_391 = arith.constant 0 : i32
      %dma_start3A_392 = arith.constant 0 : i32
      %dma_start3A_393 = tpu.memref_slice %arg2[%dma_start3A_391, %dma_start3A_392] : memref<10240x128xf32, #tpu.memory_space<hbm>> -> memref<10240x128xf32, #tpu.memory_space<hbm>>
      tpu.enqueue_indirect_dma source(%dma_start3A_393 : memref<10240x128xf32, #tpu.memory_space<hbm>>) target(%arg9 : memref<128x128xf32, #tpu.memory_space<vmem>>) offsets(%arg13 : memref<128xi32, #tpu.memory_space<vmem>>) semaphore(%arg20 : memref<!tpu.dma_semaphore, #tpu.memory_space<semaphore_mem>>)
      %mul3A_394 = arith.constant 12 : i32
      %mul3A_395 = arith.muli %mul3A_394, %scan3A_189 : i32
      %add3A_396 = arith.constant 6 : i32
      %add3A_397 = arith.addi %add3A_396, %mul3A_395 : i32
      %add3A_398 = arith.constant 6 : i32
      %add3A_399 = arith.addi %add3A_397, %add3A_398 : i32
      %dma_wait3A_400 = arith.constant 0 : i32
      %dma_wait3A_401 = arith.constant 0 : i32
      %dma_wait3A_402 = tpu.memref_slice %arg17[%dma_wait3A_400, %dma_wait3A_401] : memref<10112x128xf32, #tpu.memory_space<vmem_shared>> -> memref<10112x128xf32, #tpu.memory_space<vmem_shared>>
      tpu.wait_indirect_dma semaphore(%arg21 : memref<!tpu.dma_semaphore, #tpu.memory_space<semaphore_mem>>) src(%arg7 : memref<128x128xf32, #tpu.memory_space<vmem>>) dst(%dma_wait3A_402 : memref<10112x128xf32, #tpu.memory_space<vmem_shared>>)
      %mul3A_403 = arith.constant 128 : i32
      %mul3A_404 = arith.muli %add3A_399, %mul3A_403 : i32
      %add3A_405 = arith.addi %mul3A_2, %mul3A_404 : i32
      %dma_start3A_406 = tpu.memref_slice %arg4[%add3A_405] : memref<327680xi32, #tpu.memory_space<hbm>> -> memref<128xi32, #tpu.memory_space<hbm>>
      %dma_start3A_407 = tpu.memref_slice %arg4[%add3A_405] : memref<327680xi32, #tpu.memory_space<hbm>> -> memref<128xi32, #tpu.memory_space<hbm>>
      tpu.enqueue_dma source(%dma_start3A_407 : memref<128xi32, #tpu.memory_space<hbm>>) target(%arg14 : memref<128xi32, #tpu.memory_space<vmem>>) target_semaphore(%arg28 : memref<!tpu.dma_semaphore, #tpu.memory_space<semaphore_mem>>)
      %dma_wait3A_408 = arith.constant 0 : i32
      %dma_wait3A_409 = arith.constant 0 : i32
      %dma_wait3A_410 = tpu.memref_slice %arg2[%dma_wait3A_408, %dma_wait3A_409] : memref<10240x128xf32, #tpu.memory_space<hbm>> -> memref<10240x128xf32, #tpu.memory_space<hbm>>
      tpu.wait_indirect_dma semaphore(%arg19 : memref<!tpu.dma_semaphore, #tpu.memory_space<semaphore_mem>>) src(%dma_wait3A_410 : memref<10240x128xf32, #tpu.memory_space<hbm>>) dst(%arg8 : memref<128x128xf32, #tpu.memory_space<vmem>>)
      %dma_wait3A_411 = tpu.memref_slice %arg4[%mul3A_2] : memref<327680xi32, #tpu.memory_space<hbm>> -> memref<128xi32, #tpu.memory_space<hbm>>
      %dma_wait3A_412 = tpu.memref_slice %arg4[%mul3A_2] : memref<327680xi32, #tpu.memory_space<hbm>> -> memref<128xi32, #tpu.memory_space<hbm>>
      tpu.wait_dma2 semaphore(%arg29 : memref<!tpu.dma_semaphore, #tpu.memory_space<semaphore_mem>>) src(%dma_wait3A_412 : memref<128xi32, #tpu.memory_space<hbm>>) dst(%arg15 : memref<128xi32, #tpu.memory_space<vmem>>)
      %dma_start3A_413 = arith.constant 0 : i32
      %dma_start3A_414 = arith.constant 0 : i32
      %dma_start3A_415 = tpu.memref_slice %arg17[%dma_start3A_413, %dma_start3A_414] : memref<10112x128xf32, #tpu.memory_space<vmem_shared>> -> memref<10112x128xf32, #tpu.memory_space<vmem_shared>>
      tpu.enqueue_indirect_dma source(%arg8 : memref<128x128xf32, #tpu.memory_space<vmem>>) target(%dma_start3A_415 : memref<10112x128xf32, #tpu.memory_space<vmem_shared>>) offsets(%arg15 : memref<128xi32, #tpu.memory_space<vmem>>) semaphore(%arg22 : memref<!tpu.dma_semaphore, #tpu.memory_space<semaphore_mem>>) {add = true}
      %add3A_416 = arith.constant 2 : i32
      %add3A_417 = arith.addi %add3A_399, %add3A_416 : i32
      %mul3A_418 = arith.constant 128 : i32
      %mul3A_419 = arith.muli %add3A_417, %mul3A_418 : i32
      %add3A_420 = arith.addi %mul3A_2, %mul3A_419 : i32
      %dma_start3A_421 = tpu.memref_slice %arg3[%add3A_420] : memref<327680xi32, #tpu.memory_space<hbm>> -> memref<128xi32, #tpu.memory_space<hbm>>
      %dma_start3A_422 = tpu.memref_slice %arg3[%add3A_420] : memref<327680xi32, #tpu.memory_space<hbm>> -> memref<128xi32, #tpu.memory_space<hbm>>
      tpu.enqueue_dma source(%dma_start3A_422 : memref<128xi32, #tpu.memory_space<hbm>>) target(%arg12 : memref<128xi32, #tpu.memory_space<vmem>>) target_semaphore(%arg26 : memref<!tpu.dma_semaphore, #tpu.memory_space<semaphore_mem>>)
      %dma_wait3A_423 = tpu.memref_slice %arg3[%mul3A_2] : memref<327680xi32, #tpu.memory_space<hbm>> -> memref<128xi32, #tpu.memory_space<hbm>>
      %dma_wait3A_424 = tpu.memref_slice %arg3[%mul3A_2] : memref<327680xi32, #tpu.memory_space<hbm>> -> memref<128xi32, #tpu.memory_space<hbm>>
      tpu.wait_dma2 semaphore(%arg24 : memref<!tpu.dma_semaphore, #tpu.memory_space<semaphore_mem>>) src(%dma_wait3A_424 : memref<128xi32, #tpu.memory_space<hbm>>) dst(%arg10 : memref<128xi32, #tpu.memory_space<vmem>>)
      %dma_start3A_425 = arith.constant 0 : i32
      %dma_start3A_426 = arith.constant 0 : i32
      %dma_start3A_427 = tpu.memref_slice %arg2[%dma_start3A_425, %dma_start3A_426] : memref<10240x128xf32, #tpu.memory_space<hbm>> -> memref<10240x128xf32, #tpu.memory_space<hbm>>
      tpu.enqueue_indirect_dma source(%dma_start3A_427 : memref<10240x128xf32, #tpu.memory_space<hbm>>) target(%arg7 : memref<128x128xf32, #tpu.memory_space<vmem>>) offsets(%arg10 : memref<128xi32, #tpu.memory_space<vmem>>) semaphore(%arg18 : memref<!tpu.dma_semaphore, #tpu.memory_space<semaphore_mem>>)
      %mul3A_428 = arith.constant 12 : i32
      %mul3A_429 = arith.muli %mul3A_428, %scan3A_189 : i32
      %add3A_430 = arith.constant 6 : i32
      %add3A_431 = arith.addi %add3A_430, %mul3A_429 : i32
      %add3A_432 = arith.constant 7 : i32
      %add3A_433 = arith.addi %add3A_431, %add3A_432 : i32
      %dma_wait3A_434 = arith.constant 0 : i32
      %dma_wait3A_435 = arith.constant 0 : i32
      %dma_wait3A_436 = tpu.memref_slice %arg17[%dma_wait3A_434, %dma_wait3A_435] : memref<10112x128xf32, #tpu.memory_space<vmem_shared>> -> memref<10112x128xf32, #tpu.memory_space<vmem_shared>>
      tpu.wait_indirect_dma semaphore(%arg22 : memref<!tpu.dma_semaphore, #tpu.memory_space<semaphore_mem>>) src(%arg8 : memref<128x128xf32, #tpu.memory_space<vmem>>) dst(%dma_wait3A_436 : memref<10112x128xf32, #tpu.memory_space<vmem_shared>>)
      %mul3A_437 = arith.constant 128 : i32
      %mul3A_438 = arith.muli %add3A_433, %mul3A_437 : i32
      %add3A_439 = arith.addi %mul3A_2, %mul3A_438 : i32
      %dma_start3A_440 = tpu.memref_slice %arg4[%add3A_439] : memref<327680xi32, #tpu.memory_space<hbm>> -> memref<128xi32, #tpu.memory_space<hbm>>
      %dma_start3A_441 = tpu.memref_slice %arg4[%add3A_439] : memref<327680xi32, #tpu.memory_space<hbm>> -> memref<128xi32, #tpu.memory_space<hbm>>
      tpu.enqueue_dma source(%dma_start3A_441 : memref<128xi32, #tpu.memory_space<hbm>>) target(%arg15 : memref<128xi32, #tpu.memory_space<vmem>>) target_semaphore(%arg29 : memref<!tpu.dma_semaphore, #tpu.memory_space<semaphore_mem>>)
      %dma_wait3A_442 = arith.constant 0 : i32
      %dma_wait3A_443 = arith.constant 0 : i32
      %dma_wait3A_444 = tpu.memref_slice %arg2[%dma_wait3A_442, %dma_wait3A_443] : memref<10240x128xf32, #tpu.memory_space<hbm>> -> memref<10240x128xf32, #tpu.memory_space<hbm>>
      tpu.wait_indirect_dma semaphore(%arg20 : memref<!tpu.dma_semaphore, #tpu.memory_space<semaphore_mem>>) src(%dma_wait3A_444 : memref<10240x128xf32, #tpu.memory_space<hbm>>) dst(%arg9 : memref<128x128xf32, #tpu.memory_space<vmem>>)
      %dma_wait3A_445 = tpu.memref_slice %arg4[%mul3A_2] : memref<327680xi32, #tpu.memory_space<hbm>> -> memref<128xi32, #tpu.memory_space<hbm>>
      %dma_wait3A_446 = tpu.memref_slice %arg4[%mul3A_2] : memref<327680xi32, #tpu.memory_space<hbm>> -> memref<128xi32, #tpu.memory_space<hbm>>
      tpu.wait_dma2 semaphore(%arg30 : memref<!tpu.dma_semaphore, #tpu.memory_space<semaphore_mem>>) src(%dma_wait3A_446 : memref<128xi32, #tpu.memory_space<hbm>>) dst(%arg16 : memref<128xi32, #tpu.memory_space<vmem>>)
      %dma_start3A_447 = arith.constant 0 : i32
      %dma_start3A_448 = arith.constant 0 : i32
      %dma_start3A_449 = tpu.memref_slice %arg17[%dma_start3A_447, %dma_start3A_448] : memref<10112x128xf32, #tpu.memory_space<vmem_shared>> -> memref<10112x128xf32, #tpu.memory_space<vmem_shared>>
      tpu.enqueue_indirect_dma source(%arg9 : memref<128x128xf32, #tpu.memory_space<vmem>>) target(%dma_start3A_449 : memref<10112x128xf32, #tpu.memory_space<vmem_shared>>) offsets(%arg16 : memref<128xi32, #tpu.memory_space<vmem>>) semaphore(%arg23 : memref<!tpu.dma_semaphore, #tpu.memory_space<semaphore_mem>>) {add = true}
      %add3A_450 = arith.constant 2 : i32
      %add3A_451 = arith.addi %add3A_433, %add3A_450 : i32
      %mul3A_452 = arith.constant 128 : i32
      %mul3A_453 = arith.muli %add3A_451, %mul3A_452 : i32
      %add3A_454 = arith.addi %mul3A_2, %mul3A_453 : i32
      %dma_start3A_455 = tpu.memref_slice %arg3[%add3A_454] : memref<327680xi32, #tpu.memory_space<hbm>> -> memref<128xi32, #tpu.memory_space<hbm>>
      %dma_start3A_456 = tpu.memref_slice %arg3[%add3A_454] : memref<327680xi32, #tpu.memory_space<hbm>> -> memref<128xi32, #tpu.memory_space<hbm>>
      tpu.enqueue_dma source(%dma_start3A_456 : memref<128xi32, #tpu.memory_space<hbm>>) target(%arg13 : memref<128xi32, #tpu.memory_space<vmem>>) target_semaphore(%arg27 : memref<!tpu.dma_semaphore, #tpu.memory_space<semaphore_mem>>)
      %dma_wait3A_457 = tpu.memref_slice %arg3[%mul3A_2] : memref<327680xi32, #tpu.memory_space<hbm>> -> memref<128xi32, #tpu.memory_space<hbm>>
      %dma_wait3A_458 = tpu.memref_slice %arg3[%mul3A_2] : memref<327680xi32, #tpu.memory_space<hbm>> -> memref<128xi32, #tpu.memory_space<hbm>>
      tpu.wait_dma2 semaphore(%arg25 : memref<!tpu.dma_semaphore, #tpu.memory_space<semaphore_mem>>) src(%dma_wait3A_458 : memref<128xi32, #tpu.memory_space<hbm>>) dst(%arg11 : memref<128xi32, #tpu.memory_space<vmem>>)
      %dma_start3A_459 = arith.constant 0 : i32
      %dma_start3A_460 = arith.constant 0 : i32
      %dma_start3A_461 = tpu.memref_slice %arg2[%dma_start3A_459, %dma_start3A_460] : memref<10240x128xf32, #tpu.memory_space<hbm>> -> memref<10240x128xf32, #tpu.memory_space<hbm>>
      tpu.enqueue_indirect_dma source(%dma_start3A_461 : memref<10240x128xf32, #tpu.memory_space<hbm>>) target(%arg8 : memref<128x128xf32, #tpu.memory_space<vmem>>) offsets(%arg11 : memref<128xi32, #tpu.memory_space<vmem>>) semaphore(%arg19 : memref<!tpu.dma_semaphore, #tpu.memory_space<semaphore_mem>>)
      %mul3A_462 = arith.constant 12 : i32
      %mul3A_463 = arith.muli %mul3A_462, %scan3A_189 : i32
      %add3A_464 = arith.constant 6 : i32
      %add3A_465 = arith.addi %add3A_464, %mul3A_463 : i32
      %add3A_466 = arith.constant 8 : i32
      %add3A_467 = arith.addi %add3A_465, %add3A_466 : i32
      %dma_wait3A_468 = arith.constant 0 : i32
      %dma_wait3A_469 = arith.constant 0 : i32
      %dma_wait3A_470 = tpu.memref_slice %arg17[%dma_wait3A_468, %dma_wait3A_469] : memref<10112x128xf32, #tpu.memory_space<vmem_shared>> -> memref<10112x128xf32, #tpu.memory_space<vmem_shared>>
      tpu.wait_indirect_dma semaphore(%arg23 : memref<!tpu.dma_semaphore, #tpu.memory_space<semaphore_mem>>) src(%arg9 : memref<128x128xf32, #tpu.memory_space<vmem>>) dst(%dma_wait3A_470 : memref<10112x128xf32, #tpu.memory_space<vmem_shared>>)
      %mul3A_471 = arith.constant 128 : i32
      %mul3A_472 = arith.muli %add3A_467, %mul3A_471 : i32
      %add3A_473 = arith.addi %mul3A_2, %mul3A_472 : i32
      %dma_start3A_474 = tpu.memref_slice %arg4[%add3A_473] : memref<327680xi32, #tpu.memory_space<hbm>> -> memref<128xi32, #tpu.memory_space<hbm>>
      %dma_start3A_475 = tpu.memref_slice %arg4[%add3A_473] : memref<327680xi32, #tpu.memory_space<hbm>> -> memref<128xi32, #tpu.memory_space<hbm>>
      tpu.enqueue_dma source(%dma_start3A_475 : memref<128xi32, #tpu.memory_space<hbm>>) target(%arg16 : memref<128xi32, #tpu.memory_space<vmem>>) target_semaphore(%arg30 : memref<!tpu.dma_semaphore, #tpu.memory_space<semaphore_mem>>)
      %dma_wait3A_476 = arith.constant 0 : i32
      %dma_wait3A_477 = arith.constant 0 : i32
      %dma_wait3A_478 = tpu.memref_slice %arg2[%dma_wait3A_476, %dma_wait3A_477] : memref<10240x128xf32, #tpu.memory_space<hbm>> -> memref<10240x128xf32, #tpu.memory_space<hbm>>
      tpu.wait_indirect_dma semaphore(%arg18 : memref<!tpu.dma_semaphore, #tpu.memory_space<semaphore_mem>>) src(%dma_wait3A_478 : memref<10240x128xf32, #tpu.memory_space<hbm>>) dst(%arg7 : memref<128x128xf32, #tpu.memory_space<vmem>>)
      %dma_wait3A_479 = tpu.memref_slice %arg4[%mul3A_2] : memref<327680xi32, #tpu.memory_space<hbm>> -> memref<128xi32, #tpu.memory_space<hbm>>
      %dma_wait3A_480 = tpu.memref_slice %arg4[%mul3A_2] : memref<327680xi32, #tpu.memory_space<hbm>> -> memref<128xi32, #tpu.memory_space<hbm>>
      tpu.wait_dma2 semaphore(%arg28 : memref<!tpu.dma_semaphore, #tpu.memory_space<semaphore_mem>>) src(%dma_wait3A_480 : memref<128xi32, #tpu.memory_space<hbm>>) dst(%arg14 : memref<128xi32, #tpu.memory_space<vmem>>)
      %dma_start3A_481 = arith.constant 0 : i32
      %dma_start3A_482 = arith.constant 0 : i32
      %dma_start3A_483 = tpu.memref_slice %arg17[%dma_start3A_481, %dma_start3A_482] : memref<10112x128xf32, #tpu.memory_space<vmem_shared>> -> memref<10112x128xf32, #tpu.memory_space<vmem_shared>>
      tpu.enqueue_indirect_dma source(%arg7 : memref<128x128xf32, #tpu.memory_space<vmem>>) target(%dma_start3A_483 : memref<10112x128xf32, #tpu.memory_space<vmem_shared>>) offsets(%arg14 : memref<128xi32, #tpu.memory_space<vmem>>) semaphore(%arg21 : memref<!tpu.dma_semaphore, #tpu.memory_space<semaphore_mem>>) {add = true}
      %add3A_484 = arith.constant 2 : i32
      %add3A_485 = arith.addi %add3A_467, %add3A_484 : i32
      %mul3A_486 = arith.constant 128 : i32
      %mul3A_487 = arith.muli %add3A_485, %mul3A_486 : i32
      %add3A_488 = arith.addi %mul3A_2, %mul3A_487 : i32
      %dma_start3A_489 = tpu.memref_slice %arg3[%add3A_488] : memref<327680xi32, #tpu.memory_space<hbm>> -> memref<128xi32, #tpu.memory_space<hbm>>
      %dma_start3A_490 = tpu.memref_slice %arg3[%add3A_488] : memref<327680xi32, #tpu.memory_space<hbm>> -> memref<128xi32, #tpu.memory_space<hbm>>
      tpu.enqueue_dma source(%dma_start3A_490 : memref<128xi32, #tpu.memory_space<hbm>>) target(%arg10 : memref<128xi32, #tpu.memory_space<vmem>>) target_semaphore(%arg24 : memref<!tpu.dma_semaphore, #tpu.memory_space<semaphore_mem>>)
      %dma_wait3A_491 = tpu.memref_slice %arg3[%mul3A_2] : memref<327680xi32, #tpu.memory_space<hbm>> -> memref<128xi32, #tpu.memory_space<hbm>>
      %dma_wait3A_492 = tpu.memref_slice %arg3[%mul3A_2] : memref<327680xi32, #tpu.memory_space<hbm>> -> memref<128xi32, #tpu.memory_space<hbm>>
      tpu.wait_dma2 semaphore(%arg26 : memref<!tpu.dma_semaphore, #tpu.memory_space<semaphore_mem>>) src(%dma_wait3A_492 : memref<128xi32, #tpu.memory_space<hbm>>) dst(%arg12 : memref<128xi32, #tpu.memory_space<vmem>>)
      %dma_start3A_493 = arith.constant 0 : i32
      %dma_start3A_494 = arith.constant 0 : i32
      %dma_start3A_495 = tpu.memref_slice %arg2[%dma_start3A_493, %dma_start3A_494] : memref<10240x128xf32, #tpu.memory_space<hbm>> -> memref<10240x128xf32, #tpu.memory_space<hbm>>
      tpu.enqueue_indirect_dma source(%dma_start3A_495 : memref<10240x128xf32, #tpu.memory_space<hbm>>) target(%arg9 : memref<128x128xf32, #tpu.memory_space<vmem>>) offsets(%arg12 : memref<128xi32, #tpu.memory_space<vmem>>) semaphore(%arg20 : memref<!tpu.dma_semaphore, #tpu.memory_space<semaphore_mem>>)
      %mul3A_496 = arith.constant 12 : i32
      %mul3A_497 = arith.muli %mul3A_496, %scan3A_189 : i32
      %add3A_498 = arith.constant 6 : i32
      %add3A_499 = arith.addi %add3A_498, %mul3A_497 : i32
      %add3A_500 = arith.constant 9 : i32
      %add3A_501 = arith.addi %add3A_499, %add3A_500 : i32
      %dma_wait3A_502 = arith.constant 0 : i32
      %dma_wait3A_503 = arith.constant 0 : i32
      %dma_wait3A_504 = tpu.memref_slice %arg17[%dma_wait3A_502, %dma_wait3A_503] : memref<10112x128xf32, #tpu.memory_space<vmem_shared>> -> memref<10112x128xf32, #tpu.memory_space<vmem_shared>>
      tpu.wait_indirect_dma semaphore(%arg21 : memref<!tpu.dma_semaphore, #tpu.memory_space<semaphore_mem>>) src(%arg7 : memref<128x128xf32, #tpu.memory_space<vmem>>) dst(%dma_wait3A_504 : memref<10112x128xf32, #tpu.memory_space<vmem_shared>>)
      %mul3A_505 = arith.constant 128 : i32
      %mul3A_506 = arith.muli %add3A_501, %mul3A_505 : i32
      %add3A_507 = arith.addi %mul3A_2, %mul3A_506 : i32
      %dma_start3A_508 = tpu.memref_slice %arg4[%add3A_507] : memref<327680xi32, #tpu.memory_space<hbm>> -> memref<128xi32, #tpu.memory_space<hbm>>
      %dma_start3A_509 = tpu.memref_slice %arg4[%add3A_507] : memref<327680xi32, #tpu.memory_space<hbm>> -> memref<128xi32, #tpu.memory_space<hbm>>
      tpu.enqueue_dma source(%dma_start3A_509 : memref<128xi32, #tpu.memory_space<hbm>>) target(%arg14 : memref<128xi32, #tpu.memory_space<vmem>>) target_semaphore(%arg28 : memref<!tpu.dma_semaphore, #tpu.memory_space<semaphore_mem>>)
      %dma_wait3A_510 = arith.constant 0 : i32
      %dma_wait3A_511 = arith.constant 0 : i32
      %dma_wait3A_512 = tpu.memref_slice %arg2[%dma_wait3A_510, %dma_wait3A_511] : memref<10240x128xf32, #tpu.memory_space<hbm>> -> memref<10240x128xf32, #tpu.memory_space<hbm>>
      tpu.wait_indirect_dma semaphore(%arg19 : memref<!tpu.dma_semaphore, #tpu.memory_space<semaphore_mem>>) src(%dma_wait3A_512 : memref<10240x128xf32, #tpu.memory_space<hbm>>) dst(%arg8 : memref<128x128xf32, #tpu.memory_space<vmem>>)
      %dma_wait3A_513 = tpu.memref_slice %arg4[%mul3A_2] : memref<327680xi32, #tpu.memory_space<hbm>> -> memref<128xi32, #tpu.memory_space<hbm>>
      %dma_wait3A_514 = tpu.memref_slice %arg4[%mul3A_2] : memref<327680xi32, #tpu.memory_space<hbm>> -> memref<128xi32, #tpu.memory_space<hbm>>
      tpu.wait_dma2 semaphore(%arg29 : memref<!tpu.dma_semaphore, #tpu.memory_space<semaphore_mem>>) src(%dma_wait3A_514 : memref<128xi32, #tpu.memory_space<hbm>>) dst(%arg15 : memref<128xi32, #tpu.memory_space<vmem>>)
      %dma_start3A_515 = arith.constant 0 : i32
      %dma_start3A_516 = arith.constant 0 : i32
      %dma_start3A_517 = tpu.memref_slice %arg17[%dma_start3A_515, %dma_start3A_516] : memref<10112x128xf32, #tpu.memory_space<vmem_shared>> -> memref<10112x128xf32, #tpu.memory_space<vmem_shared>>
      tpu.enqueue_indirect_dma source(%arg8 : memref<128x128xf32, #tpu.memory_space<vmem>>) target(%dma_start3A_517 : memref<10112x128xf32, #tpu.memory_space<vmem_shared>>) offsets(%arg15 : memref<128xi32, #tpu.memory_space<vmem>>) semaphore(%arg22 : memref<!tpu.dma_semaphore, #tpu.memory_space<semaphore_mem>>) {add = true}
      %add3A_518 = arith.constant 2 : i32
      %add3A_519 = arith.addi %add3A_501, %add3A_518 : i32
      %mul3A_520 = arith.constant 128 : i32
      %mul3A_521 = arith.muli %add3A_519, %mul3A_520 : i32
      %add3A_522 = arith.addi %mul3A_2, %mul3A_521 : i32
      %dma_start3A_523 = tpu.memref_slice %arg3[%add3A_522] : memref<327680xi32, #tpu.memory_space<hbm>> -> memref<128xi32, #tpu.memory_space<hbm>>
      %dma_start3A_524 = tpu.memref_slice %arg3[%add3A_522] : memref<327680xi32, #tpu.memory_space<hbm>> -> memref<128xi32, #tpu.memory_space<hbm>>
      tpu.enqueue_dma source(%dma_start3A_524 : memref<128xi32, #tpu.memory_space<hbm>>) target(%arg11 : memref<128xi32, #tpu.memory_space<vmem>>) target_semaphore(%arg25 : memref<!tpu.dma_semaphore, #tpu.memory_space<semaphore_mem>>)
      %dma_wait3A_525 = tpu.memref_slice %arg3[%mul3A_2] : memref<327680xi32, #tpu.memory_space<hbm>> -> memref<128xi32, #tpu.memory_space<hbm>>
      %dma_wait3A_526 = tpu.memref_slice %arg3[%mul3A_2] : memref<327680xi32, #tpu.memory_space<hbm>> -> memref<128xi32, #tpu.memory_space<hbm>>
      tpu.wait_dma2 semaphore(%arg27 : memref<!tpu.dma_semaphore, #tpu.memory_space<semaphore_mem>>) src(%dma_wait3A_526 : memref<128xi32, #tpu.memory_space<hbm>>) dst(%arg13 : memref<128xi32, #tpu.memory_space<vmem>>)
      %dma_start3A_527 = arith.constant 0 : i32
      %dma_start3A_528 = arith.constant 0 : i32
      %dma_start3A_529 = tpu.memref_slice %arg2[%dma_start3A_527, %dma_start3A_528] : memref<10240x128xf32, #tpu.memory_space<hbm>> -> memref<10240x128xf32, #tpu.memory_space<hbm>>
      tpu.enqueue_indirect_dma source(%dma_start3A_529 : memref<10240x128xf32, #tpu.memory_space<hbm>>) target(%arg7 : memref<128x128xf32, #tpu.memory_space<vmem>>) offsets(%arg13 : memref<128xi32, #tpu.memory_space<vmem>>) semaphore(%arg18 : memref<!tpu.dma_semaphore, #tpu.memory_space<semaphore_mem>>)
      %mul3A_530 = arith.constant 12 : i32
      %mul3A_531 = arith.muli %mul3A_530, %scan3A_189 : i32
      %add3A_532 = arith.constant 6 : i32
      %add3A_533 = arith.addi %add3A_532, %mul3A_531 : i32
      %add3A_534 = arith.constant 10 : i32
      %add3A_535 = arith.addi %add3A_533, %add3A_534 : i32
      %dma_wait3A_536 = arith.constant 0 : i32
      %dma_wait3A_537 = arith.constant 0 : i32
      %dma_wait3A_538 = tpu.memref_slice %arg17[%dma_wait3A_536, %dma_wait3A_537] : memref<10112x128xf32, #tpu.memory_space<vmem_shared>> -> memref<10112x128xf32, #tpu.memory_space<vmem_shared>>
      tpu.wait_indirect_dma semaphore(%arg22 : memref<!tpu.dma_semaphore, #tpu.memory_space<semaphore_mem>>) src(%arg8 : memref<128x128xf32, #tpu.memory_space<vmem>>) dst(%dma_wait3A_538 : memref<10112x128xf32, #tpu.memory_space<vmem_shared>>)
      %mul3A_539 = arith.constant 128 : i32
      %mul3A_540 = arith.muli %add3A_535, %mul3A_539 : i32
      %add3A_541 = arith.addi %mul3A_2, %mul3A_540 : i32
      %dma_start3A_542 = tpu.memref_slice %arg4[%add3A_541] : memref<327680xi32, #tpu.memory_space<hbm>> -> memref<128xi32, #tpu.memory_space<hbm>>
      %dma_start3A_543 = tpu.memref_slice %arg4[%add3A_541] : memref<327680xi32, #tpu.memory_space<hbm>> -> memref<128xi32, #tpu.memory_space<hbm>>
      tpu.enqueue_dma source(%dma_start3A_543 : memref<128xi32, #tpu.memory_space<hbm>>) target(%arg15 : memref<128xi32, #tpu.memory_space<vmem>>) target_semaphore(%arg29 : memref<!tpu.dma_semaphore, #tpu.memory_space<semaphore_mem>>)
      %dma_wait3A_544 = arith.constant 0 : i32
      %dma_wait3A_545 = arith.constant 0 : i32
      %dma_wait3A_546 = tpu.memref_slice %arg2[%dma_wait3A_544, %dma_wait3A_545] : memref<10240x128xf32, #tpu.memory_space<hbm>> -> memref<10240x128xf32, #tpu.memory_space<hbm>>
      tpu.wait_indirect_dma semaphore(%arg20 : memref<!tpu.dma_semaphore, #tpu.memory_space<semaphore_mem>>) src(%dma_wait3A_546 : memref<10240x128xf32, #tpu.memory_space<hbm>>) dst(%arg9 : memref<128x128xf32, #tpu.memory_space<vmem>>)
      %dma_wait3A_547 = tpu.memref_slice %arg4[%mul3A_2] : memref<327680xi32, #tpu.memory_space<hbm>> -> memref<128xi32, #tpu.memory_space<hbm>>
      %dma_wait3A_548 = tpu.memref_slice %arg4[%mul3A_2] : memref<327680xi32, #tpu.memory_space<hbm>> -> memref<128xi32, #tpu.memory_space<hbm>>
      tpu.wait_dma2 semaphore(%arg30 : memref<!tpu.dma_semaphore, #tpu.memory_space<semaphore_mem>>) src(%dma_wait3A_548 : memref<128xi32, #tpu.memory_space<hbm>>) dst(%arg16 : memref<128xi32, #tpu.memory_space<vmem>>)
      %dma_start3A_549 = arith.constant 0 : i32
      %dma_start3A_550 = arith.constant 0 : i32
      %dma_start3A_551 = tpu.memref_slice %arg17[%dma_start3A_549, %dma_start3A_550] : memref<10112x128xf32, #tpu.memory_space<vmem_shared>> -> memref<10112x128xf32, #tpu.memory_space<vmem_shared>>
      tpu.enqueue_indirect_dma source(%arg9 : memref<128x128xf32, #tpu.memory_space<vmem>>) target(%dma_start3A_551 : memref<10112x128xf32, #tpu.memory_space<vmem_shared>>) offsets(%arg16 : memref<128xi32, #tpu.memory_space<vmem>>) semaphore(%arg23 : memref<!tpu.dma_semaphore, #tpu.memory_space<semaphore_mem>>) {add = true}
      %add3A_552 = arith.constant 2 : i32
      %add3A_553 = arith.addi %add3A_535, %add3A_552 : i32
      %mul3A_554 = arith.constant 128 : i32
      %mul3A_555 = arith.muli %add3A_553, %mul3A_554 : i32
      %add3A_556 = arith.addi %mul3A_2, %mul3A_555 : i32
      %dma_start3A_557 = tpu.memref_slice %arg3[%add3A_556] : memref<327680xi32, #tpu.memory_space<hbm>> -> memref<128xi32, #tpu.memory_space<hbm>>
      %dma_start3A_558 = tpu.memref_slice %arg3[%add3A_556] : memref<327680xi32, #tpu.memory_space<hbm>> -> memref<128xi32, #tpu.memory_space<hbm>>
      tpu.enqueue_dma source(%dma_start3A_558 : memref<128xi32, #tpu.memory_space<hbm>>) target(%arg12 : memref<128xi32, #tpu.memory_space<vmem>>) target_semaphore(%arg26 : memref<!tpu.dma_semaphore, #tpu.memory_space<semaphore_mem>>)
      %dma_wait3A_559 = tpu.memref_slice %arg3[%mul3A_2] : memref<327680xi32, #tpu.memory_space<hbm>> -> memref<128xi32, #tpu.memory_space<hbm>>
      %dma_wait3A_560 = tpu.memref_slice %arg3[%mul3A_2] : memref<327680xi32, #tpu.memory_space<hbm>> -> memref<128xi32, #tpu.memory_space<hbm>>
      tpu.wait_dma2 semaphore(%arg24 : memref<!tpu.dma_semaphore, #tpu.memory_space<semaphore_mem>>) src(%dma_wait3A_560 : memref<128xi32, #tpu.memory_space<hbm>>) dst(%arg10 : memref<128xi32, #tpu.memory_space<vmem>>)
      %dma_start3A_561 = arith.constant 0 : i32
      %dma_start3A_562 = arith.constant 0 : i32
      %dma_start3A_563 = tpu.memref_slice %arg2[%dma_start3A_561, %dma_start3A_562] : memref<10240x128xf32, #tpu.memory_space<hbm>> -> memref<10240x128xf32, #tpu.memory_space<hbm>>
      tpu.enqueue_indirect_dma source(%dma_start3A_563 : memref<10240x128xf32, #tpu.memory_space<hbm>>) target(%arg8 : memref<128x128xf32, #tpu.memory_space<vmem>>) offsets(%arg10 : memref<128xi32, #tpu.memory_space<vmem>>) semaphore(%arg19 : memref<!tpu.dma_semaphore, #tpu.memory_space<semaphore_mem>>)
      %mul3A_564 = arith.constant 12 : i32
      %mul3A_565 = arith.muli %mul3A_564, %scan3A_189 : i32
      %add3A_566 = arith.constant 6 : i32
      %add3A_567 = arith.addi %add3A_566, %mul3A_565 : i32
      %add3A_568 = arith.constant 11 : i32
      %add3A_569 = arith.addi %add3A_567, %add3A_568 : i32
      %dma_wait3A_570 = arith.constant 0 : i32
      %dma_wait3A_571 = arith.constant 0 : i32
      %dma_wait3A_572 = tpu.memref_slice %arg17[%dma_wait3A_570, %dma_wait3A_571] : memref<10112x128xf32, #tpu.memory_space<vmem_shared>> -> memref<10112x128xf32, #tpu.memory_space<vmem_shared>>
      tpu.wait_indirect_dma semaphore(%arg23 : memref<!tpu.dma_semaphore, #tpu.memory_space<semaphore_mem>>) src(%arg9 : memref<128x128xf32, #tpu.memory_space<vmem>>) dst(%dma_wait3A_572 : memref<10112x128xf32, #tpu.memory_space<vmem_shared>>)
      %mul3A_573 = arith.constant 128 : i32
      %mul3A_574 = arith.muli %add3A_569, %mul3A_573 : i32
      %add3A_575 = arith.addi %mul3A_2, %mul3A_574 : i32
      %dma_start3A_576 = tpu.memref_slice %arg4[%add3A_575] : memref<327680xi32, #tpu.memory_space<hbm>> -> memref<128xi32, #tpu.memory_space<hbm>>
      %dma_start3A_577 = tpu.memref_slice %arg4[%add3A_575] : memref<327680xi32, #tpu.memory_space<hbm>> -> memref<128xi32, #tpu.memory_space<hbm>>
      tpu.enqueue_dma source(%dma_start3A_577 : memref<128xi32, #tpu.memory_space<hbm>>) target(%arg16 : memref<128xi32, #tpu.memory_space<vmem>>) target_semaphore(%arg30 : memref<!tpu.dma_semaphore, #tpu.memory_space<semaphore_mem>>)
      %dma_wait3A_578 = arith.constant 0 : i32
      %dma_wait3A_579 = arith.constant 0 : i32
      %dma_wait3A_580 = tpu.memref_slice %arg2[%dma_wait3A_578, %dma_wait3A_579] : memref<10240x128xf32, #tpu.memory_space<hbm>> -> memref<10240x128xf32, #tpu.memory_space<hbm>>
      tpu.wait_indirect_dma semaphore(%arg18 : memref<!tpu.dma_semaphore, #tpu.memory_space<semaphore_mem>>) src(%dma_wait3A_580 : memref<10240x128xf32, #tpu.memory_space<hbm>>) dst(%arg7 : memref<128x128xf32, #tpu.memory_space<vmem>>)
      %dma_wait3A_581 = tpu.memref_slice %arg4[%mul3A_2] : memref<327680xi32, #tpu.memory_space<hbm>> -> memref<128xi32, #tpu.memory_space<hbm>>
      %dma_wait3A_582 = tpu.memref_slice %arg4[%mul3A_2] : memref<327680xi32, #tpu.memory_space<hbm>> -> memref<128xi32, #tpu.memory_space<hbm>>
      tpu.wait_dma2 semaphore(%arg28 : memref<!tpu.dma_semaphore, #tpu.memory_space<semaphore_mem>>) src(%dma_wait3A_582 : memref<128xi32, #tpu.memory_space<hbm>>) dst(%arg14 : memref<128xi32, #tpu.memory_space<vmem>>)
      %dma_start3A_583 = arith.constant 0 : i32
      %dma_start3A_584 = arith.constant 0 : i32
      %dma_start3A_585 = tpu.memref_slice %arg17[%dma_start3A_583, %dma_start3A_584] : memref<10112x128xf32, #tpu.memory_space<vmem_shared>> -> memref<10112x128xf32, #tpu.memory_space<vmem_shared>>
      tpu.enqueue_indirect_dma source(%arg7 : memref<128x128xf32, #tpu.memory_space<vmem>>) target(%dma_start3A_585 : memref<10112x128xf32, #tpu.memory_space<vmem_shared>>) offsets(%arg14 : memref<128xi32, #tpu.memory_space<vmem>>) semaphore(%arg21 : memref<!tpu.dma_semaphore, #tpu.memory_space<semaphore_mem>>) {add = true}
      %add3A_586 = arith.constant 2 : i32
      %add3A_587 = arith.addi %add3A_569, %add3A_586 : i32
      %mul3A_588 = arith.constant 128 : i32
      %mul3A_589 = arith.muli %add3A_587, %mul3A_588 : i32
      %add3A_590 = arith.addi %mul3A_2, %mul3A_589 : i32
      %dma_start3A_591 = tpu.memref_slice %arg3[%add3A_590] : memref<327680xi32, #tpu.memory_space<hbm>> -> memref<128xi32, #tpu.memory_space<hbm>>
      %dma_start3A_592 = tpu.memref_slice %arg3[%add3A_590] : memref<327680xi32, #tpu.memory_space<hbm>> -> memref<128xi32, #tpu.memory_space<hbm>>
      tpu.enqueue_dma source(%dma_start3A_592 : memref<128xi32, #tpu.memory_space<hbm>>) target(%arg13 : memref<128xi32, #tpu.memory_space<vmem>>) target_semaphore(%arg27 : memref<!tpu.dma_semaphore, #tpu.memory_space<semaphore_mem>>)
      %dma_wait3A_593 = tpu.memref_slice %arg3[%mul3A_2] : memref<327680xi32, #tpu.memory_space<hbm>> -> memref<128xi32, #tpu.memory_space<hbm>>
      %dma_wait3A_594 = tpu.memref_slice %arg3[%mul3A_2] : memref<327680xi32, #tpu.memory_space<hbm>> -> memref<128xi32, #tpu.memory_space<hbm>>
      tpu.wait_dma2 semaphore(%arg25 : memref<!tpu.dma_semaphore, #tpu.memory_space<semaphore_mem>>) src(%dma_wait3A_594 : memref<128xi32, #tpu.memory_space<hbm>>) dst(%arg11 : memref<128xi32, #tpu.memory_space<vmem>>)
      %dma_start3A_595 = arith.constant 0 : i32
      %dma_start3A_596 = arith.constant 0 : i32
      %dma_start3A_597 = tpu.memref_slice %arg2[%dma_start3A_595, %dma_start3A_596] : memref<10240x128xf32, #tpu.memory_space<hbm>> -> memref<10240x128xf32, #tpu.memory_space<hbm>>
      tpu.enqueue_indirect_dma source(%dma_start3A_597 : memref<10240x128xf32, #tpu.memory_space<hbm>>) target(%arg9 : memref<128x128xf32, #tpu.memory_space<vmem>>) offsets(%arg11 : memref<128xi32, #tpu.memory_space<vmem>>) semaphore(%arg20 : memref<!tpu.dma_semaphore, #tpu.memory_space<semaphore_mem>>)
    }
    %scan3A_118 = arith.constant 6 : i32
    %dma_wait3A_119 = arith.constant 0 : i32
    %dma_wait3A_120 = arith.constant 0 : i32
    %dma_wait3A_121 = tpu.memref_slice %arg17[%dma_wait3A_119, %dma_wait3A_120] : memref<10112x128xf32, #tpu.memory_space<vmem_shared>> -> memref<10112x128xf32, #tpu.memory_space<vmem_shared>>
    tpu.wait_indirect_dma semaphore(%arg21 : memref<!tpu.dma_semaphore, #tpu.memory_space<semaphore_mem>>) src(%arg7 : memref<128x128xf32, #tpu.memory_space<vmem>>) dst(%dma_wait3A_121 : memref<10112x128xf32, #tpu.memory_space<vmem_shared>>)
    %add3A_122 = arith.constant 9984 : i32
    %add3A_123 = arith.addi %mul3A_2, %add3A_122 : i32
    %dma_start3A_124 = tpu.memref_slice %arg4[%add3A_123] : memref<327680xi32, #tpu.memory_space<hbm>> -> memref<128xi32, #tpu.memory_space<hbm>>
    %dma_start3A_125 = tpu.memref_slice %arg4[%add3A_123] : memref<327680xi32, #tpu.memory_space<hbm>> -> memref<128xi32, #tpu.memory_space<hbm>>
    tpu.enqueue_dma source(%dma_start3A_125 : memref<128xi32, #tpu.memory_space<hbm>>) target(%arg14 : memref<128xi32, #tpu.memory_space<vmem>>) target_semaphore(%arg28 : memref<!tpu.dma_semaphore, #tpu.memory_space<semaphore_mem>>)
    %dma_wait3A_126 = arith.constant 0 : i32
    %dma_wait3A_127 = arith.constant 0 : i32
    %dma_wait3A_128 = tpu.memref_slice %arg2[%dma_wait3A_126, %dma_wait3A_127] : memref<10240x128xf32, #tpu.memory_space<hbm>> -> memref<10240x128xf32, #tpu.memory_space<hbm>>
    tpu.wait_indirect_dma semaphore(%arg19 : memref<!tpu.dma_semaphore, #tpu.memory_space<semaphore_mem>>) src(%dma_wait3A_128 : memref<10240x128xf32, #tpu.memory_space<hbm>>) dst(%arg8 : memref<128x128xf32, #tpu.memory_space<vmem>>)
    %dma_wait3A_129 = tpu.memref_slice %arg4[%mul3A_2] : memref<327680xi32, #tpu.memory_space<hbm>> -> memref<128xi32, #tpu.memory_space<hbm>>
    %dma_wait3A_130 = tpu.memref_slice %arg4[%mul3A_2] : memref<327680xi32, #tpu.memory_space<hbm>> -> memref<128xi32, #tpu.memory_space<hbm>>
    tpu.wait_dma2 semaphore(%arg29 : memref<!tpu.dma_semaphore, #tpu.memory_space<semaphore_mem>>) src(%dma_wait3A_130 : memref<128xi32, #tpu.memory_space<hbm>>) dst(%arg15 : memref<128xi32, #tpu.memory_space<vmem>>)
    %dma_start3A_131 = arith.constant 0 : i32
    %dma_start3A_132 = arith.constant 0 : i32
    %dma_start3A_133 = tpu.memref_slice %arg17[%dma_start3A_131, %dma_start3A_132] : memref<10112x128xf32, #tpu.memory_space<vmem_shared>> -> memref<10112x128xf32, #tpu.memory_space<vmem_shared>>
    tpu.enqueue_indirect_dma source(%arg8 : memref<128x128xf32, #tpu.memory_space<vmem>>) target(%dma_start3A_133 : memref<10112x128xf32, #tpu.memory_space<vmem_shared>>) offsets(%arg15 : memref<128xi32, #tpu.memory_space<vmem>>) semaphore(%arg22 : memref<!tpu.dma_semaphore, #tpu.memory_space<semaphore_mem>>) {add = true}
    %dma_wait3A_134 = tpu.memref_slice %arg3[%mul3A_2] : memref<327680xi32, #tpu.memory_space<hbm>> -> memref<128xi32, #tpu.memory_space<hbm>>
    %dma_wait3A_135 = tpu.memref_slice %arg3[%mul3A_2] : memref<327680xi32, #tpu.memory_space<hbm>> -> memref<128xi32, #tpu.memory_space<hbm>>
    tpu.wait_dma2 semaphore(%arg26 : memref<!tpu.dma_semaphore, #tpu.memory_space<semaphore_mem>>) src(%dma_wait3A_135 : memref<128xi32, #tpu.memory_space<hbm>>) dst(%arg12 : memref<128xi32, #tpu.memory_space<vmem>>)
    %dma_start3A_136 = arith.constant 0 : i32
    %dma_start3A_137 = arith.constant 0 : i32
    %dma_start3A_138 = tpu.memref_slice %arg2[%dma_start3A_136, %dma_start3A_137] : memref<10240x128xf32, #tpu.memory_space<hbm>> -> memref<10240x128xf32, #tpu.memory_space<hbm>>
    tpu.enqueue_indirect_dma source(%dma_start3A_138 : memref<10240x128xf32, #tpu.memory_space<hbm>>) target(%arg7 : memref<128x128xf32, #tpu.memory_space<vmem>>) offsets(%arg12 : memref<128xi32, #tpu.memory_space<vmem>>) semaphore(%arg18 : memref<!tpu.dma_semaphore, #tpu.memory_space<semaphore_mem>>)
    %dma_wait3A_139 = arith.constant 0 : i32
    %dma_wait3A_140 = arith.constant 0 : i32
    %dma_wait3A_141 = tpu.memref_slice %arg17[%dma_wait3A_139, %dma_wait3A_140] : memref<10112x128xf32, #tpu.memory_space<vmem_shared>> -> memref<10112x128xf32, #tpu.memory_space<vmem_shared>>
    tpu.wait_indirect_dma semaphore(%arg22 : memref<!tpu.dma_semaphore, #tpu.memory_space<semaphore_mem>>) src(%arg8 : memref<128x128xf32, #tpu.memory_space<vmem>>) dst(%dma_wait3A_141 : memref<10112x128xf32, #tpu.memory_space<vmem_shared>>)
    %add3A_142 = arith.constant 10112 : i32
    %add3A_143 = arith.addi %mul3A_2, %add3A_142 : i32
    %dma_start3A_144 = tpu.memref_slice %arg4[%add3A_143] : memref<327680xi32, #tpu.memory_space<hbm>> -> memref<128xi32, #tpu.memory_space<hbm>>
    %dma_start3A_145 = tpu.memref_slice %arg4[%add3A_143] : memref<327680xi32, #tpu.memory_space<hbm>> -> memref<128xi32, #tpu.memory_space<hbm>>
    tpu.enqueue_dma source(%dma_start3A_145 : memref<128xi32, #tpu.memory_space<hbm>>) target(%arg15 : memref<128xi32, #tpu.memory_space<vmem>>) target_semaphore(%arg29 : memref<!tpu.dma_semaphore, #tpu.memory_space<semaphore_mem>>)
    %dma_wait3A_146 = arith.constant 0 : i32
    %dma_wait3A_147 = arith.constant 0 : i32
    %dma_wait3A_148 = tpu.memref_slice %arg2[%dma_wait3A_146, %dma_wait3A_147] : memref<10240x128xf32, #tpu.memory_space<hbm>> -> memref<10240x128xf32, #tpu.memory_space<hbm>>
    tpu.wait_indirect_dma semaphore(%arg20 : memref<!tpu.dma_semaphore, #tpu.memory_space<semaphore_mem>>) src(%dma_wait3A_148 : memref<10240x128xf32, #tpu.memory_space<hbm>>) dst(%arg9 : memref<128x128xf32, #tpu.memory_space<vmem>>)
    %dma_wait3A_149 = tpu.memref_slice %arg4[%mul3A_2] : memref<327680xi32, #tpu.memory_space<hbm>> -> memref<128xi32, #tpu.memory_space<hbm>>
    %dma_wait3A_150 = tpu.memref_slice %arg4[%mul3A_2] : memref<327680xi32, #tpu.memory_space<hbm>> -> memref<128xi32, #tpu.memory_space<hbm>>
    tpu.wait_dma2 semaphore(%arg30 : memref<!tpu.dma_semaphore, #tpu.memory_space<semaphore_mem>>) src(%dma_wait3A_150 : memref<128xi32, #tpu.memory_space<hbm>>) dst(%arg16 : memref<128xi32, #tpu.memory_space<vmem>>)
    %dma_start3A_151 = arith.constant 0 : i32
    %dma_start3A_152 = arith.constant 0 : i32
    %dma_start3A_153 = tpu.memref_slice %arg17[%dma_start3A_151, %dma_start3A_152] : memref<10112x128xf32, #tpu.memory_space<vmem_shared>> -> memref<10112x128xf32, #tpu.memory_space<vmem_shared>>
    tpu.enqueue_indirect_dma source(%arg9 : memref<128x128xf32, #tpu.memory_space<vmem>>) target(%dma_start3A_153 : memref<10112x128xf32, #tpu.memory_space<vmem_shared>>) offsets(%arg16 : memref<128xi32, #tpu.memory_space<vmem>>) semaphore(%arg23 : memref<!tpu.dma_semaphore, #tpu.memory_space<semaphore_mem>>) {add = true}
    %dma_wait3A_154 = tpu.memref_slice %arg3[%mul3A_2] : memref<327680xi32, #tpu.memory_space<hbm>> -> memref<128xi32, #tpu.memory_space<hbm>>
    %dma_wait3A_155 = tpu.memref_slice %arg3[%mul3A_2] : memref<327680xi32, #tpu.memory_space<hbm>> -> memref<128xi32, #tpu.memory_space<hbm>>
    tpu.wait_dma2 semaphore(%arg27 : memref<!tpu.dma_semaphore, #tpu.memory_space<semaphore_mem>>) src(%dma_wait3A_155 : memref<128xi32, #tpu.memory_space<hbm>>) dst(%arg13 : memref<128xi32, #tpu.memory_space<vmem>>)
    %dma_start3A_156 = arith.constant 0 : i32
    %dma_start3A_157 = arith.constant 0 : i32
    %dma_start3A_158 = tpu.memref_slice %arg2[%dma_start3A_156, %dma_start3A_157] : memref<10240x128xf32, #tpu.memory_space<hbm>> -> memref<10240x128xf32, #tpu.memory_space<hbm>>
    tpu.enqueue_indirect_dma source(%dma_start3A_158 : memref<10240x128xf32, #tpu.memory_space<hbm>>) target(%arg8 : memref<128x128xf32, #tpu.memory_space<vmem>>) offsets(%arg13 : memref<128xi32, #tpu.memory_space<vmem>>) semaphore(%arg19 : memref<!tpu.dma_semaphore, #tpu.memory_space<semaphore_mem>>)
    %dma_wait3A_159 = arith.constant 0 : i32
    %dma_wait3A_160 = arith.constant 0 : i32
    %dma_wait3A_161 = tpu.memref_slice %arg17[%dma_wait3A_159, %dma_wait3A_160] : memref<10112x128xf32, #tpu.memory_space<vmem_shared>> -> memref<10112x128xf32, #tpu.memory_space<vmem_shared>>
    tpu.wait_indirect_dma semaphore(%arg23 : memref<!tpu.dma_semaphore, #tpu.memory_space<semaphore_mem>>) src(%arg9 : memref<128x128xf32, #tpu.memory_space<vmem>>) dst(%dma_wait3A_161 : memref<10112x128xf32, #tpu.memory_space<vmem_shared>>)
    %dma_wait3A_162 = arith.constant 0 : i32
    %dma_wait3A_163 = arith.constant 0 : i32
    %dma_wait3A_164 = tpu.memref_slice %arg2[%dma_wait3A_162, %dma_wait3A_163] : memref<10240x128xf32, #tpu.memory_space<hbm>> -> memref<10240x128xf32, #tpu.memory_space<hbm>>
    tpu.wait_indirect_dma semaphore(%arg18 : memref<!tpu.dma_semaphore, #tpu.memory_space<semaphore_mem>>) src(%dma_wait3A_164 : memref<10240x128xf32, #tpu.memory_space<hbm>>) dst(%arg7 : memref<128x128xf32, #tpu.memory_space<vmem>>)
    %dma_wait3A_165 = tpu.memref_slice %arg4[%mul3A_2] : memref<327680xi32, #tpu.memory_space<hbm>> -> memref<128xi32, #tpu.memory_space<hbm>>
    %dma_wait3A_166 = tpu.memref_slice %arg4[%mul3A_2] : memref<327680xi32, #tpu.memory_space<hbm>> -> memref<128xi32, #tpu.memory_space<hbm>>
    tpu.wait_dma2 semaphore(%arg28 : memref<!tpu.dma_semaphore, #tpu.memory_space<semaphore_mem>>) src(%dma_wait3A_166 : memref<128xi32, #tpu.memory_space<hbm>>) dst(%arg14 : memref<128xi32, #tpu.memory_space<vmem>>)
    %dma_start3A_167 = arith.constant 0 : i32
    %dma_start3A_168 = arith.constant 0 : i32
    %dma_start3A_169 = tpu.memref_slice %arg17[%dma_start3A_167, %dma_start3A_168] : memref<10112x128xf32, #tpu.memory_space<vmem_shared>> -> memref<10112x128xf32, #tpu.memory_space<vmem_shared>>
    tpu.enqueue_indirect_dma source(%arg7 : memref<128x128xf32, #tpu.memory_space<vmem>>) target(%dma_start3A_169 : memref<10112x128xf32, #tpu.memory_space<vmem_shared>>) offsets(%arg14 : memref<128xi32, #tpu.memory_space<vmem>>) semaphore(%arg21 : memref<!tpu.dma_semaphore, #tpu.memory_space<semaphore_mem>>) {add = true}
    %dma_wait3A_170 = arith.constant 0 : i32
    %dma_wait3A_171 = arith.constant 0 : i32
    %dma_wait3A_172 = tpu.memref_slice %arg17[%dma_wait3A_170, %dma_wait3A_171] : memref<10112x128xf32, #tpu.memory_space<vmem_shared>> -> memref<10112x128xf32, #tpu.memory_space<vmem_shared>>
    tpu.wait_indirect_dma semaphore(%arg21 : memref<!tpu.dma_semaphore, #tpu.memory_space<semaphore_mem>>) src(%arg7 : memref<128x128xf32, #tpu.memory_space<vmem>>) dst(%dma_wait3A_172 : memref<10112x128xf32, #tpu.memory_space<vmem_shared>>)
    %dma_wait3A_173 = arith.constant 0 : i32
    %dma_wait3A_174 = arith.constant 0 : i32
    %dma_wait3A_175 = tpu.memref_slice %arg2[%dma_wait3A_173, %dma_wait3A_174] : memref<10240x128xf32, #tpu.memory_space<hbm>> -> memref<10240x128xf32, #tpu.memory_space<hbm>>
    tpu.wait_indirect_dma semaphore(%arg19 : memref<!tpu.dma_semaphore, #tpu.memory_space<semaphore_mem>>) src(%dma_wait3A_175 : memref<10240x128xf32, #tpu.memory_space<hbm>>) dst(%arg8 : memref<128x128xf32, #tpu.memory_space<vmem>>)
    %dma_wait3A_176 = tpu.memref_slice %arg4[%mul3A_2] : memref<327680xi32, #tpu.memory_space<hbm>> -> memref<128xi32, #tpu.memory_space<hbm>>
    %dma_wait3A_177 = tpu.memref_slice %arg4[%mul3A_2] : memref<327680xi32, #tpu.memory_space<hbm>> -> memref<128xi32, #tpu.memory_space<hbm>>
    tpu.wait_dma2 semaphore(%arg29 : memref<!tpu.dma_semaphore, #tpu.memory_space<semaphore_mem>>) src(%dma_wait3A_177 : memref<128xi32, #tpu.memory_space<hbm>>) dst(%arg15 : memref<128xi32, #tpu.memory_space<vmem>>)
    %dma_start3A_178 = arith.constant 0 : i32
    %dma_start3A_179 = arith.constant 0 : i32
    %dma_start3A_180 = tpu.memref_slice %arg17[%dma_start3A_178, %dma_start3A_179] : memref<10112x128xf32, #tpu.memory_space<vmem_shared>> -> memref<10112x128xf32, #tpu.memory_space<vmem_shared>>
    tpu.enqueue_indirect_dma source(%arg8 : memref<128x128xf32, #tpu.memory_space<vmem>>) target(%dma_start3A_180 : memref<10112x128xf32, #tpu.memory_space<vmem_shared>>) offsets(%arg15 : memref<128xi32, #tpu.memory_space<vmem>>) semaphore(%arg22 : memref<!tpu.dma_semaphore, #tpu.memory_space<semaphore_mem>>) {add = true}
    %dma_wait3A_181 = arith.constant 0 : i32
    %dma_wait3A_182 = arith.constant 0 : i32
    %dma_wait3A_183 = tpu.memref_slice %arg17[%dma_wait3A_181, %dma_wait3A_182] : memref<10112x128xf32, #tpu.memory_space<vmem_shared>> -> memref<10112x128xf32, #tpu.memory_space<vmem_shared>>
    tpu.wait_indirect_dma semaphore(%arg22 : memref<!tpu.dma_semaphore, #tpu.memory_space<semaphore_mem>>) src(%arg8 : memref<128x128xf32, #tpu.memory_space<vmem>>) dst(%dma_wait3A_183 : memref<10112x128xf32, #tpu.memory_space<vmem_shared>>)
    %barrier3A_184 = arith.constant 0 : index
    tpu.barrier barrier_id(%barrier3A_184)
    %mul3A_185 = arith.constant 632 : i32
    %mul3A_186 = arith.muli %arg1, %mul3A_185 : i32
    %mul3A_187 = arith.constant 632 : i32
    %mul3A_188 = arith.muli %arg1, %mul3A_187 : i32
    "tpu.region"() ({
      %run_scoped3A = tpu.sem_alloc : memref<!tpu.dma_semaphore, #tpu.memory_space<semaphore_mem>>
      %dma_start3A_189 = arith.constant 0 : i32
      %dma_start3A_190 = tpu.memref_slice %arg6[%arg0, %mul3A_188, %dma_start3A_189] : memref<2x10112x128xf32, #tpu.memory_space<hbm>> -> memref<1x632x128xf32, #tpu.memory_space<hbm>>
      %dma_start3A_191 = tpu.memref_squeeze %dma_start3A_190 : memref<1x632x128xf32, #tpu.memory_space<hbm>> -> memref<632x128xf32, #tpu.memory_space<hbm>>
      %dma_start3A_192 = arith.constant 0 : i32
      %dma_start3A_193 = tpu.memref_slice %arg17[%mul3A_186, %dma_start3A_192] : memref<10112x128xf32, #tpu.memory_space<vmem_shared>> -> memref<632x128xf32, #tpu.memory_space<vmem_shared>>
      tpu.enqueue_dma source(%dma_start3A_193 : memref<632x128xf32, #tpu.memory_space<vmem_shared>>) target(%dma_start3A_191 : memref<632x128xf32, #tpu.memory_space<hbm>>) target_semaphore(%run_scoped3A : memref<!tpu.dma_semaphore, #tpu.memory_space<semaphore_mem>>)
      %dma_wait3A_194 = arith.constant 0 : i32
      %dma_wait3A_195 = tpu.memref_slice %arg6[%arg0, %mul3A_188, %dma_wait3A_194] : memref<2x10112x128xf32, #tpu.memory_space<hbm>> -> memref<1x632x128xf32, #tpu.memory_space<hbm>>
      %dma_wait3A_196 = tpu.memref_squeeze %dma_wait3A_195 : memref<1x632x128xf32, #tpu.memory_space<hbm>> -> memref<632x128xf32, #tpu.memory_space<hbm>>
      %dma_wait3A_197 = arith.constant 0 : i32
      %dma_wait3A_198 = tpu.memref_slice %arg17[%mul3A_186, %dma_wait3A_197] : memref<10112x128xf32, #tpu.memory_space<vmem_shared>> -> memref<632x128xf32, #tpu.memory_space<vmem_shared>>
      tpu.wait_dma2 semaphore(%run_scoped3A : memref<!tpu.dma_semaphore, #tpu.memory_space<semaphore_mem>>) src(%dma_wait3A_198 : memref<632x128xf32, #tpu.memory_space<vmem_shared>>) dst(%dma_wait3A_196 : memref<632x128xf32, #tpu.memory_space<hbm>>)
      tpu.yield
    }) : () -> ()
    return
  }
}

module attributes {stable_mosaic.version = 14 : i64} {
  func.func @_l1_body(%arg0: i32, %arg1: memref<1024x2xf32, #tpu.memory_space<vmem>>, %arg2: memref<128x1024xf32, #tpu.memory_space<vmem>>, %arg3: memref<128x128xf32, #tpu.memory_space<vmem>>, %arg4: memref<1024x128xf32, #tpu.memory_space<vmem>>) attributes {dimension_semantics = [#tpu.dimension_semantics<arbitrary>], iteration_bounds = array<i64: 10>, scalar_prefetch = 0 : i64, scratch_operands = 0 : i64, tpu.core_type = #tpu.core_type<tc>, window_params = [{transform_indices = @transform_0, window_bounds = array<i64: 1024, 2>}, {transform_indices = @transform_1, window_bounds = array<i64: 128, 1024>}, {pipeline_mode = #tpu.pipeline_mode<synchronous>, transform_indices = @transform_2, window_bounds = array<i64: 128, 128>}, {transform_indices = @transform_3, window_bounds = array<i64: 1024, 128>}]} {
    %get3A = arith.constant 0 : index
    %get3A_0 = arith.constant 0 : index
    %get3A_1 = vector.load %arg1[%get3A, %get3A_0] : memref<1024x2xf32, #tpu.memory_space<vmem>>, vector<1024x1xf32>
    %get3A_2 = arith.constant 0 : index
    %get3A_3 = arith.constant 1 : index
    %get3A_4 = vector.load %arg1[%get3A_2, %get3A_3] : memref<1024x2xf32, #tpu.memory_space<vmem>>, vector<1024x1xf32>
    %add3A = arith.addf %get3A_1, %get3A_4 : vector<1024x1xf32>
    %add3A_5 = arith.constant 1.000000e+00 : f32
    %add3A_6 = vector.broadcast %add3A_5 : f32 to vector<1024x1xf32>
    %add3A_7 = arith.addf %add3A, %add3A_6 : vector<1024x1xf32>
    %rsqrt3A = math.rsqrt %add3A_7 : vector<1024x1xf32>
    %get3A_8 = arith.constant 0 : index
    %get3A_9 = arith.constant 0 : index
    %get3A_10 = vector.load %arg2[%get3A_8, %get3A_9] : memref<128x1024xf32, #tpu.memory_space<vmem>>, vector<128x1024xf32>
    %get3A_11 = arith.constant 0 : index
    %get3A_12 = arith.constant 0 : index
    %get3A_13 = vector.load %arg3[%get3A_11, %get3A_12] : memref<128x128xf32, #tpu.memory_space<vmem>>, vector<128x128xf32>
    %dot_general3A = arith.constant dense<0.000000e+00> : vector<1024x128xf32>
    %dot_general3A_14 = tpu.matmul %get3A_10, %get3A_13, %dot_general3A {dimension_numbers = #tpu.dot_dimension_numbers<[0], [0], [1], [1], [0, 1, 1, 1], [], []>, transpose_lhs_hint = false} : vector<128x1024xf32>, vector<128x128xf32>, vector<1024x128xf32> -> vector<1024x128xf32>
    %mul3A = vector.broadcast %rsqrt3A : vector<1024x1xf32> to vector<1024x128xf32>
    %mul3A_15 = arith.mulf %dot_general3A_14, %mul3A : vector<1024x128xf32>
    %swap3A = arith.constant 0 : index
    %swap3A_16 = arith.constant 0 : index
    %swap3A_17 = vector.load %arg4[%swap3A, %swap3A_16] : memref<1024x128xf32, #tpu.memory_space<vmem>>, vector<1024x128xf32>
    tpu.vector_store %arg4[%swap3A, %swap3A_16], %mul3A_15 {strides = array<i32>} : memref<1024x128xf32, #tpu.memory_space<vmem>>, vector<1024x128xf32>,
    return
  }
  func.func @transform_0(%arg0: i32) -> (i32, i32) {
    %c0_i32 = arith.constant 0 : i32
    %c0_i32_0 = arith.constant 0 : i32
    return %arg0, %c0_i32 : i32, i32
  }
  func.func @transform_1(%arg0: i32) -> (i32, i32) {
    %c0_i32 = arith.constant 0 : i32
    %c0_i32_0 = arith.constant 0 : i32
    return %c0_i32, %arg0 : i32, i32
  }
  func.func @transform_2(%arg0: i32) -> (i32, i32) {
    %c0_i32 = arith.constant 0 : i32
    %c0_i32_0 = arith.constant 0 : i32
    %c0_i32_1 = arith.constant 0 : i32
    return %c0_i32, %c0_i32_0 : i32, i32
  }
  func.func @transform_3(%arg0: i32) -> (i32, i32) {
    %c0_i32 = arith.constant 0 : i32
    %c0_i32_0 = arith.constant 0 : i32
    return %arg0, %c0_i32 : i32, i32
  }
}

module attributes {stable_mosaic.version = 14 : i64} {
  func.func @_l2_body(%arg0: i32, %arg1: memref<1024x2xf32, #tpu.memory_space<vmem>>, %arg2: memref<2x1024x128xf32, #tpu.memory_space<vmem>>, %arg3: memref<1024x128xf32, #tpu.memory_space<vmem>>, %arg4: memref<128x128xf32, #tpu.memory_space<vmem>>, %arg5: memref<1x128xf32, #tpu.memory_space<vmem>>, %arg6: memref<1024x128xf32, #tpu.memory_space<vmem>>) attributes {dimension_semantics = [#tpu.dimension_semantics<arbitrary>], iteration_bounds = array<i64: 10>, scalar_prefetch = 0 : i64, scratch_operands = 0 : i64, tpu.core_type = #tpu.core_type<tc>, window_params = [{transform_indices = @transform_0, window_bounds = array<i64: 1024, 2>}, {transform_indices = @transform_1, window_bounds = array<i64: 2, 1024, 128>}, {transform_indices = @transform_2, window_bounds = array<i64: 1024, 128>}, {pipeline_mode = #tpu.pipeline_mode<synchronous>, transform_indices = @transform_3, window_bounds = array<i64: 128, 128>}, {pipeline_mode = #tpu.pipeline_mode<synchronous>, transform_indices = @transform_4, window_bounds = array<i64: 1, 128>}, {transform_indices = @transform_5, window_bounds = array<i64: 1024, 128>}]} {
    %get3A = arith.constant 0 : index
    %get3A_0 = arith.constant 0 : index
    %get3A_1 = vector.load %arg1[%get3A, %get3A_0] : memref<1024x2xf32, #tpu.memory_space<vmem>>, vector<1024x1xf32>
    %get3A_2 = arith.constant 0 : index
    %get3A_3 = arith.constant 1 : index
    %get3A_4 = vector.load %arg1[%get3A_2, %get3A_3] : memref<1024x2xf32, #tpu.memory_space<vmem>>, vector<1024x1xf32>
    %add3A = arith.addf %get3A_1, %get3A_4 : vector<1024x1xf32>
    %add3A_5 = arith.constant 1.000000e+00 : f32
    %add3A_6 = vector.broadcast %add3A_5 : f32 to vector<1024x1xf32>
    %add3A_7 = arith.addf %add3A, %add3A_6 : vector<1024x1xf32>
    %rsqrt3A = math.rsqrt %add3A_7 : vector<1024x1xf32>
    %get3A_8 = arith.constant 0 : index
    %get3A_9 = arith.constant 0 : index
    %get3A_10 = arith.constant 0 : index
    %get3A_11 = vector.load %arg2[%get3A_8, %get3A_9, %get3A_10] : memref<2x1024x128xf32, #tpu.memory_space<vmem>>, vector<1x1024x128xf32>
    %get3A_12 = vector.shape_cast %get3A_11 : vector<1x1024x128xf32> to vector<1024x128xf32>
    %get3A_13 = arith.constant 1 : index
    %get3A_14 = arith.constant 0 : index
    %get3A_15 = arith.constant 0 : index
    %get3A_16 = vector.load %arg2[%get3A_13, %get3A_14, %get3A_15] : memref<2x1024x128xf32, #tpu.memory_space<vmem>>, vector<1x1024x128xf32>
    %get3A_17 = vector.shape_cast %get3A_16 : vector<1x1024x128xf32> to vector<1024x128xf32>
    %add3A_18 = arith.addf %get3A_12, %get3A_17 : vector<1024x128xf32>
    %get3A_19 = arith.constant 0 : index
    %get3A_20 = arith.constant 0 : index
    %get3A_21 = vector.load %arg3[%get3A_19, %get3A_20] : memref<1024x128xf32, #tpu.memory_space<vmem>>, vector<1024x128xf32>
    %add3A_22 = arith.addf %add3A_18, %get3A_21 : vector<1024x128xf32>
    %mul3A = vector.broadcast %rsqrt3A : vector<1024x1xf32> to vector<1024x128xf32>
    %mul3A_23 = arith.mulf %mul3A, %add3A_22 : vector<1024x128xf32>
    %get3A_24 = arith.constant 0 : index
    %get3A_25 = arith.constant 0 : index
    %get3A_26 = vector.load %arg5[%get3A_24, %get3A_25] : memref<1x128xf32, #tpu.memory_space<vmem>>, vector<1x128xf32>
    %add3A_27 = vector.broadcast %get3A_26 : vector<1x128xf32> to vector<1024x128xf32>
    %add3A_28 = arith.addf %mul3A_23, %add3A_27 : vector<1024x128xf32>
    %max3A = arith.constant 0.000000e+00 : f32
    %max3A_29 = vector.broadcast %max3A : f32 to vector<1024x128xf32>
    %max3A_30 = arith.maximumf %add3A_28, %max3A_29 : vector<1024x128xf32>
    %get3A_31 = arith.constant 0 : index
    %get3A_32 = arith.constant 0 : index
    %get3A_33 = vector.load %arg4[%get3A_31, %get3A_32] : memref<128x128xf32, #tpu.memory_space<vmem>>, vector<128x128xf32>
    %dot_general3A = arith.constant dense<0.000000e+00> : vector<1024x128xf32>
    %dot_general3A_34 = tpu.matmul %max3A_30, %get3A_33, %dot_general3A {dimension_numbers = #tpu.dot_dimension_numbers<[1], [0], [0], [1], [0, 0, 1, 1], [], []>, transpose_lhs_hint = false} : vector<1024x128xf32>, vector<128x128xf32>, vector<1024x128xf32> -> vector<1024x128xf32>
    %mul3A_35 = vector.broadcast %rsqrt3A : vector<1024x1xf32> to vector<1024x128xf32>
    %mul3A_36 = arith.mulf %mul3A_35, %dot_general3A_34 : vector<1024x128xf32>
    %swap3A = arith.constant 0 : index
    %swap3A_37 = arith.constant 0 : index
    %swap3A_38 = vector.load %arg6[%swap3A, %swap3A_37] : memref<1024x128xf32, #tpu.memory_space<vmem>>, vector<1024x128xf32>
    tpu.vector_store %arg6[%swap3A, %swap3A_37], %mul3A_36 {strides = array<i32>} : memref<1024x128xf32, #tpu.memory_space<vmem>>, vector<1024x128xf32>,
    return
  }
  func.func @transform_0(%arg0: i32) -> (i32, i32) {
    %c0_i32 = arith.constant 0 : i32
    %c0_i32_0 = arith.constant 0 : i32
    return %arg0, %c0_i32 : i32, i32
  }
  func.func @transform_1(%arg0: i32) -> (i32, i32, i32) {
    %c0_i32 = arith.constant 0 : i32
    %c0_i32_0 = arith.constant 0 : i32
    %c0_i32_1 = arith.constant 0 : i32
    return %c0_i32, %arg0, %c0_i32_0 : i32, i32, i32
  }
  func.func @transform_2(%arg0: i32) -> (i32, i32) {
    %c0_i32 = arith.constant 0 : i32
    %c0_i32_0 = arith.constant 0 : i32
    return %arg0, %c0_i32 : i32, i32
  }
  func.func @transform_3(%arg0: i32) -> (i32, i32) {
    %c0_i32 = arith.constant 0 : i32
    %c0_i32_0 = arith.constant 0 : i32
    %c0_i32_1 = arith.constant 0 : i32
    return %c0_i32, %c0_i32_0 : i32, i32
  }
  func.func @transform_4(%arg0: i32) -> (i32, i32) {
    %c0_i32 = arith.constant 0 : i32
    %c0_i32_0 = arith.constant 0 : i32
    %c0_i32_1 = arith.constant 0 : i32
    return %c0_i32, %c0_i32_0 : i32, i32
  }
  func.func @transform_5(%arg0: i32) -> (i32, i32) {
    %c0_i32 = arith.constant 0 : i32
    %c0_i32_0 = arith.constant 0 : i32
    return %arg0, %c0_i32 : i32, i32
  }
}

module attributes {stable_mosaic.version = 14 : i64} {
  func.func @_l3_body(%arg0: i32, %arg1: memref<1024x2xf32, #tpu.memory_space<vmem>>, %arg2: memref<2x1024x128xf32, #tpu.memory_space<vmem>>, %arg3: memref<1024x128xf32, #tpu.memory_space<vmem>>, %arg4: memref<1x128xf32, #tpu.memory_space<vmem>>, %arg5: memref<1024x64xf32, #tpu.memory_space<vmem>>) attributes {dimension_semantics = [#tpu.dimension_semantics<arbitrary>], iteration_bounds = array<i64: 10>, scalar_prefetch = 0 : i64, scratch_operands = 0 : i64, tpu.core_type = #tpu.core_type<tc>, window_params = [{transform_indices = @transform_0, window_bounds = array<i64: 1024, 2>}, {transform_indices = @transform_1, window_bounds = array<i64: 2, 1024, 128>}, {transform_indices = @transform_2, window_bounds = array<i64: 1024, 128>}, {pipeline_mode = #tpu.pipeline_mode<synchronous>, transform_indices = @transform_3, window_bounds = array<i64: 1, 128>}, {transform_indices = @transform_4, window_bounds = array<i64: 1024, 64>}]} {
    %get3A = arith.constant 0 : index
    %get3A_0 = arith.constant 0 : index
    %get3A_1 = vector.load %arg1[%get3A, %get3A_0] : memref<1024x2xf32, #tpu.memory_space<vmem>>, vector<1024x1xf32>
    %get3A_2 = arith.constant 0 : index
    %get3A_3 = arith.constant 1 : index
    %get3A_4 = vector.load %arg1[%get3A_2, %get3A_3] : memref<1024x2xf32, #tpu.memory_space<vmem>>, vector<1024x1xf32>
    %add3A = arith.addf %get3A_1, %get3A_4 : vector<1024x1xf32>
    %add3A_5 = arith.constant 1.000000e+00 : f32
    %add3A_6 = vector.broadcast %add3A_5 : f32 to vector<1024x1xf32>
    %add3A_7 = arith.addf %add3A, %add3A_6 : vector<1024x1xf32>
    %rsqrt3A = math.rsqrt %add3A_7 : vector<1024x1xf32>
    %get3A_8 = arith.constant 0 : index
    %get3A_9 = arith.constant 0 : index
    %get3A_10 = arith.constant 0 : index
    %get3A_11 = vector.load %arg2[%get3A_8, %get3A_9, %get3A_10] : memref<2x1024x128xf32, #tpu.memory_space<vmem>>, vector<1x1024x128xf32>
    %get3A_12 = vector.shape_cast %get3A_11 : vector<1x1024x128xf32> to vector<1024x128xf32>
    %get3A_13 = arith.constant 1 : index
    %get3A_14 = arith.constant 0 : index
    %get3A_15 = arith.constant 0 : index
    %get3A_16 = vector.load %arg2[%get3A_13, %get3A_14, %get3A_15] : memref<2x1024x128xf32, #tpu.memory_space<vmem>>, vector<1x1024x128xf32>
    %get3A_17 = vector.shape_cast %get3A_16 : vector<1x1024x128xf32> to vector<1024x128xf32>
    %add3A_18 = arith.addf %get3A_12, %get3A_17 : vector<1024x128xf32>
    %get3A_19 = arith.constant 0 : index
    %get3A_20 = arith.constant 0 : index
    %get3A_21 = vector.load %arg3[%get3A_19, %get3A_20] : memref<1024x128xf32, #tpu.memory_space<vmem>>, vector<1024x128xf32>
    %add3A_22 = arith.addf %add3A_18, %get3A_21 : vector<1024x128xf32>
    %mul3A = vector.broadcast %rsqrt3A : vector<1024x1xf32> to vector<1024x128xf32>
    %mul3A_23 = arith.mulf %mul3A, %add3A_22 : vector<1024x128xf32>
    %get3A_24 = arith.constant 0 : index
    %get3A_25 = arith.constant 0 : index
    %get3A_26 = vector.load %arg4[%get3A_24, %get3A_25] : memref<1x128xf32, #tpu.memory_space<vmem>>, vector<1x128xf32>
    %add3A_27 = vector.broadcast %get3A_26 : vector<1x128xf32> to vector<1024x128xf32>
    %add3A_28 = arith.addf %mul3A_23, %add3A_27 : vector<1024x128xf32>
    %slice3A = vector.extract_strided_slice %add3A_28 {offsets = [0, 0], sizes = [1024, 64], strides = [1, 1]} : vector<1024x128xf32> to vector<1024x64xf32>
    %swap3A = arith.constant 0 : index
    %swap3A_29 = arith.constant 0 : index
    %swap3A_30 = vector.load %arg5[%swap3A, %swap3A_29] : memref<1024x64xf32, #tpu.memory_space<vmem>>, vector<1024x64xf32>
    tpu.vector_store %arg5[%swap3A, %swap3A_29], %slice3A {strides = array<i32>} : memref<1024x64xf32, #tpu.memory_space<vmem>>, vector<1024x64xf32>,
    return
  }
  func.func @transform_0(%arg0: i32) -> (i32, i32) {
    %c0_i32 = arith.constant 0 : i32
    %c0_i32_0 = arith.constant 0 : i32
    return %arg0, %c0_i32 : i32, i32
  }
  func.func @transform_1(%arg0: i32) -> (i32, i32, i32) {
    %c0_i32 = arith.constant 0 : i32
    %c0_i32_0 = arith.constant 0 : i32
    %c0_i32_1 = arith.constant 0 : i32
    return %c0_i32, %arg0, %c0_i32_0 : i32, i32, i32
  }
  func.func @transform_2(%arg0: i32) -> (i32, i32) {
    %c0_i32 = arith.constant 0 : i32
    %c0_i32_0 = arith.constant 0 : i32
    return %arg0, %c0_i32 : i32, i32
  }
  func.func @transform_3(%arg0: i32) -> (i32, i32) {
    %c0_i32 = arith.constant 0 : i32
    %c0_i32_0 = arith.constant 0 : i32
    %c0_i32_1 = arith.constant 0 : i32
    return %c0_i32, %c0_i32_0 : i32, i32
  }
  func.func @transform_4(%arg0: i32) -> (i32, i32) {
    %c0_i32 = arith.constant 0 : i32
    %c0_i32_0 = arith.constant 0 : i32
    return %arg0, %c0_i32 : i32, i32
  }
}

module attributes {stable_mosaic.version = 14 : i64} {
  func.func @_out_body(%arg0: i32, %arg1: memref<256x10000xf32, #tpu.memory_space<vmem>>, %arg2: memref<10000x64xf32, #tpu.memory_space<vmem>>, %arg3: memref<256x64xf32, #tpu.memory_space<vmem>>) attributes {dimension_semantics = [#tpu.dimension_semantics<arbitrary>], iteration_bounds = array<i64: 4>, scalar_prefetch = 0 : i64, scratch_operands = 0 : i64, tpu.core_type = #tpu.core_type<tc>, window_params = [{transform_indices = @transform_0, window_bounds = array<i64: 256, 10000>}, {pipeline_mode = #tpu.pipeline_mode<synchronous>, transform_indices = @transform_1, window_bounds = array<i64: 10000, 64>}, {transform_indices = @transform_2, window_bounds = array<i64: 256, 64>}]} {
    %get3A = arith.constant 0 : index
    %get3A_0 = arith.constant 0 : index
    %get3A_1 = vector.load %arg1[%get3A, %get3A_0] : memref<256x10000xf32, #tpu.memory_space<vmem>>, vector<256x10000xf32>
    %get3A_2 = arith.constant 0 : index
    %get3A_3 = arith.constant 0 : index
    %get3A_4 = vector.load %arg2[%get3A_2, %get3A_3] : memref<10000x64xf32, #tpu.memory_space<vmem>>, vector<10000x64xf32>
    %dot_general3A = arith.constant dense<0.000000e+00> : vector<256x64xf32>
    %dot_general3A_5 = tpu.matmul %get3A_1, %get3A_4, %dot_general3A {dimension_numbers = #tpu.dot_dimension_numbers<[1], [0], [0], [1], [0, 0, 1, 1], [], []>, transpose_lhs_hint = false} : vector<256x10000xf32>, vector<10000x64xf32>, vector<256x64xf32> -> vector<256x64xf32>
    %swap3A = arith.constant 0 : index
    %swap3A_6 = arith.constant 0 : index
    %swap3A_7 = vector.load %arg3[%swap3A, %swap3A_6] : memref<256x64xf32, #tpu.memory_space<vmem>>, vector<256x64xf32>
    tpu.vector_store %arg3[%swap3A, %swap3A_6], %dot_general3A_5 {strides = array<i32>} : memref<256x64xf32, #tpu.memory_space<vmem>>, vector<256x64xf32>,
    return
  }
  func.func @transform_0(%arg0: i32) -> (i32, i32) {
    %c0_i32 = arith.constant 0 : i32
    %c0_i32_0 = arith.constant 0 : i32
    return %arg0, %c0_i32 : i32, i32
  }
  func.func @transform_1(%arg0: i32) -> (i32, i32) {
    %c0_i32 = arith.constant 0 : i32
    %c0_i32_0 = arith.constant 0 : i32
    %c0_i32_1 = arith.constant 0 : i32
    return %c0_i32, %c0_i32_0 : i32, i32
  }
  func.func @transform_2(%arg0: i32) -> (i32, i32) {
    %c0_i32 = arith.constant 0 : i32
    %c0_i32_0 = arith.constant 0 : i32
    return %arg0, %c0_i32 : i32, i32
  }
}

</mosaic_0001>

<sc_bundles>
// kernel: kernel.12.cloned.1.call-start
scs
__scs_entry_jumppad:
0x0: {  	(pc) =	sbr.rel $0x88, $3  }
0x1: {  	(tag) =	ssettag $0x0;
	lr =	simm.s32 $0x1  }
0x2: {  	[smem:$0x3F9A] =	sst lr;
	_ =	strace $0xD0000000  }
0x3: {  	_ = 	snop  }
0x4: {  	_ = 	snop  }
0x5: {  	_ = 	snop  }
0x6: {  	_ = 	snop  }
0x7: {  	_ = 	snop  }
__scs_overlays_trampoline_lowered:
0x8: {  	[smem:$0x3FA9] =	sst s0  }
0x9: {  	[smem:$0x3FAA] =	sst s1  }
0xa: {  	[smem:$0x3FAB] =	sst s2  }
0xb: {  	[smem:$0x3FAC] =	sst s3  }
0xc: {  	[smem:$0x3FAD] =	sst s4  }
0xd: {  	[smem:$0x3FAE] =	sst s5  }
0xe: {  	[smem:$0x3FAF] =	sst s6  }
0xf: {  	[smem:$0x3FB0] =	sst s7  }
0x10: {  	[smem:$0x3FB1] =	sst s8  }
0x11: {  	[smem:$0x3FB2] =	sst s9;
	s0 =	simm.s32 @!p0 $0x0  }
0x12: {  	s1 =	sld [smem:$0x3F98];
	s0 =	simm.s32 @p0 $0x1  }
0x13: {  	[smem:$0x3FB3] =	sst s0;
	s0 =	simm.s32 @!p1 $0x0  }
0x14: {  	s2 =	sld [smem:$0x3F97];
	s0 =	simm.s32 @p1 $0x1  }
0x15: {  	[smem:$0x3FB4] =	sst s0;
	s0 =	simm.s32 @!p2 $0x0  }
0x16: {  	s3 =	sld [smem:$0x3FDB];
	s0 =	simm.s32 @p2 $0x1  }
0x17: {  	s4 =	simm.s32 $0x1BF5;
	[smem:$0x3FB6] =	sst s0  }
0x18: {  	s0 =	sld [smem:$0x3F99];
	_ =	swait.ge [sflag:s4], $0x0  }
0x19: {  	s7 =	sld [smem:$0x3F9A]  }
0x1a: {  	s8 =	sadd.s32 $0xFFFFE003, lr  }
0x1b: {  	s9 =	sadd.s32 $0xFFFFFEF7, lr;
	s5 =	simm.s32 $0xFFFFFFFF;
	p2 =	slt.u32 s8, $0xFFFFF086  }
0x1c: {  	p1 =	slt.u32 s9, $0xF7A;
	s5 =	simm.s32 @!p2 $0x0  }
0x1d: {  	s5 =	simm.s32 @p1 $0x1;
	p0 =	seq.s32 s7, s2  }
0x1e: {  	s7 =	smul.u32 @!p0 $0xF7A, s2;
	p2 =	seq.s32 @!p0 s5, $0x0  }
0x1f: {  	s9 =	smul.u32 $0xF7A, s1;
	s8 =	simm.s32 @!p0 $0x1BF5;
	p2 =	por !p2, p0  }
0x20: {  	[sflag:s8] =	ssyncset.s32 @!p0 $0xFFFFF086;
	s6 =	sadd.s32 @!p0 s3, s7;
	s7 =	simm.s32 @!p0 $0x108  }
0x21: {  	s3 =	sadd.s32 s3, s9;
	s6 =	sadd.s32 @!p0 $0x88, s6;
	s7 =	simm.s32 @p2 $0x1082  }
0x22: {  	[simem:s7], [sflag:s8] =	dma.local @!p0 [hbm:s6], $0xF7A  }
0x23: {  	s9 =	sor.u32 $0xD0000000, s2;
	s6 =	simm.s32 $0x108;
	_ =	swait.ge @!p0 [sflag:s8], $0x0  }
0x24: {  	s3 =	sadd.s32 $0x88, s3;
	s6 =	simm.s32 @!p1 $0x1082;
	[sflag:s4] =	ssyncset.s32 $0xFFFFF086  }
0x25: {  	[simem:s6], [sflag:s4] =	dma.local [hbm:s3], $0xF7A  }
0x26: {  	[smem:$0x3F9A] =	sst s1;
	(tag) =	ssettag s2;
	_ =	strace s9  }
0x27: {  	s1 =	sld [smem:$0x3FAA]  }
0x28: {  	s2 =	sld [smem:$0x3FAB]  }
0x29: {  	s4 =	sld [smem:$0x3FAD]  }
0x2a: {  	p0 =	seq.s32 s5, $0x0;
	s5 =	sld [smem:$0x3FAE]  }
0x2b: {  	s6 =	sld [smem:$0x3FAF]  }
0x2c: {  	s7 =	sld [smem:$0x3FB0]  }
0x2d: {  	s3 =	simm.s32 $0x108;
	s8 =	sld [smem:$0x3FB1]  }
0x2e: {  	s3 =	simm.s32 @!p0 $0x1082;
	s9 =	sld [smem:$0x3FB2]  }
0x2f: {  	lr =	sadd.s32 s0, s3;
	s0 =	sld [smem:$0x3FA9]  }
0x30: {  	s3 =	sld [smem:$0x3FAC]  }
0x31: {  	[smem:$0x3FB5] =	sst s10  }
0x32: {  	s10 =	sld [smem:$0x3FB3];
	_ =	sdelay $0x3  }
0x33: {  	p0 =	seq.s32 s10, $0x1;
	s10 =	sld [smem:$0x3FB5];
	_ =	sdelay $0x3  }
0x34: {  	[smem:$0x3FB5] =	sst s10  }
0x35: {  	s10 =	sld [smem:$0x3FB4];
	_ =	sdelay $0x3  }
0x36: {  	p1 =	seq.s32 s10, $0x1;
	s10 =	sld [smem:$0x3FB5];
	_ =	sdelay $0x3  }
0x37: {  	[smem:$0x3FB5] =	sst s10  }
0x38: {  	s10 =	sld [smem:$0x3FB6]  }
0x39: {  	_ = 	snop;
	(pc) =	sbr.ind lr, $3  }
0x3a: {  	_ = 	snop  }
0x3b: {  	_ = 	snop  }
0x3c: {  	p2 =	seq.s32 s10, $0x1;
	s10 =	sld [smem:$0x3FB5]  }
0x3d: {  	_ =	shalt  }
0x3e: {  	_ =	shalt  }
0x3f: {  	_ =	shalt  }
0x40: {  	_ =	shalt  }
0x41: {  	_ =	shalt  }
0x42: {  	_ =	shalt  }
0x43: {  	_ =	shalt  }
0x44: {  	_ =	shalt  }
0x45: {  	_ =	shalt  }
0x46: {  	_ =	shalt  }
0x47: {  	_ =	shalt  }
0x48: {  	_ =	shalt  }
0x49: {  	_ =	shalt  }
0x4a: {  	_ =	shalt  }
0x4b: {  	_ =	shalt  }
0x4c: {  	_ =	shalt  }
0x4d: {  	_ =	shalt  }
0x4e: {  	_ =	shalt  }
0x4f: {  	_ =	shalt  }
0x50: {  	_ =	shalt  }
0x51: {  	_ =	shalt  }
0x52: {  	_ =	shalt  }
0x53: {  	_ =	shalt  }
0x54: {  	_ =	shalt  }
0x55: {  	_ =	shalt  }
0x56: {  	_ =	shalt  }
0x57: {  	_ =	shalt  }
0x58: {  	_ =	shalt  }
0x59: {  	_ =	shalt  }
0x5a: {  	_ =	shalt  }
0x5b: {  	_ =	shalt  }
0x5c: {  	_ =	shalt  }
0x5d: {  	_ =	shalt  }
0x5e: {  	_ =	shalt  }
0x5f: {  	_ =	shalt  }
0x60: {  	_ =	shalt  }
0x61: {  	_ =	shalt  }
0x62: {  	_ =	shalt  }
0x63: {  	_ =	shalt  }
0x64: {  	_ =	shalt  }
0x65: {  	_ =	shalt  }
0x66: {  	_ =	shalt  }
0x67: {  	_ =	shalt  }
0x68: {  	_ =	shalt  }
0x69: {  	_ =	shalt  }
0x6a: {  	_ =	shalt  }
0x6b: {  	_ =	shalt  }
0x6c: {  	_ =	shalt  }
0x6d: {  	_ =	shalt  }
0x6e: {  	_ =	shalt  }
0x6f: {  	_ =	shalt  }
0x70: {  	_ =	shalt  }
0x71: {  	_ =	shalt  }
0x72: {  	_ =	shalt  }
0x73: {  	_ =	shalt  }
0x74: {  	_ =	shalt  }
0x75: {  	_ =	shalt  }
0x76: {  	_ =	shalt  }
0x77: {  	_ =	shalt  }
0x78: {  	_ =	shalt  }
0x79: {  	_ =	shalt  }
0x7a: {  	_ =	shalt  }
0x7b: {  	_ =	shalt  }
0x7c: {  	_ =	shalt  }
0x7d: {  	_ =	shalt  }
0x7e: {  	_ =	shalt  }
0x7f: {  	_ =	shalt  }
0x80: {  	_ =	shalt  }
0x81: {  	_ =	shalt  }
0x82: {  	_ =	shalt  }
0x83: {  	_ =	shalt  }
0x84: {  	_ =	shalt  }
0x85: {  	_ =	shalt  }
0x86: {  	_ =	shalt  }
0x87: {  	_ =	shalt  }
.Lfunc_end0:
.L_simem_size_0:
called_computation.1_lowered:
.L_overlay_start_0:
0x88: {  	s2 =	sld [smem:$0x3FD9]  }
0x89: {  	s3 =	sld [smem:$0x3FFE];
	_ =	sdelay $0x1  }
0x8a: {  	s1 =	srdreg.scid  }
0x8b: {  	s0 =	sand.u32 $0x1, s1  }
0x8c: {  	s16 =	sshll.u32 s0, $0xA;
	s2 =	sadd.s32 s3, s2  }
0x8d: {  	s2 =	sadd.s32 s2, s16  }
0x8e: {  	[smem:$0x3FC1] =	sst s2  }
0x8f: {  	_ = 	snop  }
0x90: {  	(tm) =	ssettm $0x1  }
0x91: {  	s17 =	sld [smem:$0x3FFB];
	_ =	sdelay $0x3  }
0x92: {  	_ =	strace s17  }
0x93: {  	s2 =	sld [smem:$0x3FFC];
	_ =	sdelay $0x3  }
0x94: {  	_ =	strace s2  }
0x95: {  	s2 =	sld [smem:$0x3FFD];
	_ =	sdelay $0x3  }
0x96: {  	_ =	strace s2  }
0x97: {  	_ =	strace $0x8FFFFFFF  }
0x98: {  	s18 =	sld [smem:$0x3FDB];
	_ =	sdelay $0x1  }
0x99: {  	s19 =	simm.s32 $_scs_section_size  }
0x9a: {  	s4 =	simm.s32 $_size__tile_overlayer_lowered;
	s5 =	simm.s32 $_tile_overlayer_lowered  }
0x9b: {  	s22 =	simm.s32 $0x1BFF;
	s21 =	sshll.u32 s5, $0x1;
	s2 =	sadd.s32 s19, s18  }
0x9c: {  	s6 =	simm.s32 $0x0;
	s20 =	sshll.u32 s4, $0x1;
	s4 =	sadd.s32 s21, s2  }
0x9d: {  	[timem:s6], [sflag:s22] =	dma.local [hbm:s4], s20  }
0x9e: {  	_ =	swait.ge [sflag:s22], s20  }
0x9f: {  	s3 =	ssub.s32 $0x0, s20;
	[sflag:s22] =	ssyncset.done $0x0  }
0xa0: {  	[sflag:s22] =	ssyncadd.s32 s3;
	_ =	sdelay $0x1  }
0xa1: {  	s23 =	simm.s32 $0x1B8B  }
0xa2: {  	_ =	swait.ge [sflag:s23], $0x1  }
0xa3: {  	[sflag:s23] =	ssyncset.done $0x0  }
0xa4: {  	s25 =	simm.s32 $0x1B8E;
	s24 =	sld [smem:$0x3FFE];
	[sflag:s23] =	ssyncadd.s32 $0xFFFFFFFF  }
0xa5: {  	s26 =	simm.s32 $execute0_lowered;
	[smem:$0x3FD2] =	sst s25  }
0xa6: {  	s4 =	sshll.u32 s26, $0x1;
	_ =	strace $0x80000049;
	[dreg:$0x1] =	wrdreg $0xFFFFFFFF  }
0xa7: {  	s28 =	simm.s32 $_size_execute0_lowered;
	s2 =	sadd.s32 s2, s4;
	[dreg:$0x0] =	wrdreg $0x0  }
0xa8: {  	s4 =	sshll.u32 s28, $0x1;
	[dreg:$0x2] =	wrdreg s2  }
0xa9: {  	[dreg:$0x3] =	wrdreg s4  }
0xaa: {  	[dreg:$0x4] =	wrdreg $0xC0  }
0xab: {  	_ =	task [dreg:s6], $0x5FFFF  }
0xac: {  	[dreg:$0x1] =	wrdreg $0xFFFFFFFF  }
0xad: {  	[dreg:$0x0] =	wrdreg $0x60  }
0xae: {  	[dreg:$0x2] =	wrdreg s24  }
0xaf: {  	[dreg:$0x3] =	wrdreg $0xC3800  }
0xb0: {  	[dreg:$0x4] =	wrdreg $0x9  }
0xb1: {  	_ =	task.clear_ibuf [dreg:s6], $0x5FFFF;
	_ =	strace $0x90000049  }
0xb2: {  	s29 =	simm.s32 $0x9;
	_ =	strace $0x8000004B  }
0xb3: {  	_ =	swait.ge [sflag:s29], $0x1  }
0xb4: {  	[sflag:s29] =	ssyncadd.s32 $0xFFFFFFFF  }
0xb5: {  	_ =	strace $0x9000004B  }
0xb6: {  	_ =	sfence  }
0xb7: {  	s30 =	sld [smem:$0x0];
	_ =	sdelay $0x2  }
0xb8: {  	s31 =	sshll.u32 s1, $0xD;
	s1 =	sshrl.u32 s1, $0x2  }
0xb9: {  	s3 =	sand.u32 $0x4000, s31;
	s1 =	sadd.s32 s1, s30  }
0xba: {  	s0 =	sor.u32 s3, s0;
	s1 =	sshll.u32 s1, $0x11  }
0xbb: {  	s0 =	sor.u32 s1, s0  }
0xbc: {  	s0 =	sadd.s32 $0x8F2B, s0  }
0xbd: {  	[sflag:s0] =	ssyncadd.remote.s32 $0x1  }
0xbe: {  	_ =	sfence.sel $0xFFFF  }
0xbf: {  	[dreg:$0x0] =	wrdreg $0xFFFFFFFF;
	(pc) =	sbr.abs _section_cstart, $3  }
0xc0: {  	[dreg:$0x1] =	wrdreg $0xFFFFFFFF  }
0xc1: {  	_ =	task.clear_ibuf [dreg:s6], $0x2FFFF;
	_ =	strace $0x9FFFFFFF  }
0xc2: {  	(tm) =	ssettm $0x7FFFFFFF  }
0xc3: {  	_ =	shalt  }
tec
execute0_lowered:
.L_overlay_start_1:
0x0: {  	(tag) =	ssettag $0x1  }
0x1: {  	s1 =	rddreg [dreg:$0x0]  }
0x2: {  	s2 =	rddreg [dreg:$0x1]  }
0x3: {  	s12 =	stileid.u32;
	s0 =	srdreg.scid;
	s3 =	simm.s32 $0x0  }
0x4: {  	s28 =	simm.s32 $0xC000;
	s29 =	simm.s32 $0xC080;
	s30 =	simm.s32 $0xC100  }
0x5: {  	s31 =	simm.s32 $0xC180;
	s6 =	smul.u32 $0x13C00, s12;
	s8 =	sand.u32 $0x1, s0  }
0x6: {  	[smem:$0x7FF] =	sst s3;
	s4 =	sadd.s32 $0x16400, s1;
	s11 =	smul.u32 $0x4F000, s12  }
0x7: {  	s5 =	sadd.s32 $0x2400, s1;
	s10 =	sshll.u32 s12, $0x1;
	s0 =	smul.u32 $0x13C000, s8  }
0x8: {  	s9 =	ssub.s32 $0x2, s8;
	s10 =	sor.u32 s8, s10;
	s8 =	smul.u32 $0x2800, s8  }
0x9: {  	_ =	strace $0x8000004A;
	s7 =	sshrl.u32 s6, $0x3;
	s25 =	smul.u32 $0x2800, s10  }
0xa: {  	s24 =	sshrl.u32 s9, $0x1;
	s26 =	sshrl.u32 s11, $0x2;
	s11 =	smul.u32 $0x5000, s12  }
0xb: {  	s6 =	sadd.s32 s6, s0;
	s0 =	sadd.s32 $0xC400, s1;
	s10 =	sadd.s32 s26, s2  }
0xc: {  	s7 =	sadd.s32 s7, s1;
	s6 =	sshrl.u32 s6, $0x3;
	[dreg:$0x1b] =	wrdreg s10  }
0xd: {  	s7 =	sadd.s32 $0x3E400, s7;
	s10 =	sshll.u32 s12, $0x6;
	s8 =	sadd.s32 s8, s11  }
0xe: {  	s1 =	sadd.s32 s6, s1;
	s6 =	ssub.s32 s9, s24;
	[dreg:$0x1c] =	wrdreg s7  }
0xf: {  	s24 =	sor.u32 $0x1C0E, s10;
	s7 =	sshrl.u32 s25, $0x3;
	s18 =	sadd.s32 $0x980, s8  }
0x10: {  	s20 =	sadd.s32 $0x900, s8;
	s21 =	sadd.s32 $0x880, s8;
	s26 =	sadd.s32 $0x800, s8  }
0x11: {  	s13 =	sadd.s32 s5, s7;
	s12 =	sor.u32 $0x10, s7;
	[dreg:$0x1d] =	wrdreg s24  }
0x12: {  	s9 =	sor.u32 $0x30, s7;
	s14 =	sadd.s32 s5, s12;
	[dreg:$0x1e] =	wrdreg s13  }
0x13: {  	s15 =	sor.u32 $0x20, s7;
	s16 =	sadd.s32 s5, s9;
	[dreg:$0x1f] =	wrdreg s14  }
0x14: {  	s10 =	sshrl.u32 s18, $0x3;
	s17 =	sadd.s32 s0, s12;
	[smem:$0x7EF] =	sst s16  }
0x15: {  	s11 =	sshrl.u32 s20, $0x3;
	s19 =	sadd.s32 s0, s15;
	[smem:$0x7F0] =	sst s17  }
0x16: {  	s23 =	sshrl.u32 s21, $0x3;
	s10 =	sadd.s32 s10, s5;
	[smem:$0x7F1] =	sst s19  }
0x17: {  	s21 =	sor.u32 $0x700, s8;
	s22 =	sadd.s32 s11, s5;
	[dreg:$0x3] =	wrdreg s10  }
0x18: {  	s25 =	sadd.s32 s23, s0;
	s11 =	sadd.s32 s23, s5;
	[dreg:$0x4] =	wrdreg s22  }
0x19: {  	s23 =	sshrl.u32 s21, $0x3;
	s21 =	sor.u32 $0x580, s8;
	[dreg:$0x5] =	wrdreg s25  }
0x1a: {  	s9 =	sadd.s32 s0, s9;
	s12 =	simm.s32 $0x2;
	[dreg:$0x6] =	wrdreg s11  }
0x1b: {  	s14 =	sadd.s32 s5, s15;
	s15 =	sshrl.u32 s26, $0x3;
	[smem:$0x7F3] =	sst s9  }
0x1c: {  	s17 =	sor.u32 $0x780, s8;
	s25 =	sadd.s32 s23, s0;
	[smem:$0x7EE] =	sst s14  }
0x1d: {  	s26 =	sor.u32 $0x680, s8;
	s11 =	sadd.s32 s23, s5;
	[dreg:$0xb] =	wrdreg s25  }
0x1e: {  	s23 =	sshrl.u32 s21, $0x3;
	s16 =	sadd.s32 s15, s0;
	[dreg:$0xc] =	wrdreg s11  }
0x1f: {  	s9 =	simm.s32 $0x8;
	s18 =	sadd.s32 s15, s5;
	[dreg:$0x7] =	wrdreg s16  }
0x20: {  	s14 =	sadd.s32 s0, s7;
	s25 =	sadd.s32 s23, s0;
	[dreg:$0x8] =	wrdreg s18  }
0x21: {  	s19 =	sshrl.u32 s17, $0x3;
	s11 =	sadd.s32 s23, s5;
	[dreg:$0x11] =	wrdreg s25  }
0x22: {  	s15 =	sshrl.u32 s26, $0x3;
	s17 =	sor.u32 $0x600, s8;
	[dreg:$0x12] =	wrdreg s11  }
0x23: {  	s26 =	sor.u32 $0x500, s8;
	s20 =	sadd.s32 s19, s0;
	[smem:$0x7FA] =	sst s14  }
0x24: {  	s23 =	sor.u32 $0x380, s8;
	s22 =	sadd.s32 s19, s5;
	[dreg:$0x9] =	wrdreg s20  }
0x25: {  	s16 =	sadd.s32 s15, s0;
	s18 =	sadd.s32 s15, s5;
	[dreg:$0xa] =	wrdreg s22  }
0x26: {  	s19 =	sshrl.u32 s17, $0x3;
	s15 =	sshrl.u32 s26, $0x3;
	[dreg:$0xd] =	wrdreg s16  }
0x27: {  	s25 =	sshrl.u32 s23, $0x3;
	s23 =	sadd.s32 $0x4F0, s14;
	[dreg:$0xe] =	wrdreg s18  }
0x28: {  	s17 =	sor.u32 $0x480, s8;
	s20 =	sadd.s32 s19, s0;
	[smem:$0x7FB] =	sst s23  }
0x29: {  	s26 =	sor.u32 $0x400, s8;
	s22 =	sadd.s32 s19, s5;
	[dreg:$0xf] =	wrdreg s20  }
0x2a: {  	s8 =	sor.u32 $0x300, s8;
	s16 =	sadd.s32 s15, s0;
	[dreg:$0x10] =	wrdreg s22  }
0x2b: {  	s18 =	sadd.s32 s15, s5;
	s19 =	sshrl.u32 s17, $0x3;
	[dreg:$0x13] =	wrdreg s16  }
0x2c: {  	s10 =	sadd.s32 s25, s0;
	s11 =	sshrl.u32 s26, $0x3;
	[dreg:$0x14] =	wrdreg s18  }
0x2d: {  	s25 =	sadd.s32 $0x66400, s1;
	s26 =	smax.u32 s6, $0x1;
	[dreg:$0x17] =	wrdreg s10  }
0x2e: {  	s1 =	simm.s32 $0xC280;
	s6 =	simm.s32 $0x80;
	[smem:$0x7FC] =	sst s25  }
0x2f: {  	s23 =	simm.s32 $0x0;
	s21 =	sadd.s32 s19, s0;
	[smem:$0x7FD] =	sst s26  }
0x30: {  	s20 =	sor.u32 $0x40, s7;
	s22 =	sadd.s32 s19, s5;
	[dreg:$0x15] =	wrdreg s21  }
0x31: {  	s7 =	sor.u32 $0x50, s7;
	s16 =	sadd.s32 s11, s0;
	[dreg:$0x16] =	wrdreg s22  }
0x32: {  	s19 =	sadd.s32 $0x60, s13;
	s26 =	simm.s32 $0xE;
	[dreg:$0x18] =	wrdreg s16  }
0x33: {  	s10 =	simm.s32 $0x4000;
	s15 =	sadd.s32 s5, s20;
	[smem:$0x7F6] =	sst s19  }
0x34: {  	s17 =	sadd.s32 s5, s7;
	s18 =	sadd.s32 s0, s20;
	[smem:$0x7F2] =	sst s15  }
0x35: {  	s5 =	sadd.s32 s11, s5;
	s7 =	sadd.s32 s0, s7;
	[smem:$0x7F4] =	sst s17  }
0x36: {  	s20 =	sshrl.u32 s8, $0x3;
	s21 =	sadd.s32 $0x70, s13;
	[smem:$0x7F5] =	sst s18  }
0x37: {  	s22 =	sadd.s32 $0x4E0, s14;
	s11 =	simm.s32 $0x1;
	[smem:$0x7F7] =	sst s7  }
0x38: {  	s13 =	simm.s32 $0x9;
	s14 =	simm.s32 $0x8000;
	[dreg:$0x19] =	wrdreg s5  }
0x39: {  	s8 =	simm.s32 $0x4;
	s16 =	simm.s32 $0x5;
	[smem:$0x7F8] =	sst s21  }
0x3a: {  	s19 =	simm.s32 $0x6;
	s0 =	sadd.s32 s20, s0;
	[smem:$0x7F9] =	sst s22  }
0x3b: {  	s5 =	simm.s32 $0xC300;
	s15 =	simm.s32 $0xA;
	s17 =	simm.s32 $0x3  }
0x3c: {  	s18 =	simm.s32 $0x7;
	s20 =	simm.s32 $0xB;
	s21 =	simm.s32 $0xC  }
0x3d: {  	s22 =	simm.s32 $0xD;
	[dreg:$0x1a] =	wrdreg s0;
	s0 =	simm.s32 $0xC200  }
.LBB2_1:
0x3e: {  	s7 =	rddreg [dreg:$0x1b]  }
0x3f: {  	s25 =	sshrl.u32 s7, $0x3;
	s7 =	rddreg [dreg:$0x1c]  }
0x40: {  	[smem:$0x7ED] =	sst s25  }
0x41: {  	[spmem:s25], [sflag:s24] =	dma.local [hbm:s7], $0x2780  }
0x42: {  	_ =	swait.ge [sflag:s26], $0x2780  }
0x43: {  	[sflag:s26] =	ssyncset.done $0x0  }
0x44: {  	s24 =	rddreg [dreg:$0x1e];
	[sflag:s26] =	ssyncadd.s32 $0xFFFFD880  }
0x45: {  	[tilespmem:s28], [sflag:$0xE] =	stream.linear.gather [hbm4b:s24+s3], $0x80, $0x38;
	[tilespmem:$0x1FF80] =	vst v63  }
0x46: {  	_ =	swait.ge [sflag:s26], $0x80  }
0x47: {  	[sflag:s26] =	ssyncset.done $0x0;
	s25 =	rddreg [dreg:$0x1f]  }
0x48: {  	s24 =	sld [smem:$0x7EE];
	[sflag:s26] =	ssyncadd.s32 $0xFFFFFF80  }
0x49: {  	[tilespmem:s29], [sflag:$0x8] =	stream.linear.gather [hbm4b:s25+s3], $0x80, $0x38;
	[tilespmem:$0x1FF80] =	vst v63  }
0x4a: {  	s25 =	sld [smem:$0x7EF]  }
0x4b: {  	[tilespmem:s30], [sflag:$0x9] =	stream.linear.gather [hbm4b:s24+s3], $0x80, $0x38;
	[tilespmem:$0x1FF80] =	vst v63  }
0x4c: {  	s24 =	sld [smem:$0x7FA]  }
0x4d: {  	[tilespmem:s31], [sflag:$0xA] =	stream.linear.gather [hbm4b:s25+s3], $0x80, $0x38;
	[tilespmem:$0x1FF80] =	vst v63  }
0x4e: {  	_ = 	snop  }
0x4f: {  	[tilespmem:s0], [sflag:$0xE] =	stream.linear.gather [hbm4b:s24+s3], $0x80, $0x38;
	[tilespmem:$0x1FF80] =	vst v63  }
0x50: {  	_ =	swait.ge [sflag:s26], $0x80  }
0x51: {  	s25 =	sld [smem:$0x7F0]  }
0x52: {  	[sflag:s26] =	ssyncset.done $0x0  }
0x53: {  	[sflag:s26] =	ssyncadd.s32 $0xFFFFFF80  }
0x54: {  	[tilespmem:s1], [sflag:$0xE] =	stream.linear.gather [hbm4b:s25+s3], $0x80, $0x38;
	[tilespmem:$0x1FF80] =	vst v63  }
0x55: {  	_ =	swait.ge [sflag:s26], $0x80  }
0x56: {  	s24 =	sld [smem:$0x7F1]  }
0x57: {  	[sflag:s26] =	ssyncset.done $0x0  }
0x58: {  	[sflag:s26] =	ssyncadd.s32 $0xFFFFFF80  }
0x59: {  	[tilespmem:s5], [sflag:$0xE] =	stream.linear.gather [hbm4b:s24+s3], $0x80, $0x38;
	[tilespmem:$0x1FF80] =	vst v63  }
0x5a: {  	_ =	swait.ge [sflag:s26], $0x80  }
0x5b: {  	[sflag:s26] =	ssyncset.done $0x0  }
0x5c: {  	[sflag:s26] =	ssyncadd.s32 $0xFFFFFF80  }
0x5d: {  	[bflag:$0x0] =	sbarrier.arrive $0xFFFF  }
0x5e: {  	[tilespmem:s3], [sflag:$0x1] =	stream.indirect.gather [hbm4b:s4+s6], $0x80, s28, s6, $0xb8;
	[tilespmem:$0x1FF80] =	vst v63  }
0x5f: {  	_ =	swait.ge [sflag:s9], $0x80  }
0x60: {  	[sflag:s9] =	ssyncset.done $0x0  }
0x61: {  	[sflag:s9] =	ssyncadd.s32 $0xFFFFFF80  }
0x62: {  	[tilespmem:s10], [sflag:$0x2] =	stream.indirect.gather [hbm4b:s4+s6], $0x80, s29, s6, $0xb8;
	[tilespmem:$0x1FF80] =	vst v63  }
0x63: {  	_ =	swait.ge [sflag:s11], $0x4000  }
0x64: {  	[sflag:s11] =	ssyncset.done $0x0  }
0x65: {  	s25 =	sld [smem:$0x7F2];
	[sflag:s11] =	ssyncadd.s32 $0xFFFFC000  }
0x66: {  	[spmem:s2] =	stream.indirect.scatter.add.f32 [tilespmem:s3], [sflag:$0x4], $0x80, s0, s6, $0xb8;
	[tilespmem:$0x1FF80] =	vst v63  }
0x67: {  	_ = 	snop  }
0x68: {  	[tilespmem:s28], [sflag:$0x7] =	stream.linear.gather [hbm4b:s25+s3], $0x80, $0x38;
	[tilespmem:$0x1FF80] =	vst v63  }
0x69: {  	_ =	swait.ge [sflag:s13], $0x80  }
0x6a: {  	[sflag:s13] =	ssyncset.done $0x0  }
0x6b: {  	[sflag:s13] =	ssyncadd.s32 $0xFFFFFF80  }
0x6c: {  	[tilespmem:s14], [sflag:$0x3] =	stream.indirect.gather [hbm4b:s4+s6], $0x80, s30, s6, $0xb8;
	[tilespmem:$0x1FF80] =	vst v63  }
0x6d: {  	_ =	swait.ge [sflag:s8], $0x4000  }
0x6e: {  	s24 =	sld [smem:$0x7F3]  }
0x6f: {  	[sflag:s8] =	ssyncset.done $0x0  }
0x70: {  	[sflag:s8] =	ssyncadd.s32 $0xFFFFC000  }
0x71: {  	[tilespmem:s0], [sflag:$0xB] =	stream.linear.gather [hbm4b:s24+s3], $0x80, $0x38;
	[tilespmem:$0x1FF80] =	vst v63  }
0x72: {  	_ =	swait.ge [sflag:s12], $0x4000  }
0x73: {  	[sflag:s12] =	ssyncset.done $0x0  }
0x74: {  	s25 =	sld [smem:$0x7F4];
	[sflag:s12] =	ssyncadd.s32 $0xFFFFC000  }
0x75: {  	[spmem:s2] =	stream.indirect.scatter.add.f32 [tilespmem:s10], [sflag:$0x5], $0x80, s1, s6, $0xb8;
	[tilespmem:$0x1FF80] =	vst v63  }
0x76: {  	_ = 	snop  }
0x77: {  	[tilespmem:s29], [sflag:$0x8] =	stream.linear.gather [hbm4b:s25+s3], $0x80, $0x38;
	[tilespmem:$0x1FF80] =	vst v63  }
0x78: {  	_ =	swait.ge [sflag:s15], $0x80  }
0x79: {  	[sflag:s15] =	ssyncset.done $0x0  }
0x7a: {  	[sflag:s15] =	ssyncadd.s32 $0xFFFFFF80  }
0x7b: {  	[tilespmem:s3], [sflag:$0x1] =	stream.indirect.gather [hbm4b:s4+s6], $0x80, s31, s6, $0xb8;
	[tilespmem:$0x1FF80] =	vst v63  }
0x7c: {  	_ =	swait.ge [sflag:s16], $0x4000  }
0x7d: {  	s24 =	sld [smem:$0x7F5]  }
0x7e: {  	[sflag:s16] =	ssyncset.done $0x0  }
0x7f: {  	[sflag:s16] =	ssyncadd.s32 $0xFFFFC000  }
0x80: {  	[tilespmem:s1], [sflag:$0xC] =	stream.linear.gather [hbm4b:s24+s3], $0x80, $0x38;
	[tilespmem:$0x1FF80] =	vst v63  }
0x81: {  	_ =	swait.ge [sflag:s17], $0x4000  }
0x82: {  	[sflag:s17] =	ssyncset.done $0x0  }
0x83: {  	s25 =	sld [smem:$0x7F6];
	[sflag:s17] =	ssyncadd.s32 $0xFFFFC000  }
0x84: {  	[spmem:s2] =	stream.indirect.scatter.add.f32 [tilespmem:s14], [sflag:$0x6], $0x80, s5, s6, $0xb8;
	[tilespmem:$0x1FF80] =	vst v63  }
0x85: {  	_ = 	snop  }
0x86: {  	[tilespmem:s30], [sflag:$0x9] =	stream.linear.gather [hbm4b:s25+s3], $0x80, $0x38;
	[tilespmem:$0x1FF80] =	vst v63  }
0x87: {  	_ =	swait.ge [sflag:s18], $0x80  }
0x88: {  	[sflag:s18] =	ssyncset.done $0x0  }
0x89: {  	[sflag:s18] =	ssyncadd.s32 $0xFFFFFF80  }
0x8a: {  	[tilespmem:s10], [sflag:$0x2] =	stream.indirect.gather [hbm4b:s4+s6], $0x80, s28, s6, $0xb8;
	[tilespmem:$0x1FF80] =	vst v63  }
0x8b: {  	_ =	swait.ge [sflag:s19], $0x4000  }
0x8c: {  	s24 =	sld [smem:$0x7F7]  }
0x8d: {  	[sflag:s19] =	ssyncset.done $0x0  }
0x8e: {  	[sflag:s19] =	ssyncadd.s32 $0xFFFFC000  }
0x8f: {  	[tilespmem:s5], [sflag:$0xD] =	stream.linear.gather [hbm4b:s24+s3], $0x80, $0x38;
	[tilespmem:$0x1FF80] =	vst v63  }
0x90: {  	_ =	swait.ge [sflag:s11], $0x4000  }
0x91: {  	[sflag:s11] =	ssyncset.done $0x0  }
0x92: {  	[sflag:s11] =	ssyncadd.s32 $0xFFFFC000  }
0x93: {  	_ =	swait.ge [sflag:s20], $0x80  }
0x94: {  	[sflag:s20] =	ssyncset.done $0x0  }
0x95: {  	s25 =	sld [smem:$0x7F8];
	[sflag:s20] =	ssyncadd.s32 $0xFFFFFF80  }
0x96: {  	[spmem:s2] =	stream.indirect.scatter.add.f32 [tilespmem:s3], [sflag:$0x4], $0x80, s0, s6, $0xb8;
	[tilespmem:$0x1FF80] =	vst v63  }
0x97: {  	_ = 	snop  }
0x98: {  	[tilespmem:s31], [sflag:$0xA] =	stream.linear.gather [hbm4b:s25+s3], $0x80, $0x38;
	[tilespmem:$0x1FF80] =	vst v63  }
0x99: {  	_ =	swait.ge [sflag:s9], $0x80  }
0x9a: {  	[sflag:s9] =	ssyncset.done $0x0  }
0x9b: {  	[sflag:s9] =	ssyncadd.s32 $0xFFFFFF80  }
0x9c: {  	[tilespmem:s14], [sflag:$0x3] =	stream.indirect.gather [hbm4b:s4+s6], $0x80, s29, s6, $0xb8;
	[tilespmem:$0x1FF80] =	vst v63  }
0x9d: {  	_ =	swait.ge [sflag:s8], $0x4000  }
0x9e: {  	s24 =	rddreg [dreg:$0x1a];
	[sflag:s8] =	ssyncset.done $0x0  }
0x9f: {  	[sflag:s8] =	ssyncadd.s32 $0xFFFFC000;
	s7 =	sadd.s32 $0x0, s24  }
0xa0: {  	[tilespmem:s0], [sflag:$0xB] =	stream.linear.gather [hbm4b:s7+s3], $0x80, $0x38;
	[tilespmem:$0x1FF80] =	vst v63  }
0xa1: {  	_ =	swait.ge [sflag:s12], $0x4000  }
0xa2: {  	[sflag:s12] =	ssyncset.done $0x0  }
0xa3: {  	[sflag:s12] =	ssyncadd.s32 $0xFFFFC000  }
0xa4: {  	_ =	swait.ge [sflag:s21], $0x80  }
0xa5: {  	[sflag:s21] =	ssyncset.done $0x0  }
0xa6: {  	s25 =	rddreg [dreg:$0x19];
	[sflag:s21] =	ssyncadd.s32 $0xFFFFFF80  }
0xa7: {  	[spmem:s2] =	stream.indirect.scatter.add.f32 [tilespmem:s10], [sflag:$0x5], $0x80, s1, s6, $0xb8;
	[tilespmem:$0x1FF80] =	vst v63  }
0xa8: {  	s7 =	sadd.s32 $0x0, s25  }
0xa9: {  	[tilespmem:s28], [sflag:$0x7] =	stream.linear.gather [hbm4b:s7+s3], $0x80, $0x38;
	[tilespmem:$0x1FF80] =	vst v63  }
0xaa: {  	_ =	swait.ge [sflag:s13], $0x80  }
0xab: {  	[sflag:s13] =	ssyncset.done $0x0  }
0xac: {  	[sflag:s13] =	ssyncadd.s32 $0xFFFFFF80  }
0xad: {  	[tilespmem:s3], [sflag:$0x1] =	stream.indirect.gather [hbm4b:s4+s6], $0x80, s30, s6, $0xb8;
	[tilespmem:$0x1FF80] =	vst v63  }
0xae: {  	_ =	swait.ge [sflag:s16], $0x4000  }
0xaf: {  	s24 =	rddreg [dreg:$0x17];
	[sflag:s16] =	ssyncset.done $0x0  }
0xb0: {  	[sflag:s16] =	ssyncadd.s32 $0xFFFFC000;
	s7 =	sadd.s32 $0x0, s24  }
0xb1: {  	[tilespmem:s1], [sflag:$0xC] =	stream.linear.gather [hbm4b:s7+s3], $0x80, $0x38;
	[tilespmem:$0x1FF80] =	vst v63  }
0xb2: {  	_ =	swait.ge [sflag:s17], $0x4000  }
0xb3: {  	[sflag:s17] =	ssyncset.done $0x0  }
0xb4: {  	[sflag:s17] =	ssyncadd.s32 $0xFFFFC000  }
0xb5: {  	_ =	swait.ge [sflag:s22], $0x80  }
0xb6: {  	[sflag:s22] =	ssyncset.done $0x0  }
0xb7: {  	s25 =	rddreg [dreg:$0x16];
	[sflag:s22] =	ssyncadd.s32 $0xFFFFFF80  }
0xb8: {  	[spmem:s2] =	stream.indirect.scatter.add.f32 [tilespmem:s14], [sflag:$0x6], $0x80, s5, s6, $0xb8;
	[tilespmem:$0x1FF80] =	vst v63  }
0xb9: {  	s7 =	sadd.s32 $0x0, s25  }
0xba: {  	[tilespmem:s29], [sflag:$0x8] =	stream.linear.gather [hbm4b:s7+s3], $0x80, $0x38;
	[tilespmem:$0x1FF80] =	vst v63  }
0xbb: {  	_ =	swait.ge [sflag:s15], $0x80  }
0xbc: {  	[sflag:s15] =	ssyncset.done $0x0  }
0xbd: {  	[sflag:s15] =	ssyncadd.s32 $0xFFFFFF80  }
0xbe: {  	[tilespmem:s10], [sflag:$0x2] =	stream.indirect.gather [hbm4b:s4+s6], $0x80, s31, s6, $0xb8;
	[tilespmem:$0x1FF80] =	vst v63  }
0xbf: {  	_ =	swait.ge [sflag:s19], $0x4000  }
0xc0: {  	s24 =	rddreg [dreg:$0x18];
	[sflag:s19] =	ssyncset.done $0x0  }
0xc1: {  	[sflag:s19] =	ssyncadd.s32 $0xFFFFC000;
	s7 =	sadd.s32 $0x0, s24  }
0xc2: {  	[tilespmem:s5], [sflag:$0xD] =	stream.linear.gather [hbm4b:s7+s3], $0x80, $0x38;
	[tilespmem:$0x1FF80] =	vst v63  }
0xc3: {  	_ =	swait.ge [sflag:s11], $0x4000  }
0xc4: {  	[sflag:s11] =	ssyncset.done $0x0  }
0xc5: {  	[sflag:s11] =	ssyncadd.s32 $0xFFFFC000  }
0xc6: {  	_ =	swait.ge [sflag:s20], $0x80  }
0xc7: {  	[sflag:s20] =	ssyncset.done $0x0  }
0xc8: {  	s25 =	rddreg [dreg:$0x14];
	[sflag:s20] =	ssyncadd.s32 $0xFFFFFF80  }
0xc9: {  	[spmem:s2] =	stream.indirect.scatter.add.f32 [tilespmem:s3], [sflag:$0x4], $0x80, s0, s6, $0xb8;
	[tilespmem:$0x1FF80] =	vst v63  }
0xca: {  	s7 =	sadd.s32 $0x0, s25  }
0xcb: {  	[tilespmem:s30], [sflag:$0x9] =	stream.linear.gather [hbm4b:s7+s3], $0x80, $0x38;
	[tilespmem:$0x1FF80] =	vst v63  }
0xcc: {  	_ =	swait.ge [sflag:s18], $0x80  }
0xcd: {  	[sflag:s18] =	ssyncset.done $0x0  }
0xce: {  	[sflag:s18] =	ssyncadd.s32 $0xFFFFFF80  }
0xcf: {  	[tilespmem:s14], [sflag:$0x3] =	stream.indirect.gather [hbm4b:s4+s6], $0x80, s28, s6, $0xb8;
	[tilespmem:$0x1FF80] =	vst v63  }
0xd0: {  	_ =	swait.ge [sflag:s8], $0x4000  }
0xd1: {  	s24 =	rddreg [dreg:$0x15];
	[sflag:s8] =	ssyncset.done $0x0  }
0xd2: {  	[sflag:s8] =	ssyncadd.s32 $0xFFFFC000;
	s7 =	sadd.s32 $0x0, s24  }
0xd3: {  	[tilespmem:s0], [sflag:$0xB] =	stream.linear.gather [hbm4b:s7+s3], $0x80, $0x38;
	[tilespmem:$0x1FF80] =	vst v63  }
0xd4: {  	_ =	swait.ge [sflag:s12], $0x4000  }
0xd5: {  	[sflag:s12] =	ssyncset.done $0x0  }
0xd6: {  	[sflag:s12] =	ssyncadd.s32 $0xFFFFC000  }
0xd7: {  	_ =	swait.ge [sflag:s21], $0x80  }
0xd8: {  	[sflag:s21] =	ssyncset.done $0x0  }
0xd9: {  	s25 =	rddreg [dreg:$0x12];
	[sflag:s21] =	ssyncadd.s32 $0xFFFFFF80  }
0xda: {  	[spmem:s2] =	stream.indirect.scatter.add.f32 [tilespmem:s10], [sflag:$0x5], $0x80, s1, s6, $0xb8;
	[tilespmem:$0x1FF80] =	vst v63  }
0xdb: {  	s7 =	sadd.s32 $0x0, s25  }
0xdc: {  	[tilespmem:s31], [sflag:$0xA] =	stream.linear.gather [hbm4b:s7+s3], $0x80, $0x38;
	[tilespmem:$0x1FF80] =	vst v63  }
0xdd: {  	_ =	swait.ge [sflag:s9], $0x80  }
0xde: {  	[sflag:s9] =	ssyncset.done $0x0  }
0xdf: {  	[sflag:s9] =	ssyncadd.s32 $0xFFFFFF80  }
0xe0: {  	[tilespmem:s3], [sflag:$0x1] =	stream.indirect.gather [hbm4b:s4+s6], $0x80, s29, s6, $0xb8;
	[tilespmem:$0x1FF80] =	vst v63  }
0xe1: {  	_ =	swait.ge [sflag:s16], $0x4000  }
0xe2: {  	s24 =	rddreg [dreg:$0x13];
	[sflag:s16] =	ssyncset.done $0x0  }
0xe3: {  	[sflag:s16] =	ssyncadd.s32 $0xFFFFC000;
	s7 =	sadd.s32 $0x0, s24  }
0xe4: {  	[tilespmem:s1], [sflag:$0xC] =	stream.linear.gather [hbm4b:s7+s3], $0x80, $0x38;
	[tilespmem:$0x1FF80] =	vst v63  }
0xe5: {  	_ =	swait.ge [sflag:s17], $0x4000  }
0xe6: {  	[sflag:s17] =	ssyncset.done $0x0  }
0xe7: {  	[sflag:s17] =	ssyncadd.s32 $0xFFFFC000  }
0xe8: {  	_ =	swait.ge [sflag:s22], $0x80  }
0xe9: {  	[sflag:s22] =	ssyncset.done $0x0  }
0xea: {  	s25 =	rddreg [dreg:$0x10];
	[sflag:s22] =	ssyncadd.s32 $0xFFFFFF80  }
0xeb: {  	[spmem:s2] =	stream.indirect.scatter.add.f32 [tilespmem:s14], [sflag:$0x6], $0x80, s5, s6, $0xb8;
	[tilespmem:$0x1FF80] =	vst v63  }
0xec: {  	s7 =	sadd.s32 $0x0, s25  }
0xed: {  	[tilespmem:s28], [sflag:$0x7] =	stream.linear.gather [hbm4b:s7+s3], $0x80, $0x38;
	[tilespmem:$0x1FF80] =	vst v63  }
0xee: {  	_ =	swait.ge [sflag:s13], $0x80  }
0xef: {  	[sflag:s13] =	ssyncset.done $0x0  }
0xf0: {  	[sflag:s13] =	ssyncadd.s32 $0xFFFFFF80  }
0xf1: {  	[tilespmem:s10], [sflag:$0x2] =	stream.indirect.gather [hbm4b:s4+s6], $0x80, s30, s6, $0xb8;
	[tilespmem:$0x1FF80] =	vst v63  }
0xf2: {  	_ =	swait.ge [sflag:s19], $0x4000  }
0xf3: {  	s24 =	rddreg [dreg:$0x11];
	[sflag:s19] =	ssyncset.done $0x0  }
0xf4: {  	[sflag:s19] =	ssyncadd.s32 $0xFFFFC000;
	s7 =	sadd.s32 $0x0, s24  }
0xf5: {  	[tilespmem:s5], [sflag:$0xD] =	stream.linear.gather [hbm4b:s7+s3], $0x80, $0x38;
	[tilespmem:$0x1FF80] =	vst v63  }
0xf6: {  	_ =	swait.ge [sflag:s11], $0x4000  }
0xf7: {  	[sflag:s11] =	ssyncset.done $0x0  }
0xf8: {  	[sflag:s11] =	ssyncadd.s32 $0xFFFFC000  }
0xf9: {  	_ =	swait.ge [sflag:s20], $0x80  }
0xfa: {  	[sflag:s20] =	ssyncset.done $0x0  }
0xfb: {  	s25 =	rddreg [dreg:$0xe];
	[sflag:s20] =	ssyncadd.s32 $0xFFFFFF80  }
0xfc: {  	[spmem:s2] =	stream.indirect.scatter.add.f32 [tilespmem:s3], [sflag:$0x4], $0x80, s0, s6, $0xb8;
	[tilespmem:$0x1FF80] =	vst v63  }
0xfd: {  	s7 =	sadd.s32 $0x0, s25  }
0xfe: {  	[tilespmem:s29], [sflag:$0x8] =	stream.linear.gather [hbm4b:s7+s3], $0x80, $0x38;
	[tilespmem:$0x1FF80] =	vst v63  }
0xff: {  	_ =	swait.ge [sflag:s15], $0x80  }
0x100: {  	[sflag:s15] =	ssyncset.done $0x0  }
0x101: {  	[sflag:s15] =	ssyncadd.s32 $0xFFFFFF80  }
0x102: {  	[tilespmem:s14], [sflag:$0x3] =	stream.indirect.gather [hbm4b:s4+s6], $0x80, s31, s6, $0xb8;
	[tilespmem:$0x1FF80] =	vst v63  }
0x103: {  	_ =	swait.ge [sflag:s8], $0x4000  }
0x104: {  	s24 =	rddreg [dreg:$0xf];
	[sflag:s8] =	ssyncset.done $0x0  }
0x105: {  	[sflag:s8] =	ssyncadd.s32 $0xFFFFC000;
	s7 =	sadd.s32 $0x0, s24  }
0x106: {  	[tilespmem:s0], [sflag:$0xB] =	stream.linear.gather [hbm4b:s7+s3], $0x80, $0x38;
	[tilespmem:$0x1FF80] =	vst v63  }
0x107: {  	_ =	swait.ge [sflag:s12], $0x4000  }
0x108: {  	[sflag:s12] =	ssyncset.done $0x0  }
0x109: {  	[sflag:s12] =	ssyncadd.s32 $0xFFFFC000  }
0x10a: {  	_ =	swait.ge [sflag:s21], $0x80  }
0x10b: {  	[sflag:s21] =	ssyncset.done $0x0  }
0x10c: {  	s25 =	rddreg [dreg:$0xc];
	[sflag:s21] =	ssyncadd.s32 $0xFFFFFF80  }
0x10d: {  	[spmem:s2] =	stream.indirect.scatter.add.f32 [tilespmem:s10], [sflag:$0x5], $0x80, s1, s6, $0xb8;
	[tilespmem:$0x1FF80] =	vst v63  }
0x10e: {  	s7 =	sadd.s32 $0x0, s25  }
0x10f: {  	[tilespmem:s30], [sflag:$0x9] =	stream.linear.gather [hbm4b:s7+s3], $0x80, $0x38;
	[tilespmem:$0x1FF80] =	vst v63  }
0x110: {  	_ =	swait.ge [sflag:s18], $0x80  }
0x111: {  	[sflag:s18] =	ssyncset.done $0x0  }
0x112: {  	[sflag:s18] =	ssyncadd.s32 $0xFFFFFF80  }
0x113: {  	[tilespmem:s3], [sflag:$0x1] =	stream.indirect.gather [hbm4b:s4+s6], $0x80, s28, s6, $0xb8;
	[tilespmem:$0x1FF80] =	vst v63  }
0x114: {  	_ =	swait.ge [sflag:s16], $0x4000  }
0x115: {  	s24 =	rddreg [dreg:$0xd];
	[sflag:s16] =	ssyncset.done $0x0  }
0x116: {  	[sflag:s16] =	ssyncadd.s32 $0xFFFFC000;
	s7 =	sadd.s32 $0x0, s24  }
0x117: {  	[tilespmem:s1], [sflag:$0xC] =	stream.linear.gather [hbm4b:s7+s3], $0x80, $0x38;
	[tilespmem:$0x1FF80] =	vst v63  }
0x118: {  	_ =	swait.ge [sflag:s17], $0x4000  }
0x119: {  	[sflag:s17] =	ssyncset.done $0x0  }
0x11a: {  	[sflag:s17] =	ssyncadd.s32 $0xFFFFC000  }
0x11b: {  	_ =	swait.ge [sflag:s22], $0x80  }
0x11c: {  	[sflag:s22] =	ssyncset.done $0x0  }
0x11d: {  	s25 =	rddreg [dreg:$0xa];
	[sflag:s22] =	ssyncadd.s32 $0xFFFFFF80  }
0x11e: {  	[spmem:s2] =	stream.indirect.scatter.add.f32 [tilespmem:s14], [sflag:$0x6], $0x80, s5, s6, $0xb8;
	[tilespmem:$0x1FF80] =	vst v63  }
0x11f: {  	s7 =	sadd.s32 $0x0, s25  }
0x120: {  	[tilespmem:s31], [sflag:$0xA] =	stream.linear.gather [hbm4b:s7+s3], $0x80, $0x38;
	[tilespmem:$0x1FF80] =	vst v63  }
0x121: {  	_ =	swait.ge [sflag:s9], $0x80  }
0x122: {  	[sflag:s9] =	ssyncset.done $0x0  }
0x123: {  	[sflag:s9] =	ssyncadd.s32 $0xFFFFFF80  }
0x124: {  	[tilespmem:s10], [sflag:$0x2] =	stream.indirect.gather [hbm4b:s4+s6], $0x80, s29, s6, $0xb8;
	[tilespmem:$0x1FF80] =	vst v63  }
0x125: {  	_ =	swait.ge [sflag:s19], $0x4000  }
0x126: {  	s24 =	rddreg [dreg:$0xb];
	[sflag:s19] =	ssyncset.done $0x0  }
0x127: {  	[sflag:s19] =	ssyncadd.s32 $0xFFFFC000;
	s7 =	sadd.s32 $0x0, s24  }
0x128: {  	[tilespmem:s5], [sflag:$0xD] =	stream.linear.gather [hbm4b:s7+s3], $0x80, $0x38;
	[tilespmem:$0x1FF80] =	vst v63  }
0x129: {  	_ =	swait.ge [sflag:s11], $0x4000  }
0x12a: {  	[sflag:s11] =	ssyncset.done $0x0  }
0x12b: {  	[sflag:s11] =	ssyncadd.s32 $0xFFFFC000  }
0x12c: {  	_ =	swait.ge [sflag:s20], $0x80  }
0x12d: {  	[sflag:s20] =	ssyncset.done $0x0  }
0x12e: {  	s25 =	rddreg [dreg:$0x8];
	[sflag:s20] =	ssyncadd.s32 $0xFFFFFF80  }
0x12f: {  	[spmem:s2] =	stream.indirect.scatter.add.f32 [tilespmem:s3], [sflag:$0x4], $0x80, s0, s6, $0xb8;
	[tilespmem:$0x1FF80] =	vst v63  }
0x130: {  	s7 =	sadd.s32 $0x0, s25  }
0x131: {  	[tilespmem:s28], [sflag:$0x7] =	stream.linear.gather [hbm4b:s7+s3], $0x80, $0x38;
	[tilespmem:$0x1FF80] =	vst v63  }
0x132: {  	_ =	swait.ge [sflag:s13], $0x80  }
0x133: {  	[sflag:s13] =	ssyncset.done $0x0  }
0x134: {  	[sflag:s13] =	ssyncadd.s32 $0xFFFFFF80  }
0x135: {  	[tilespmem:s14], [sflag:$0x3] =	stream.indirect.gather [hbm4b:s4+s6], $0x80, s30, s6, $0xb8;
	[tilespmem:$0x1FF80] =	vst v63  }
0x136: {  	_ =	swait.ge [sflag:s8], $0x4000  }
0x137: {  	s24 =	rddreg [dreg:$0x9];
	[sflag:s8] =	ssyncset.done $0x0  }
0x138: {  	[sflag:s8] =	ssyncadd.s32 $0xFFFFC000;
	s7 =	sadd.s32 $0x0, s24  }
0x139: {  	[tilespmem:s0], [sflag:$0xB] =	stream.linear.gather [hbm4b:s7+s3], $0x80, $0x38;
	[tilespmem:$0x1FF80] =	vst v63  }
0x13a: {  	_ =	swait.ge [sflag:s12], $0x4000  }
0x13b: {  	[sflag:s12] =	ssyncset.done $0x0  }
0x13c: {  	[sflag:s12] =	ssyncadd.s32 $0xFFFFC000  }
0x13d: {  	_ =	swait.ge [sflag:s21], $0x80  }
0x13e: {  	[sflag:s21] =	ssyncset.done $0x0  }
0x13f: {  	s25 =	rddreg [dreg:$0x6];
	[sflag:s21] =	ssyncadd.s32 $0xFFFFFF80  }
0x140: {  	[spmem:s2] =	stream.indirect.scatter.add.f32 [tilespmem:s10], [sflag:$0x5], $0x80, s1, s6, $0xb8;
	[tilespmem:$0x1FF80] =	vst v63  }
0x141: {  	s7 =	sadd.s32 $0x0, s25  }
0x142: {  	[tilespmem:s29], [sflag:$0x8] =	stream.linear.gather [hbm4b:s7+s3], $0x80, $0x38;
	[tilespmem:$0x1FF80] =	vst v63  }
0x143: {  	_ =	swait.ge [sflag:s15], $0x80  }
0x144: {  	[sflag:s15] =	ssyncset.done $0x0  }
0x145: {  	[sflag:s15] =	ssyncadd.s32 $0xFFFFFF80  }
0x146: {  	[tilespmem:s3], [sflag:$0x1] =	stream.indirect.gather [hbm4b:s4+s6], $0x80, s31, s6, $0xb8;
	[tilespmem:$0x1FF80] =	vst v63  }
0x147: {  	_ =	swait.ge [sflag:s16], $0x4000  }
0x148: {  	s24 =	rddreg [dreg:$0x7];
	[sflag:s16] =	ssyncset.done $0x0  }
0x149: {  	[sflag:s16] =	ssyncadd.s32 $0xFFFFC000;
	s7 =	sadd.s32 $0x0, s24  }
0x14a: {  	[tilespmem:s1], [sflag:$0xC] =	stream.linear.gather [hbm4b:s7+s3], $0x80, $0x38;
	[tilespmem:$0x1FF80] =	vst v63  }
0x14b: {  	_ =	swait.ge [sflag:s17], $0x4000  }
0x14c: {  	[sflag:s17] =	ssyncset.done $0x0  }
0x14d: {  	[sflag:s17] =	ssyncadd.s32 $0xFFFFC000  }
0x14e: {  	_ =	swait.ge [sflag:s22], $0x80  }
0x14f: {  	[sflag:s22] =	ssyncset.done $0x0  }
0x150: {  	s25 =	rddreg [dreg:$0x4];
	[sflag:s22] =	ssyncadd.s32 $0xFFFFFF80  }
0x151: {  	[spmem:s2] =	stream.indirect.scatter.add.f32 [tilespmem:s14], [sflag:$0x6], $0x80, s5, s6, $0xb8;
	[tilespmem:$0x1FF80] =	vst v63  }
0x152: {  	s7 =	sadd.s32 $0x0, s25  }
0x153: {  	[tilespmem:s30], [sflag:$0x9] =	stream.linear.gather [hbm4b:s7+s3], $0x80, $0x38;
	[tilespmem:$0x1FF80] =	vst v63  }
0x154: {  	_ =	swait.ge [sflag:s18], $0x80  }
0x155: {  	[sflag:s18] =	ssyncset.done $0x0  }
0x156: {  	[sflag:s18] =	ssyncadd.s32 $0xFFFFFF80  }
0x157: {  	[tilespmem:s10], [sflag:$0x2] =	stream.indirect.gather [hbm4b:s4+s6], $0x80, s28, s6, $0xb8;
	[tilespmem:$0x1FF80] =	vst v63  }
0x158: {  	_ =	swait.ge [sflag:s19], $0x4000  }
0x159: {  	s24 =	rddreg [dreg:$0x5];
	[sflag:s19] =	ssyncset.done $0x0  }
0x15a: {  	[sflag:s19] =	ssyncadd.s32 $0xFFFFC000;
	s7 =	sadd.s32 $0x0, s24  }
0x15b: {  	[tilespmem:s5], [sflag:$0xD] =	stream.linear.gather [hbm4b:s7+s3], $0x80, $0x38;
	[tilespmem:$0x1FF80] =	vst v63  }
0x15c: {  	_ =	swait.ge [sflag:s11], $0x4000  }
0x15d: {  	[sflag:s11] =	ssyncset.done $0x0  }
0x15e: {  	[sflag:s11] =	ssyncadd.s32 $0xFFFFC000  }
0x15f: {  	_ =	swait.ge [sflag:s20], $0x80  }
0x160: {  	[sflag:s20] =	ssyncset.done $0x0  }
0x161: {  	s25 =	rddreg [dreg:$0x3];
	[sflag:s20] =	ssyncadd.s32 $0xFFFFFF80  }
0x162: {  	[spmem:s2] =	stream.indirect.scatter.add.f32 [tilespmem:s3], [sflag:$0x4], $0x80, s0, s6, $0xb8;
	[tilespmem:$0x1FF80] =	vst v63  }
0x163: {  	s7 =	sadd.s32 $0x0, s25  }
0x164: {  	[tilespmem:s31], [sflag:$0xA] =	stream.linear.gather [hbm4b:s7+s3], $0x80, $0x38;
	[tilespmem:$0x1FF80] =	vst v63  }
0x165: {  	_ =	swait.ge [sflag:s9], $0x80  }
0x166: {  	[sflag:s9] =	ssyncset.done $0x0  }
0x167: {  	s25 =	simm.s32 $0xC0;
	[sflag:s9] =	ssyncadd.s32 $0xFFFFFF80  }
.LBB2_2:
0x168: {  	[tilespmem:s14], [sflag:$0x3] =	stream.indirect.gather [hbm4b:s4+s6], $0x80, s29, s6, $0xb8;
	[tilespmem:$0x1FF80] =	vst v63  }
0x169: {  	_ =	swait.ge [sflag:s8], $0x4000  }
0x16a: {  	s7 =	smov.u32 s25;
	s24 =	rddreg [dreg:$0x1a];
	[sflag:s8] =	ssyncset.done $0x0  }
0x16b: {  	[sflag:s8] =	ssyncadd.s32 $0xFFFFC000;
	s24 =	sadd.s32 s7, s24  }
0x16c: {  	[tilespmem:s0], [sflag:$0xB] =	stream.linear.gather [hbm4b:s24+s3], $0x80, $0x38;
	[tilespmem:$0x1FF80] =	vst v63  }
0x16d: {  	_ =	swait.ge [sflag:s12], $0x4000  }
0x16e: {  	[sflag:s12] =	ssyncset.done $0x0  }
0x16f: {  	[sflag:s12] =	ssyncadd.s32 $0xFFFFC000  }
0x170: {  	_ =	swait.ge [sflag:s21], $0x80  }
0x171: {  	[sflag:s21] =	ssyncset.done $0x0  }
0x172: {  	s24 =	rddreg [dreg:$0x19];
	[sflag:s21] =	ssyncadd.s32 $0xFFFFFF80  }
0x173: {  	[spmem:s2] =	stream.indirect.scatter.add.f32 [tilespmem:s10], [sflag:$0x5], $0x80, s1, s6, $0xb8;
	[tilespmem:$0x1FF80] =	vst v63  }
0x174: {  	s24 =	sadd.s32 s7, s24  }
0x175: {  	[tilespmem:s28], [sflag:$0x7] =	stream.linear.gather [hbm4b:s24+s3], $0x80, $0x38;
	[tilespmem:$0x1FF80] =	vst v63  }
0x176: {  	_ =	swait.ge [sflag:s13], $0x80  }
0x177: {  	[sflag:s13] =	ssyncset.done $0x0  }
0x178: {  	[sflag:s13] =	ssyncadd.s32 $0xFFFFFF80  }
0x179: {  	[tilespmem:s3], [sflag:$0x1] =	stream.indirect.gather [hbm4b:s4+s6], $0x80, s30, s6, $0xb8;
	[tilespmem:$0x1FF80] =	vst v63  }
0x17a: {  	_ =	swait.ge [sflag:s16], $0x4000  }
0x17b: {  	s24 =	rddreg [dreg:$0x17];
	[sflag:s16] =	ssyncset.done $0x0  }
0x17c: {  	[sflag:s16] =	ssyncadd.s32 $0xFFFFC000;
	s24 =	sadd.s32 s7, s24  }
0x17d: {  	[tilespmem:s1], [sflag:$0xC] =	stream.linear.gather [hbm4b:s24+s3], $0x80, $0x38;
	[tilespmem:$0x1FF80] =	vst v63  }
0x17e: {  	_ =	swait.ge [sflag:s17], $0x4000  }
0x17f: {  	[sflag:s17] =	ssyncset.done $0x0  }
0x180: {  	[sflag:s17] =	ssyncadd.s32 $0xFFFFC000  }
0x181: {  	_ =	swait.ge [sflag:s22], $0x80  }
0x182: {  	[sflag:s22] =	ssyncset.done $0x0  }
0x183: {  	s24 =	rddreg [dreg:$0x16];
	[sflag:s22] =	ssyncadd.s32 $0xFFFFFF80  }
0x184: {  	[spmem:s2] =	stream.indirect.scatter.add.f32 [tilespmem:s14], [sflag:$0x6], $0x80, s5, s6, $0xb8;
	[tilespmem:$0x1FF80] =	vst v63  }
0x185: {  	s24 =	sadd.s32 s7, s24  }
0x186: {  	[tilespmem:s29], [sflag:$0x8] =	stream.linear.gather [hbm4b:s24+s3], $0x80, $0x38;
	[tilespmem:$0x1FF80] =	vst v63  }
0x187: {  	_ =	swait.ge [sflag:s15], $0x80  }
0x188: {  	[sflag:s15] =	ssyncset.done $0x0  }
0x189: {  	[sflag:s15] =	ssyncadd.s32 $0xFFFFFF80  }
0x18a: {  	[tilespmem:s10], [sflag:$0x2] =	stream.indirect.gather [hbm4b:s4+s6], $0x80, s31, s6, $0xb8;
	[tilespmem:$0x1FF80] =	vst v63  }
0x18b: {  	_ =	swait.ge [sflag:s19], $0x4000  }
0x18c: {  	s24 =	rddreg [dreg:$0x18];
	[sflag:s19] =	ssyncset.done $0x0  }
0x18d: {  	[sflag:s19] =	ssyncadd.s32 $0xFFFFC000;
	s24 =	sadd.s32 s7, s24  }
0x18e: {  	[tilespmem:s5], [sflag:$0xD] =	stream.linear.gather [hbm4b:s24+s3], $0x80, $0x38;
	[tilespmem:$0x1FF80] =	vst v63  }
0x18f: {  	_ =	swait.ge [sflag:s11], $0x4000  }
0x190: {  	[sflag:s11] =	ssyncset.done $0x0  }
0x191: {  	[sflag:s11] =	ssyncadd.s32 $0xFFFFC000  }
0x192: {  	_ =	swait.ge [sflag:s20], $0x80  }
0x193: {  	[sflag:s20] =	ssyncset.done $0x0  }
0x194: {  	s24 =	rddreg [dreg:$0x14];
	[sflag:s20] =	ssyncadd.s32 $0xFFFFFF80  }
0x195: {  	[spmem:s2] =	stream.indirect.scatter.add.f32 [tilespmem:s3], [sflag:$0x4], $0x80, s0, s6, $0xb8;
	[tilespmem:$0x1FF80] =	vst v63  }
0x196: {  	s24 =	sadd.s32 s7, s24  }
0x197: {  	[tilespmem:s30], [sflag:$0x9] =	stream.linear.gather [hbm4b:s24+s3], $0x80, $0x38;
	[tilespmem:$0x1FF80] =	vst v63  }
0x198: {  	_ =	swait.ge [sflag:s18], $0x80  }
0x199: {  	[sflag:s18] =	ssyncset.done $0x0  }
0x19a: {  	[sflag:s18] =	ssyncadd.s32 $0xFFFFFF80  }
0x19b: {  	[tilespmem:s14], [sflag:$0x3] =	stream.indirect.gather [hbm4b:s4+s6], $0x80, s28, s6, $0xb8;
	[tilespmem:$0x1FF80] =	vst v63  }
0x19c: {  	_ =	swait.ge [sflag:s8], $0x4000  }
0x19d: {  	s24 =	rddreg [dreg:$0x15];
	[sflag:s8] =	ssyncset.done $0x0  }
0x19e: {  	[sflag:s8] =	ssyncadd.s32 $0xFFFFC000;
	s24 =	sadd.s32 s7, s24  }
0x19f: {  	[tilespmem:s0], [sflag:$0xB] =	stream.linear.gather [hbm4b:s24+s3], $0x80, $0x38;
	[tilespmem:$0x1FF80] =	vst v63  }
0x1a0: {  	_ =	swait.ge [sflag:s12], $0x4000  }
0x1a1: {  	[sflag:s12] =	ssyncset.done $0x0  }
0x1a2: {  	[sflag:s12] =	ssyncadd.s32 $0xFFFFC000  }
0x1a3: {  	_ =	swait.ge [sflag:s21], $0x80  }
0x1a4: {  	[sflag:s21] =	ssyncset.done $0x0  }
0x1a5: {  	s24 =	rddreg [dreg:$0x12];
	[sflag:s21] =	ssyncadd.s32 $0xFFFFFF80  }
0x1a6: {  	[spmem:s2] =	stream.indirect.scatter.add.f32 [tilespmem:s10], [sflag:$0x5], $0x80, s1, s6, $0xb8;
	[tilespmem:$0x1FF80] =	vst v63  }
0x1a7: {  	s24 =	sadd.s32 s7, s24  }
0x1a8: {  	[tilespmem:s31], [sflag:$0xA] =	stream.linear.gather [hbm4b:s24+s3], $0x80, $0x38;
	[tilespmem:$0x1FF80] =	vst v63  }
0x1a9: {  	_ =	swait.ge [sflag:s9], $0x80  }
0x1aa: {  	[sflag:s9] =	ssyncset.done $0x0  }
0x1ab: {  	[sflag:s9] =	ssyncadd.s32 $0xFFFFFF80  }
0x1ac: {  	[tilespmem:s3], [sflag:$0x1] =	stream.indirect.gather [hbm4b:s4+s6], $0x80, s29, s6, $0xb8;
	[tilespmem:$0x1FF80] =	vst v63  }
0x1ad: {  	_ =	swait.ge [sflag:s16], $0x4000  }
0x1ae: {  	s24 =	rddreg [dreg:$0x13];
	[sflag:s16] =	ssyncset.done $0x0  }
0x1af: {  	[sflag:s16] =	ssyncadd.s32 $0xFFFFC000;
	s24 =	sadd.s32 s7, s24  }
0x1b0: {  	[tilespmem:s1], [sflag:$0xC] =	stream.linear.gather [hbm4b:s24+s3], $0x80, $0x38;
	[tilespmem:$0x1FF80] =	vst v63  }
0x1b1: {  	_ =	swait.ge [sflag:s17], $0x4000  }
0x1b2: {  	[sflag:s17] =	ssyncset.done $0x0  }
0x1b3: {  	[sflag:s17] =	ssyncadd.s32 $0xFFFFC000  }
0x1b4: {  	_ =	swait.ge [sflag:s22], $0x80  }
0x1b5: {  	[sflag:s22] =	ssyncset.done $0x0  }
0x1b6: {  	s24 =	rddreg [dreg:$0x10];
	[sflag:s22] =	ssyncadd.s32 $0xFFFFFF80  }
0x1b7: {  	[spmem:s2] =	stream.indirect.scatter.add.f32 [tilespmem:s14], [sflag:$0x6], $0x80, s5, s6, $0xb8;
	[tilespmem:$0x1FF80] =	vst v63  }
0x1b8: {  	s24 =	sadd.s32 s7, s24  }
0x1b9: {  	[tilespmem:s28], [sflag:$0x7] =	stream.linear.gather [hbm4b:s24+s3], $0x80, $0x38;
	[tilespmem:$0x1FF80] =	vst v63  }
0x1ba: {  	_ =	swait.ge [sflag:s13], $0x80  }
0x1bb: {  	[sflag:s13] =	ssyncset.done $0x0  }
0x1bc: {  	[sflag:s13] =	ssyncadd.s32 $0xFFFFFF80  }
0x1bd: {  	[tilespmem:s10], [sflag:$0x2] =	stream.indirect.gather [hbm4b:s4+s6], $0x80, s30, s6, $0xb8;
	[tilespmem:$0x1FF80] =	vst v63  }
0x1be: {  	_ =	swait.ge [sflag:s19], $0x4000  }
0x1bf: {  	s24 =	rddreg [dreg:$0x11];
	[sflag:s19] =	ssyncset.done $0x0  }
0x1c0: {  	[sflag:s19] =	ssyncadd.s32 $0xFFFFC000;
	s24 =	sadd.s32 s7, s24  }
0x1c1: {  	[tilespmem:s5], [sflag:$0xD] =	stream.linear.gather [hbm4b:s24+s3], $0x80, $0x38;
	[tilespmem:$0x1FF80] =	vst v63  }
0x1c2: {  	_ =	swait.ge [sflag:s11], $0x4000  }
0x1c3: {  	[sflag:s11] =	ssyncset.done $0x0  }
0x1c4: {  	[sflag:s11] =	ssyncadd.s32 $0xFFFFC000  }
0x1c5: {  	_ =	swait.ge [sflag:s20], $0x80  }
0x1c6: {  	[sflag:s20] =	ssyncset.done $0x0  }
0x1c7: {  	s24 =	rddreg [dreg:$0xe];
	[sflag:s20] =	ssyncadd.s32 $0xFFFFFF80  }
0x1c8: {  	[spmem:s2] =	stream.indirect.scatter.add.f32 [tilespmem:s3], [sflag:$0x4], $0x80, s0, s6, $0xb8;
	[tilespmem:$0x1FF80] =	vst v63  }
0x1c9: {  	s24 =	sadd.s32 s7, s24  }
0x1ca: {  	[tilespmem:s29], [sflag:$0x8] =	stream.linear.gather [hbm4b:s24+s3], $0x80, $0x38;
	[tilespmem:$0x1FF80] =	vst v63  }
0x1cb: {  	_ =	swait.ge [sflag:s15], $0x80  }
0x1cc: {  	[sflag:s15] =	ssyncset.done $0x0  }
0x1cd: {  	[sflag:s15] =	ssyncadd.s32 $0xFFFFFF80  }
0x1ce: {  	[tilespmem:s14], [sflag:$0x3] =	stream.indirect.gather [hbm4b:s4+s6], $0x80, s31, s6, $0xb8;
	[tilespmem:$0x1FF80] =	vst v63  }
0x1cf: {  	_ =	swait.ge [sflag:s8], $0x4000  }
0x1d0: {  	s24 =	rddreg [dreg:$0xf];
	[sflag:s8] =	ssyncset.done $0x0  }
0x1d1: {  	[sflag:s8] =	ssyncadd.s32 $0xFFFFC000;
	s24 =	sadd.s32 s7, s24  }
0x1d2: {  	[tilespmem:s0], [sflag:$0xB] =	stream.linear.gather [hbm4b:s24+s3], $0x80, $0x38;
	[tilespmem:$0x1FF80] =	vst v63  }
0x1d3: {  	_ =	swait.ge [sflag:s12], $0x4000  }
0x1d4: {  	[sflag:s12] =	ssyncset.done $0x0  }
0x1d5: {  	[sflag:s12] =	ssyncadd.s32 $0xFFFFC000  }
0x1d6: {  	_ =	swait.ge [sflag:s21], $0x80  }
0x1d7: {  	[sflag:s21] =	ssyncset.done $0x0  }
0x1d8: {  	s24 =	rddreg [dreg:$0xc];
	[sflag:s21] =	ssyncadd.s32 $0xFFFFFF80  }
0x1d9: {  	[spmem:s2] =	stream.indirect.scatter.add.f32 [tilespmem:s10], [sflag:$0x5], $0x80, s1, s6, $0xb8;
	[tilespmem:$0x1FF80] =	vst v63  }
0x1da: {  	s24 =	sadd.s32 s7, s24  }
0x1db: {  	[tilespmem:s30], [sflag:$0x9] =	stream.linear.gather [hbm4b:s24+s3], $0x80, $0x38;
	[tilespmem:$0x1FF80] =	vst v63  }
0x1dc: {  	_ =	swait.ge [sflag:s18], $0x80  }
0x1dd: {  	[sflag:s18] =	ssyncset.done $0x0  }
0x1de: {  	[sflag:s18] =	ssyncadd.s32 $0xFFFFFF80  }
0x1df: {  	[tilespmem:s3], [sflag:$0x1] =	stream.indirect.gather [hbm4b:s4+s6], $0x80, s28, s6, $0xb8;
	[tilespmem:$0x1FF80] =	vst v63  }
0x1e0: {  	_ =	swait.ge [sflag:s16], $0x4000  }
0x1e1: {  	s24 =	rddreg [dreg:$0xd];
	[sflag:s16] =	ssyncset.done $0x0  }
0x1e2: {  	[sflag:s16] =	ssyncadd.s32 $0xFFFFC000;
	s24 =	sadd.s32 s7, s24  }
0x1e3: {  	[tilespmem:s1], [sflag:$0xC] =	stream.linear.gather [hbm4b:s24+s3], $0x80, $0x38;
	[tilespmem:$0x1FF80] =	vst v63  }
0x1e4: {  	_ =	swait.ge [sflag:s17], $0x4000  }
0x1e5: {  	[sflag:s17] =	ssyncset.done $0x0  }
0x1e6: {  	[sflag:s17] =	ssyncadd.s32 $0xFFFFC000  }
0x1e7: {  	_ =	swait.ge [sflag:s22], $0x80  }
0x1e8: {  	[sflag:s22] =	ssyncset.done $0x0  }
0x1e9: {  	s24 =	rddreg [dreg:$0xa];
	[sflag:s22] =	ssyncadd.s32 $0xFFFFFF80  }
0x1ea: {  	[spmem:s2] =	stream.indirect.scatter.add.f32 [tilespmem:s14], [sflag:$0x6], $0x80, s5, s6, $0xb8;
	[tilespmem:$0x1FF80] =	vst v63  }
0x1eb: {  	s24 =	sadd.s32 s7, s24  }
0x1ec: {  	[tilespmem:s31], [sflag:$0xA] =	stream.linear.gather [hbm4b:s24+s3], $0x80, $0x38;
	[tilespmem:$0x1FF80] =	vst v63  }
0x1ed: {  	_ =	swait.ge [sflag:s9], $0x80  }
0x1ee: {  	[sflag:s9] =	ssyncset.done $0x0  }
0x1ef: {  	[sflag:s9] =	ssyncadd.s32 $0xFFFFFF80  }
0x1f0: {  	[tilespmem:s10], [sflag:$0x2] =	stream.indirect.gather [hbm4b:s4+s6], $0x80, s29, s6, $0xb8;
	[tilespmem:$0x1FF80] =	vst v63  }
0x1f1: {  	_ =	swait.ge [sflag:s19], $0x4000  }
0x1f2: {  	s24 =	rddreg [dreg:$0xb];
	[sflag:s19] =	ssyncset.done $0x0  }
0x1f3: {  	[sflag:s19] =	ssyncadd.s32 $0xFFFFC000;
	s24 =	sadd.s32 s7, s24  }
0x1f4: {  	[tilespmem:s5], [sflag:$0xD] =	stream.linear.gather [hbm4b:s24+s3], $0x80, $0x38;
	[tilespmem:$0x1FF80] =	vst v63  }
0x1f5: {  	_ =	swait.ge [sflag:s11], $0x4000  }
0x1f6: {  	[sflag:s11] =	ssyncset.done $0x0  }
0x1f7: {  	[sflag:s11] =	ssyncadd.s32 $0xFFFFC000  }
0x1f8: {  	_ =	swait.ge [sflag:s20], $0x80  }
0x1f9: {  	[sflag:s20] =	ssyncset.done $0x0  }
0x1fa: {  	s24 =	rddreg [dreg:$0x8];
	[sflag:s20] =	ssyncadd.s32 $0xFFFFFF80  }
0x1fb: {  	[spmem:s2] =	stream.indirect.scatter.add.f32 [tilespmem:s3], [sflag:$0x4], $0x80, s0, s6, $0xb8;
	[tilespmem:$0x1FF80] =	vst v63  }
0x1fc: {  	s24 =	sadd.s32 s7, s24  }
0x1fd: {  	[tilespmem:s28], [sflag:$0x7] =	stream.linear.gather [hbm4b:s24+s3], $0x80, $0x38;
	[tilespmem:$0x1FF80] =	vst v63  }
0x1fe: {  	_ =	swait.ge [sflag:s13], $0x80  }
0x1ff: {  	[sflag:s13] =	ssyncset.done $0x0  }
0x200: {  	[sflag:s13] =	ssyncadd.s32 $0xFFFFFF80  }
0x201: {  	[tilespmem:s14], [sflag:$0x3] =	stream.indirect.gather [hbm4b:s4+s6], $0x80, s30, s6, $0xb8;
	[tilespmem:$0x1FF80] =	vst v63  }
0x202: {  	_ =	swait.ge [sflag:s8], $0x4000  }
0x203: {  	s24 =	rddreg [dreg:$0x9];
	[sflag:s8] =	ssyncset.done $0x0  }
0x204: {  	[sflag:s8] =	ssyncadd.s32 $0xFFFFC000;
	s24 =	sadd.s32 s7, s24  }
0x205: {  	[tilespmem:s0], [sflag:$0xB] =	stream.linear.gather [hbm4b:s24+s3], $0x80, $0x38;
	[tilespmem:$0x1FF80] =	vst v63  }
0x206: {  	_ =	swait.ge [sflag:s12], $0x4000  }
0x207: {  	[sflag:s12] =	ssyncset.done $0x0  }
0x208: {  	[sflag:s12] =	ssyncadd.s32 $0xFFFFC000  }
0x209: {  	_ =	swait.ge [sflag:s21], $0x80  }
0x20a: {  	[sflag:s21] =	ssyncset.done $0x0  }
0x20b: {  	s24 =	rddreg [dreg:$0x6];
	[sflag:s21] =	ssyncadd.s32 $0xFFFFFF80  }
0x20c: {  	[spmem:s2] =	stream.indirect.scatter.add.f32 [tilespmem:s10], [sflag:$0x5], $0x80, s1, s6, $0xb8;
	[tilespmem:$0x1FF80] =	vst v63  }
0x20d: {  	s24 =	sadd.s32 s7, s24  }
0x20e: {  	[tilespmem:s29], [sflag:$0x8] =	stream.linear.gather [hbm4b:s24+s3], $0x80, $0x38;
	[tilespmem:$0x1FF80] =	vst v63  }
0x20f: {  	_ =	swait.ge [sflag:s15], $0x80  }
0x210: {  	[sflag:s15] =	ssyncset.done $0x0  }
0x211: {  	[sflag:s15] =	ssyncadd.s32 $0xFFFFFF80  }
0x212: {  	[tilespmem:s3], [sflag:$0x1] =	stream.indirect.gather [hbm4b:s4+s6], $0x80, s31, s6, $0xb8;
	[tilespmem:$0x1FF80] =	vst v63  }
0x213: {  	_ =	swait.ge [sflag:s16], $0x4000  }
0x214: {  	s24 =	rddreg [dreg:$0x7];
	[sflag:s16] =	ssyncset.done $0x0  }
0x215: {  	[sflag:s16] =	ssyncadd.s32 $0xFFFFC000;
	s24 =	sadd.s32 s7, s24  }
0x216: {  	[tilespmem:s1], [sflag:$0xC] =	stream.linear.gather [hbm4b:s24+s3], $0x80, $0x38;
	[tilespmem:$0x1FF80] =	vst v63  }
0x217: {  	_ =	swait.ge [sflag:s17], $0x4000  }
0x218: {  	[sflag:s17] =	ssyncset.done $0x0  }
0x219: {  	[sflag:s17] =	ssyncadd.s32 $0xFFFFC000  }
0x21a: {  	_ =	swait.ge [sflag:s22], $0x80  }
0x21b: {  	[sflag:s22] =	ssyncset.done $0x0  }
0x21c: {  	s24 =	rddreg [dreg:$0x4];
	[sflag:s22] =	ssyncadd.s32 $0xFFFFFF80  }
0x21d: {  	[spmem:s2] =	stream.indirect.scatter.add.f32 [tilespmem:s14], [sflag:$0x6], $0x80, s5, s6, $0xb8;
	[tilespmem:$0x1FF80] =	vst v63  }
0x21e: {  	s24 =	sadd.s32 s7, s24  }
0x21f: {  	[tilespmem:s30], [sflag:$0x9] =	stream.linear.gather [hbm4b:s24+s3], $0x80, $0x38;
	[tilespmem:$0x1FF80] =	vst v63  }
0x220: {  	_ =	swait.ge [sflag:s18], $0x80  }
0x221: {  	[sflag:s18] =	ssyncset.done $0x0  }
0x222: {  	[sflag:s18] =	ssyncadd.s32 $0xFFFFFF80  }
0x223: {  	[tilespmem:s10], [sflag:$0x2] =	stream.indirect.gather [hbm4b:s4+s6], $0x80, s28, s6, $0xb8;
	[tilespmem:$0x1FF80] =	vst v63  }
0x224: {  	_ =	swait.ge [sflag:s19], $0x4000  }
0x225: {  	s24 =	rddreg [dreg:$0x5];
	[sflag:s19] =	ssyncset.done $0x0  }
0x226: {  	[sflag:s19] =	ssyncadd.s32 $0xFFFFC000;
	s24 =	sadd.s32 s7, s24  }
0x227: {  	[tilespmem:s5], [sflag:$0xD] =	stream.linear.gather [hbm4b:s24+s3], $0x80, $0x38;
	[tilespmem:$0x1FF80] =	vst v63  }
0x228: {  	_ =	swait.ge [sflag:s11], $0x4000  }
0x229: {  	[sflag:s11] =	ssyncset.done $0x0  }
0x22a: {  	[sflag:s11] =	ssyncadd.s32 $0xFFFFC000  }
0x22b: {  	_ =	swait.ge [sflag:s20], $0x80  }
0x22c: {  	[sflag:s20] =	ssyncset.done $0x0  }
0x22d: {  	p0 =	sne.s32 s25, $0x3C0;
	s24 =	rddreg [dreg:$0x3];
	[sflag:s20] =	ssyncadd.s32 $0xFFFFFF80  }
0x22e: {  	[spmem:s2] =	stream.indirect.scatter.add.f32 [tilespmem:s3], [sflag:$0x4], $0x80, s0, s6, $0xb8;
	[tilespmem:$0x1FF80] =	vst v63  }
.Ltmp0:
0x22f: {  	s7 =	sadd.s32 s7, s24;
	(pc) =	sbr.rel @p0 .LBB2_2-.Ltmp0, $4  }
0x230: {  	[tilespmem:s31], [sflag:$0xA] =	stream.linear.gather [hbm4b:s7+s3], $0x80, $0x38;
	[tilespmem:$0x1FF80] =	vst v63  }
0x231: {  	_ =	swait.ge [sflag:s9], $0x80  }
0x232: {  	[sflag:s9] =	ssyncset.done $0x0  }
0x233: {  	s25 =	sadd.s32 $0xC0, s25;
	[sflag:s9] =	ssyncadd.s32 $0xFFFFFF80  }
0x234: {  	[tilespmem:s14], [sflag:$0x3] =	stream.indirect.gather [hbm4b:s4+s6], $0x80, s29, s6, $0xb8;
	[tilespmem:$0x1FF80] =	vst v63  }
0x235: {  	_ =	swait.ge [sflag:s8], $0x4000  }
0x236: {  	s7 =	sld [smem:$0x7F9]  }
0x237: {  	[sflag:s8] =	ssyncset.done $0x0  }
0x238: {  	[sflag:s8] =	ssyncadd.s32 $0xFFFFC000  }
0x239: {  	[tilespmem:s0], [sflag:$0xB] =	stream.linear.gather [hbm4b:s7+s3], $0x80, $0x38;
	[tilespmem:$0x1FF80] =	vst v63  }
0x23a: {  	_ =	swait.ge [sflag:s12], $0x4000  }
0x23b: {  	[sflag:s12] =	ssyncset.done $0x0  }
0x23c: {  	[sflag:s12] =	ssyncadd.s32 $0xFFFFC000  }
0x23d: {  	_ =	swait.ge [sflag:s21], $0x80  }
0x23e: {  	[sflag:s21] =	ssyncset.done $0x0  }
0x23f: {  	[sflag:s21] =	ssyncadd.s32 $0xFFFFFF80  }
0x240: {  	[spmem:s2] =	stream.indirect.scatter.add.f32 [tilespmem:s10], [sflag:$0x5], $0x80, s1, s6, $0xb8;
	[tilespmem:$0x1FF80] =	vst v63  }
0x241: {  	_ =	swait.ge [sflag:s13], $0x80  }
0x242: {  	[sflag:s13] =	ssyncset.done $0x0  }
0x243: {  	[sflag:s13] =	ssyncadd.s32 $0xFFFFFF80  }
0x244: {  	[tilespmem:s3], [sflag:$0x1] =	stream.indirect.gather [hbm4b:s4+s6], $0x80, s30, s6, $0xb8;
	[tilespmem:$0x1FF80] =	vst v63  }
0x245: {  	_ =	swait.ge [sflag:s16], $0x4000  }
0x246: {  	s24 =	sld [smem:$0x7FB]  }
0x247: {  	[sflag:s16] =	ssyncset.done $0x0  }
0x248: {  	[sflag:s16] =	ssyncadd.s32 $0xFFFFC000  }
0x249: {  	[tilespmem:s1], [sflag:$0xC] =	stream.linear.gather [hbm4b:s24+s3], $0x80, $0x38;
	[tilespmem:$0x1FF80] =	vst v63  }
0x24a: {  	_ =	swait.ge [sflag:s17], $0x4000  }
0x24b: {  	[sflag:s17] =	ssyncset.done $0x0  }
0x24c: {  	[sflag:s17] =	ssyncadd.s32 $0xFFFFC000  }
0x24d: {  	_ =	swait.ge [sflag:s22], $0x80  }
0x24e: {  	[sflag:s22] =	ssyncset.done $0x0  }
0x24f: {  	[sflag:s22] =	ssyncadd.s32 $0xFFFFFF80  }
0x250: {  	[spmem:s2] =	stream.indirect.scatter.add.f32 [tilespmem:s14], [sflag:$0x6], $0x80, s5, s6, $0xb8;
	[tilespmem:$0x1FF80] =	vst v63  }
0x251: {  	_ =	swait.ge [sflag:s15], $0x80  }
0x252: {  	[sflag:s15] =	ssyncset.done $0x0  }
0x253: {  	[sflag:s15] =	ssyncadd.s32 $0xFFFFFF80  }
0x254: {  	[tilespmem:s10], [sflag:$0x2] =	stream.indirect.gather [hbm4b:s4+s6], $0x80, s31, s6, $0xb8;
	[tilespmem:$0x1FF80] =	vst v63  }
0x255: {  	_ =	swait.ge [sflag:s19], $0x4000  }
0x256: {  	[sflag:s19] =	ssyncset.done $0x0  }
0x257: {  	[sflag:s19] =	ssyncadd.s32 $0xFFFFC000  }
0x258: {  	_ =	swait.ge [sflag:s11], $0x4000  }
0x259: {  	[sflag:s11] =	ssyncset.done $0x0  }
0x25a: {  	[sflag:s11] =	ssyncadd.s32 $0xFFFFC000  }
0x25b: {  	_ =	swait.ge [sflag:s20], $0x80  }
0x25c: {  	[sflag:s20] =	ssyncset.done $0x0  }
0x25d: {  	[sflag:s20] =	ssyncadd.s32 $0xFFFFFF80  }
0x25e: {  	[spmem:s2] =	stream.indirect.scatter.add.f32 [tilespmem:s3], [sflag:$0x4], $0x80, s0, s6, $0xb8;
	[tilespmem:$0x1FF80] =	vst v63  }
0x25f: {  	_ =	swait.ge [sflag:s8], $0x4000  }
0x260: {  	[sflag:s8] =	ssyncset.done $0x0  }
0x261: {  	[sflag:s8] =	ssyncadd.s32 $0xFFFFC000  }
0x262: {  	_ =	swait.ge [sflag:s12], $0x4000  }
0x263: {  	[sflag:s12] =	ssyncset.done $0x0  }
0x264: {  	[sflag:s12] =	ssyncadd.s32 $0xFFFFC000  }
0x265: {  	_ =	swait.ge [sflag:s21], $0x80  }
0x266: {  	[sflag:s21] =	ssyncset.done $0x0  }
0x267: {  	[sflag:s21] =	ssyncadd.s32 $0xFFFFFF80  }
0x268: {  	[spmem:s2] =	stream.indirect.scatter.add.f32 [tilespmem:s10], [sflag:$0x5], $0x80, s1, s6, $0xb8;
	[tilespmem:$0x1FF80] =	vst v63  }
0x269: {  	_ =	swait.ge [sflag:s16], $0x4000  }
0x26a: {  	[sflag:s16] =	ssyncset.done $0x0  }
0x26b: {  	[sflag:s16] =	ssyncadd.s32 $0xFFFFC000  }
0x26c: {  	[bflag:$0x0] =	sbarrier.arrive $0xFFFF  }
0x26d: {  	s7 =	sld [smem:$0x7FC]  }
0x26e: {  	s25 =	sld [smem:$0x7ED];
	_ =	sdelay $0x1  }
0x26f: {  	s24 =	rddreg [dreg:$0x1d]  }
0x270: {  	[hbm:s7], [sflag:s24] =	dma.local [spmem:s25], $0x2780  }
0x271: {  	_ =	swait.ge [sflag:s26], $0x2780  }
0x272: {  	s25 =	sld [smem:$0x7FD];
	_ =	sdelay $0x1  }
0x273: {  	s23 =	sadd.s32 $0x1, s23  }
0x274: {  	p0 =	sne.s32 s23, s25  }
.Ltmp1:
0x275: {  	_ = 	snop;
	(pc) =	sbr.rel @p0 .LBB2_1-.Ltmp1, $3  }
0x276: {  	_ =	sdelay $0x1  }
0x277: {  	[sflag:s26] =	ssyncset.done $0x0  }
0x278: {  	[sflag:s26] =	ssyncadd.s32 $0xFFFFD880  }
0x279: {  	_ =	sfence.sel $0x180000  }
0x27a: {  	[bflag:$0x0] =	sbarrier.arrive $0xFFFF  }
0x27b: {  	_ =	strace $0x9000004A  }
0x27c: {  	s0 =	stileid.u32;
	[bflag:$0x2] =	sbarrier.arrive $0xFFFF  }
0x27d: {  	p0 =	sne.s32 s0, $0x0;
	s0 =	rddreg [dreg:$0x2]  }
0x27e: {  	s0 =	sadd.s32 @!p0 $0x100000, s0  }
0x27f: {  	[sflag:s0] =	ssyncadd.tile.s32 @!p0 $0x1;
	_ =	shalt  }
.Lfunc_end2:
_tile_overlayer_lowered:
.L_overlay_start_2:
0x280: {  	(tag) =	ssettag $0x2  }
0x281: {  	s0 =	rddreg [dreg:$0x0];
	s2 =	stileid.u32  }
0x282: {  	s1 =	rddreg [dreg:$0x1];
	p0 =	sne.s32 s2, $0x0  }
0x283: {  	s3 =	rddreg [dreg:$0x2];
	[bflag:$0x3] =	sbarrier.arrive $0xFFFF;
	s2 =	simm.s32 @!p0 $0x1C0E  }
0x284: {  	[timem:s3], [sflag:s2] =	dma.local @!p0 [hbm:s0], s1  }
0x285: {  	s0 =	simm.s32 @!p0 $0xE  }
0x286: {  	_ =	swait.ge @!p0 [sflag:s0], s1  }
0x287: {  	s1 =	ssub.s32 @!p0 $0x0, s1;
	[sflag:s0] =	ssyncset.done @!p0 $0x0  }
0x288: {  	[sflag:s0] =	ssyncadd.s32 @!p0 s1  }
0x289: {  	[bflag:$0x3] =	sbarrier.arrive $0xFFFF  }
0x28a: {  	_ =	shalt  }

// kernel: kernel.15.cloned.1.call-start
scs
__scs_entry_jumppad:
0x0: {  	(pc) =	sbr.rel $0x88, $3  }
0x1: {  	(tag) =	ssettag $0x0;
	lr =	simm.s32 $0x1  }
0x2: {  	[smem:$0x3F9A] =	sst lr;
	_ =	strace $0xD0000000  }
0x3: {  	_ = 	snop  }
0x4: {  	_ = 	snop  }
0x5: {  	_ = 	snop  }
0x6: {  	_ = 	snop  }
0x7: {  	_ = 	snop  }
__scs_overlays_trampoline_lowered:
0x8: {  	[smem:$0x3FA9] =	sst s0  }
0x9: {  	[smem:$0x3FAA] =	sst s1  }
0xa: {  	[smem:$0x3FAB] =	sst s2  }
0xb: {  	[smem:$0x3FAC] =	sst s3  }
0xc: {  	[smem:$0x3FAD] =	sst s4  }
0xd: {  	[smem:$0x3FAE] =	sst s5  }
0xe: {  	[smem:$0x3FAF] =	sst s6  }
0xf: {  	[smem:$0x3FB0] =	sst s7  }
0x10: {  	[smem:$0x3FB1] =	sst s8  }
0x11: {  	[smem:$0x3FB2] =	sst s9;
	s0 =	simm.s32 @!p0 $0x0  }
0x12: {  	s1 =	sld [smem:$0x3F98];
	s0 =	simm.s32 @p0 $0x1  }
0x13: {  	[smem:$0x3FB3] =	sst s0;
	s0 =	simm.s32 @!p1 $0x0  }
0x14: {  	s2 =	sld [smem:$0x3F97];
	s0 =	simm.s32 @p1 $0x1  }
0x15: {  	[smem:$0x3FB4] =	sst s0;
	s0 =	simm.s32 @!p2 $0x0  }
0x16: {  	s3 =	sld [smem:$0x3FDB];
	s0 =	simm.s32 @p2 $0x1  }
0x17: {  	s4 =	simm.s32 $0x1BF5;
	[smem:$0x3FB6] =	sst s0  }
0x18: {  	s0 =	sld [smem:$0x3F99];
	_ =	swait.ge [sflag:s4], $0x0  }
0x19: {  	s7 =	sld [smem:$0x3F9A]  }
0x1a: {  	s8 =	sadd.s32 $0xFFFFE003, lr  }
0x1b: {  	s9 =	sadd.s32 $0xFFFFFEF7, lr;
	s5 =	simm.s32 $0xFFFFFFFF;
	p2 =	slt.u32 s8, $0xFFFFF086  }
0x1c: {  	p1 =	slt.u32 s9, $0xF7A;
	s5 =	simm.s32 @!p2 $0x0  }
0x1d: {  	s5 =	simm.s32 @p1 $0x1;
	p0 =	seq.s32 s7, s2  }
0x1e: {  	s7 =	smul.u32 @!p0 $0xF7A, s2;
	p2 =	seq.s32 @!p0 s5, $0x0  }
0x1f: {  	s9 =	smul.u32 $0xF7A, s1;
	s8 =	simm.s32 @!p0 $0x1BF5;
	p2 =	por !p2, p0  }
0x20: {  	[sflag:s8] =	ssyncset.s32 @!p0 $0xFFFFF086;
	s6 =	sadd.s32 @!p0 s3, s7;
	s7 =	simm.s32 @!p0 $0x108  }
0x21: {  	s3 =	sadd.s32 s3, s9;
	s6 =	sadd.s32 @!p0 $0x88, s6;
	s7 =	simm.s32 @p2 $0x1082  }
0x22: {  	[simem:s7], [sflag:s8] =	dma.local @!p0 [hbm:s6], $0xF7A  }
0x23: {  	s9 =	sor.u32 $0xD0000000, s2;
	s6 =	simm.s32 $0x108;
	_ =	swait.ge @!p0 [sflag:s8], $0x0  }
0x24: {  	s3 =	sadd.s32 $0x88, s3;
	s6 =	simm.s32 @!p1 $0x1082;
	[sflag:s4] =	ssyncset.s32 $0xFFFFF086  }
0x25: {  	[simem:s6], [sflag:s4] =	dma.local [hbm:s3], $0xF7A  }
0x26: {  	[smem:$0x3F9A] =	sst s1;
	(tag) =	ssettag s2;
	_ =	strace s9  }
0x27: {  	s1 =	sld [smem:$0x3FAA]  }
0x28: {  	s2 =	sld [smem:$0x3FAB]  }
0x29: {  	s4 =	sld [smem:$0x3FAD]  }
0x2a: {  	p0 =	seq.s32 s5, $0x0;
	s5 =	sld [smem:$0x3FAE]  }
0x2b: {  	s6 =	sld [smem:$0x3FAF]  }
0x2c: {  	s7 =	sld [smem:$0x3FB0]  }
0x2d: {  	s3 =	simm.s32 $0x108;
	s8 =	sld [smem:$0x3FB1]  }
0x2e: {  	s3 =	simm.s32 @!p0 $0x1082;
	s9 =	sld [smem:$0x3FB2]  }
0x2f: {  	lr =	sadd.s32 s0, s3;
	s0 =	sld [smem:$0x3FA9]  }
0x30: {  	s3 =	sld [smem:$0x3FAC]  }
0x31: {  	[smem:$0x3FB5] =	sst s10  }
0x32: {  	s10 =	sld [smem:$0x3FB3];
	_ =	sdelay $0x3  }
0x33: {  	p0 =	seq.s32 s10, $0x1;
	s10 =	sld [smem:$0x3FB5];
	_ =	sdelay $0x3  }
0x34: {  	[smem:$0x3FB5] =	sst s10  }
0x35: {  	s10 =	sld [smem:$0x3FB4];
	_ =	sdelay $0x3  }
0x36: {  	p1 =	seq.s32 s10, $0x1;
	s10 =	sld [smem:$0x3FB5];
	_ =	sdelay $0x3  }
0x37: {  	[smem:$0x3FB5] =	sst s10  }
0x38: {  	s10 =	sld [smem:$0x3FB6]  }
0x39: {  	_ = 	snop;
	(pc) =	sbr.ind lr, $3  }
0x3a: {  	_ = 	snop  }
0x3b: {  	_ = 	snop  }
0x3c: {  	p2 =	seq.s32 s10, $0x1;
	s10 =	sld [smem:$0x3FB5]  }
0x3d: {  	_ =	shalt  }
0x3e: {  	_ =	shalt  }
0x3f: {  	_ =	shalt  }
0x40: {  	_ =	shalt  }
0x41: {  	_ =	shalt  }
0x42: {  	_ =	shalt  }
0x43: {  	_ =	shalt  }
0x44: {  	_ =	shalt  }
0x45: {  	_ =	shalt  }
0x46: {  	_ =	shalt  }
0x47: {  	_ =	shalt  }
0x48: {  	_ =	shalt  }
0x49: {  	_ =	shalt  }
0x4a: {  	_ =	shalt  }
0x4b: {  	_ =	shalt  }
0x4c: {  	_ =	shalt  }
0x4d: {  	_ =	shalt  }
0x4e: {  	_ =	shalt  }
0x4f: {  	_ =	shalt  }
0x50: {  	_ =	shalt  }
0x51: {  	_ =	shalt  }
0x52: {  	_ =	shalt  }
0x53: {  	_ =	shalt  }
0x54: {  	_ =	shalt  }
0x55: {  	_ =	shalt  }
0x56: {  	_ =	shalt  }
0x57: {  	_ =	shalt  }
0x58: {  	_ =	shalt  }
0x59: {  	_ =	shalt  }
0x5a: {  	_ =	shalt  }
0x5b: {  	_ =	shalt  }
0x5c: {  	_ =	shalt  }
0x5d: {  	_ =	shalt  }
0x5e: {  	_ =	shalt  }
0x5f: {  	_ =	shalt  }
0x60: {  	_ =	shalt  }
0x61: {  	_ =	shalt  }
0x62: {  	_ =	shalt  }
0x63: {  	_ =	shalt  }
0x64: {  	_ =	shalt  }
0x65: {  	_ =	shalt  }
0x66: {  	_ =	shalt  }
0x67: {  	_ =	shalt  }
0x68: {  	_ =	shalt  }
0x69: {  	_ =	shalt  }
0x6a: {  	_ =	shalt  }
0x6b: {  	_ =	shalt  }
0x6c: {  	_ =	shalt  }
0x6d: {  	_ =	shalt  }
0x6e: {  	_ =	shalt  }
0x6f: {  	_ =	shalt  }
0x70: {  	_ =	shalt  }
0x71: {  	_ =	shalt  }
0x72: {  	_ =	shalt  }
0x73: {  	_ =	shalt  }
0x74: {  	_ =	shalt  }
0x75: {  	_ =	shalt  }
0x76: {  	_ =	shalt  }
0x77: {  	_ =	shalt  }
0x78: {  	_ =	shalt  }
0x79: {  	_ =	shalt  }
0x7a: {  	_ =	shalt  }
0x7b: {  	_ =	shalt  }
0x7c: {  	_ =	shalt  }
0x7d: {  	_ =	shalt  }
0x7e: {  	_ =	shalt  }
0x7f: {  	_ =	shalt  }
0x80: {  	_ =	shalt  }
0x81: {  	_ =	shalt  }
0x82: {  	_ =	shalt  }
0x83: {  	_ =	shalt  }
0x84: {  	_ =	shalt  }
0x85: {  	_ =	shalt  }
0x86: {  	_ =	shalt  }
0x87: {  	_ =	shalt  }
.Lfunc_end0:
.L_simem_size_0:
called_computation.2_lowered:
.L_overlay_start_0:
0x88: {  	s2 =	sld [smem:$0x3FD9]  }
0x89: {  	s3 =	sld [smem:$0x3FFE];
	_ =	sdelay $0x1  }
0x8a: {  	s1 =	srdreg.scid  }
0x8b: {  	s0 =	sand.u32 $0x1, s1  }
0x8c: {  	s16 =	sshll.u32 s0, $0xA;
	s2 =	sadd.s32 s3, s2  }
0x8d: {  	s2 =	sadd.s32 s2, s16  }
0x8e: {  	[smem:$0x3FC1] =	sst s2  }
0x8f: {  	_ = 	snop  }
0x90: {  	(tm) =	ssettm $0x1  }
0x91: {  	s17 =	sld [smem:$0x3FFB];
	_ =	sdelay $0x3  }
0x92: {  	_ =	strace s17  }
0x93: {  	s2 =	sld [smem:$0x3FFC];
	_ =	sdelay $0x3  }
0x94: {  	_ =	strace s2  }
0x95: {  	s2 =	sld [smem:$0x3FFD];
	_ =	sdelay $0x3  }
0x96: {  	_ =	strace s2  }
0x97: {  	_ =	strace $0x8FFFFFFF  }
0x98: {  	s18 =	sld [smem:$0x3FDB];
	_ =	sdelay $0x1  }
0x99: {  	s19 =	simm.s32 $_scs_section_size  }
0x9a: {  	s4 =	simm.s32 $_size__tile_overlayer_lowered;
	s5 =	simm.s32 $_tile_overlayer_lowered  }
0x9b: {  	s22 =	simm.s32 $0x1BFF;
	s21 =	sshll.u32 s5, $0x1;
	s2 =	sadd.s32 s19, s18  }
0x9c: {  	s6 =	simm.s32 $0x0;
	s20 =	sshll.u32 s4, $0x1;
	s4 =	sadd.s32 s21, s2  }
0x9d: {  	[timem:s6], [sflag:s22] =	dma.local [hbm:s4], s20  }
0x9e: {  	_ =	swait.ge [sflag:s22], s20  }
0x9f: {  	s3 =	ssub.s32 $0x0, s20;
	[sflag:s22] =	ssyncset.done $0x0  }
0xa0: {  	[sflag:s22] =	ssyncadd.s32 s3;
	_ =	sdelay $0x1  }
0xa1: {  	s23 =	simm.s32 $0x1B8B  }
0xa2: {  	_ =	swait.ge [sflag:s23], $0x1  }
0xa3: {  	[sflag:s23] =	ssyncset.done $0x0  }
0xa4: {  	s25 =	simm.s32 $0x1B8E;
	s24 =	sld [smem:$0x3FFE];
	[sflag:s23] =	ssyncadd.s32 $0xFFFFFFFF  }
0xa5: {  	s26 =	simm.s32 $execute0_lowered;
	[smem:$0x3FD2] =	sst s25  }
0xa6: {  	s4 =	sshll.u32 s26, $0x1;
	_ =	strace $0x8000004C;
	[dreg:$0x1] =	wrdreg $0xFFFFFFFF  }
0xa7: {  	s28 =	simm.s32 $_size_execute0_lowered;
	s2 =	sadd.s32 s2, s4;
	[dreg:$0x0] =	wrdreg $0x0  }
0xa8: {  	s4 =	sshll.u32 s28, $0x1;
	[dreg:$0x2] =	wrdreg s2  }
0xa9: {  	[dreg:$0x3] =	wrdreg s4  }
0xaa: {  	[dreg:$0x4] =	wrdreg $0xC0  }
0xab: {  	_ =	task [dreg:s6], $0x5FFFF  }
0xac: {  	[dreg:$0x1] =	wrdreg $0xFFFFFFFF  }
0xad: {  	[dreg:$0x0] =	wrdreg $0x60  }
0xae: {  	[dreg:$0x2] =	wrdreg s24  }
0xaf: {  	[dreg:$0x3] =	wrdreg $0xC3800  }
0xb0: {  	[dreg:$0x4] =	wrdreg $0x9  }
0xb1: {  	_ =	task.clear_ibuf [dreg:s6], $0x5FFFF;
	_ =	strace $0x9000004C  }
0xb2: {  	s29 =	simm.s32 $0x9;
	_ =	strace $0x8000004E  }
0xb3: {  	_ =	swait.ge [sflag:s29], $0x1  }
0xb4: {  	[sflag:s29] =	ssyncadd.s32 $0xFFFFFFFF  }
0xb5: {  	_ =	strace $0x9000004E  }
0xb6: {  	_ =	sfence  }
0xb7: {  	s30 =	sld [smem:$0x0];
	_ =	sdelay $0x2  }
0xb8: {  	s31 =	sshll.u32 s1, $0xD;
	s1 =	sshrl.u32 s1, $0x2  }
0xb9: {  	s3 =	sand.u32 $0x4000, s31;
	s1 =	sadd.s32 s1, s30  }
0xba: {  	s0 =	sor.u32 s3, s0;
	s1 =	sshll.u32 s1, $0x11  }
0xbb: {  	s0 =	sor.u32 s1, s0  }
0xbc: {  	s0 =	sadd.s32 $0x8F2B, s0  }
0xbd: {  	[sflag:s0] =	ssyncadd.remote.s32 $0x1  }
0xbe: {  	_ =	sfence.sel $0xFFFF  }
0xbf: {  	[dreg:$0x0] =	wrdreg $0xFFFFFFFF;
	(pc) =	sbr.abs _section_cstart, $3  }
0xc0: {  	[dreg:$0x1] =	wrdreg $0xFFFFFFFF  }
0xc1: {  	_ =	task.clear_ibuf [dreg:s6], $0x2FFFF;
	_ =	strace $0x9FFFFFFF  }
0xc2: {  	(tm) =	ssettm $0x7FFFFFFF  }
0xc3: {  	_ =	shalt  }
tec
execute0_lowered:
.L_overlay_start_1:
0x0: {  	(tag) =	ssettag $0x1  }
0x1: {  	s1 =	rddreg [dreg:$0x0]  }
0x2: {  	s2 =	rddreg [dreg:$0x1]  }
0x3: {  	s12 =	stileid.u32;
	s0 =	srdreg.scid;
	s3 =	simm.s32 $0x0  }
0x4: {  	s28 =	simm.s32 $0xC000;
	s29 =	simm.s32 $0xC080;
	s30 =	simm.s32 $0xC100  }
0x5: {  	s31 =	simm.s32 $0xC180;
	s6 =	smul.u32 $0x13C00, s12;
	s8 =	sand.u32 $0x1, s0  }
0x6: {  	[smem:$0x7FF] =	sst s3;
	s4 =	sadd.s32 $0x16400, s1;
	s11 =	smul.u32 $0x4F000, s12  }
0x7: {  	s5 =	sadd.s32 $0x2400, s1;
	s10 =	sshll.u32 s12, $0x1;
	s0 =	smul.u32 $0x13C000, s8  }
0x8: {  	s9 =	ssub.s32 $0x2, s8;
	s10 =	sor.u32 s8, s10;
	s8 =	smul.u32 $0x2800, s8  }
0x9: {  	_ =	strace $0x8000004D;
	s7 =	sshrl.u32 s6, $0x3;
	s25 =	smul.u32 $0x2800, s10  }
0xa: {  	s24 =	sshrl.u32 s9, $0x1;
	s26 =	sshrl.u32 s11, $0x2;
	s11 =	smul.u32 $0x5000, s12  }
0xb: {  	s6 =	sadd.s32 s6, s0;
	s0 =	sadd.s32 $0xC400, s1;
	s10 =	sadd.s32 s26, s2  }
0xc: {  	s7 =	sadd.s32 s7, s1;
	s6 =	sshrl.u32 s6, $0x3;
	[dreg:$0x1b] =	wrdreg s10  }
0xd: {  	s7 =	sadd.s32 $0x3E400, s7;
	s10 =	sshll.u32 s12, $0x6;
	s8 =	sadd.s32 s8, s11  }
0xe: {  	s1 =	sadd.s32 s6, s1;
	s6 =	ssub.s32 s9, s24;
	[dreg:$0x1c] =	wrdreg s7  }
0xf: {  	s24 =	sor.u32 $0x1C0E, s10;
	s7 =	sshrl.u32 s25, $0x3;
	s18 =	sadd.s32 $0x980, s8  }
0x10: {  	s20 =	sadd.s32 $0x900, s8;
	s21 =	sadd.s32 $0x880, s8;
	s26 =	sadd.s32 $0x800, s8  }
0x11: {  	s13 =	sadd.s32 s5, s7;
	s12 =	sor.u32 $0x10, s7;
	[dreg:$0x1d] =	wrdreg s24  }
0x12: {  	s9 =	sor.u32 $0x30, s7;
	s14 =	sadd.s32 s5, s12;
	[dreg:$0x1e] =	wrdreg s13  }
0x13: {  	s15 =	sor.u32 $0x20, s7;
	s16 =	sadd.s32 s5, s9;
	[dreg:$0x1f] =	wrdreg s14  }
0x14: {  	s10 =	sshrl.u32 s18, $0x3;
	s17 =	sadd.s32 s0, s12;
	[smem:$0x7EF] =	sst s16  }
0x15: {  	s11 =	sshrl.u32 s20, $0x3;
	s19 =	sadd.s32 s0, s15;
	[smem:$0x7F0] =	sst s17  }
0x16: {  	s23 =	sshrl.u32 s21, $0x3;
	s10 =	sadd.s32 s10, s5;
	[smem:$0x7F1] =	sst s19  }
0x17: {  	s21 =	sor.u32 $0x700, s8;
	s22 =	sadd.s32 s11, s5;
	[dreg:$0x3] =	wrdreg s10  }
0x18: {  	s25 =	sadd.s32 s23, s0;
	s11 =	sadd.s32 s23, s5;
	[dreg:$0x4] =	wrdreg s22  }
0x19: {  	s23 =	sshrl.u32 s21, $0x3;
	s21 =	sor.u32 $0x580, s8;
	[dreg:$0x5] =	wrdreg s25  }
0x1a: {  	s9 =	sadd.s32 s0, s9;
	s12 =	simm.s32 $0x2;
	[dreg:$0x6] =	wrdreg s11  }
0x1b: {  	s14 =	sadd.s32 s5, s15;
	s15 =	sshrl.u32 s26, $0x3;
	[smem:$0x7F3] =	sst s9  }
0x1c: {  	s17 =	sor.u32 $0x780, s8;
	s25 =	sadd.s32 s23, s0;
	[smem:$0x7EE] =	sst s14  }
0x1d: {  	s26 =	sor.u32 $0x680, s8;
	s11 =	sadd.s32 s23, s5;
	[dreg:$0xb] =	wrdreg s25  }
0x1e: {  	s23 =	sshrl.u32 s21, $0x3;
	s16 =	sadd.s32 s15, s0;
	[dreg:$0xc] =	wrdreg s11  }
0x1f: {  	s9 =	simm.s32 $0x8;
	s18 =	sadd.s32 s15, s5;
	[dreg:$0x7] =	wrdreg s16  }
0x20: {  	s14 =	sadd.s32 s0, s7;
	s25 =	sadd.s32 s23, s0;
	[dreg:$0x8] =	wrdreg s18  }
0x21: {  	s19 =	sshrl.u32 s17, $0x3;
	s11 =	sadd.s32 s23, s5;
	[dreg:$0x11] =	wrdreg s25  }
0x22: {  	s15 =	sshrl.u32 s26, $0x3;
	s17 =	sor.u32 $0x600, s8;
	[dreg:$0x12] =	wrdreg s11  }
0x23: {  	s26 =	sor.u32 $0x500, s8;
	s20 =	sadd.s32 s19, s0;
	[smem:$0x7FA] =	sst s14  }
0x24: {  	s23 =	sor.u32 $0x380, s8;
	s22 =	sadd.s32 s19, s5;
	[dreg:$0x9] =	wrdreg s20  }
0x25: {  	s16 =	sadd.s32 s15, s0;
	s18 =	sadd.s32 s15, s5;
	[dreg:$0xa] =	wrdreg s22  }
0x26: {  	s19 =	sshrl.u32 s17, $0x3;
	s15 =	sshrl.u32 s26, $0x3;
	[dreg:$0xd] =	wrdreg s16  }
0x27: {  	s25 =	sshrl.u32 s23, $0x3;
	s23 =	sadd.s32 $0x4F0, s14;
	[dreg:$0xe] =	wrdreg s18  }
0x28: {  	s17 =	sor.u32 $0x480, s8;
	s20 =	sadd.s32 s19, s0;
	[smem:$0x7FB] =	sst s23  }
0x29: {  	s26 =	sor.u32 $0x400, s8;
	s22 =	sadd.s32 s19, s5;
	[dreg:$0xf] =	wrdreg s20  }
0x2a: {  	s8 =	sor.u32 $0x300, s8;
	s16 =	sadd.s32 s15, s0;
	[dreg:$0x10] =	wrdreg s22  }
0x2b: {  	s18 =	sadd.s32 s15, s5;
	s19 =	sshrl.u32 s17, $0x3;
	[dreg:$0x13] =	wrdreg s16  }
0x2c: {  	s10 =	sadd.s32 s25, s0;
	s11 =	sshrl.u32 s26, $0x3;
	[dreg:$0x14] =	wrdreg s18  }
0x2d: {  	s25 =	sadd.s32 $0x66400, s1;
	s26 =	smax.u32 s6, $0x1;
	[dreg:$0x17] =	wrdreg s10  }
0x2e: {  	s1 =	simm.s32 $0xC280;
	s6 =	simm.s32 $0x80;
	[smem:$0x7FC] =	sst s25  }
0x2f: {  	s23 =	simm.s32 $0x0;
	s21 =	sadd.s32 s19, s0;
	[smem:$0x7FD] =	sst s26  }
0x30: {  	s20 =	sor.u32 $0x40, s7;
	s22 =	sadd.s32 s19, s5;
	[dreg:$0x15] =	wrdreg s21  }
0x31: {  	s7 =	sor.u32 $0x50, s7;
	s16 =	sadd.s32 s11, s0;
	[dreg:$0x16] =	wrdreg s22  }
0x32: {  	s19 =	sadd.s32 $0x60, s13;
	s26 =	simm.s32 $0xE;
	[dreg:$0x18] =	wrdreg s16  }
0x33: {  	s10 =	simm.s32 $0x4000;
	s15 =	sadd.s32 s5, s20;
	[smem:$0x7F6] =	sst s19  }
0x34: {  	s17 =	sadd.s32 s5, s7;
	s18 =	sadd.s32 s0, s20;
	[smem:$0x7F2] =	sst s15  }
0x35: {  	s5 =	sadd.s32 s11, s5;
	s7 =	sadd.s32 s0, s7;
	[smem:$0x7F4] =	sst s17  }
0x36: {  	s20 =	sshrl.u32 s8, $0x3;
	s21 =	sadd.s32 $0x70, s13;
	[smem:$0x7F5] =	sst s18  }
0x37: {  	s22 =	sadd.s32 $0x4E0, s14;
	s11 =	simm.s32 $0x1;
	[smem:$0x7F7] =	sst s7  }
0x38: {  	s13 =	simm.s32 $0x9;
	s14 =	simm.s32 $0x8000;
	[dreg:$0x19] =	wrdreg s5  }
0x39: {  	s8 =	simm.s32 $0x4;
	s16 =	simm.s32 $0x5;
	[smem:$0x7F8] =	sst s21  }
0x3a: {  	s19 =	simm.s32 $0x6;
	s0 =	sadd.s32 s20, s0;
	[smem:$0x7F9] =	sst s22  }
0x3b: {  	s5 =	simm.s32 $0xC300;
	s15 =	simm.s32 $0xA;
	s17 =	simm.s32 $0x3  }
0x3c: {  	s18 =	simm.s32 $0x7;
	s20 =	simm.s32 $0xB;
	s21 =	simm.s32 $0xC  }
0x3d: {  	s22 =	simm.s32 $0xD;
	[dreg:$0x1a] =	wrdreg s0;
	s0 =	simm.s32 $0xC200  }
.LBB2_1:
0x3e: {  	s7 =	rddreg [dreg:$0x1b]  }
0x3f: {  	s25 =	sshrl.u32 s7, $0x3;
	s7 =	rddreg [dreg:$0x1c]  }
0x40: {  	[smem:$0x7ED] =	sst s25  }
0x41: {  	[spmem:s25], [sflag:s24] =	dma.local [hbm:s7], $0x2780  }
0x42: {  	_ =	swait.ge [sflag:s26], $0x2780  }
0x43: {  	[sflag:s26] =	ssyncset.done $0x0  }
0x44: {  	s24 =	rddreg [dreg:$0x1e];
	[sflag:s26] =	ssyncadd.s32 $0xFFFFD880  }
0x45: {  	[tilespmem:s28], [sflag:$0xE] =	stream.linear.gather [hbm4b:s24+s3], $0x80, $0x38;
	[tilespmem:$0x1FF80] =	vst v63  }
0x46: {  	_ =	swait.ge [sflag:s26], $0x80  }
0x47: {  	[sflag:s26] =	ssyncset.done $0x0;
	s25 =	rddreg [dreg:$0x1f]  }
0x48: {  	s24 =	sld [smem:$0x7EE];
	[sflag:s26] =	ssyncadd.s32 $0xFFFFFF80  }
0x49: {  	[tilespmem:s29], [sflag:$0x8] =	stream.linear.gather [hbm4b:s25+s3], $0x80, $0x38;
	[tilespmem:$0x1FF80] =	vst v63  }
0x4a: {  	s25 =	sld [smem:$0x7EF]  }
0x4b: {  	[tilespmem:s30], [sflag:$0x9] =	stream.linear.gather [hbm4b:s24+s3], $0x80, $0x38;
	[tilespmem:$0x1FF80] =	vst v63  }
0x4c: {  	s24 =	sld [smem:$0x7FA]  }
0x4d: {  	[tilespmem:s31], [sflag:$0xA] =	stream.linear.gather [hbm4b:s25+s3], $0x80, $0x38;
	[tilespmem:$0x1FF80] =	vst v63  }
0x4e: {  	_ = 	snop  }
0x4f: {  	[tilespmem:s0], [sflag:$0xE] =	stream.linear.gather [hbm4b:s24+s3], $0x80, $0x38;
	[tilespmem:$0x1FF80] =	vst v63  }
0x50: {  	_ =	swait.ge [sflag:s26], $0x80  }
0x51: {  	s25 =	sld [smem:$0x7F0]  }
0x52: {  	[sflag:s26] =	ssyncset.done $0x0  }
0x53: {  	[sflag:s26] =	ssyncadd.s32 $0xFFFFFF80  }
0x54: {  	[tilespmem:s1], [sflag:$0xE] =	stream.linear.gather [hbm4b:s25+s3], $0x80, $0x38;
	[tilespmem:$0x1FF80] =	vst v63  }
0x55: {  	_ =	swait.ge [sflag:s26], $0x80  }
0x56: {  	s24 =	sld [smem:$0x7F1]  }
0x57: {  	[sflag:s26] =	ssyncset.done $0x0  }
0x58: {  	[sflag:s26] =	ssyncadd.s32 $0xFFFFFF80  }
0x59: {  	[tilespmem:s5], [sflag:$0xE] =	stream.linear.gather [hbm4b:s24+s3], $0x80, $0x38;
	[tilespmem:$0x1FF80] =	vst v63  }
0x5a: {  	_ =	swait.ge [sflag:s26], $0x80  }
0x5b: {  	[sflag:s26] =	ssyncset.done $0x0  }
0x5c: {  	[sflag:s26] =	ssyncadd.s32 $0xFFFFFF80  }
0x5d: {  	[bflag:$0x0] =	sbarrier.arrive $0xFFFF  }
0x5e: {  	[tilespmem:s3], [sflag:$0x1] =	stream.indirect.gather [hbm4b:s4+s6], $0x80, s28, s6, $0xb8;
	[tilespmem:$0x1FF80] =	vst v63  }
0x5f: {  	_ =	swait.ge [sflag:s9], $0x80  }
0x60: {  	[sflag:s9] =	ssyncset.done $0x0  }
0x61: {  	[sflag:s9] =	ssyncadd.s32 $0xFFFFFF80  }
0x62: {  	[tilespmem:s10], [sflag:$0x2] =	stream.indirect.gather [hbm4b:s4+s6], $0x80, s29, s6, $0xb8;
	[tilespmem:$0x1FF80] =	vst v63  }
0x63: {  	_ =	swait.ge [sflag:s11], $0x4000  }
0x64: {  	[sflag:s11] =	ssyncset.done $0x0  }
0x65: {  	s25 =	sld [smem:$0x7F2];
	[sflag:s11] =	ssyncadd.s32 $0xFFFFC000  }
0x66: {  	[spmem:s2] =	stream.indirect.scatter.add.f32 [tilespmem:s3], [sflag:$0x4], $0x80, s0, s6, $0xb8;
	[tilespmem:$0x1FF80] =	vst v63  }
0x67: {  	_ = 	snop  }
0x68: {  	[tilespmem:s28], [sflag:$0x7] =	stream.linear.gather [hbm4b:s25+s3], $0x80, $0x38;
	[tilespmem:$0x1FF80] =	vst v63  }
0x69: {  	_ =	swait.ge [sflag:s13], $0x80  }
0x6a: {  	[sflag:s13] =	ssyncset.done $0x0  }
0x6b: {  	[sflag:s13] =	ssyncadd.s32 $0xFFFFFF80  }
0x6c: {  	[tilespmem:s14], [sflag:$0x3] =	stream.indirect.gather [hbm4b:s4+s6], $0x80, s30, s6, $0xb8;
	[tilespmem:$0x1FF80] =	vst v63  }
0x6d: {  	_ =	swait.ge [sflag:s8], $0x4000  }
0x6e: {  	s24 =	sld [smem:$0x7F3]  }
0x6f: {  	[sflag:s8] =	ssyncset.done $0x0  }
0x70: {  	[sflag:s8] =	ssyncadd.s32 $0xFFFFC000  }
0x71: {  	[tilespmem:s0], [sflag:$0xB] =	stream.linear.gather [hbm4b:s24+s3], $0x80, $0x38;
	[tilespmem:$0x1FF80] =	vst v63  }
0x72: {  	_ =	swait.ge [sflag:s12], $0x4000  }
0x73: {  	[sflag:s12] =	ssyncset.done $0x0  }
0x74: {  	s25 =	sld [smem:$0x7F4];
	[sflag:s12] =	ssyncadd.s32 $0xFFFFC000  }
0x75: {  	[spmem:s2] =	stream.indirect.scatter.add.f32 [tilespmem:s10], [sflag:$0x5], $0x80, s1, s6, $0xb8;
	[tilespmem:$0x1FF80] =	vst v63  }
0x76: {  	_ = 	snop  }
0x77: {  	[tilespmem:s29], [sflag:$0x8] =	stream.linear.gather [hbm4b:s25+s3], $0x80, $0x38;
	[tilespmem:$0x1FF80] =	vst v63  }
0x78: {  	_ =	swait.ge [sflag:s15], $0x80  }
0x79: {  	[sflag:s15] =	ssyncset.done $0x0  }
0x7a: {  	[sflag:s15] =	ssyncadd.s32 $0xFFFFFF80  }
0x7b: {  	[tilespmem:s3], [sflag:$0x1] =	stream.indirect.gather [hbm4b:s4+s6], $0x80, s31, s6, $0xb8;
	[tilespmem:$0x1FF80] =	vst v63  }
0x7c: {  	_ =	swait.ge [sflag:s16], $0x4000  }
0x7d: {  	s24 =	sld [smem:$0x7F5]  }
0x7e: {  	[sflag:s16] =	ssyncset.done $0x0  }
0x7f: {  	[sflag:s16] =	ssyncadd.s32 $0xFFFFC000  }
0x80: {  	[tilespmem:s1], [sflag:$0xC] =	stream.linear.gather [hbm4b:s24+s3], $0x80, $0x38;
	[tilespmem:$0x1FF80] =	vst v63  }
0x81: {  	_ =	swait.ge [sflag:s17], $0x4000  }
0x82: {  	[sflag:s17] =	ssyncset.done $0x0  }
0x83: {  	s25 =	sld [smem:$0x7F6];
	[sflag:s17] =	ssyncadd.s32 $0xFFFFC000  }
0x84: {  	[spmem:s2] =	stream.indirect.scatter.add.f32 [tilespmem:s14], [sflag:$0x6], $0x80, s5, s6, $0xb8;
	[tilespmem:$0x1FF80] =	vst v63  }
0x85: {  	_ = 	snop  }
0x86: {  	[tilespmem:s30], [sflag:$0x9] =	stream.linear.gather [hbm4b:s25+s3], $0x80, $0x38;
	[tilespmem:$0x1FF80] =	vst v63  }
0x87: {  	_ =	swait.ge [sflag:s18], $0x80  }
0x88: {  	[sflag:s18] =	ssyncset.done $0x0  }
0x89: {  	[sflag:s18] =	ssyncadd.s32 $0xFFFFFF80  }
0x8a: {  	[tilespmem:s10], [sflag:$0x2] =	stream.indirect.gather [hbm4b:s4+s6], $0x80, s28, s6, $0xb8;
	[tilespmem:$0x1FF80] =	vst v63  }
0x8b: {  	_ =	swait.ge [sflag:s19], $0x4000  }
0x8c: {  	s24 =	sld [smem:$0x7F7]  }
0x8d: {  	[sflag:s19] =	ssyncset.done $0x0  }
0x8e: {  	[sflag:s19] =	ssyncadd.s32 $0xFFFFC000  }
0x8f: {  	[tilespmem:s5], [sflag:$0xD] =	stream.linear.gather [hbm4b:s24+s3], $0x80, $0x38;
	[tilespmem:$0x1FF80] =	vst v63  }
0x90: {  	_ =	swait.ge [sflag:s11], $0x4000  }
0x91: {  	[sflag:s11] =	ssyncset.done $0x0  }
0x92: {  	[sflag:s11] =	ssyncadd.s32 $0xFFFFC000  }
0x93: {  	_ =	swait.ge [sflag:s20], $0x80  }
0x94: {  	[sflag:s20] =	ssyncset.done $0x0  }
0x95: {  	s25 =	sld [smem:$0x7F8];
	[sflag:s20] =	ssyncadd.s32 $0xFFFFFF80  }
0x96: {  	[spmem:s2] =	stream.indirect.scatter.add.f32 [tilespmem:s3], [sflag:$0x4], $0x80, s0, s6, $0xb8;
	[tilespmem:$0x1FF80] =	vst v63  }
0x97: {  	_ = 	snop  }
0x98: {  	[tilespmem:s31], [sflag:$0xA] =	stream.linear.gather [hbm4b:s25+s3], $0x80, $0x38;
	[tilespmem:$0x1FF80] =	vst v63  }
0x99: {  	_ =	swait.ge [sflag:s9], $0x80  }
0x9a: {  	[sflag:s9] =	ssyncset.done $0x0  }
0x9b: {  	[sflag:s9] =	ssyncadd.s32 $0xFFFFFF80  }
0x9c: {  	[tilespmem:s14], [sflag:$0x3] =	stream.indirect.gather [hbm4b:s4+s6], $0x80, s29, s6, $0xb8;
	[tilespmem:$0x1FF80] =	vst v63  }
0x9d: {  	_ =	swait.ge [sflag:s8], $0x4000  }
0x9e: {  	s24 =	rddreg [dreg:$0x1a];
	[sflag:s8] =	ssyncset.done $0x0  }
0x9f: {  	[sflag:s8] =	ssyncadd.s32 $0xFFFFC000;
	s7 =	sadd.s32 $0x0, s24  }
0xa0: {  	[tilespmem:s0], [sflag:$0xB] =	stream.linear.gather [hbm4b:s7+s3], $0x80, $0x38;
	[tilespmem:$0x1FF80] =	vst v63  }
0xa1: {  	_ =	swait.ge [sflag:s12], $0x4000  }
0xa2: {  	[sflag:s12] =	ssyncset.done $0x0  }
0xa3: {  	[sflag:s12] =	ssyncadd.s32 $0xFFFFC000  }
0xa4: {  	_ =	swait.ge [sflag:s21], $0x80  }
0xa5: {  	[sflag:s21] =	ssyncset.done $0x0  }
0xa6: {  	s25 =	rddreg [dreg:$0x19];
	[sflag:s21] =	ssyncadd.s32 $0xFFFFFF80  }
0xa7: {  	[spmem:s2] =	stream.indirect.scatter.add.f32 [tilespmem:s10], [sflag:$0x5], $0x80, s1, s6, $0xb8;
	[tilespmem:$0x1FF80] =	vst v63  }
0xa8: {  	s7 =	sadd.s32 $0x0, s25  }
0xa9: {  	[tilespmem:s28], [sflag:$0x7] =	stream.linear.gather [hbm4b:s7+s3], $0x80, $0x38;
	[tilespmem:$0x1FF80] =	vst v63  }
0xaa: {  	_ =	swait.ge [sflag:s13], $0x80  }
0xab: {  	[sflag:s13] =	ssyncset.done $0x0  }
0xac: {  	[sflag:s13] =	ssyncadd.s32 $0xFFFFFF80  }
0xad: {  	[tilespmem:s3], [sflag:$0x1] =	stream.indirect.gather [hbm4b:s4+s6], $0x80, s30, s6, $0xb8;
	[tilespmem:$0x1FF80] =	vst v63  }
0xae: {  	_ =	swait.ge [sflag:s16], $0x4000  }
0xaf: {  	s24 =	rddreg [dreg:$0x17];
	[sflag:s16] =	ssyncset.done $0x0  }
0xb0: {  	[sflag:s16] =	ssyncadd.s32 $0xFFFFC000;
	s7 =	sadd.s32 $0x0, s24  }
0xb1: {  	[tilespmem:s1], [sflag:$0xC] =	stream.linear.gather [hbm4b:s7+s3], $0x80, $0x38;
	[tilespmem:$0x1FF80] =	vst v63  }
0xb2: {  	_ =	swait.ge [sflag:s17], $0x4000  }
0xb3: {  	[sflag:s17] =	ssyncset.done $0x0  }
0xb4: {  	[sflag:s17] =	ssyncadd.s32 $0xFFFFC000  }
0xb5: {  	_ =	swait.ge [sflag:s22], $0x80  }
0xb6: {  	[sflag:s22] =	ssyncset.done $0x0  }
0xb7: {  	s25 =	rddreg [dreg:$0x16];
	[sflag:s22] =	ssyncadd.s32 $0xFFFFFF80  }
0xb8: {  	[spmem:s2] =	stream.indirect.scatter.add.f32 [tilespmem:s14], [sflag:$0x6], $0x80, s5, s6, $0xb8;
	[tilespmem:$0x1FF80] =	vst v63  }
0xb9: {  	s7 =	sadd.s32 $0x0, s25  }
0xba: {  	[tilespmem:s29], [sflag:$0x8] =	stream.linear.gather [hbm4b:s7+s3], $0x80, $0x38;
	[tilespmem:$0x1FF80] =	vst v63  }
0xbb: {  	_ =	swait.ge [sflag:s15], $0x80  }
0xbc: {  	[sflag:s15] =	ssyncset.done $0x0  }
0xbd: {  	[sflag:s15] =	ssyncadd.s32 $0xFFFFFF80  }
0xbe: {  	[tilespmem:s10], [sflag:$0x2] =	stream.indirect.gather [hbm4b:s4+s6], $0x80, s31, s6, $0xb8;
	[tilespmem:$0x1FF80] =	vst v63  }
0xbf: {  	_ =	swait.ge [sflag:s19], $0x4000  }
0xc0: {  	s24 =	rddreg [dreg:$0x18];
	[sflag:s19] =	ssyncset.done $0x0  }
0xc1: {  	[sflag:s19] =	ssyncadd.s32 $0xFFFFC000;
	s7 =	sadd.s32 $0x0, s24  }
0xc2: {  	[tilespmem:s5], [sflag:$0xD] =	stream.linear.gather [hbm4b:s7+s3], $0x80, $0x38;
	[tilespmem:$0x1FF80] =	vst v63  }
0xc3: {  	_ =	swait.ge [sflag:s11], $0x4000  }
0xc4: {  	[sflag:s11] =	ssyncset.done $0x0  }
0xc5: {  	[sflag:s11] =	ssyncadd.s32 $0xFFFFC000  }
0xc6: {  	_ =	swait.ge [sflag:s20], $0x80  }
0xc7: {  	[sflag:s20] =	ssyncset.done $0x0  }
0xc8: {  	s25 =	rddreg [dreg:$0x14];
	[sflag:s20] =	ssyncadd.s32 $0xFFFFFF80  }
0xc9: {  	[spmem:s2] =	stream.indirect.scatter.add.f32 [tilespmem:s3], [sflag:$0x4], $0x80, s0, s6, $0xb8;
	[tilespmem:$0x1FF80] =	vst v63  }
0xca: {  	s7 =	sadd.s32 $0x0, s25  }
0xcb: {  	[tilespmem:s30], [sflag:$0x9] =	stream.linear.gather [hbm4b:s7+s3], $0x80, $0x38;
	[tilespmem:$0x1FF80] =	vst v63  }
0xcc: {  	_ =	swait.ge [sflag:s18], $0x80  }
0xcd: {  	[sflag:s18] =	ssyncset.done $0x0  }
0xce: {  	[sflag:s18] =	ssyncadd.s32 $0xFFFFFF80  }
0xcf: {  	[tilespmem:s14], [sflag:$0x3] =	stream.indirect.gather [hbm4b:s4+s6], $0x80, s28, s6, $0xb8;
	[tilespmem:$0x1FF80] =	vst v63  }
0xd0: {  	_ =	swait.ge [sflag:s8], $0x4000  }
0xd1: {  	s24 =	rddreg [dreg:$0x15];
	[sflag:s8] =	ssyncset.done $0x0  }
0xd2: {  	[sflag:s8] =	ssyncadd.s32 $0xFFFFC000;
	s7 =	sadd.s32 $0x0, s24  }
0xd3: {  	[tilespmem:s0], [sflag:$0xB] =	stream.linear.gather [hbm4b:s7+s3], $0x80, $0x38;
	[tilespmem:$0x1FF80] =	vst v63  }
0xd4: {  	_ =	swait.ge [sflag:s12], $0x4000  }
0xd5: {  	[sflag:s12] =	ssyncset.done $0x0  }
0xd6: {  	[sflag:s12] =	ssyncadd.s32 $0xFFFFC000  }
0xd7: {  	_ =	swait.ge [sflag:s21], $0x80  }
0xd8: {  	[sflag:s21] =	ssyncset.done $0x0  }
0xd9: {  	s25 =	rddreg [dreg:$0x12];
	[sflag:s21] =	ssyncadd.s32 $0xFFFFFF80  }
0xda: {  	[spmem:s2] =	stream.indirect.scatter.add.f32 [tilespmem:s10], [sflag:$0x5], $0x80, s1, s6, $0xb8;
	[tilespmem:$0x1FF80] =	vst v63  }
0xdb: {  	s7 =	sadd.s32 $0x0, s25  }
0xdc: {  	[tilespmem:s31], [sflag:$0xA] =	stream.linear.gather [hbm4b:s7+s3], $0x80, $0x38;
	[tilespmem:$0x1FF80] =	vst v63  }
0xdd: {  	_ =	swait.ge [sflag:s9], $0x80  }
0xde: {  	[sflag:s9] =	ssyncset.done $0x0  }
0xdf: {  	[sflag:s9] =	ssyncadd.s32 $0xFFFFFF80  }
0xe0: {  	[tilespmem:s3], [sflag:$0x1] =	stream.indirect.gather [hbm4b:s4+s6], $0x80, s29, s6, $0xb8;
	[tilespmem:$0x1FF80] =	vst v63  }
0xe1: {  	_ =	swait.ge [sflag:s16], $0x4000  }
0xe2: {  	s24 =	rddreg [dreg:$0x13];
	[sflag:s16] =	ssyncset.done $0x0  }
0xe3: {  	[sflag:s16] =	ssyncadd.s32 $0xFFFFC000;
	s7 =	sadd.s32 $0x0, s24  }
0xe4: {  	[tilespmem:s1], [sflag:$0xC] =	stream.linear.gather [hbm4b:s7+s3], $0x80, $0x38;
	[tilespmem:$0x1FF80] =	vst v63  }
0xe5: {  	_ =	swait.ge [sflag:s17], $0x4000  }
0xe6: {  	[sflag:s17] =	ssyncset.done $0x0  }
0xe7: {  	[sflag:s17] =	ssyncadd.s32 $0xFFFFC000  }
0xe8: {  	_ =	swait.ge [sflag:s22], $0x80  }
0xe9: {  	[sflag:s22] =	ssyncset.done $0x0  }
0xea: {  	s25 =	rddreg [dreg:$0x10];
	[sflag:s22] =	ssyncadd.s32 $0xFFFFFF80  }
0xeb: {  	[spmem:s2] =	stream.indirect.scatter.add.f32 [tilespmem:s14], [sflag:$0x6], $0x80, s5, s6, $0xb8;
	[tilespmem:$0x1FF80] =	vst v63  }
0xec: {  	s7 =	sadd.s32 $0x0, s25  }
0xed: {  	[tilespmem:s28], [sflag:$0x7] =	stream.linear.gather [hbm4b:s7+s3], $0x80, $0x38;
	[tilespmem:$0x1FF80] =	vst v63  }
0xee: {  	_ =	swait.ge [sflag:s13], $0x80  }
0xef: {  	[sflag:s13] =	ssyncset.done $0x0  }
0xf0: {  	[sflag:s13] =	ssyncadd.s32 $0xFFFFFF80  }
0xf1: {  	[tilespmem:s10], [sflag:$0x2] =	stream.indirect.gather [hbm4b:s4+s6], $0x80, s30, s6, $0xb8;
	[tilespmem:$0x1FF80] =	vst v63  }
0xf2: {  	_ =	swait.ge [sflag:s19], $0x4000  }
0xf3: {  	s24 =	rddreg [dreg:$0x11];
	[sflag:s19] =	ssyncset.done $0x0  }
0xf4: {  	[sflag:s19] =	ssyncadd.s32 $0xFFFFC000;
	s7 =	sadd.s32 $0x0, s24  }
0xf5: {  	[tilespmem:s5], [sflag:$0xD] =	stream.linear.gather [hbm4b:s7+s3], $0x80, $0x38;
	[tilespmem:$0x1FF80] =	vst v63  }
0xf6: {  	_ =	swait.ge [sflag:s11], $0x4000  }
0xf7: {  	[sflag:s11] =	ssyncset.done $0x0  }
0xf8: {  	[sflag:s11] =	ssyncadd.s32 $0xFFFFC000  }
0xf9: {  	_ =	swait.ge [sflag:s20], $0x80  }
0xfa: {  	[sflag:s20] =	ssyncset.done $0x0  }
0xfb: {  	s25 =	rddreg [dreg:$0xe];
	[sflag:s20] =	ssyncadd.s32 $0xFFFFFF80  }
0xfc: {  	[spmem:s2] =	stream.indirect.scatter.add.f32 [tilespmem:s3], [sflag:$0x4], $0x80, s0, s6, $0xb8;
	[tilespmem:$0x1FF80] =	vst v63  }
0xfd: {  	s7 =	sadd.s32 $0x0, s25  }
0xfe: {  	[tilespmem:s29], [sflag:$0x8] =	stream.linear.gather [hbm4b:s7+s3], $0x80, $0x38;
	[tilespmem:$0x1FF80] =	vst v63  }
0xff: {  	_ =	swait.ge [sflag:s15], $0x80  }
0x100: {  	[sflag:s15] =	ssyncset.done $0x0  }
0x101: {  	[sflag:s15] =	ssyncadd.s32 $0xFFFFFF80  }
0x102: {  	[tilespmem:s14], [sflag:$0x3] =	stream.indirect.gather [hbm4b:s4+s6], $0x80, s31, s6, $0xb8;
	[tilespmem:$0x1FF80] =	vst v63  }
0x103: {  	_ =	swait.ge [sflag:s8], $0x4000  }
0x104: {  	s24 =	rddreg [dreg:$0xf];
	[sflag:s8] =	ssyncset.done $0x0  }
0x105: {  	[sflag:s8] =	ssyncadd.s32 $0xFFFFC000;
	s7 =	sadd.s32 $0x0, s24  }
0x106: {  	[tilespmem:s0], [sflag:$0xB] =	stream.linear.gather [hbm4b:s7+s3], $0x80, $0x38;
	[tilespmem:$0x1FF80] =	vst v63  }
0x107: {  	_ =	swait.ge [sflag:s12], $0x4000  }
0x108: {  	[sflag:s12] =	ssyncset.done $0x0  }
0x109: {  	[sflag:s12] =	ssyncadd.s32 $0xFFFFC000  }
0x10a: {  	_ =	swait.ge [sflag:s21], $0x80  }
0x10b: {  	[sflag:s21] =	ssyncset.done $0x0  }
0x10c: {  	s25 =	rddreg [dreg:$0xc];
	[sflag:s21] =	ssyncadd.s32 $0xFFFFFF80  }
0x10d: {  	[spmem:s2] =	stream.indirect.scatter.add.f32 [tilespmem:s10], [sflag:$0x5], $0x80, s1, s6, $0xb8;
	[tilespmem:$0x1FF80] =	vst v63  }
0x10e: {  	s7 =	sadd.s32 $0x0, s25  }
0x10f: {  	[tilespmem:s30], [sflag:$0x9] =	stream.linear.gather [hbm4b:s7+s3], $0x80, $0x38;
	[tilespmem:$0x1FF80] =	vst v63  }
0x110: {  	_ =	swait.ge [sflag:s18], $0x80  }
0x111: {  	[sflag:s18] =	ssyncset.done $0x0  }
0x112: {  	[sflag:s18] =	ssyncadd.s32 $0xFFFFFF80  }
0x113: {  	[tilespmem:s3], [sflag:$0x1] =	stream.indirect.gather [hbm4b:s4+s6], $0x80, s28, s6, $0xb8;
	[tilespmem:$0x1FF80] =	vst v63  }
0x114: {  	_ =	swait.ge [sflag:s16], $0x4000  }
0x115: {  	s24 =	rddreg [dreg:$0xd];
	[sflag:s16] =	ssyncset.done $0x0  }
0x116: {  	[sflag:s16] =	ssyncadd.s32 $0xFFFFC000;
	s7 =	sadd.s32 $0x0, s24  }
0x117: {  	[tilespmem:s1], [sflag:$0xC] =	stream.linear.gather [hbm4b:s7+s3], $0x80, $0x38;
	[tilespmem:$0x1FF80] =	vst v63  }
0x118: {  	_ =	swait.ge [sflag:s17], $0x4000  }
0x119: {  	[sflag:s17] =	ssyncset.done $0x0  }
0x11a: {  	[sflag:s17] =	ssyncadd.s32 $0xFFFFC000  }
0x11b: {  	_ =	swait.ge [sflag:s22], $0x80  }
0x11c: {  	[sflag:s22] =	ssyncset.done $0x0  }
0x11d: {  	s25 =	rddreg [dreg:$0xa];
	[sflag:s22] =	ssyncadd.s32 $0xFFFFFF80  }
0x11e: {  	[spmem:s2] =	stream.indirect.scatter.add.f32 [tilespmem:s14], [sflag:$0x6], $0x80, s5, s6, $0xb8;
	[tilespmem:$0x1FF80] =	vst v63  }
0x11f: {  	s7 =	sadd.s32 $0x0, s25  }
0x120: {  	[tilespmem:s31], [sflag:$0xA] =	stream.linear.gather [hbm4b:s7+s3], $0x80, $0x38;
	[tilespmem:$0x1FF80] =	vst v63  }
0x121: {  	_ =	swait.ge [sflag:s9], $0x80  }
0x122: {  	[sflag:s9] =	ssyncset.done $0x0  }
0x123: {  	[sflag:s9] =	ssyncadd.s32 $0xFFFFFF80  }
0x124: {  	[tilespmem:s10], [sflag:$0x2] =	stream.indirect.gather [hbm4b:s4+s6], $0x80, s29, s6, $0xb8;
	[tilespmem:$0x1FF80] =	vst v63  }
0x125: {  	_ =	swait.ge [sflag:s19], $0x4000  }
0x126: {  	s24 =	rddreg [dreg:$0xb];
	[sflag:s19] =	ssyncset.done $0x0  }
0x127: {  	[sflag:s19] =	ssyncadd.s32 $0xFFFFC000;
	s7 =	sadd.s32 $0x0, s24  }
0x128: {  	[tilespmem:s5], [sflag:$0xD] =	stream.linear.gather [hbm4b:s7+s3], $0x80, $0x38;
	[tilespmem:$0x1FF80] =	vst v63  }
0x129: {  	_ =	swait.ge [sflag:s11], $0x4000  }
0x12a: {  	[sflag:s11] =	ssyncset.done $0x0  }
0x12b: {  	[sflag:s11] =	ssyncadd.s32 $0xFFFFC000  }
0x12c: {  	_ =	swait.ge [sflag:s20], $0x80  }
0x12d: {  	[sflag:s20] =	ssyncset.done $0x0  }
0x12e: {  	s25 =	rddreg [dreg:$0x8];
	[sflag:s20] =	ssyncadd.s32 $0xFFFFFF80  }
0x12f: {  	[spmem:s2] =	stream.indirect.scatter.add.f32 [tilespmem:s3], [sflag:$0x4], $0x80, s0, s6, $0xb8;
	[tilespmem:$0x1FF80] =	vst v63  }
0x130: {  	s7 =	sadd.s32 $0x0, s25  }
0x131: {  	[tilespmem:s28], [sflag:$0x7] =	stream.linear.gather [hbm4b:s7+s3], $0x80, $0x38;
	[tilespmem:$0x1FF80] =	vst v63  }
0x132: {  	_ =	swait.ge [sflag:s13], $0x80  }
0x133: {  	[sflag:s13] =	ssyncset.done $0x0  }
0x134: {  	[sflag:s13] =	ssyncadd.s32 $0xFFFFFF80  }
0x135: {  	[tilespmem:s14], [sflag:$0x3] =	stream.indirect.gather [hbm4b:s4+s6], $0x80, s30, s6, $0xb8;
	[tilespmem:$0x1FF80] =	vst v63  }
0x136: {  	_ =	swait.ge [sflag:s8], $0x4000  }
0x137: {  	s24 =	rddreg [dreg:$0x9];
	[sflag:s8] =	ssyncset.done $0x0  }
0x138: {  	[sflag:s8] =	ssyncadd.s32 $0xFFFFC000;
	s7 =	sadd.s32 $0x0, s24  }
0x139: {  	[tilespmem:s0], [sflag:$0xB] =	stream.linear.gather [hbm4b:s7+s3], $0x80, $0x38;
	[tilespmem:$0x1FF80] =	vst v63  }
0x13a: {  	_ =	swait.ge [sflag:s12], $0x4000  }
0x13b: {  	[sflag:s12] =	ssyncset.done $0x0  }
0x13c: {  	[sflag:s12] =	ssyncadd.s32 $0xFFFFC000  }
0x13d: {  	_ =	swait.ge [sflag:s21], $0x80  }
0x13e: {  	[sflag:s21] =	ssyncset.done $0x0  }
0x13f: {  	s25 =	rddreg [dreg:$0x6];
	[sflag:s21] =	ssyncadd.s32 $0xFFFFFF80  }
0x140: {  	[spmem:s2] =	stream.indirect.scatter.add.f32 [tilespmem:s10], [sflag:$0x5], $0x80, s1, s6, $0xb8;
	[tilespmem:$0x1FF80] =	vst v63  }
0x141: {  	s7 =	sadd.s32 $0x0, s25  }
0x142: {  	[tilespmem:s29], [sflag:$0x8] =	stream.linear.gather [hbm4b:s7+s3], $0x80, $0x38;
	[tilespmem:$0x1FF80] =	vst v63  }
0x143: {  	_ =	swait.ge [sflag:s15], $0x80  }
0x144: {  	[sflag:s15] =	ssyncset.done $0x0  }
0x145: {  	[sflag:s15] =	ssyncadd.s32 $0xFFFFFF80  }
0x146: {  	[tilespmem:s3], [sflag:$0x1] =	stream.indirect.gather [hbm4b:s4+s6], $0x80, s31, s6, $0xb8;
	[tilespmem:$0x1FF80] =	vst v63  }
0x147: {  	_ =	swait.ge [sflag:s16], $0x4000  }
0x148: {  	s24 =	rddreg [dreg:$0x7];
	[sflag:s16] =	ssyncset.done $0x0  }
0x149: {  	[sflag:s16] =	ssyncadd.s32 $0xFFFFC000;
	s7 =	sadd.s32 $0x0, s24  }
0x14a: {  	[tilespmem:s1], [sflag:$0xC] =	stream.linear.gather [hbm4b:s7+s3], $0x80, $0x38;
	[tilespmem:$0x1FF80] =	vst v63  }
0x14b: {  	_ =	swait.ge [sflag:s17], $0x4000  }
0x14c: {  	[sflag:s17] =	ssyncset.done $0x0  }
0x14d: {  	[sflag:s17] =	ssyncadd.s32 $0xFFFFC000  }
0x14e: {  	_ =	swait.ge [sflag:s22], $0x80  }
0x14f: {  	[sflag:s22] =	ssyncset.done $0x0  }
0x150: {  	s25 =	rddreg [dreg:$0x4];
	[sflag:s22] =	ssyncadd.s32 $0xFFFFFF80  }
0x151: {  	[spmem:s2] =	stream.indirect.scatter.add.f32 [tilespmem:s14], [sflag:$0x6], $0x80, s5, s6, $0xb8;
	[tilespmem:$0x1FF80] =	vst v63  }
0x152: {  	s7 =	sadd.s32 $0x0, s25  }
0x153: {  	[tilespmem:s30], [sflag:$0x9] =	stream.linear.gather [hbm4b:s7+s3], $0x80, $0x38;
	[tilespmem:$0x1FF80] =	vst v63  }
0x154: {  	_ =	swait.ge [sflag:s18], $0x80  }
0x155: {  	[sflag:s18] =	ssyncset.done $0x0  }
0x156: {  	[sflag:s18] =	ssyncadd.s32 $0xFFFFFF80  }
0x157: {  	[tilespmem:s10], [sflag:$0x2] =	stream.indirect.gather [hbm4b:s4+s6], $0x80, s28, s6, $0xb8;
	[tilespmem:$0x1FF80] =	vst v63  }
0x158: {  	_ =	swait.ge [sflag:s19], $0x4000  }
0x159: {  	s24 =	rddreg [dreg:$0x5];
	[sflag:s19] =	ssyncset.done $0x0  }
0x15a: {  	[sflag:s19] =	ssyncadd.s32 $0xFFFFC000;
	s7 =	sadd.s32 $0x0, s24  }
0x15b: {  	[tilespmem:s5], [sflag:$0xD] =	stream.linear.gather [hbm4b:s7+s3], $0x80, $0x38;
	[tilespmem:$0x1FF80] =	vst v63  }
0x15c: {  	_ =	swait.ge [sflag:s11], $0x4000  }
0x15d: {  	[sflag:s11] =	ssyncset.done $0x0  }
0x15e: {  	[sflag:s11] =	ssyncadd.s32 $0xFFFFC000  }
0x15f: {  	_ =	swait.ge [sflag:s20], $0x80  }
0x160: {  	[sflag:s20] =	ssyncset.done $0x0  }
0x161: {  	s25 =	rddreg [dreg:$0x3];
	[sflag:s20] =	ssyncadd.s32 $0xFFFFFF80  }
0x162: {  	[spmem:s2] =	stream.indirect.scatter.add.f32 [tilespmem:s3], [sflag:$0x4], $0x80, s0, s6, $0xb8;
	[tilespmem:$0x1FF80] =	vst v63  }
0x163: {  	s7 =	sadd.s32 $0x0, s25  }
0x164: {  	[tilespmem:s31], [sflag:$0xA] =	stream.linear.gather [hbm4b:s7+s3], $0x80, $0x38;
	[tilespmem:$0x1FF80] =	vst v63  }
0x165: {  	_ =	swait.ge [sflag:s9], $0x80  }
0x166: {  	[sflag:s9] =	ssyncset.done $0x0  }
0x167: {  	s25 =	simm.s32 $0xC0;
	[sflag:s9] =	ssyncadd.s32 $0xFFFFFF80  }
.LBB2_2:
0x168: {  	[tilespmem:s14], [sflag:$0x3] =	stream.indirect.gather [hbm4b:s4+s6], $0x80, s29, s6, $0xb8;
	[tilespmem:$0x1FF80] =	vst v63  }
0x169: {  	_ =	swait.ge [sflag:s8], $0x4000  }
0x16a: {  	s7 =	smov.u32 s25;
	s24 =	rddreg [dreg:$0x1a];
	[sflag:s8] =	ssyncset.done $0x0  }
0x16b: {  	[sflag:s8] =	ssyncadd.s32 $0xFFFFC000;
	s24 =	sadd.s32 s7, s24  }
0x16c: {  	[tilespmem:s0], [sflag:$0xB] =	stream.linear.gather [hbm4b:s24+s3], $0x80, $0x38;
	[tilespmem:$0x1FF80] =	vst v63  }
0x16d: {  	_ =	swait.ge [sflag:s12], $0x4000  }
0x16e: {  	[sflag:s12] =	ssyncset.done $0x0  }
0x16f: {  	[sflag:s12] =	ssyncadd.s32 $0xFFFFC000  }
0x170: {  	_ =	swait.ge [sflag:s21], $0x80  }
0x171: {  	[sflag:s21] =	ssyncset.done $0x0  }
0x172: {  	s24 =	rddreg [dreg:$0x19];
	[sflag:s21] =	ssyncadd.s32 $0xFFFFFF80  }
0x173: {  	[spmem:s2] =	stream.indirect.scatter.add.f32 [tilespmem:s10], [sflag:$0x5], $0x80, s1, s6, $0xb8;
	[tilespmem:$0x1FF80] =	vst v63  }
0x174: {  	s24 =	sadd.s32 s7, s24  }
0x175: {  	[tilespmem:s28], [sflag:$0x7] =	stream.linear.gather [hbm4b:s24+s3], $0x80, $0x38;
	[tilespmem:$0x1FF80] =	vst v63  }
0x176: {  	_ =	swait.ge [sflag:s13], $0x80  }
0x177: {  	[sflag:s13] =	ssyncset.done $0x0  }
0x178: {  	[sflag:s13] =	ssyncadd.s32 $0xFFFFFF80  }
0x179: {  	[tilespmem:s3], [sflag:$0x1] =	stream.indirect.gather [hbm4b:s4+s6], $0x80, s30, s6, $0xb8;
	[tilespmem:$0x1FF80] =	vst v63  }
0x17a: {  	_ =	swait.ge [sflag:s16], $0x4000  }
0x17b: {  	s24 =	rddreg [dreg:$0x17];
	[sflag:s16] =	ssyncset.done $0x0  }
0x17c: {  	[sflag:s16] =	ssyncadd.s32 $0xFFFFC000;
	s24 =	sadd.s32 s7, s24  }
0x17d: {  	[tilespmem:s1], [sflag:$0xC] =	stream.linear.gather [hbm4b:s24+s3], $0x80, $0x38;
	[tilespmem:$0x1FF80] =	vst v63  }
0x17e: {  	_ =	swait.ge [sflag:s17], $0x4000  }
0x17f: {  	[sflag:s17] =	ssyncset.done $0x0  }
0x180: {  	[sflag:s17] =	ssyncadd.s32 $0xFFFFC000  }
0x181: {  	_ =	swait.ge [sflag:s22], $0x80  }
0x182: {  	[sflag:s22] =	ssyncset.done $0x0  }
0x183: {  	s24 =	rddreg [dreg:$0x16];
	[sflag:s22] =	ssyncadd.s32 $0xFFFFFF80  }
0x184: {  	[spmem:s2] =	stream.indirect.scatter.add.f32 [tilespmem:s14], [sflag:$0x6], $0x80, s5, s6, $0xb8;
	[tilespmem:$0x1FF80] =	vst v63  }
0x185: {  	s24 =	sadd.s32 s7, s24  }
0x186: {  	[tilespmem:s29], [sflag:$0x8] =	stream.linear.gather [hbm4b:s24+s3], $0x80, $0x38;
	[tilespmem:$0x1FF80] =	vst v63  }
0x187: {  	_ =	swait.ge [sflag:s15], $0x80  }
0x188: {  	[sflag:s15] =	ssyncset.done $0x0  }
0x189: {  	[sflag:s15] =	ssyncadd.s32 $0xFFFFFF80  }
0x18a: {  	[tilespmem:s10], [sflag:$0x2] =	stream.indirect.gather [hbm4b:s4+s6], $0x80, s31, s6, $0xb8;
	[tilespmem:$0x1FF80] =	vst v63  }
0x18b: {  	_ =	swait.ge [sflag:s19], $0x4000  }
0x18c: {  	s24 =	rddreg [dreg:$0x18];
	[sflag:s19] =	ssyncset.done $0x0  }
0x18d: {  	[sflag:s19] =	ssyncadd.s32 $0xFFFFC000;
	s24 =	sadd.s32 s7, s24  }
0x18e: {  	[tilespmem:s5], [sflag:$0xD] =	stream.linear.gather [hbm4b:s24+s3], $0x80, $0x38;
	[tilespmem:$0x1FF80] =	vst v63  }
0x18f: {  	_ =	swait.ge [sflag:s11], $0x4000  }
0x190: {  	[sflag:s11] =	ssyncset.done $0x0  }
0x191: {  	[sflag:s11] =	ssyncadd.s32 $0xFFFFC000  }
0x192: {  	_ =	swait.ge [sflag:s20], $0x80  }
0x193: {  	[sflag:s20] =	ssyncset.done $0x0  }
0x194: {  	s24 =	rddreg [dreg:$0x14];
	[sflag:s20] =	ssyncadd.s32 $0xFFFFFF80  }
0x195: {  	[spmem:s2] =	stream.indirect.scatter.add.f32 [tilespmem:s3], [sflag:$0x4], $0x80, s0, s6, $0xb8;
	[tilespmem:$0x1FF80] =	vst v63  }
0x196: {  	s24 =	sadd.s32 s7, s24  }
0x197: {  	[tilespmem:s30], [sflag:$0x9] =	stream.linear.gather [hbm4b:s24+s3], $0x80, $0x38;
	[tilespmem:$0x1FF80] =	vst v63  }
0x198: {  	_ =	swait.ge [sflag:s18], $0x80  }
0x199: {  	[sflag:s18] =	ssyncset.done $0x0  }
0x19a: {  	[sflag:s18] =	ssyncadd.s32 $0xFFFFFF80  }
0x19b: {  	[tilespmem:s14], [sflag:$0x3] =	stream.indirect.gather [hbm4b:s4+s6], $0x80, s28, s6, $0xb8;
	[tilespmem:$0x1FF80] =	vst v63  }
0x19c: {  	_ =	swait.ge [sflag:s8], $0x4000  }
0x19d: {  	s24 =	rddreg [dreg:$0x15];
	[sflag:s8] =	ssyncset.done $0x0  }
0x19e: {  	[sflag:s8] =	ssyncadd.s32 $0xFFFFC000;
	s24 =	sadd.s32 s7, s24  }
0x19f: {  	[tilespmem:s0], [sflag:$0xB] =	stream.linear.gather [hbm4b:s24+s3], $0x80, $0x38;
	[tilespmem:$0x1FF80] =	vst v63  }
0x1a0: {  	_ =	swait.ge [sflag:s12], $0x4000  }
0x1a1: {  	[sflag:s12] =	ssyncset.done $0x0  }
0x1a2: {  	[sflag:s12] =	ssyncadd.s32 $0xFFFFC000  }
0x1a3: {  	_ =	swait.ge [sflag:s21], $0x80  }
0x1a4: {  	[sflag:s21] =	ssyncset.done $0x0  }
0x1a5: {  	s24 =	rddreg [dreg:$0x12];
	[sflag:s21] =	ssyncadd.s32 $0xFFFFFF80  }
0x1a6: {  	[spmem:s2] =	stream.indirect.scatter.add.f32 [tilespmem:s10], [sflag:$0x5], $0x80, s1, s6, $0xb8;
	[tilespmem:$0x1FF80] =	vst v63  }
0x1a7: {  	s24 =	sadd.s32 s7, s24  }
0x1a8: {  	[tilespmem:s31], [sflag:$0xA] =	stream.linear.gather [hbm4b:s24+s3], $0x80, $0x38;
	[tilespmem:$0x1FF80] =	vst v63  }
0x1a9: {  	_ =	swait.ge [sflag:s9], $0x80  }
0x1aa: {  	[sflag:s9] =	ssyncset.done $0x0  }
0x1ab: {  	[sflag:s9] =	ssyncadd.s32 $0xFFFFFF80  }
0x1ac: {  	[tilespmem:s3], [sflag:$0x1] =	stream.indirect.gather [hbm4b:s4+s6], $0x80, s29, s6, $0xb8;
	[tilespmem:$0x1FF80] =	vst v63  }
0x1ad: {  	_ =	swait.ge [sflag:s16], $0x4000  }
0x1ae: {  	s24 =	rddreg [dreg:$0x13];
	[sflag:s16] =	ssyncset.done $0x0  }
0x1af: {  	[sflag:s16] =	ssyncadd.s32 $0xFFFFC000;
	s24 =	sadd.s32 s7, s24  }
0x1b0: {  	[tilespmem:s1], [sflag:$0xC] =	stream.linear.gather [hbm4b:s24+s3], $0x80, $0x38;
	[tilespmem:$0x1FF80] =	vst v63  }
0x1b1: {  	_ =	swait.ge [sflag:s17], $0x4000  }
0x1b2: {  	[sflag:s17] =	ssyncset.done $0x0  }
0x1b3: {  	[sflag:s17] =	ssyncadd.s32 $0xFFFFC000  }
0x1b4: {  	_ =	swait.ge [sflag:s22], $0x80  }
0x1b5: {  	[sflag:s22] =	ssyncset.done $0x0  }
0x1b6: {  	s24 =	rddreg [dreg:$0x10];
	[sflag:s22] =	ssyncadd.s32 $0xFFFFFF80  }
0x1b7: {  	[spmem:s2] =	stream.indirect.scatter.add.f32 [tilespmem:s14], [sflag:$0x6], $0x80, s5, s6, $0xb8;
	[tilespmem:$0x1FF80] =	vst v63  }
0x1b8: {  	s24 =	sadd.s32 s7, s24  }
0x1b9: {  	[tilespmem:s28], [sflag:$0x7] =	stream.linear.gather [hbm4b:s24+s3], $0x80, $0x38;
	[tilespmem:$0x1FF80] =	vst v63  }
0x1ba: {  	_ =	swait.ge [sflag:s13], $0x80  }
0x1bb: {  	[sflag:s13] =	ssyncset.done $0x0  }
0x1bc: {  	[sflag:s13] =	ssyncadd.s32 $0xFFFFFF80  }
0x1bd: {  	[tilespmem:s10], [sflag:$0x2] =	stream.indirect.gather [hbm4b:s4+s6], $0x80, s30, s6, $0xb8;
	[tilespmem:$0x1FF80] =	vst v63  }
0x1be: {  	_ =	swait.ge [sflag:s19], $0x4000  }
0x1bf: {  	s24 =	rddreg [dreg:$0x11];
	[sflag:s19] =	ssyncset.done $0x0  }
0x1c0: {  	[sflag:s19] =	ssyncadd.s32 $0xFFFFC000;
	s24 =	sadd.s32 s7, s24  }
0x1c1: {  	[tilespmem:s5], [sflag:$0xD] =	stream.linear.gather [hbm4b:s24+s3], $0x80, $0x38;
	[tilespmem:$0x1FF80] =	vst v63  }
0x1c2: {  	_ =	swait.ge [sflag:s11], $0x4000  }
0x1c3: {  	[sflag:s11] =	ssyncset.done $0x0  }
0x1c4: {  	[sflag:s11] =	ssyncadd.s32 $0xFFFFC000  }
0x1c5: {  	_ =	swait.ge [sflag:s20], $0x80  }
0x1c6: {  	[sflag:s20] =	ssyncset.done $0x0  }
0x1c7: {  	s24 =	rddreg [dreg:$0xe];
	[sflag:s20] =	ssyncadd.s32 $0xFFFFFF80  }
0x1c8: {  	[spmem:s2] =	stream.indirect.scatter.add.f32 [tilespmem:s3], [sflag:$0x4], $0x80, s0, s6, $0xb8;
	[tilespmem:$0x1FF80] =	vst v63  }
0x1c9: {  	s24 =	sadd.s32 s7, s24  }
0x1ca: {  	[tilespmem:s29], [sflag:$0x8] =	stream.linear.gather [hbm4b:s24+s3], $0x80, $0x38;
	[tilespmem:$0x1FF80] =	vst v63  }
0x1cb: {  	_ =	swait.ge [sflag:s15], $0x80  }
0x1cc: {  	[sflag:s15] =	ssyncset.done $0x0  }
0x1cd: {  	[sflag:s15] =	ssyncadd.s32 $0xFFFFFF80  }
0x1ce: {  	[tilespmem:s14], [sflag:$0x3] =	stream.indirect.gather [hbm4b:s4+s6], $0x80, s31, s6, $0xb8;
	[tilespmem:$0x1FF80] =	vst v63  }
0x1cf: {  	_ =	swait.ge [sflag:s8], $0x4000  }
0x1d0: {  	s24 =	rddreg [dreg:$0xf];
	[sflag:s8] =	ssyncset.done $0x0  }
0x1d1: {  	[sflag:s8] =	ssyncadd.s32 $0xFFFFC000;
	s24 =	sadd.s32 s7, s24  }
0x1d2: {  	[tilespmem:s0], [sflag:$0xB] =	stream.linear.gather [hbm4b:s24+s3], $0x80, $0x38;
	[tilespmem:$0x1FF80] =	vst v63  }
0x1d3: {  	_ =	swait.ge [sflag:s12], $0x4000  }
0x1d4: {  	[sflag:s12] =	ssyncset.done $0x0  }
0x1d5: {  	[sflag:s12] =	ssyncadd.s32 $0xFFFFC000  }
0x1d6: {  	_ =	swait.ge [sflag:s21], $0x80  }
0x1d7: {  	[sflag:s21] =	ssyncset.done $0x0  }
0x1d8: {  	s24 =	rddreg [dreg:$0xc];
	[sflag:s21] =	ssyncadd.s32 $0xFFFFFF80  }
0x1d9: {  	[spmem:s2] =	stream.indirect.scatter.add.f32 [tilespmem:s10], [sflag:$0x5], $0x80, s1, s6, $0xb8;
	[tilespmem:$0x1FF80] =	vst v63  }
0x1da: {  	s24 =	sadd.s32 s7, s24  }
0x1db: {  	[tilespmem:s30], [sflag:$0x9] =	stream.linear.gather [hbm4b:s24+s3], $0x80, $0x38;
	[tilespmem:$0x1FF80] =	vst v63  }
0x1dc: {  	_ =	swait.ge [sflag:s18], $0x80  }
0x1dd: {  	[sflag:s18] =	ssyncset.done $0x0  }
0x1de: {  	[sflag:s18] =	ssyncadd.s32 $0xFFFFFF80  }
0x1df: {  	[tilespmem:s3], [sflag:$0x1] =	stream.indirect.gather [hbm4b:s4+s6], $0x80, s28, s6, $0xb8;
	[tilespmem:$0x1FF80] =	vst v63  }
0x1e0: {  	_ =	swait.ge [sflag:s16], $0x4000  }
0x1e1: {  	s24 =	rddreg [dreg:$0xd];
	[sflag:s16] =	ssyncset.done $0x0  }
0x1e2: {  	[sflag:s16] =	ssyncadd.s32 $0xFFFFC000;
	s24 =	sadd.s32 s7, s24  }
0x1e3: {  	[tilespmem:s1], [sflag:$0xC] =	stream.linear.gather [hbm4b:s24+s3], $0x80, $0x38;
	[tilespmem:$0x1FF80] =	vst v63  }
0x1e4: {  	_ =	swait.ge [sflag:s17], $0x4000  }
0x1e5: {  	[sflag:s17] =	ssyncset.done $0x0  }
0x1e6: {  	[sflag:s17] =	ssyncadd.s32 $0xFFFFC000  }
0x1e7: {  	_ =	swait.ge [sflag:s22], $0x80  }
0x1e8: {  	[sflag:s22] =	ssyncset.done $0x0  }
0x1e9: {  	s24 =	rddreg [dreg:$0xa];
	[sflag:s22] =	ssyncadd.s32 $0xFFFFFF80  }
0x1ea: {  	[spmem:s2] =	stream.indirect.scatter.add.f32 [tilespmem:s14], [sflag:$0x6], $0x80, s5, s6, $0xb8;
	[tilespmem:$0x1FF80] =	vst v63  }
0x1eb: {  	s24 =	sadd.s32 s7, s24  }
0x1ec: {  	[tilespmem:s31], [sflag:$0xA] =	stream.linear.gather [hbm4b:s24+s3], $0x80, $0x38;
	[tilespmem:$0x1FF80] =	vst v63  }
0x1ed: {  	_ =	swait.ge [sflag:s9], $0x80  }
0x1ee: {  	[sflag:s9] =	ssyncset.done $0x0  }
0x1ef: {  	[sflag:s9] =	ssyncadd.s32 $0xFFFFFF80  }
0x1f0: {  	[tilespmem:s10], [sflag:$0x2] =	stream.indirect.gather [hbm4b:s4+s6], $0x80, s29, s6, $0xb8;
	[tilespmem:$0x1FF80] =	vst v63  }
0x1f1: {  	_ =	swait.ge [sflag:s19], $0x4000  }
0x1f2: {  	s24 =	rddreg [dreg:$0xb];
	[sflag:s19] =	ssyncset.done $0x0  }
0x1f3: {  	[sflag:s19] =	ssyncadd.s32 $0xFFFFC000;
	s24 =	sadd.s32 s7, s24  }
0x1f4: {  	[tilespmem:s5], [sflag:$0xD] =	stream.linear.gather [hbm4b:s24+s3], $0x80, $0x38;
	[tilespmem:$0x1FF80] =	vst v63  }
0x1f5: {  	_ =	swait.ge [sflag:s11], $0x4000  }
0x1f6: {  	[sflag:s11] =	ssyncset.done $0x0  }
0x1f7: {  	[sflag:s11] =	ssyncadd.s32 $0xFFFFC000  }
0x1f8: {  	_ =	swait.ge [sflag:s20], $0x80  }
0x1f9: {  	[sflag:s20] =	ssyncset.done $0x0  }
0x1fa: {  	s24 =	rddreg [dreg:$0x8];
	[sflag:s20] =	ssyncadd.s32 $0xFFFFFF80  }
0x1fb: {  	[spmem:s2] =	stream.indirect.scatter.add.f32 [tilespmem:s3], [sflag:$0x4], $0x80, s0, s6, $0xb8;
	[tilespmem:$0x1FF80] =	vst v63  }
0x1fc: {  	s24 =	sadd.s32 s7, s24  }
0x1fd: {  	[tilespmem:s28], [sflag:$0x7] =	stream.linear.gather [hbm4b:s24+s3], $0x80, $0x38;
	[tilespmem:$0x1FF80] =	vst v63  }
0x1fe: {  	_ =	swait.ge [sflag:s13], $0x80  }
0x1ff: {  	[sflag:s13] =	ssyncset.done $0x0  }
0x200: {  	[sflag:s13] =	ssyncadd.s32 $0xFFFFFF80  }
0x201: {  	[tilespmem:s14], [sflag:$0x3] =	stream.indirect.gather [hbm4b:s4+s6], $0x80, s30, s6, $0xb8;
	[tilespmem:$0x1FF80] =	vst v63  }
0x202: {  	_ =	swait.ge [sflag:s8], $0x4000  }
0x203: {  	s24 =	rddreg [dreg:$0x9];
	[sflag:s8] =	ssyncset.done $0x0  }
0x204: {  	[sflag:s8] =	ssyncadd.s32 $0xFFFFC000;
	s24 =	sadd.s32 s7, s24  }
0x205: {  	[tilespmem:s0], [sflag:$0xB] =	stream.linear.gather [hbm4b:s24+s3], $0x80, $0x38;
	[tilespmem:$0x1FF80] =	vst v63  }
0x206: {  	_ =	swait.ge [sflag:s12], $0x4000  }
0x207: {  	[sflag:s12] =	ssyncset.done $0x0  }
0x208: {  	[sflag:s12] =	ssyncadd.s32 $0xFFFFC000  }
0x209: {  	_ =	swait.ge [sflag:s21], $0x80  }
0x20a: {  	[sflag:s21] =	ssyncset.done $0x0  }
0x20b: {  	s24 =	rddreg [dreg:$0x6];
	[sflag:s21] =	ssyncadd.s32 $0xFFFFFF80  }
0x20c: {  	[spmem:s2] =	stream.indirect.scatter.add.f32 [tilespmem:s10], [sflag:$0x5], $0x80, s1, s6, $0xb8;
	[tilespmem:$0x1FF80] =	vst v63  }
0x20d: {  	s24 =	sadd.s32 s7, s24  }
0x20e: {  	[tilespmem:s29], [sflag:$0x8] =	stream.linear.gather [hbm4b:s24+s3], $0x80, $0x38;
	[tilespmem:$0x1FF80] =	vst v63  }
0x20f: {  	_ =	swait.ge [sflag:s15], $0x80  }
0x210: {  	[sflag:s15] =	ssyncset.done $0x0  }
0x211: {  	[sflag:s15] =	ssyncadd.s32 $0xFFFFFF80  }
0x212: {  	[tilespmem:s3], [sflag:$0x1] =	stream.indirect.gather [hbm4b:s4+s6], $0x80, s31, s6, $0xb8;
	[tilespmem:$0x1FF80] =	vst v63  }
0x213: {  	_ =	swait.ge [sflag:s16], $0x4000  }
0x214: {  	s24 =	rddreg [dreg:$0x7];
	[sflag:s16] =	ssyncset.done $0x0  }
0x215: {  	[sflag:s16] =	ssyncadd.s32 $0xFFFFC000;
	s24 =	sadd.s32 s7, s24  }
0x216: {  	[tilespmem:s1], [sflag:$0xC] =	stream.linear.gather [hbm4b:s24+s3], $0x80, $0x38;
	[tilespmem:$0x1FF80] =	vst v63  }
0x217: {  	_ =	swait.ge [sflag:s17], $0x4000  }
0x218: {  	[sflag:s17] =	ssyncset.done $0x0  }
0x219: {  	[sflag:s17] =	ssyncadd.s32 $0xFFFFC000  }
0x21a: {  	_ =	swait.ge [sflag:s22], $0x80  }
0x21b: {  	[sflag:s22] =	ssyncset.done $0x0  }
0x21c: {  	s24 =	rddreg [dreg:$0x4];
	[sflag:s22] =	ssyncadd.s32 $0xFFFFFF80  }
0x21d: {  	[spmem:s2] =	stream.indirect.scatter.add.f32 [tilespmem:s14], [sflag:$0x6], $0x80, s5, s6, $0xb8;
	[tilespmem:$0x1FF80] =	vst v63  }
0x21e: {  	s24 =	sadd.s32 s7, s24  }
0x21f: {  	[tilespmem:s30], [sflag:$0x9] =	stream.linear.gather [hbm4b:s24+s3], $0x80, $0x38;
	[tilespmem:$0x1FF80] =	vst v63  }
0x220: {  	_ =	swait.ge [sflag:s18], $0x80  }
0x221: {  	[sflag:s18] =	ssyncset.done $0x0  }
0x222: {  	[sflag:s18] =	ssyncadd.s32 $0xFFFFFF80  }
0x223: {  	[tilespmem:s10], [sflag:$0x2] =	stream.indirect.gather [hbm4b:s4+s6], $0x80, s28, s6, $0xb8;
	[tilespmem:$0x1FF80] =	vst v63  }
0x224: {  	_ =	swait.ge [sflag:s19], $0x4000  }
0x225: {  	s24 =	rddreg [dreg:$0x5];
	[sflag:s19] =	ssyncset.done $0x0  }
0x226: {  	[sflag:s19] =	ssyncadd.s32 $0xFFFFC000;
	s24 =	sadd.s32 s7, s24  }
0x227: {  	[tilespmem:s5], [sflag:$0xD] =	stream.linear.gather [hbm4b:s24+s3], $0x80, $0x38;
	[tilespmem:$0x1FF80] =	vst v63  }
0x228: {  	_ =	swait.ge [sflag:s11], $0x4000  }
0x229: {  	[sflag:s11] =	ssyncset.done $0x0  }
0x22a: {  	[sflag:s11] =	ssyncadd.s32 $0xFFFFC000  }
0x22b: {  	_ =	swait.ge [sflag:s20], $0x80  }
0x22c: {  	[sflag:s20] =	ssyncset.done $0x0  }
0x22d: {  	p0 =	sne.s32 s25, $0x3C0;
	s24 =	rddreg [dreg:$0x3];
	[sflag:s20] =	ssyncadd.s32 $0xFFFFFF80  }
0x22e: {  	[spmem:s2] =	stream.indirect.scatter.add.f32 [tilespmem:s3], [sflag:$0x4], $0x80, s0, s6, $0xb8;
	[tilespmem:$0x1FF80] =	vst v63  }
.Ltmp0:
0x22f: {  	s7 =	sadd.s32 s7, s24;
	(pc) =	sbr.rel @p0 .LBB2_2-.Ltmp0, $4  }
0x230: {  	[tilespmem:s31], [sflag:$0xA] =	stream.linear.gather [hbm4b:s7+s3], $0x80, $0x38;
	[tilespmem:$0x1FF80] =	vst v63  }
0x231: {  	_ =	swait.ge [sflag:s9], $0x80  }
0x232: {  	[sflag:s9] =	ssyncset.done $0x0  }
0x233: {  	s25 =	sadd.s32 $0xC0, s25;
	[sflag:s9] =	ssyncadd.s32 $0xFFFFFF80  }
0x234: {  	[tilespmem:s14], [sflag:$0x3] =	stream.indirect.gather [hbm4b:s4+s6], $0x80, s29, s6, $0xb8;
	[tilespmem:$0x1FF80] =	vst v63  }
0x235: {  	_ =	swait.ge [sflag:s8], $0x4000  }
0x236: {  	s7 =	sld [smem:$0x7F9]  }
0x237: {  	[sflag:s8] =	ssyncset.done $0x0  }
0x238: {  	[sflag:s8] =	ssyncadd.s32 $0xFFFFC000  }
0x239: {  	[tilespmem:s0], [sflag:$0xB] =	stream.linear.gather [hbm4b:s7+s3], $0x80, $0x38;
	[tilespmem:$0x1FF80] =	vst v63  }
0x23a: {  	_ =	swait.ge [sflag:s12], $0x4000  }
0x23b: {  	[sflag:s12] =	ssyncset.done $0x0  }
0x23c: {  	[sflag:s12] =	ssyncadd.s32 $0xFFFFC000  }
0x23d: {  	_ =	swait.ge [sflag:s21], $0x80  }
0x23e: {  	[sflag:s21] =	ssyncset.done $0x0  }
0x23f: {  	[sflag:s21] =	ssyncadd.s32 $0xFFFFFF80  }
0x240: {  	[spmem:s2] =	stream.indirect.scatter.add.f32 [tilespmem:s10], [sflag:$0x5], $0x80, s1, s6, $0xb8;
	[tilespmem:$0x1FF80] =	vst v63  }
0x241: {  	_ =	swait.ge [sflag:s13], $0x80  }
0x242: {  	[sflag:s13] =	ssyncset.done $0x0  }
0x243: {  	[sflag:s13] =	ssyncadd.s32 $0xFFFFFF80  }
0x244: {  	[tilespmem:s3], [sflag:$0x1] =	stream.indirect.gather [hbm4b:s4+s6], $0x80, s30, s6, $0xb8;
	[tilespmem:$0x1FF80] =	vst v63  }
0x245: {  	_ =	swait.ge [sflag:s16], $0x4000  }
0x246: {  	s24 =	sld [smem:$0x7FB]  }
0x247: {  	[sflag:s16] =	ssyncset.done $0x0  }
0x248: {  	[sflag:s16] =	ssyncadd.s32 $0xFFFFC000  }
0x249: {  	[tilespmem:s1], [sflag:$0xC] =	stream.linear.gather [hbm4b:s24+s3], $0x80, $0x38;
	[tilespmem:$0x1FF80] =	vst v63  }
0x24a: {  	_ =	swait.ge [sflag:s17], $0x4000  }
0x24b: {  	[sflag:s17] =	ssyncset.done $0x0  }
0x24c: {  	[sflag:s17] =	ssyncadd.s32 $0xFFFFC000  }
0x24d: {  	_ =	swait.ge [sflag:s22], $0x80  }
0x24e: {  	[sflag:s22] =	ssyncset.done $0x0  }
0x24f: {  	[sflag:s22] =	ssyncadd.s32 $0xFFFFFF80  }
0x250: {  	[spmem:s2] =	stream.indirect.scatter.add.f32 [tilespmem:s14], [sflag:$0x6], $0x80, s5, s6, $0xb8;
	[tilespmem:$0x1FF80] =	vst v63  }
0x251: {  	_ =	swait.ge [sflag:s15], $0x80  }
0x252: {  	[sflag:s15] =	ssyncset.done $0x0  }
0x253: {  	[sflag:s15] =	ssyncadd.s32 $0xFFFFFF80  }
0x254: {  	[tilespmem:s10], [sflag:$0x2] =	stream.indirect.gather [hbm4b:s4+s6], $0x80, s31, s6, $0xb8;
	[tilespmem:$0x1FF80] =	vst v63  }
0x255: {  	_ =	swait.ge [sflag:s19], $0x4000  }
0x256: {  	[sflag:s19] =	ssyncset.done $0x0  }
0x257: {  	[sflag:s19] =	ssyncadd.s32 $0xFFFFC000  }
0x258: {  	_ =	swait.ge [sflag:s11], $0x4000  }
0x259: {  	[sflag:s11] =	ssyncset.done $0x0  }
0x25a: {  	[sflag:s11] =	ssyncadd.s32 $0xFFFFC000  }
0x25b: {  	_ =	swait.ge [sflag:s20], $0x80  }
0x25c: {  	[sflag:s20] =	ssyncset.done $0x0  }
0x25d: {  	[sflag:s20] =	ssyncadd.s32 $0xFFFFFF80  }
0x25e: {  	[spmem:s2] =	stream.indirect.scatter.add.f32 [tilespmem:s3], [sflag:$0x4], $0x80, s0, s6, $0xb8;
	[tilespmem:$0x1FF80] =	vst v63  }
0x25f: {  	_ =	swait.ge [sflag:s8], $0x4000  }
0x260: {  	[sflag:s8] =	ssyncset.done $0x0  }
0x261: {  	[sflag:s8] =	ssyncadd.s32 $0xFFFFC000  }
0x262: {  	_ =	swait.ge [sflag:s12], $0x4000  }
0x263: {  	[sflag:s12] =	ssyncset.done $0x0  }
0x264: {  	[sflag:s12] =	ssyncadd.s32 $0xFFFFC000  }
0x265: {  	_ =	swait.ge [sflag:s21], $0x80  }
0x266: {  	[sflag:s21] =	ssyncset.done $0x0  }
0x267: {  	[sflag:s21] =	ssyncadd.s32 $0xFFFFFF80  }
0x268: {  	[spmem:s2] =	stream.indirect.scatter.add.f32 [tilespmem:s10], [sflag:$0x5], $0x80, s1, s6, $0xb8;
	[tilespmem:$0x1FF80] =	vst v63  }
0x269: {  	_ =	swait.ge [sflag:s16], $0x4000  }
0x26a: {  	[sflag:s16] =	ssyncset.done $0x0  }
0x26b: {  	[sflag:s16] =	ssyncadd.s32 $0xFFFFC000  }
0x26c: {  	[bflag:$0x0] =	sbarrier.arrive $0xFFFF  }
0x26d: {  	s7 =	sld [smem:$0x7FC]  }
0x26e: {  	s25 =	sld [smem:$0x7ED];
	_ =	sdelay $0x1  }
0x26f: {  	s24 =	rddreg [dreg:$0x1d]  }
0x270: {  	[hbm:s7], [sflag:s24] =	dma.local [spmem:s25], $0x2780  }
0x271: {  	_ =	swait.ge [sflag:s26], $0x2780  }
0x272: {  	s25 =	sld [smem:$0x7FD];
	_ =	sdelay $0x1  }
0x273: {  	s23 =	sadd.s32 $0x1, s23  }
0x274: {  	p0 =	sne.s32 s23, s25  }
.Ltmp1:
0x275: {  	_ = 	snop;
	(pc) =	sbr.rel @p0 .LBB2_1-.Ltmp1, $3  }
0x276: {  	_ =	sdelay $0x1  }
0x277: {  	[sflag:s26] =	ssyncset.done $0x0  }
0x278: {  	[sflag:s26] =	ssyncadd.s32 $0xFFFFD880  }
0x279: {  	_ =	sfence.sel $0x180000  }
0x27a: {  	[bflag:$0x0] =	sbarrier.arrive $0xFFFF  }
0x27b: {  	_ =	strace $0x9000004D  }
0x27c: {  	s0 =	stileid.u32;
	[bflag:$0x2] =	sbarrier.arrive $0xFFFF  }
0x27d: {  	p0 =	sne.s32 s0, $0x0;
	s0 =	rddreg [dreg:$0x2]  }
0x27e: {  	s0 =	sadd.s32 @!p0 $0x100000, s0  }
0x27f: {  	[sflag:s0] =	ssyncadd.tile.s32 @!p0 $0x1;
	_ =	shalt  }
.Lfunc_end2:
_tile_overlayer_lowered:
.L_overlay_start_2:
0x280: {  	(tag) =	ssettag $0x2  }
0x281: {  	s0 =	rddreg [dreg:$0x0];
	s2 =	stileid.u32  }
0x282: {  	s1 =	rddreg [dreg:$0x1];
	p0 =	sne.s32 s2, $0x0  }
0x283: {  	s3 =	rddreg [dreg:$0x2];
	[bflag:$0x3] =	sbarrier.arrive $0xFFFF;
	s2 =	simm.s32 @!p0 $0x1C0E  }
0x284: {  	[timem:s3], [sflag:s2] =	dma.local @!p0 [hbm:s0], s1  }
0x285: {  	s0 =	simm.s32 @!p0 $0xE  }
0x286: {  	_ =	swait.ge @!p0 [sflag:s0], s1  }
0x287: {  	s1 =	ssub.s32 @!p0 $0x0, s1;
	[sflag:s0] =	ssyncset.done @!p0 $0x0  }
0x288: {  	[sflag:s0] =	ssyncadd.s32 @!p0 s1  }
0x289: {  	[bflag:$0x3] =	sbarrier.arrive $0xFFFF  }
0x28a: {  	_ =	shalt  }

// kernel: kernel.9.cloned.1.call-start
scs
__scs_entry_jumppad:
0x0: {  	(pc) =	sbr.rel $0x88, $3  }
0x1: {  	(tag) =	ssettag $0x0;
	lr =	simm.s32 $0x1  }
0x2: {  	[smem:$0x3F9A] =	sst lr;
	_ =	strace $0xD0000000  }
0x3: {  	_ = 	snop  }
0x4: {  	_ = 	snop  }
0x5: {  	_ = 	snop  }
0x6: {  	_ = 	snop  }
0x7: {  	_ = 	snop  }
__scs_overlays_trampoline_lowered:
0x8: {  	[smem:$0x3FA9] =	sst s0  }
0x9: {  	[smem:$0x3FAA] =	sst s1  }
0xa: {  	[smem:$0x3FAB] =	sst s2  }
0xb: {  	[smem:$0x3FAC] =	sst s3  }
0xc: {  	[smem:$0x3FAD] =	sst s4  }
0xd: {  	[smem:$0x3FAE] =	sst s5  }
0xe: {  	[smem:$0x3FAF] =	sst s6  }
0xf: {  	[smem:$0x3FB0] =	sst s7  }
0x10: {  	[smem:$0x3FB1] =	sst s8  }
0x11: {  	[smem:$0x3FB2] =	sst s9;
	s0 =	simm.s32 @!p0 $0x0  }
0x12: {  	s1 =	sld [smem:$0x3F98];
	s0 =	simm.s32 @p0 $0x1  }
0x13: {  	[smem:$0x3FB3] =	sst s0;
	s0 =	simm.s32 @!p1 $0x0  }
0x14: {  	s2 =	sld [smem:$0x3F97];
	s0 =	simm.s32 @p1 $0x1  }
0x15: {  	[smem:$0x3FB4] =	sst s0;
	s0 =	simm.s32 @!p2 $0x0  }
0x16: {  	s3 =	sld [smem:$0x3FDB];
	s0 =	simm.s32 @p2 $0x1  }
0x17: {  	s4 =	simm.s32 $0x1BF5;
	[smem:$0x3FB6] =	sst s0  }
0x18: {  	s0 =	sld [smem:$0x3F99];
	_ =	swait.ge [sflag:s4], $0x0  }
0x19: {  	s7 =	sld [smem:$0x3F9A]  }
0x1a: {  	s8 =	sadd.s32 $0xFFFFE003, lr  }
0x1b: {  	s9 =	sadd.s32 $0xFFFFFEF7, lr;
	s5 =	simm.s32 $0xFFFFFFFF;
	p2 =	slt.u32 s8, $0xFFFFF086  }
0x1c: {  	p1 =	slt.u32 s9, $0xF7A;
	s5 =	simm.s32 @!p2 $0x0  }
0x1d: {  	s5 =	simm.s32 @p1 $0x1;
	p0 =	seq.s32 s7, s2  }
0x1e: {  	s7 =	smul.u32 @!p0 $0xF7A, s2;
	p2 =	seq.s32 @!p0 s5, $0x0  }
0x1f: {  	s9 =	smul.u32 $0xF7A, s1;
	s8 =	simm.s32 @!p0 $0x1BF5;
	p2 =	por !p2, p0  }
0x20: {  	[sflag:s8] =	ssyncset.s32 @!p0 $0xFFFFF086;
	s6 =	sadd.s32 @!p0 s3, s7;
	s7 =	simm.s32 @!p0 $0x108  }
0x21: {  	s3 =	sadd.s32 s3, s9;
	s6 =	sadd.s32 @!p0 $0x88, s6;
	s7 =	simm.s32 @p2 $0x1082  }
0x22: {  	[simem:s7], [sflag:s8] =	dma.local @!p0 [hbm:s6], $0xF7A  }
0x23: {  	s9 =	sor.u32 $0xD0000000, s2;
	s6 =	simm.s32 $0x108;
	_ =	swait.ge @!p0 [sflag:s8], $0x0  }
0x24: {  	s3 =	sadd.s32 $0x88, s3;
	s6 =	simm.s32 @!p1 $0x1082;
	[sflag:s4] =	ssyncset.s32 $0xFFFFF086  }
0x25: {  	[simem:s6], [sflag:s4] =	dma.local [hbm:s3], $0xF7A  }
0x26: {  	[smem:$0x3F9A] =	sst s1;
	(tag) =	ssettag s2;
	_ =	strace s9  }
0x27: {  	s1 =	sld [smem:$0x3FAA]  }
0x28: {  	s2 =	sld [smem:$0x3FAB]  }
0x29: {  	s4 =	sld [smem:$0x3FAD]  }
0x2a: {  	p0 =	seq.s32 s5, $0x0;
	s5 =	sld [smem:$0x3FAE]  }
0x2b: {  	s6 =	sld [smem:$0x3FAF]  }
0x2c: {  	s7 =	sld [smem:$0x3FB0]  }
0x2d: {  	s3 =	simm.s32 $0x108;
	s8 =	sld [smem:$0x3FB1]  }
0x2e: {  	s3 =	simm.s32 @!p0 $0x1082;
	s9 =	sld [smem:$0x3FB2]  }
0x2f: {  	lr =	sadd.s32 s0, s3;
	s0 =	sld [smem:$0x3FA9]  }
0x30: {  	s3 =	sld [smem:$0x3FAC]  }
0x31: {  	[smem:$0x3FB5] =	sst s10  }
0x32: {  	s10 =	sld [smem:$0x3FB3];
	_ =	sdelay $0x3  }
0x33: {  	p0 =	seq.s32 s10, $0x1;
	s10 =	sld [smem:$0x3FB5];
	_ =	sdelay $0x3  }
0x34: {  	[smem:$0x3FB5] =	sst s10  }
0x35: {  	s10 =	sld [smem:$0x3FB4];
	_ =	sdelay $0x3  }
0x36: {  	p1 =	seq.s32 s10, $0x1;
	s10 =	sld [smem:$0x3FB5];
	_ =	sdelay $0x3  }
0x37: {  	[smem:$0x3FB5] =	sst s10  }
0x38: {  	s10 =	sld [smem:$0x3FB6]  }
0x39: {  	_ = 	snop;
	(pc) =	sbr.ind lr, $3  }
0x3a: {  	_ = 	snop  }
0x3b: {  	_ = 	snop  }
0x3c: {  	p2 =	seq.s32 s10, $0x1;
	s10 =	sld [smem:$0x3FB5]  }
0x3d: {  	_ =	shalt  }
0x3e: {  	_ =	shalt  }
0x3f: {  	_ =	shalt  }
0x40: {  	_ =	shalt  }
0x41: {  	_ =	shalt  }
0x42: {  	_ =	shalt  }
0x43: {  	_ =	shalt  }
0x44: {  	_ =	shalt  }
0x45: {  	_ =	shalt  }
0x46: {  	_ =	shalt  }
0x47: {  	_ =	shalt  }
0x48: {  	_ =	shalt  }
0x49: {  	_ =	shalt  }
0x4a: {  	_ =	shalt  }
0x4b: {  	_ =	shalt  }
0x4c: {  	_ =	shalt  }
0x4d: {  	_ =	shalt  }
0x4e: {  	_ =	shalt  }
0x4f: {  	_ =	shalt  }
0x50: {  	_ =	shalt  }
0x51: {  	_ =	shalt  }
0x52: {  	_ =	shalt  }
0x53: {  	_ =	shalt  }
0x54: {  	_ =	shalt  }
0x55: {  	_ =	shalt  }
0x56: {  	_ =	shalt  }
0x57: {  	_ =	shalt  }
0x58: {  	_ =	shalt  }
0x59: {  	_ =	shalt  }
0x5a: {  	_ =	shalt  }
0x5b: {  	_ =	shalt  }
0x5c: {  	_ =	shalt  }
0x5d: {  	_ =	shalt  }
0x5e: {  	_ =	shalt  }
0x5f: {  	_ =	shalt  }
0x60: {  	_ =	shalt  }
0x61: {  	_ =	shalt  }
0x62: {  	_ =	shalt  }
0x63: {  	_ =	shalt  }
0x64: {  	_ =	shalt  }
0x65: {  	_ =	shalt  }
0x66: {  	_ =	shalt  }
0x67: {  	_ =	shalt  }
0x68: {  	_ =	shalt  }
0x69: {  	_ =	shalt  }
0x6a: {  	_ =	shalt  }
0x6b: {  	_ =	shalt  }
0x6c: {  	_ =	shalt  }
0x6d: {  	_ =	shalt  }
0x6e: {  	_ =	shalt  }
0x6f: {  	_ =	shalt  }
0x70: {  	_ =	shalt  }
0x71: {  	_ =	shalt  }
0x72: {  	_ =	shalt  }
0x73: {  	_ =	shalt  }
0x74: {  	_ =	shalt  }
0x75: {  	_ =	shalt  }
0x76: {  	_ =	shalt  }
0x77: {  	_ =	shalt  }
0x78: {  	_ =	shalt  }
0x79: {  	_ =	shalt  }
0x7a: {  	_ =	shalt  }
0x7b: {  	_ =	shalt  }
0x7c: {  	_ =	shalt  }
0x7d: {  	_ =	shalt  }
0x7e: {  	_ =	shalt  }
0x7f: {  	_ =	shalt  }
0x80: {  	_ =	shalt  }
0x81: {  	_ =	shalt  }
0x82: {  	_ =	shalt  }
0x83: {  	_ =	shalt  }
0x84: {  	_ =	shalt  }
0x85: {  	_ =	shalt  }
0x86: {  	_ =	shalt  }
0x87: {  	_ =	shalt  }
.Lfunc_end0:
.L_simem_size_0:
called_computation_lowered:
.L_overlay_start_0:
0x88: {  	s2 =	sld [smem:$0x3FD9]  }
0x89: {  	s3 =	sld [smem:$0x3FFE];
	_ =	sdelay $0x1  }
0x8a: {  	s1 =	srdreg.scid  }
0x8b: {  	s0 =	sand.u32 $0x1, s1  }
0x8c: {  	s17 =	sshll.u32 s0, $0xA;
	s2 =	sadd.s32 s3, s2  }
0x8d: {  	s2 =	sadd.s32 s2, s17  }
0x8e: {  	[smem:$0x3FC1] =	sst s2  }
0x8f: {  	_ = 	snop  }
0x90: {  	s2 =	sld [smem:$0x3FD0];
	(tm) =	ssettm $0x1  }
0x91: {  	s18 =	sld [smem:$0x3FFB];
	_ =	sdelay $0x3  }
0x92: {  	_ =	strace s18  }
0x93: {  	s3 =	sld [smem:$0x3FFC];
	_ =	sdelay $0x3  }
0x94: {  	_ =	strace s3  }
0x95: {  	s3 =	sld [smem:$0x3FFD];
	_ =	sdelay $0x3  }
0x96: {  	_ =	strace s3  }
0x97: {  	_ =	strace $0x8FFFFFFF  }
0x98: {  	s19 =	sld [smem:$0x3FDB];
	_ =	sdelay $0x1  }
0x99: {  	s4 =	simm.s32 $_scs_section_size  }
0x9a: {  	s5 =	simm.s32 $_size__tile_overlayer_lowered;
	s6 =	simm.s32 $_tile_overlayer_lowered  }
0x9b: {  	s22 =	simm.s32 $0x1BFF;
	s21 =	sshll.u32 s6, $0x1;
	s3 =	sadd.s32 s4, s19  }
0x9c: {  	s7 =	simm.s32 $0x0;
	s20 =	sshll.u32 s5, $0x1;
	s5 =	sadd.s32 s21, s3  }
0x9d: {  	[timem:s7], [sflag:s22] =	dma.local [hbm:s5], s20  }
0x9e: {  	_ =	swait.ge [sflag:s22], s20  }
0x9f: {  	s4 =	ssub.s32 $0x0, s20;
	[sflag:s22] =	ssyncset.done $0x0  }
0xa0: {  	[sflag:s22] =	ssyncadd.s32 s4;
	_ =	sdelay $0x1  }
0xa1: {  	s23 =	simm.s32 $0x1B8B  }
0xa2: {  	_ =	swait.ge [sflag:s23], $0x1  }
0xa3: {  	[sflag:s23] =	ssyncset.done $0x0  }
0xa4: {  	s25 =	simm.s32 $0x1B8E;
	s24 =	sld [smem:$0x3FFE];
	[sflag:s23] =	ssyncadd.s32 $0xFFFFFFFF  }
0xa5: {  	s26 =	simm.s32 $execute0_lowered;
	[smem:$0x3FD2] =	sst s25  }
0xa6: {  	s5 =	sshll.u32 s26, $0x1;
	_ =	strace $0x80000046;
	[dreg:$0x1] =	wrdreg $0xFFFFFFFF  }
0xa7: {  	s28 =	simm.s32 $_size_execute0_lowered;
	s3 =	sadd.s32 s3, s5;
	[dreg:$0x0] =	wrdreg $0x0  }
0xa8: {  	s5 =	sshll.u32 s28, $0x1;
	[dreg:$0x2] =	wrdreg s3  }
0xa9: {  	[dreg:$0x3] =	wrdreg s5  }
0xaa: {  	[dreg:$0x4] =	wrdreg $0xC0  }
0xab: {  	_ =	task [dreg:s7], $0x5FFFF  }
0xac: {  	[dreg:$0x1] =	wrdreg $0xFFFFFFFF  }
0xad: {  	[dreg:$0x0] =	wrdreg $0x60  }
0xae: {  	[dreg:$0x2] =	wrdreg s24  }
0xaf: {  	[dreg:$0x3] =	wrdreg s2  }
0xb0: {  	[dreg:$0x4] =	wrdreg $0x2800  }
0xb1: {  	[dreg:$0x5] =	wrdreg $0x9  }
0xb2: {  	_ =	task.clear_ibuf [dreg:s7], $0x6FFFF;
	_ =	strace $0x90000046  }
0xb3: {  	s29 =	simm.s32 $0x9;
	_ =	strace $0x80000048  }
0xb4: {  	_ =	swait.ge [sflag:s29], $0x1  }
0xb5: {  	[sflag:s29] =	ssyncadd.s32 $0xFFFFFFFF  }
0xb6: {  	_ =	strace $0x90000048  }
0xb7: {  	_ =	sfence  }
0xb8: {  	s30 =	sld [smem:$0x0];
	_ =	sdelay $0x2  }
0xb9: {  	s31 =	sshll.u32 s1, $0xD;
	s1 =	sshrl.u32 s1, $0x2  }
0xba: {  	s3 =	sand.u32 $0x4000, s31;
	s1 =	sadd.s32 s1, s30  }
0xbb: {  	s0 =	sor.u32 s3, s0;
	s1 =	sshll.u32 s1, $0x11  }
0xbc: {  	s0 =	sor.u32 s1, s0  }
0xbd: {  	s0 =	sadd.s32 $0x8F2B, s0  }
0xbe: {  	[sflag:s0] =	ssyncadd.remote.s32 $0x1  }
0xbf: {  	_ =	sfence.sel $0xFFFF  }
0xc0: {  	[dreg:$0x0] =	wrdreg $0xFFFFFFFF;
	(pc) =	sbr.abs _section_cstart, $3  }
0xc1: {  	[dreg:$0x1] =	wrdreg $0xFFFFFFFF  }
0xc2: {  	_ =	task.clear_ibuf [dreg:s7], $0x2FFFF;
	_ =	strace $0x9FFFFFFF  }
0xc3: {  	(tm) =	ssettm $0x7FFFFFFF  }
tec
execute0_lowered:
.L_overlay_start_1:
0x0: {  	(tag) =	ssettag $0x1  }
0x1: {  	s0 =	rddreg [dreg:$0x0]  }
0x2: {  	s1 =	rddreg [dreg:$0x1]  }
0x3: {  	s2 =	rddreg [dreg:$0x2];
	s3 =	simm.s32 $0x0;
	s10 =	stileid.u32  }
0x4: {  	s5 =	srdreg.scid;
	s28 =	simm.s32 $0x1;
	s29 =	simm.s32 $0x7  }
0x5: {  	s30 =	simm.s32 $0x2;
	s31 =	simm.s32 $0x8;
	[smem:$0x7FF] =	sst s3  }
0x6: {  	s4 =	smul.u32 $0x280, s10;
	s7 =	sadd.s32 $0xC400, s0;
	s5 =	sand.u32 $0x1, s5  }
0x7: {  	s6 =	sshll.u32 s10, $0x1;
	s18 =	sshll.u32 s10, $0x6;
	s19 =	smul.u32 $0x5000, s10  }
0x8: {  	_ =	strace $0x80000047;
	s9 =	ssub.s32 $0x2, s5;
	s6 =	sor.u32 s5, s6  }
0x9: {  	s13 =	smul.u32 $0x2800, s5;
	s5 =	sor.u32 $0x1C09, s18;
	s8 =	sshrl.u32 s4, $0x3  }
0xa: {  	s17 =	sshrl.u32 s9, $0x1;
	s6 =	smul.u32 $0x2800, s6;
	s20 =	sadd.s32 s4, s2  }
0xb: {  	s0 =	sadd.s32 s8, s0;
	s8 =	ssub.s32 s9, s17;
	s4 =	sadd.s32 s4, s13  }
0xc: {  	s20 =	sshrl.u32 s20, $0x3;
	s0 =	sadd.s32 $0x16400, s0;
	s6 =	sshrl.u32 s6, $0x3  }
0xd: {  	s4 =	sshrl.u32 s4, $0x3;
	s15 =	smax.u32 s8, $0x1;
	s6 =	sadd.s32 s7, s6  }
0xe: {  	[dreg:$0x4] =	wrdreg s0;
	s0 =	sadd.s32 s13, s19;
	s21 =	sadd.s32 $0x10, s6  }
0xf: {  	s22 =	sadd.s32 $0x20, s6;
	s23 =	sadd.s32 $0x30, s6;
	s24 =	sadd.s32 $0x40, s6  }
0x10: {  	s11 =	sadd.s32 $0x50, s6;
	s12 =	sadd.s32 $0x4E0, s6;
	[dreg:$0x5] =	wrdreg s21  }
0x11: {  	s14 =	sor.u32 $0x480, s0;
	s13 =	sadd.s32 $0x4F0, s6;
	[dreg:$0x6] =	wrdreg s22  }
0x12: {  	s25 =	sor.u32 $0x400, s0;
	s26 =	sor.u32 $0x380, s0;
	[dreg:$0x7] =	wrdreg s23  }
0x13: {  	s0 =	sor.u32 $0x300, s0;
	[dreg:$0x8] =	wrdreg s24;
	s16 =	sshrl.u32 s14, $0x3  }
0x14: {  	s14 =	sadd.s32 s1, s4;
	s1 =	sshrl.u32 s25, $0x3;
	s4 =	sshrl.u32 s26, $0x3  }
0x15: {  	s0 =	sshrl.u32 s0, $0x3;
	s21 =	simm.s32 $0x9;
	s22 =	simm.s32 $0x80  }
0x16: {  	s23 =	simm.s32 $0x100;
	s24 =	simm.s32 $0x180;
	s25 =	simm.s32 $0x200  }
0x17: {  	s26 =	simm.s32 $0x6;
	s16 =	sadd.s32 s16, s7;
	s17 =	sadd.s32 s1, s7  }
0x18: {  	s18 =	sadd.s32 s4, s7;
	s19 =	sadd.s32 s0, s7;
	s0 =	simm.s32 $0x3  }
0x19: {  	v0 =	vimm.f32 $1.000000000e+00;
	s1 =	simm.s32 $0x5;
	s4 =	simm.s32 $0x4;
	s7 =	simm.s32 $0x0  }
.LBB2_1:
0x1a: {  	s8 =	rddreg [dreg:$0x4]  }
0x1b: {  	[spmem:s20], [sflag:s5] =	dma.local [hbm:s8], $0x50  }
0x1c: {  	_ =	swait.ge [sflag:s21], $0x50  }
0x1d: {  	[sflag:s21] =	ssyncset.done $0x0  }
0x1e: {  	[sflag:s21] =	ssyncadd.s32 $0xFFFFFFB0  }
0x1f: {  	[tilespmem:$0x200] =	vst v0  }
0x20: {  	[tilespmem:$0x210] =	vst v0  }
0x21: {  	[tilespmem:$0x220] =	vst v0  }
0x22: {  	[tilespmem:$0x230] =	vst v0  }
0x23: {  	[tilespmem:$0x240] =	vst v0  }
0x24: {  	[tilespmem:$0x250] =	vst v0  }
0x25: {  	[tilespmem:$0x260] =	vst v0  }
0x26: {  	[tilespmem:$0x270] =	vst v0  }
0x27: {  	[tilespmem:s3], [sflag:$0x9] =	stream.linear.gather [hbm4b:s6+s3], $0x80, $0x38;
	[tilespmem:$0x500] =	vst v63  }
0x28: {  	_ =	swait.ge [sflag:s21], $0x80  }
0x29: {  	[sflag:s21] =	ssyncset.done $0x0  }
0x2a: {  	s9 =	rddreg [dreg:$0x5];
	[sflag:s21] =	ssyncadd.s32 $0xFFFFFF80  }
0x2b: {  	[tilespmem:s22], [sflag:$0x6] =	stream.linear.gather [hbm4b:s9+s3], $0x80, $0x38;
	[tilespmem:$0x500] =	vst v63  }
0x2c: {  	s10 =	rddreg [dreg:$0x6]  }
0x2d: {  	[tilespmem:s23], [sflag:$0x7] =	stream.linear.gather [hbm4b:s10+s3], $0x80, $0x38;
	[tilespmem:$0x500] =	vst v63  }
0x2e: {  	s9 =	rddreg [dreg:$0x7]  }
0x2f: {  	[tilespmem:s24], [sflag:$0x8] =	stream.linear.gather [hbm4b:s9+s3], $0x80, $0x38;
	[tilespmem:$0x500] =	vst v63  }
0x30: {  	[bflag:$0x0] =	sbarrier.arrive $0xFFFF  }
0x31: {  	[spmem:s2] =	stream.indirect.scatter.add.f32 [tilespmem:s25], [sflag:$0x1], $0x1, s3, s22, $0xb8;
	[tilespmem:$0x500] =	vst v63  }
0x32: {  	_ =	swait.ge [sflag:s26], $0x80  }
0x33: {  	[sflag:s26] =	ssyncset.done $0x0  }
0x34: {  	[sflag:s26] =	ssyncadd.s32 $0xFFFFFF80  }
0x35: {  	[spmem:s2] =	stream.indirect.scatter.add.f32 [tilespmem:s25], [sflag:$0x2], $0x1, s22, s22, $0xb8;
	[tilespmem:$0x500] =	vst v63  }
0x36: {  	_ =	swait.ge [sflag:s28], $0x80  }
0x37: {  	[sflag:s28] =	ssyncset.done $0x0  }
0x38: {  	s10 =	rddreg [dreg:$0x8];
	[sflag:s28] =	ssyncadd.s32 $0xFFFFFF80  }
0x39: {  	[tilespmem:s3], [sflag:$0x5] =	stream.linear.gather [hbm4b:s10+s3], $0x80, $0x38;
	[tilespmem:$0x500] =	vst v63  }
0x3a: {  	_ =	swait.ge [sflag:s29], $0x80  }
0x3b: {  	[sflag:s29] =	ssyncset.done $0x0  }
0x3c: {  	[sflag:s29] =	ssyncadd.s32 $0xFFFFFF80  }
0x3d: {  	[spmem:s2] =	stream.indirect.scatter.add.f32 [tilespmem:s25], [sflag:$0x3], $0x1, s23, s22, $0xb8;
	[tilespmem:$0x500] =	vst v63  }
0x3e: {  	_ =	swait.ge [sflag:s30], $0x80  }
0x3f: {  	[sflag:s30] =	ssyncset.done $0x0  }
0x40: {  	[sflag:s30] =	ssyncadd.s32 $0xFFFFFF80  }
0x41: {  	[tilespmem:s22], [sflag:$0x6] =	stream.linear.gather [hbm4b:s11+s3], $0x80, $0x38;
	[tilespmem:$0x500] =	vst v63  }
0x42: {  	_ =	swait.ge [sflag:s31], $0x80  }
0x43: {  	[sflag:s31] =	ssyncset.done $0x0  }
0x44: {  	[sflag:s31] =	ssyncadd.s32 $0xFFFFFF80  }
0x45: {  	[spmem:s2] =	stream.indirect.scatter.add.f32 [tilespmem:s25], [sflag:$0x4], $0x1, s24, s22, $0xb8;
	[tilespmem:$0x500] =	vst v63  }
0x46: {  	_ =	swait.ge [sflag:s0], $0x80  }
0x47: {  	[sflag:s0] =	ssyncset.done $0x0  }
0x48: {  	s9 =	sadd.s32 $0x0, s19;
	[sflag:s0] =	ssyncadd.s32 $0xFFFFFF80  }
0x49: {  	[tilespmem:s23], [sflag:$0x7] =	stream.linear.gather [hbm4b:s9+s3], $0x80, $0x38;
	[tilespmem:$0x500] =	vst v63  }
0x4a: {  	_ =	swait.ge [sflag:s1], $0x80  }
0x4b: {  	[sflag:s1] =	ssyncset.done $0x0  }
0x4c: {  	[sflag:s1] =	ssyncadd.s32 $0xFFFFFF80  }
0x4d: {  	[spmem:s2] =	stream.indirect.scatter.add.f32 [tilespmem:s25], [sflag:$0x1], $0x1, s3, s22, $0xb8;
	[tilespmem:$0x500] =	vst v63  }
0x4e: {  	_ =	swait.ge [sflag:s4], $0x80  }
0x4f: {  	[sflag:s4] =	ssyncset.done $0x0  }
0x50: {  	s10 =	sadd.s32 $0x0, s18;
	[sflag:s4] =	ssyncadd.s32 $0xFFFFFF80  }
0x51: {  	[tilespmem:s24], [sflag:$0x8] =	stream.linear.gather [hbm4b:s10+s3], $0x80, $0x38;
	[tilespmem:$0x500] =	vst v63  }
0x52: {  	_ =	swait.ge [sflag:s26], $0x80  }
0x53: {  	[sflag:s26] =	ssyncset.done $0x0  }
0x54: {  	[sflag:s26] =	ssyncadd.s32 $0xFFFFFF80  }
0x55: {  	[spmem:s2] =	stream.indirect.scatter.add.f32 [tilespmem:s25], [sflag:$0x2], $0x1, s22, s22, $0xb8;
	[tilespmem:$0x500] =	vst v63  }
0x56: {  	_ =	swait.ge [sflag:s28], $0x80  }
0x57: {  	[sflag:s28] =	ssyncset.done $0x0  }
0x58: {  	s9 =	sadd.s32 $0x0, s17;
	[sflag:s28] =	ssyncadd.s32 $0xFFFFFF80  }
0x59: {  	[tilespmem:s3], [sflag:$0x5] =	stream.linear.gather [hbm4b:s9+s3], $0x80, $0x38;
	[tilespmem:$0x500] =	vst v63  }
0x5a: {  	_ =	swait.ge [sflag:s29], $0x80  }
0x5b: {  	[sflag:s29] =	ssyncset.done $0x0  }
0x5c: {  	[sflag:s29] =	ssyncadd.s32 $0xFFFFFF80  }
0x5d: {  	[spmem:s2] =	stream.indirect.scatter.add.f32 [tilespmem:s25], [sflag:$0x3], $0x1, s23, s22, $0xb8;
	[tilespmem:$0x500] =	vst v63  }
0x5e: {  	_ =	swait.ge [sflag:s30], $0x80  }
0x5f: {  	[sflag:s30] =	ssyncset.done $0x0  }
0x60: {  	s10 =	sadd.s32 $0x0, s16;
	[sflag:s30] =	ssyncadd.s32 $0xFFFFFF80  }
0x61: {  	[tilespmem:s22], [sflag:$0x6] =	stream.linear.gather [hbm4b:s10+s3], $0x80, $0x38;
	[tilespmem:$0x500] =	vst v63  }
0x62: {  	_ =	swait.ge [sflag:s31], $0x80  }
0x63: {  	[sflag:s31] =	ssyncset.done $0x0  }
0x64: {  	s8 =	simm.s32 $0x40;
	[sflag:s31] =	ssyncadd.s32 $0xFFFFFF80  }
.LBB2_2:
0x65: {  	[spmem:s2] =	stream.indirect.scatter.add.f32 [tilespmem:s25], [sflag:$0x4], $0x1, s24, s22, $0xb8;
	[tilespmem:$0x500] =	vst v63  }
0x66: {  	s9 =	smov.u32 s8  }
0x67: {  	p0 =	sne.s32 s8, $0x440;
	s8 =	sadd.s32 $0x40, s8;
	_ =	swait.ge [sflag:s0], $0x80  }
0x68: {  	[sflag:s0] =	ssyncset.done $0x0  }
0x69: {  	s10 =	sadd.s32 s9, s19;
	[sflag:s0] =	ssyncadd.s32 $0xFFFFFF80  }
0x6a: {  	[tilespmem:s23], [sflag:$0x7] =	stream.linear.gather [hbm4b:s10+s3], $0x80, $0x38;
	[tilespmem:$0x500] =	vst v63  }
0x6b: {  	_ =	swait.ge [sflag:s1], $0x80  }
0x6c: {  	[sflag:s1] =	ssyncset.done $0x0  }
0x6d: {  	[sflag:s1] =	ssyncadd.s32 $0xFFFFFF80  }
0x6e: {  	[spmem:s2] =	stream.indirect.scatter.add.f32 [tilespmem:s25], [sflag:$0x1], $0x1, s3, s22, $0xb8;
	[tilespmem:$0x500] =	vst v63  }
0x6f: {  	_ =	swait.ge [sflag:s4], $0x80  }
0x70: {  	[sflag:s4] =	ssyncset.done $0x0  }
0x71: {  	s10 =	sadd.s32 s9, s18;
	[sflag:s4] =	ssyncadd.s32 $0xFFFFFF80  }
0x72: {  	[tilespmem:s24], [sflag:$0x8] =	stream.linear.gather [hbm4b:s10+s3], $0x80, $0x38;
	[tilespmem:$0x500] =	vst v63  }
0x73: {  	_ =	swait.ge [sflag:s26], $0x80  }
0x74: {  	[sflag:s26] =	ssyncset.done $0x0  }
0x75: {  	[sflag:s26] =	ssyncadd.s32 $0xFFFFFF80  }
0x76: {  	[spmem:s2] =	stream.indirect.scatter.add.f32 [tilespmem:s25], [sflag:$0x2], $0x1, s22, s22, $0xb8;
	[tilespmem:$0x500] =	vst v63  }
0x77: {  	_ =	swait.ge [sflag:s28], $0x80  }
0x78: {  	[sflag:s28] =	ssyncset.done $0x0  }
0x79: {  	s10 =	sadd.s32 s9, s17;
	[sflag:s28] =	ssyncadd.s32 $0xFFFFFF80  }
0x7a: {  	[tilespmem:s3], [sflag:$0x5] =	stream.linear.gather [hbm4b:s10+s3], $0x80, $0x38;
	[tilespmem:$0x500] =	vst v63  }
0x7b: {  	_ =	swait.ge [sflag:s29], $0x80  }
0x7c: {  	[sflag:s29] =	ssyncset.done $0x0  }
0x7d: {  	[sflag:s29] =	ssyncadd.s32 $0xFFFFFF80  }
0x7e: {  	[spmem:s2] =	stream.indirect.scatter.add.f32 [tilespmem:s25], [sflag:$0x3], $0x1, s23, s22, $0xb8;
	[tilespmem:$0x500] =	vst v63  }
0x7f: {  	_ =	swait.ge [sflag:s30], $0x80  }
0x80: {  	[sflag:s30] =	ssyncset.done $0x0  }
.Ltmp0:
0x81: {  	s9 =	sadd.s32 s9, s16;
	[sflag:s30] =	ssyncadd.s32 $0xFFFFFF80;
	(pc) =	sbr.rel @p0 .LBB2_2-.Ltmp0, $4  }
0x82: {  	[tilespmem:s22], [sflag:$0x6] =	stream.linear.gather [hbm4b:s9+s3], $0x80, $0x38;
	[tilespmem:$0x500] =	vst v63  }
0x83: {  	_ =	swait.ge [sflag:s31], $0x80  }
0x84: {  	[sflag:s31] =	ssyncset.done $0x0  }
0x85: {  	[sflag:s31] =	ssyncadd.s32 $0xFFFFFF80  }
0x86: {  	[spmem:s2] =	stream.indirect.scatter.add.f32 [tilespmem:s25], [sflag:$0x4], $0x1, s24, s22, $0xb8;
	[tilespmem:$0x500] =	vst v63  }
0x87: {  	_ =	swait.ge [sflag:s0], $0x80  }
0x88: {  	[sflag:s0] =	ssyncset.done $0x0  }
0x89: {  	[sflag:s0] =	ssyncadd.s32 $0xFFFFFF80  }
0x8a: {  	[tilespmem:s23], [sflag:$0x7] =	stream.linear.gather [hbm4b:s12+s3], $0x80, $0x38;
	[tilespmem:$0x500] =	vst v63  }
0x8b: {  	_ =	swait.ge [sflag:s1], $0x80  }
0x8c: {  	[sflag:s1] =	ssyncset.done $0x0  }
0x8d: {  	[sflag:s1] =	ssyncadd.s32 $0xFFFFFF80  }
0x8e: {  	[spmem:s2] =	stream.indirect.scatter.add.f32 [tilespmem:s25], [sflag:$0x1], $0x1, s3, s22, $0xb8;
	[tilespmem:$0x500] =	vst v63  }
0x8f: {  	_ =	swait.ge [sflag:s4], $0x80  }
0x90: {  	[sflag:s4] =	ssyncset.done $0x0  }
0x91: {  	[sflag:s4] =	ssyncadd.s32 $0xFFFFFF80  }
0x92: {  	[tilespmem:s24], [sflag:$0x8] =	stream.linear.gather [hbm4b:s13+s3], $0x80, $0x38;
	[tilespmem:$0x500] =	vst v63  }
0x93: {  	_ =	swait.ge [sflag:s26], $0x80  }
0x94: {  	[sflag:s26] =	ssyncset.done $0x0  }
0x95: {  	[sflag:s26] =	ssyncadd.s32 $0xFFFFFF80  }
0x96: {  	[spmem:s2] =	stream.indirect.scatter.add.f32 [tilespmem:s25], [sflag:$0x2], $0x1, s22, s22, $0xb8;
	[tilespmem:$0x500] =	vst v63  }
0x97: {  	_ =	swait.ge [sflag:s28], $0x80  }
0x98: {  	[sflag:s28] =	ssyncset.done $0x0  }
0x99: {  	[sflag:s28] =	ssyncadd.s32 $0xFFFFFF80  }
0x9a: {  	_ =	swait.ge [sflag:s29], $0x80  }
0x9b: {  	[sflag:s29] =	ssyncset.done $0x0  }
0x9c: {  	[sflag:s29] =	ssyncadd.s32 $0xFFFFFF80  }
0x9d: {  	[spmem:s2] =	stream.indirect.scatter.add.f32 [tilespmem:s25], [sflag:$0x3], $0x1, s23, s22, $0xb8;
	[tilespmem:$0x500] =	vst v63  }
0x9e: {  	_ =	swait.ge [sflag:s30], $0x80  }
0x9f: {  	[sflag:s30] =	ssyncset.done $0x0  }
0xa0: {  	[sflag:s30] =	ssyncadd.s32 $0xFFFFFF80  }
0xa1: {  	_ =	swait.ge [sflag:s31], $0x80  }
0xa2: {  	[sflag:s31] =	ssyncset.done $0x0  }
0xa3: {  	[sflag:s31] =	ssyncadd.s32 $0xFFFFFF80  }
0xa4: {  	[spmem:s2] =	stream.indirect.scatter.add.f32 [tilespmem:s25], [sflag:$0x4], $0x1, s24, s22, $0xb8;
	[tilespmem:$0x500] =	vst v63  }
0xa5: {  	_ =	swait.ge [sflag:s0], $0x80  }
0xa6: {  	[sflag:s0] =	ssyncset.done $0x0  }
0xa7: {  	[sflag:s0] =	ssyncadd.s32 $0xFFFFFF80  }
0xa8: {  	_ =	swait.ge [sflag:s4], $0x80  }
0xa9: {  	s7 =	sadd.s32 $0x1, s7;
	[sflag:s4] =	ssyncset.done $0x0  }
0xaa: {  	p0 =	sne.s32 s7, s15;
	[sflag:s4] =	ssyncadd.s32 $0xFFFFFF80  }
.Ltmp1:
0xab: {  	[bflag:$0x0] =	sbarrier.arrive $0xFFFF;
	(pc) =	sbr.rel @p0 .LBB2_1-.Ltmp1, $4  }
0xac: {  	[hbm:s14], [sflag:s5] =	dma.local [spmem:s20], $0x50  }
0xad: {  	_ =	swait.ge [sflag:s21], $0x50  }
0xae: {  	[sflag:s21] =	ssyncset.done $0x0  }
0xaf: {  	[sflag:s21] =	ssyncadd.s32 $0xFFFFFFB0  }
0xb0: {  	_ =	sfence.sel $0x180000  }
0xb1: {  	[bflag:$0x0] =	sbarrier.arrive $0xFFFF  }
0xb2: {  	_ =	strace $0x90000047  }
0xb3: {  	s0 =	stileid.u32;
	[bflag:$0x2] =	sbarrier.arrive $0xFFFF  }
0xb4: {  	p0 =	sne.s32 s0, $0x0;
	s0 =	rddreg [dreg:$0x3]  }
0xb5: {  	s0 =	sadd.s32 @!p0 $0x100000, s0  }
0xb6: {  	[sflag:s0] =	ssyncadd.tile.s32 @!p0 $0x1;
	_ =	shalt  }
.Lfunc_end2:
_tile_overlayer_lowered:
.L_overlay_start_2:
0xb7: {  	(tag) =	ssettag $0x2  }
0xb8: {  	s0 =	rddreg [dreg:$0x0];
	s2 =	stileid.u32  }
0xb9: {  	s1 =	rddreg [dreg:$0x1];
	p0 =	sne.s32 s2, $0x0  }
0xba: {  	s3 =	rddreg [dreg:$0x2];
	[bflag:$0x3] =	sbarrier.arrive $0xFFFF;
	s2 =	simm.s32 @!p0 $0x1C09  }
0xbb: {  	[timem:s3], [sflag:s2] =	dma.local @!p0 [hbm:s0], s1  }
0xbc: {  	s0 =	simm.s32 @!p0 $0x9  }
0xbd: {  	_ =	swait.ge @!p0 [sflag:s0], s1  }
0xbe: {  	s1 =	ssub.s32 @!p0 $0x0, s1;
	[sflag:s0] =	ssyncset.done @!p0 $0x0  }
0xbf: {  	[sflag:s0] =	ssyncadd.s32 @!p0 s1  }
0xc0: {  	[bflag:$0x3] =	sbarrier.arrive $0xFFFF  }
0xc1: {  	_ =	shalt  }

</sc_bundles>
